<compile_context>
chip_gen: v7x
topology: tpu7x:2x2x1
jax: 0.10.2.dev20260603
libtpu: 0.0.44.dev20260713+nightly
codegen_flags: <defaults>
</compile_context>

<pallas_src>
import functools

import jax
import jax.numpy as jnp
from jax import lax
from jax.experimental import pallas as pl
from jax.experimental.pallas import tpu as pltpu
from jax.experimental.pallas import tpu_sc as plsc

B = 16384
CONT = 13
EMB = 64
NCAT = 26
NDENSE = CONT + 1
DOUT = (NDENSE + NCAT) * EMB
DCOL = NDENSE * EMB
CCOL = NCAT * EMB

NC = 2
NS = 16
NW = NC * NS
R = 8
IDX_PER_BLK = R * NCAT
GCH = 2
IPG = IDX_PER_BLK // GCH
NSLOT = 8

NCHUNK = 2
BCH = B // NCHUNK
BM = 512
TILES = BCH // BM

ROWS_PER_W = BCH // NW
GROUPS = ROWS_PER_W // R
IDX_ROWS = ROWS_PER_W * NCAT // IPG


def _sc_body(idx_hbm, tab_hbm, out_hbm, idx_v, rows_v, *sems):
    wid = lax.axis_index("s") * NC + lax.axis_index("c")
    sem_g = sems[:NSLOT]
    sem_o = sems[NSLOT:]

    pltpu.sync_copy(idx_hbm.at[pl.ds(wid * IDX_ROWS, IDX_ROWS)], idx_v)

    def gather_start(blk, s):
        for i in range(GCH):
            pltpu.async_copy(
                tab_hbm.at[idx_v.at[blk * GCH + i]],
                rows_v.at[s, pl.ds(i * IPG, IPG)],
                sem_g[s])

    def gather_wait(s):
        for i in range(GCH):
            pltpu.make_async_copy(
                tab_hbm.at[idx_v.at[0]],
                rows_v.at[s, pl.ds(i * IPG, IPG)],
                sem_g[s]).wait()

    def out_start(blk, s):
        pltpu.async_copy(
            rows_v.at[s],
            out_hbm.at[pl.ds(wid * ROWS_PER_W * NCAT + blk * IDX_PER_BLK,
                             IDX_PER_BLK)],
            sem_o[s])

    def out_wait(s):
        pltpu.make_async_copy(
            rows_v.at[s],
            out_hbm.at[pl.ds(0, IDX_PER_BLK)],
            sem_o[s]).wait()

    for b in range(NSLOT):
        gather_start(b, b)

    def ring_body(i, carry):
        for b in range(NSLOT):
            blk = NSLOT * i + b
            gather_wait(b)
            out_start(blk, b)
            s2 = (b + 2) % NSLOT

            def prefetch(blk=blk, s2=s2):
                out_wait(s2)
                gather_start(blk + 2, s2)

            pl.when(jnp.logical_and(blk >= NSLOT - 2, blk + 2 < GROUPS))(prefetch)
        return carry

    lax.fori_loop(0, GROUPS // NSLOT, ring_body, 0)
    for b in range(NSLOT):
        out_wait(b)


@functools.partial(
    pl.kernel,
    out_type=jax.ShapeDtypeStruct((BCH * NCAT, EMB), jnp.float32),
    mesh=plsc.VectorSubcoreMesh(core_axis_name="c", subcore_axis_name="s"),
    compiler_params=pltpu.CompilerParams(use_tc_tiling_on_sc=False),
    scratch_types=[
        pltpu.VMEM((IDX_ROWS, IPG), jnp.int32),
        pltpu.VMEM((NSLOT, IDX_PER_BLK, EMB), jnp.float32),
    ] + [pltpu.SemaphoreType.DMA] * (2 * NSLOT),
)
def _gather_sc(idx_hbm, tab_hbm, out_hbm, idx_v, rows_v, *sems):
    _sc_body(idx_hbm, tab_hbm, out_hbm, idx_v, rows_v, *sems)


def _assemble_tc(xc_ref, cat_ref, wf_ref, bf_ref, bc_ref, out_ref):
    col = lax.broadcasted_iota(jnp.int32, (16, DCOL), 1) // EMB
    row = lax.broadcasted_iota(jnp.int32, (16, DCOL), 0)
    sel = (col == row).astype(jnp.float32)
    xrep = jnp.dot(xc_ref[...], sel, preferred_element_type=jnp.float32)
    out_ref[:, :DCOL] = xrep * wf_ref[...] + bf_ref[...]
    out_ref[:, DCOL:] = cat_ref[...] + bc_ref[...]


def _assemble_tc_alias(prev_ref, xc_ref, cat_ref, wf_ref, bf_ref, bc_ref,
                       out_ref):
    _assemble_tc(xc_ref, cat_ref, wf_ref, bf_ref, bc_ref, out_ref)


def _tc_chunk(c, prev, xc_pad, cat_rows, wf, bf, bc):
    specs = [
        pl.BlockSpec((BM, 16), lambda i, c=c: (c * TILES + i, 0)),
        pl.BlockSpec((BM, CCOL), lambda i: (i, 0)),
        pl.BlockSpec((1, DCOL), lambda i: (0, 0)),
        pl.BlockSpec((1, DCOL), lambda i: (0, 0)),
        pl.BlockSpec((1, CCOL), lambda i: (0, 0)),
    ]
    out_spec = pl.BlockSpec((BM, DOUT), lambda i, c=c: (c * TILES + i, 0))
    out_shape = jax.ShapeDtypeStruct((B, DOUT), jnp.float32)
    if prev is None:
        return pl.pallas_call(
            _assemble_tc,
            grid=(TILES,),
            in_specs=specs,
            out_specs=out_spec,
            out_shape=out_shape,
        )(xc_pad, cat_rows, wf, bf, bc)
    return pl.pallas_call(
        _assemble_tc_alias,
        grid=(TILES,),
        in_specs=[pl.BlockSpec(memory_space=pltpu.MemorySpace.HBM)] + specs,
        out_specs=out_spec,
        out_shape=out_shape,
        input_output_aliases={0: 0},
    )(prev, xc_pad, cat_rows, wf, bf, bc)


def kernel(x_conts, x_cats, weight, bias, cat_table, category_offsets):
    flat_idx = (x_cats.astype(jnp.int32)
                + category_offsets.astype(jnp.int32)[None, :])
    flat_idx = flat_idx.reshape(NCHUNK, BCH * NCAT // IPG, IPG)

    xc_pad = jnp.zeros((B, 16), jnp.float32)
    xc_pad = xc_pad.at[:, 0].set(1.0).at[:, 1:NDENSE].set(x_conts)
    wf = weight.reshape(1, DCOL)
    bf = jnp.concatenate(
        [jnp.zeros((1, EMB), jnp.float32), bias[:CONT].reshape(1, CONT * EMB)],
        axis=1)
    bc = bias[CONT:].reshape(1, CCOL)

    cat_chunks = [
        _gather_sc(flat_idx[c], cat_table).reshape(BCH, CCOL)
        for c in range(NCHUNK)
    ]
    out = None
    for c in range(NCHUNK):
        out = _tc_chunk(c, out, xc_pad, cat_chunks[c], wf, bf, bc)
    return out

# --- scband reference (transcript-rebuilt; emitter-appended) ---
"""Pipeline reference for scband-feature-tokenizer-21955872817206 (READ-ONLY COPY).

The authoritative reference and input builder live on the scoring server;
editing this copy changes nothing except your own understanding.
"""

import jax, jax.numpy as jnp
import numpy as np

B = 16384
CONT = 13
EMB = 64
CAT_DIMS = [10000] * 26
TOTAL_CAT = sum(CAT_DIMS)


def setup_inputs(seed: int = 0) -> dict:
    key = jax.random.key(seed)
    k1, k2, k3, k4, k5 = jax.random.split(key, 5)
    x_conts = jax.random.normal(k1, (B, CONT), dtype=jnp.float32)
    x_cats = jax.random.randint(k2, (B, len(CAT_DIMS)), 0, CAT_DIMS[0], dtype=jnp.int32).astype(jnp.int64)
    weight = jax.random.normal(k3, (CONT + 1, EMB), dtype=jnp.float32) * 0.02
    bias = jax.random.normal(k4, (CONT + len(CAT_DIMS), EMB), dtype=jnp.float32) * 0.02
    cat_table = jax.random.normal(k5, (TOTAL_CAT, EMB), dtype=jnp.float32) * 0.02
    category_offsets = jnp.cumsum(jnp.asarray([0] + CAT_DIMS[:-1], dtype=jnp.int64))
    return {
        "x_conts": x_conts,
        "x_cats": x_cats,
        "weight": weight,
        "bias": bias,
        "cat_table": cat_table,
        "category_offsets": category_offsets,
    }


def reference(x_conts, x_cats, weight, bias, cat_table, category_offsets):
    n = x_conts.shape[0]
    ones = jnp.ones((n, 1), dtype=x_conts.dtype)
    xc = jnp.concatenate([ones, x_conts], axis=1)  # [B, CONT+1]
    x = weight[None] * xc[:, :, None]  # [B, CONT+1, EMB]
    flat_idx = x_cats + category_offsets[None]  # [B, 26]
    cat_emb = jnp.take(cat_table, flat_idx, axis=0)  # [B, 26, EMB] gather
    x = jnp.concatenate([x, cat_emb], axis=1)  # [B, CONT+1+26, EMB]
    bias_full = jnp.concatenate([jnp.zeros((1, bias.shape[1]), dtype=bias.dtype), bias], axis=0)
    x = x + bias_full[None]
    return x.reshape(n, -1)

if __name__ == "__main__":
    import jax
    _d = setup_inputs()
    print(jax.jit(kernel)(*tuple(_d.values())))

</pallas_src>

<mosaic_0001>
#map = affine_map<(d0, d1) -> (0, 0)>
module attributes {stable_mosaic.version = 14 : i64} {
  func.func @_gather_sc(%arg0: i32, %arg1: i32, %arg2: memref<2048x104xi32, #tpu.memory_space<hbm>>, %arg3: memref<260000x64xf32, #tpu.memory_space<hbm>>, %arg4: memref<212992x64xf32, #tpu.memory_space<hbm>>, %arg5: memref<64x104xi32, #tpu.memory_space<vmem>>, %arg6: memref<8x208x64xf32, #tpu.memory_space<vmem>>, %arg7: memref<!tpu.dma_semaphore, #tpu.memory_space<semaphore_mem>>, %arg8: memref<!tpu.dma_semaphore, #tpu.memory_space<semaphore_mem>>, %arg9: memref<!tpu.dma_semaphore, #tpu.memory_space<semaphore_mem>>, %arg10: memref<!tpu.dma_semaphore, #tpu.memory_space<semaphore_mem>>, %arg11: memref<!tpu.dma_semaphore, #tpu.memory_space<semaphore_mem>>, %arg12: memref<!tpu.dma_semaphore, #tpu.memory_space<semaphore_mem>>, %arg13: memref<!tpu.dma_semaphore, #tpu.memory_space<semaphore_mem>>, %arg14: memref<!tpu.dma_semaphore, #tpu.memory_space<semaphore_mem>>, %arg15: memref<!tpu.dma_semaphore, #tpu.memory_space<semaphore_mem>>, %arg16: memref<!tpu.dma_semaphore, #tpu.memory_space<semaphore_mem>>, %arg17: memref<!tpu.dma_semaphore, #tpu.memory_space<semaphore_mem>>, %arg18: memref<!tpu.dma_semaphore, #tpu.memory_space<semaphore_mem>>, %arg19: memref<!tpu.dma_semaphore, #tpu.memory_space<semaphore_mem>>, %arg20: memref<!tpu.dma_semaphore, #tpu.memory_space<semaphore_mem>>, %arg21: memref<!tpu.dma_semaphore, #tpu.memory_space<semaphore_mem>>, %arg22: memref<!tpu.dma_semaphore, #tpu.memory_space<semaphore_mem>>) attributes {dimension_semantics = [#tpu.dimension_semantics<core_parallel>, #tpu.dimension_semantics<subcore_parallel>], iteration_bounds = array<i64: 2, 16>, scalar_prefetch = 0 : i64, scratch_operands = 18 : i64, tpu.core_type = #tpu.core_type<sc_vector_subcore>, window_params = [{transform_indices = #map}, {transform_indices = #map}, {transform_indices = #map}]} {
    %mul3A = arith.constant 2 : i32
    %mul3A_0 = arith.muli %arg1, %mul3A : i32
    %add3A = arith.addi %mul3A_0, %arg0 : i32
    %mul3A_1 = arith.constant 64 : i32
    %mul3A_2 = arith.muli %add3A, %mul3A_1 : i32
    "tpu.region"() ({
      %run_scoped3A = tpu.sem_alloc : memref<!tpu.dma_semaphore, #tpu.memory_space<semaphore_mem>>
      %dma_start3A_318 = arith.constant 0 : i32
      %dma_start3A_319 = tpu.memref_slice %arg2[%mul3A_2, %dma_start3A_318] : memref<2048x104xi32, #tpu.memory_space<hbm>> -> memref<64x104xi32, #tpu.memory_space<hbm>>
      %dma_start3A_320 = arith.constant 0 : i32
      %dma_start3A_321 = tpu.memref_slice %arg2[%mul3A_2, %dma_start3A_320] : memref<2048x104xi32, #tpu.memory_space<hbm>> -> memref<64x104xi32, #tpu.memory_space<hbm>>
      tpu.enqueue_dma source(%dma_start3A_321 : memref<64x104xi32, #tpu.memory_space<hbm>>) target(%arg5 : memref<64x104xi32, #tpu.memory_space<vmem>>) target_semaphore(%run_scoped3A : memref<!tpu.dma_semaphore, #tpu.memory_space<semaphore_mem>>)
      %dma_wait3A_322 = arith.constant 0 : i32
      %dma_wait3A_323 = tpu.memref_slice %arg2[%mul3A_2, %dma_wait3A_322] : memref<2048x104xi32, #tpu.memory_space<hbm>> -> memref<64x104xi32, #tpu.memory_space<hbm>>
      %dma_wait3A_324 = arith.constant 0 : i32
      %dma_wait3A_325 = tpu.memref_slice %arg2[%mul3A_2, %dma_wait3A_324] : memref<2048x104xi32, #tpu.memory_space<hbm>> -> memref<64x104xi32, #tpu.memory_space<hbm>>
      tpu.wait_dma2 semaphore(%run_scoped3A : memref<!tpu.dma_semaphore, #tpu.memory_space<semaphore_mem>>) src(%dma_wait3A_325 : memref<64x104xi32, #tpu.memory_space<hbm>>) dst(%arg5 : memref<64x104xi32, #tpu.memory_space<vmem>>)
      tpu.yield
    }) : () -> ()
    %dma_start3A = arith.constant 0 : i32
    %dma_start3A_3 = arith.constant 0 : i32
    %dma_start3A_4 = arith.constant 0 : i32
    %dma_start3A_5 = arith.constant 0 : i32
    %dma_start3A_6 = tpu.memref_slice %arg6[%dma_start3A_3, %dma_start3A_4, %dma_start3A_5] : memref<8x208x64xf32, #tpu.memory_space<vmem>> -> memref<1x104x64xf32, #tpu.memory_space<vmem>>
    %dma_start3A_7 = tpu.memref_squeeze %dma_start3A_6 : memref<1x104x64xf32, #tpu.memory_space<vmem>> -> memref<104x64xf32, #tpu.memory_space<vmem>>
    %dma_start3A_8 = arith.constant 0 : i32
    %dma_start3A_9 = tpu.memref_slice %arg5[%dma_start3A, %dma_start3A_8] : memref<64x104xi32, #tpu.memory_space<vmem>> -> memref<1x104xi32, #tpu.memory_space<vmem>>
    %dma_start3A_10 = tpu.memref_squeeze %dma_start3A_9 : memref<1x104xi32, #tpu.memory_space<vmem>> -> memref<104xi32, #tpu.memory_space<vmem>>
    %dma_start3A_11 = arith.constant 0 : i32
    %dma_start3A_12 = arith.constant 0 : i32
    %dma_start3A_13 = tpu.memref_slice %arg3[%dma_start3A_11, %dma_start3A_12] : memref<260000x64xf32, #tpu.memory_space<hbm>> -> memref<260000x64xf32, #tpu.memory_space<hbm>>
    tpu.enqueue_indirect_dma source(%dma_start3A_13 : memref<260000x64xf32, #tpu.memory_space<hbm>>) target(%dma_start3A_7 : memref<104x64xf32, #tpu.memory_space<vmem>>) offsets(%dma_start3A_10 : memref<104xi32, #tpu.memory_space<vmem>>) semaphore(%arg7 : memref<!tpu.dma_semaphore, #tpu.memory_space<semaphore_mem>>)
    %dma_start3A_14 = arith.constant 1 : i32
    %dma_start3A_15 = arith.constant 0 : i32
    %dma_start3A_16 = arith.constant 104 : i32
    %dma_start3A_17 = arith.constant 0 : i32
    %dma_start3A_18 = tpu.memref_slice %arg6[%dma_start3A_15, %dma_start3A_16, %dma_start3A_17] : memref<8x208x64xf32, #tpu.memory_space<vmem>> -> memref<1x104x64xf32, #tpu.memory_space<vmem>>
    %dma_start3A_19 = tpu.memref_squeeze %dma_start3A_18 : memref<1x104x64xf32, #tpu.memory_space<vmem>> -> memref<104x64xf32, #tpu.memory_space<vmem>>
    %dma_start3A_20 = arith.constant 0 : i32
    %dma_start3A_21 = tpu.memref_slice %arg5[%dma_start3A_14, %dma_start3A_20] : memref<64x104xi32, #tpu.memory_space<vmem>> -> memref<1x104xi32, #tpu.memory_space<vmem>>
    %dma_start3A_22 = tpu.memref_squeeze %dma_start3A_21 : memref<1x104xi32, #tpu.memory_space<vmem>> -> memref<104xi32, #tpu.memory_space<vmem>>
    %dma_start3A_23 = arith.constant 0 : i32
    %dma_start3A_24 = arith.constant 0 : i32
    %dma_start3A_25 = tpu.memref_slice %arg3[%dma_start3A_23, %dma_start3A_24] : memref<260000x64xf32, #tpu.memory_space<hbm>> -> memref<260000x64xf32, #tpu.memory_space<hbm>>
    tpu.enqueue_indirect_dma source(%dma_start3A_25 : memref<260000x64xf32, #tpu.memory_space<hbm>>) target(%dma_start3A_19 : memref<104x64xf32, #tpu.memory_space<vmem>>) offsets(%dma_start3A_22 : memref<104xi32, #tpu.memory_space<vmem>>) semaphore(%arg7 : memref<!tpu.dma_semaphore, #tpu.memory_space<semaphore_mem>>)
    %dma_start3A_26 = arith.constant 2 : i32
    %dma_start3A_27 = arith.constant 1 : i32
    %dma_start3A_28 = arith.constant 0 : i32
    %dma_start3A_29 = arith.constant 0 : i32
    %dma_start3A_30 = tpu.memref_slice %arg6[%dma_start3A_27, %dma_start3A_28, %dma_start3A_29] : memref<8x208x64xf32, #tpu.memory_space<vmem>> -> memref<1x104x64xf32, #tpu.memory_space<vmem>>
    %dma_start3A_31 = tpu.memref_squeeze %dma_start3A_30 : memref<1x104x64xf32, #tpu.memory_space<vmem>> -> memref<104x64xf32, #tpu.memory_space<vmem>>
    %dma_start3A_32 = arith.constant 0 : i32
    %dma_start3A_33 = tpu.memref_slice %arg5[%dma_start3A_26, %dma_start3A_32] : memref<64x104xi32, #tpu.memory_space<vmem>> -> memref<1x104xi32, #tpu.memory_space<vmem>>
    %dma_start3A_34 = tpu.memref_squeeze %dma_start3A_33 : memref<1x104xi32, #tpu.memory_space<vmem>> -> memref<104xi32, #tpu.memory_space<vmem>>
    %dma_start3A_35 = arith.constant 0 : i32
    %dma_start3A_36 = arith.constant 0 : i32
    %dma_start3A_37 = tpu.memref_slice %arg3[%dma_start3A_35, %dma_start3A_36] : memref<260000x64xf32, #tpu.memory_space<hbm>> -> memref<260000x64xf32, #tpu.memory_space<hbm>>
    tpu.enqueue_indirect_dma source(%dma_start3A_37 : memref<260000x64xf32, #tpu.memory_space<hbm>>) target(%dma_start3A_31 : memref<104x64xf32, #tpu.memory_space<vmem>>) offsets(%dma_start3A_34 : memref<104xi32, #tpu.memory_space<vmem>>) semaphore(%arg8 : memref<!tpu.dma_semaphore, #tpu.memory_space<semaphore_mem>>)
    %dma_start3A_38 = arith.constant 3 : i32
    %dma_start3A_39 = arith.constant 1 : i32
    %dma_start3A_40 = arith.constant 104 : i32
    %dma_start3A_41 = arith.constant 0 : i32
    %dma_start3A_42 = tpu.memref_slice %arg6[%dma_start3A_39, %dma_start3A_40, %dma_start3A_41] : memref<8x208x64xf32, #tpu.memory_space<vmem>> -> memref<1x104x64xf32, #tpu.memory_space<vmem>>
    %dma_start3A_43 = tpu.memref_squeeze %dma_start3A_42 : memref<1x104x64xf32, #tpu.memory_space<vmem>> -> memref<104x64xf32, #tpu.memory_space<vmem>>
    %dma_start3A_44 = arith.constant 0 : i32
    %dma_start3A_45 = tpu.memref_slice %arg5[%dma_start3A_38, %dma_start3A_44] : memref<64x104xi32, #tpu.memory_space<vmem>> -> memref<1x104xi32, #tpu.memory_space<vmem>>
    %dma_start3A_46 = tpu.memref_squeeze %dma_start3A_45 : memref<1x104xi32, #tpu.memory_space<vmem>> -> memref<104xi32, #tpu.memory_space<vmem>>
    %dma_start3A_47 = arith.constant 0 : i32
    %dma_start3A_48 = arith.constant 0 : i32
    %dma_start3A_49 = tpu.memref_slice %arg3[%dma_start3A_47, %dma_start3A_48] : memref<260000x64xf32, #tpu.memory_space<hbm>> -> memref<260000x64xf32, #tpu.memory_space<hbm>>
    tpu.enqueue_indirect_dma source(%dma_start3A_49 : memref<260000x64xf32, #tpu.memory_space<hbm>>) target(%dma_start3A_43 : memref<104x64xf32, #tpu.memory_space<vmem>>) offsets(%dma_start3A_46 : memref<104xi32, #tpu.memory_space<vmem>>) semaphore(%arg8 : memref<!tpu.dma_semaphore, #tpu.memory_space<semaphore_mem>>)
    %dma_start3A_50 = arith.constant 4 : i32
    %dma_start3A_51 = arith.constant 2 : i32
    %dma_start3A_52 = arith.constant 0 : i32
    %dma_start3A_53 = arith.constant 0 : i32
    %dma_start3A_54 = tpu.memref_slice %arg6[%dma_start3A_51, %dma_start3A_52, %dma_start3A_53] : memref<8x208x64xf32, #tpu.memory_space<vmem>> -> memref<1x104x64xf32, #tpu.memory_space<vmem>>
    %dma_start3A_55 = tpu.memref_squeeze %dma_start3A_54 : memref<1x104x64xf32, #tpu.memory_space<vmem>> -> memref<104x64xf32, #tpu.memory_space<vmem>>
    %dma_start3A_56 = arith.constant 0 : i32
    %dma_start3A_57 = tpu.memref_slice %arg5[%dma_start3A_50, %dma_start3A_56] : memref<64x104xi32, #tpu.memory_space<vmem>> -> memref<1x104xi32, #tpu.memory_space<vmem>>
    %dma_start3A_58 = tpu.memref_squeeze %dma_start3A_57 : memref<1x104xi32, #tpu.memory_space<vmem>> -> memref<104xi32, #tpu.memory_space<vmem>>
    %dma_start3A_59 = arith.constant 0 : i32
    %dma_start3A_60 = arith.constant 0 : i32
    %dma_start3A_61 = tpu.memref_slice %arg3[%dma_start3A_59, %dma_start3A_60] : memref<260000x64xf32, #tpu.memory_space<hbm>> -> memref<260000x64xf32, #tpu.memory_space<hbm>>
    tpu.enqueue_indirect_dma source(%dma_start3A_61 : memref<260000x64xf32, #tpu.memory_space<hbm>>) target(%dma_start3A_55 : memref<104x64xf32, #tpu.memory_space<vmem>>) offsets(%dma_start3A_58 : memref<104xi32, #tpu.memory_space<vmem>>) semaphore(%arg9 : memref<!tpu.dma_semaphore, #tpu.memory_space<semaphore_mem>>)
    %dma_start3A_62 = arith.constant 5 : i32
    %dma_start3A_63 = arith.constant 2 : i32
    %dma_start3A_64 = arith.constant 104 : i32
    %dma_start3A_65 = arith.constant 0 : i32
    %dma_start3A_66 = tpu.memref_slice %arg6[%dma_start3A_63, %dma_start3A_64, %dma_start3A_65] : memref<8x208x64xf32, #tpu.memory_space<vmem>> -> memref<1x104x64xf32, #tpu.memory_space<vmem>>
    %dma_start3A_67 = tpu.memref_squeeze %dma_start3A_66 : memref<1x104x64xf32, #tpu.memory_space<vmem>> -> memref<104x64xf32, #tpu.memory_space<vmem>>
    %dma_start3A_68 = arith.constant 0 : i32
    %dma_start3A_69 = tpu.memref_slice %arg5[%dma_start3A_62, %dma_start3A_68] : memref<64x104xi32, #tpu.memory_space<vmem>> -> memref<1x104xi32, #tpu.memory_space<vmem>>
    %dma_start3A_70 = tpu.memref_squeeze %dma_start3A_69 : memref<1x104xi32, #tpu.memory_space<vmem>> -> memref<104xi32, #tpu.memory_space<vmem>>
    %dma_start3A_71 = arith.constant 0 : i32
    %dma_start3A_72 = arith.constant 0 : i32
    %dma_start3A_73 = tpu.memref_slice %arg3[%dma_start3A_71, %dma_start3A_72] : memref<260000x64xf32, #tpu.memory_space<hbm>> -> memref<260000x64xf32, #tpu.memory_space<hbm>>
    tpu.enqueue_indirect_dma source(%dma_start3A_73 : memref<260000x64xf32, #tpu.memory_space<hbm>>) target(%dma_start3A_67 : memref<104x64xf32, #tpu.memory_space<vmem>>) offsets(%dma_start3A_70 : memref<104xi32, #tpu.memory_space<vmem>>) semaphore(%arg9 : memref<!tpu.dma_semaphore, #tpu.memory_space<semaphore_mem>>)
    %dma_start3A_74 = arith.constant 6 : i32
    %dma_start3A_75 = arith.constant 3 : i32
    %dma_start3A_76 = arith.constant 0 : i32
    %dma_start3A_77 = arith.constant 0 : i32
    %dma_start3A_78 = tpu.memref_slice %arg6[%dma_start3A_75, %dma_start3A_76, %dma_start3A_77] : memref<8x208x64xf32, #tpu.memory_space<vmem>> -> memref<1x104x64xf32, #tpu.memory_space<vmem>>
    %dma_start3A_79 = tpu.memref_squeeze %dma_start3A_78 : memref<1x104x64xf32, #tpu.memory_space<vmem>> -> memref<104x64xf32, #tpu.memory_space<vmem>>
    %dma_start3A_80 = arith.constant 0 : i32
    %dma_start3A_81 = tpu.memref_slice %arg5[%dma_start3A_74, %dma_start3A_80] : memref<64x104xi32, #tpu.memory_space<vmem>> -> memref<1x104xi32, #tpu.memory_space<vmem>>
    %dma_start3A_82 = tpu.memref_squeeze %dma_start3A_81 : memref<1x104xi32, #tpu.memory_space<vmem>> -> memref<104xi32, #tpu.memory_space<vmem>>
    %dma_start3A_83 = arith.constant 0 : i32
    %dma_start3A_84 = arith.constant 0 : i32
    %dma_start3A_85 = tpu.memref_slice %arg3[%dma_start3A_83, %dma_start3A_84] : memref<260000x64xf32, #tpu.memory_space<hbm>> -> memref<260000x64xf32, #tpu.memory_space<hbm>>
    tpu.enqueue_indirect_dma source(%dma_start3A_85 : memref<260000x64xf32, #tpu.memory_space<hbm>>) target(%dma_start3A_79 : memref<104x64xf32, #tpu.memory_space<vmem>>) offsets(%dma_start3A_82 : memref<104xi32, #tpu.memory_space<vmem>>) semaphore(%arg10 : memref<!tpu.dma_semaphore, #tpu.memory_space<semaphore_mem>>)
    %dma_start3A_86 = arith.constant 7 : i32
    %dma_start3A_87 = arith.constant 3 : i32
    %dma_start3A_88 = arith.constant 104 : i32
    %dma_start3A_89 = arith.constant 0 : i32
    %dma_start3A_90 = tpu.memref_slice %arg6[%dma_start3A_87, %dma_start3A_88, %dma_start3A_89] : memref<8x208x64xf32, #tpu.memory_space<vmem>> -> memref<1x104x64xf32, #tpu.memory_space<vmem>>
    %dma_start3A_91 = tpu.memref_squeeze %dma_start3A_90 : memref<1x104x64xf32, #tpu.memory_space<vmem>> -> memref<104x64xf32, #tpu.memory_space<vmem>>
    %dma_start3A_92 = arith.constant 0 : i32
    %dma_start3A_93 = tpu.memref_slice %arg5[%dma_start3A_86, %dma_start3A_92] : memref<64x104xi32, #tpu.memory_space<vmem>> -> memref<1x104xi32, #tpu.memory_space<vmem>>
    %dma_start3A_94 = tpu.memref_squeeze %dma_start3A_93 : memref<1x104xi32, #tpu.memory_space<vmem>> -> memref<104xi32, #tpu.memory_space<vmem>>
    %dma_start3A_95 = arith.constant 0 : i32
    %dma_start3A_96 = arith.constant 0 : i32
    %dma_start3A_97 = tpu.memref_slice %arg3[%dma_start3A_95, %dma_start3A_96] : memref<260000x64xf32, #tpu.memory_space<hbm>> -> memref<260000x64xf32, #tpu.memory_space<hbm>>
    tpu.enqueue_indirect_dma source(%dma_start3A_97 : memref<260000x64xf32, #tpu.memory_space<hbm>>) target(%dma_start3A_91 : memref<104x64xf32, #tpu.memory_space<vmem>>) offsets(%dma_start3A_94 : memref<104xi32, #tpu.memory_space<vmem>>) semaphore(%arg10 : memref<!tpu.dma_semaphore, #tpu.memory_space<semaphore_mem>>)
    %dma_start3A_98 = arith.constant 8 : i32
    %dma_start3A_99 = arith.constant 4 : i32
    %dma_start3A_100 = arith.constant 0 : i32
    %dma_start3A_101 = arith.constant 0 : i32
    %dma_start3A_102 = tpu.memref_slice %arg6[%dma_start3A_99, %dma_start3A_100, %dma_start3A_101] : memref<8x208x64xf32, #tpu.memory_space<vmem>> -> memref<1x104x64xf32, #tpu.memory_space<vmem>>
    %dma_start3A_103 = tpu.memref_squeeze %dma_start3A_102 : memref<1x104x64xf32, #tpu.memory_space<vmem>> -> memref<104x64xf32, #tpu.memory_space<vmem>>
    %dma_start3A_104 = arith.constant 0 : i32
    %dma_start3A_105 = tpu.memref_slice %arg5[%dma_start3A_98, %dma_start3A_104] : memref<64x104xi32, #tpu.memory_space<vmem>> -> memref<1x104xi32, #tpu.memory_space<vmem>>
    %dma_start3A_106 = tpu.memref_squeeze %dma_start3A_105 : memref<1x104xi32, #tpu.memory_space<vmem>> -> memref<104xi32, #tpu.memory_space<vmem>>
    %dma_start3A_107 = arith.constant 0 : i32
    %dma_start3A_108 = arith.constant 0 : i32
    %dma_start3A_109 = tpu.memref_slice %arg3[%dma_start3A_107, %dma_start3A_108] : memref<260000x64xf32, #tpu.memory_space<hbm>> -> memref<260000x64xf32, #tpu.memory_space<hbm>>
    tpu.enqueue_indirect_dma source(%dma_start3A_109 : memref<260000x64xf32, #tpu.memory_space<hbm>>) target(%dma_start3A_103 : memref<104x64xf32, #tpu.memory_space<vmem>>) offsets(%dma_start3A_106 : memref<104xi32, #tpu.memory_space<vmem>>) semaphore(%arg11 : memref<!tpu.dma_semaphore, #tpu.memory_space<semaphore_mem>>)
    %dma_start3A_110 = arith.constant 9 : i32
    %dma_start3A_111 = arith.constant 4 : i32
    %dma_start3A_112 = arith.constant 104 : i32
    %dma_start3A_113 = arith.constant 0 : i32
    %dma_start3A_114 = tpu.memref_slice %arg6[%dma_start3A_111, %dma_start3A_112, %dma_start3A_113] : memref<8x208x64xf32, #tpu.memory_space<vmem>> -> memref<1x104x64xf32, #tpu.memory_space<vmem>>
    %dma_start3A_115 = tpu.memref_squeeze %dma_start3A_114 : memref<1x104x64xf32, #tpu.memory_space<vmem>> -> memref<104x64xf32, #tpu.memory_space<vmem>>
    %dma_start3A_116 = arith.constant 0 : i32
    %dma_start3A_117 = tpu.memref_slice %arg5[%dma_start3A_110, %dma_start3A_116] : memref<64x104xi32, #tpu.memory_space<vmem>> -> memref<1x104xi32, #tpu.memory_space<vmem>>
    %dma_start3A_118 = tpu.memref_squeeze %dma_start3A_117 : memref<1x104xi32, #tpu.memory_space<vmem>> -> memref<104xi32, #tpu.memory_space<vmem>>
    %dma_start3A_119 = arith.constant 0 : i32
    %dma_start3A_120 = arith.constant 0 : i32
    %dma_start3A_121 = tpu.memref_slice %arg3[%dma_start3A_119, %dma_start3A_120] : memref<260000x64xf32, #tpu.memory_space<hbm>> -> memref<260000x64xf32, #tpu.memory_space<hbm>>
    tpu.enqueue_indirect_dma source(%dma_start3A_121 : memref<260000x64xf32, #tpu.memory_space<hbm>>) target(%dma_start3A_115 : memref<104x64xf32, #tpu.memory_space<vmem>>) offsets(%dma_start3A_118 : memref<104xi32, #tpu.memory_space<vmem>>) semaphore(%arg11 : memref<!tpu.dma_semaphore, #tpu.memory_space<semaphore_mem>>)
    %dma_start3A_122 = arith.constant 10 : i32
    %dma_start3A_123 = arith.constant 5 : i32
    %dma_start3A_124 = arith.constant 0 : i32
    %dma_start3A_125 = arith.constant 0 : i32
    %dma_start3A_126 = tpu.memref_slice %arg6[%dma_start3A_123, %dma_start3A_124, %dma_start3A_125] : memref<8x208x64xf32, #tpu.memory_space<vmem>> -> memref<1x104x64xf32, #tpu.memory_space<vmem>>
    %dma_start3A_127 = tpu.memref_squeeze %dma_start3A_126 : memref<1x104x64xf32, #tpu.memory_space<vmem>> -> memref<104x64xf32, #tpu.memory_space<vmem>>
    %dma_start3A_128 = arith.constant 0 : i32
    %dma_start3A_129 = tpu.memref_slice %arg5[%dma_start3A_122, %dma_start3A_128] : memref<64x104xi32, #tpu.memory_space<vmem>> -> memref<1x104xi32, #tpu.memory_space<vmem>>
    %dma_start3A_130 = tpu.memref_squeeze %dma_start3A_129 : memref<1x104xi32, #tpu.memory_space<vmem>> -> memref<104xi32, #tpu.memory_space<vmem>>
    %dma_start3A_131 = arith.constant 0 : i32
    %dma_start3A_132 = arith.constant 0 : i32
    %dma_start3A_133 = tpu.memref_slice %arg3[%dma_start3A_131, %dma_start3A_132] : memref<260000x64xf32, #tpu.memory_space<hbm>> -> memref<260000x64xf32, #tpu.memory_space<hbm>>
    tpu.enqueue_indirect_dma source(%dma_start3A_133 : memref<260000x64xf32, #tpu.memory_space<hbm>>) target(%dma_start3A_127 : memref<104x64xf32, #tpu.memory_space<vmem>>) offsets(%dma_start3A_130 : memref<104xi32, #tpu.memory_space<vmem>>) semaphore(%arg12 : memref<!tpu.dma_semaphore, #tpu.memory_space<semaphore_mem>>)
    %dma_start3A_134 = arith.constant 11 : i32
    %dma_start3A_135 = arith.constant 5 : i32
    %dma_start3A_136 = arith.constant 104 : i32
    %dma_start3A_137 = arith.constant 0 : i32
    %dma_start3A_138 = tpu.memref_slice %arg6[%dma_start3A_135, %dma_start3A_136, %dma_start3A_137] : memref<8x208x64xf32, #tpu.memory_space<vmem>> -> memref<1x104x64xf32, #tpu.memory_space<vmem>>
    %dma_start3A_139 = tpu.memref_squeeze %dma_start3A_138 : memref<1x104x64xf32, #tpu.memory_space<vmem>> -> memref<104x64xf32, #tpu.memory_space<vmem>>
    %dma_start3A_140 = arith.constant 0 : i32
    %dma_start3A_141 = tpu.memref_slice %arg5[%dma_start3A_134, %dma_start3A_140] : memref<64x104xi32, #tpu.memory_space<vmem>> -> memref<1x104xi32, #tpu.memory_space<vmem>>
    %dma_start3A_142 = tpu.memref_squeeze %dma_start3A_141 : memref<1x104xi32, #tpu.memory_space<vmem>> -> memref<104xi32, #tpu.memory_space<vmem>>
    %dma_start3A_143 = arith.constant 0 : i32
    %dma_start3A_144 = arith.constant 0 : i32
    %dma_start3A_145 = tpu.memref_slice %arg3[%dma_start3A_143, %dma_start3A_144] : memref<260000x64xf32, #tpu.memory_space<hbm>> -> memref<260000x64xf32, #tpu.memory_space<hbm>>
    tpu.enqueue_indirect_dma source(%dma_start3A_145 : memref<260000x64xf32, #tpu.memory_space<hbm>>) target(%dma_start3A_139 : memref<104x64xf32, #tpu.memory_space<vmem>>) offsets(%dma_start3A_142 : memref<104xi32, #tpu.memory_space<vmem>>) semaphore(%arg12 : memref<!tpu.dma_semaphore, #tpu.memory_space<semaphore_mem>>)
    %dma_start3A_146 = arith.constant 12 : i32
    %dma_start3A_147 = arith.constant 6 : i32
    %dma_start3A_148 = arith.constant 0 : i32
    %dma_start3A_149 = arith.constant 0 : i32
    %dma_start3A_150 = tpu.memref_slice %arg6[%dma_start3A_147, %dma_start3A_148, %dma_start3A_149] : memref<8x208x64xf32, #tpu.memory_space<vmem>> -> memref<1x104x64xf32, #tpu.memory_space<vmem>>
    %dma_start3A_151 = tpu.memref_squeeze %dma_start3A_150 : memref<1x104x64xf32, #tpu.memory_space<vmem>> -> memref<104x64xf32, #tpu.memory_space<vmem>>
    %dma_start3A_152 = arith.constant 0 : i32
    %dma_start3A_153 = tpu.memref_slice %arg5[%dma_start3A_146, %dma_start3A_152] : memref<64x104xi32, #tpu.memory_space<vmem>> -> memref<1x104xi32, #tpu.memory_space<vmem>>
    %dma_start3A_154 = tpu.memref_squeeze %dma_start3A_153 : memref<1x104xi32, #tpu.memory_space<vmem>> -> memref<104xi32, #tpu.memory_space<vmem>>
    %dma_start3A_155 = arith.constant 0 : i32
    %dma_start3A_156 = arith.constant 0 : i32
    %dma_start3A_157 = tpu.memref_slice %arg3[%dma_start3A_155, %dma_start3A_156] : memref<260000x64xf32, #tpu.memory_space<hbm>> -> memref<260000x64xf32, #tpu.memory_space<hbm>>
    tpu.enqueue_indirect_dma source(%dma_start3A_157 : memref<260000x64xf32, #tpu.memory_space<hbm>>) target(%dma_start3A_151 : memref<104x64xf32, #tpu.memory_space<vmem>>) offsets(%dma_start3A_154 : memref<104xi32, #tpu.memory_space<vmem>>) semaphore(%arg13 : memref<!tpu.dma_semaphore, #tpu.memory_space<semaphore_mem>>)
    %dma_start3A_158 = arith.constant 13 : i32
    %dma_start3A_159 = arith.constant 6 : i32
    %dma_start3A_160 = arith.constant 104 : i32
    %dma_start3A_161 = arith.constant 0 : i32
    %dma_start3A_162 = tpu.memref_slice %arg6[%dma_start3A_159, %dma_start3A_160, %dma_start3A_161] : memref<8x208x64xf32, #tpu.memory_space<vmem>> -> memref<1x104x64xf32, #tpu.memory_space<vmem>>
    %dma_start3A_163 = tpu.memref_squeeze %dma_start3A_162 : memref<1x104x64xf32, #tpu.memory_space<vmem>> -> memref<104x64xf32, #tpu.memory_space<vmem>>
    %dma_start3A_164 = arith.constant 0 : i32
    %dma_start3A_165 = tpu.memref_slice %arg5[%dma_start3A_158, %dma_start3A_164] : memref<64x104xi32, #tpu.memory_space<vmem>> -> memref<1x104xi32, #tpu.memory_space<vmem>>
    %dma_start3A_166 = tpu.memref_squeeze %dma_start3A_165 : memref<1x104xi32, #tpu.memory_space<vmem>> -> memref<104xi32, #tpu.memory_space<vmem>>
    %dma_start3A_167 = arith.constant 0 : i32
    %dma_start3A_168 = arith.constant 0 : i32
    %dma_start3A_169 = tpu.memref_slice %arg3[%dma_start3A_167, %dma_start3A_168] : memref<260000x64xf32, #tpu.memory_space<hbm>> -> memref<260000x64xf32, #tpu.memory_space<hbm>>
    tpu.enqueue_indirect_dma source(%dma_start3A_169 : memref<260000x64xf32, #tpu.memory_space<hbm>>) target(%dma_start3A_163 : memref<104x64xf32, #tpu.memory_space<vmem>>) offsets(%dma_start3A_166 : memref<104xi32, #tpu.memory_space<vmem>>) semaphore(%arg13 : memref<!tpu.dma_semaphore, #tpu.memory_space<semaphore_mem>>)
    %dma_start3A_170 = arith.constant 14 : i32
    %dma_start3A_171 = arith.constant 7 : i32
    %dma_start3A_172 = arith.constant 0 : i32
    %dma_start3A_173 = arith.constant 0 : i32
    %dma_start3A_174 = tpu.memref_slice %arg6[%dma_start3A_171, %dma_start3A_172, %dma_start3A_173] : memref<8x208x64xf32, #tpu.memory_space<vmem>> -> memref<1x104x64xf32, #tpu.memory_space<vmem>>
    %dma_start3A_175 = tpu.memref_squeeze %dma_start3A_174 : memref<1x104x64xf32, #tpu.memory_space<vmem>> -> memref<104x64xf32, #tpu.memory_space<vmem>>
    %dma_start3A_176 = arith.constant 0 : i32
    %dma_start3A_177 = tpu.memref_slice %arg5[%dma_start3A_170, %dma_start3A_176] : memref<64x104xi32, #tpu.memory_space<vmem>> -> memref<1x104xi32, #tpu.memory_space<vmem>>
    %dma_start3A_178 = tpu.memref_squeeze %dma_start3A_177 : memref<1x104xi32, #tpu.memory_space<vmem>> -> memref<104xi32, #tpu.memory_space<vmem>>
    %dma_start3A_179 = arith.constant 0 : i32
    %dma_start3A_180 = arith.constant 0 : i32
    %dma_start3A_181 = tpu.memref_slice %arg3[%dma_start3A_179, %dma_start3A_180] : memref<260000x64xf32, #tpu.memory_space<hbm>> -> memref<260000x64xf32, #tpu.memory_space<hbm>>
    tpu.enqueue_indirect_dma source(%dma_start3A_181 : memref<260000x64xf32, #tpu.memory_space<hbm>>) target(%dma_start3A_175 : memref<104x64xf32, #tpu.memory_space<vmem>>) offsets(%dma_start3A_178 : memref<104xi32, #tpu.memory_space<vmem>>) semaphore(%arg14 : memref<!tpu.dma_semaphore, #tpu.memory_space<semaphore_mem>>)
    %dma_start3A_182 = arith.constant 15 : i32
    %dma_start3A_183 = arith.constant 7 : i32
    %dma_start3A_184 = arith.constant 104 : i32
    %dma_start3A_185 = arith.constant 0 : i32
    %dma_start3A_186 = tpu.memref_slice %arg6[%dma_start3A_183, %dma_start3A_184, %dma_start3A_185] : memref<8x208x64xf32, #tpu.memory_space<vmem>> -> memref<1x104x64xf32, #tpu.memory_space<vmem>>
    %dma_start3A_187 = tpu.memref_squeeze %dma_start3A_186 : memref<1x104x64xf32, #tpu.memory_space<vmem>> -> memref<104x64xf32, #tpu.memory_space<vmem>>
    %dma_start3A_188 = arith.constant 0 : i32
    %dma_start3A_189 = tpu.memref_slice %arg5[%dma_start3A_182, %dma_start3A_188] : memref<64x104xi32, #tpu.memory_space<vmem>> -> memref<1x104xi32, #tpu.memory_space<vmem>>
    %dma_start3A_190 = tpu.memref_squeeze %dma_start3A_189 : memref<1x104xi32, #tpu.memory_space<vmem>> -> memref<104xi32, #tpu.memory_space<vmem>>
    %dma_start3A_191 = arith.constant 0 : i32
    %dma_start3A_192 = arith.constant 0 : i32
    %dma_start3A_193 = tpu.memref_slice %arg3[%dma_start3A_191, %dma_start3A_192] : memref<260000x64xf32, #tpu.memory_space<hbm>> -> memref<260000x64xf32, #tpu.memory_space<hbm>>
    tpu.enqueue_indirect_dma source(%dma_start3A_193 : memref<260000x64xf32, #tpu.memory_space<hbm>>) target(%dma_start3A_187 : memref<104x64xf32, #tpu.memory_space<vmem>>) offsets(%dma_start3A_190 : memref<104xi32, #tpu.memory_space<vmem>>) semaphore(%arg14 : memref<!tpu.dma_semaphore, #tpu.memory_space<semaphore_mem>>)
    %scan3A = arith.constant 0 : i32
    %scan3A_194 = arith.constant 0 : i32
    %scan3A_195 = arith.constant 4 : i32
    %scan3A_196 = arith.addi %scan3A_194, %scan3A_195 : i32
    %scan3A_197 = arith.constant 1 : i32
    scf.for %scan3A_318 = %scan3A_194 to %scan3A_196 step %scan3A_197  : i32 {
      %mul3A_319 = arith.constant 8 : i32
      %mul3A_320 = arith.muli %mul3A_319, %scan3A_318 : i32
      %add3A_321 = arith.constant 0 : i32
      %add3A_322 = arith.addi %mul3A_320, %add3A_321 : i32
      %dma_wait3A_323 = arith.constant 0 : i32
      %dma_wait3A_324 = arith.constant 0 : i32
      %dma_wait3A_325 = arith.constant 0 : i32
      %dma_wait3A_326 = arith.constant 0 : i32
      %dma_wait3A_327 = tpu.memref_slice %arg6[%dma_wait3A_324, %dma_wait3A_325, %dma_wait3A_326] : memref<8x208x64xf32, #tpu.memory_space<vmem>> -> memref<1x104x64xf32, #tpu.memory_space<vmem>>
      %dma_wait3A_328 = tpu.memref_squeeze %dma_wait3A_327 : memref<1x104x64xf32, #tpu.memory_space<vmem>> -> memref<104x64xf32, #tpu.memory_space<vmem>>
      %dma_wait3A_329 = arith.constant 0 : i32
      %dma_wait3A_330 = tpu.memref_slice %arg5[%dma_wait3A_323, %dma_wait3A_329] : memref<64x104xi32, #tpu.memory_space<vmem>> -> memref<1x104xi32, #tpu.memory_space<vmem>>
      %dma_wait3A_331 = tpu.memref_squeeze %dma_wait3A_330 : memref<1x104xi32, #tpu.memory_space<vmem>> -> memref<104xi32, #tpu.memory_space<vmem>>
      %dma_wait3A_332 = arith.constant 0 : i32
      %dma_wait3A_333 = arith.constant 0 : i32
      %dma_wait3A_334 = tpu.memref_slice %arg3[%dma_wait3A_332, %dma_wait3A_333] : memref<260000x64xf32, #tpu.memory_space<hbm>> -> memref<260000x64xf32, #tpu.memory_space<hbm>>
      tpu.wait_indirect_dma semaphore(%arg7 : memref<!tpu.dma_semaphore, #tpu.memory_space<semaphore_mem>>) src(%dma_wait3A_334 : memref<260000x64xf32, #tpu.memory_space<hbm>>) dst(%dma_wait3A_328 : memref<104x64xf32, #tpu.memory_space<vmem>>)
      %dma_wait3A_335 = arith.constant 0 : i32
      %dma_wait3A_336 = arith.constant 0 : i32
      %dma_wait3A_337 = arith.constant 104 : i32
      %dma_wait3A_338 = arith.constant 0 : i32
      %dma_wait3A_339 = tpu.memref_slice %arg6[%dma_wait3A_336, %dma_wait3A_337, %dma_wait3A_338] : memref<8x208x64xf32, #tpu.memory_space<vmem>> -> memref<1x104x64xf32, #tpu.memory_space<vmem>>
      %dma_wait3A_340 = tpu.memref_squeeze %dma_wait3A_339 : memref<1x104x64xf32, #tpu.memory_space<vmem>> -> memref<104x64xf32, #tpu.memory_space<vmem>>
      %dma_wait3A_341 = arith.constant 0 : i32
      %dma_wait3A_342 = tpu.memref_slice %arg5[%dma_wait3A_335, %dma_wait3A_341] : memref<64x104xi32, #tpu.memory_space<vmem>> -> memref<1x104xi32, #tpu.memory_space<vmem>>
      %dma_wait3A_343 = tpu.memref_squeeze %dma_wait3A_342 : memref<1x104xi32, #tpu.memory_space<vmem>> -> memref<104xi32, #tpu.memory_space<vmem>>
      %dma_wait3A_344 = arith.constant 0 : i32
      %dma_wait3A_345 = arith.constant 0 : i32
      %dma_wait3A_346 = tpu.memref_slice %arg3[%dma_wait3A_344, %dma_wait3A_345] : memref<260000x64xf32, #tpu.memory_space<hbm>> -> memref<260000x64xf32, #tpu.memory_space<hbm>>
      tpu.wait_indirect_dma semaphore(%arg7 : memref<!tpu.dma_semaphore, #tpu.memory_space<semaphore_mem>>) src(%dma_wait3A_346 : memref<260000x64xf32, #tpu.memory_space<hbm>>) dst(%dma_wait3A_340 : memref<104x64xf32, #tpu.memory_space<vmem>>)
      %mul3A_347 = arith.constant 256 : i32
      %mul3A_348 = arith.muli %add3A, %mul3A_347 : i32
      %mul3A_349 = arith.constant 26 : i32
      %mul3A_350 = arith.muli %mul3A_348, %mul3A_349 : i32
      %mul3A_351 = arith.constant 208 : i32
      %mul3A_352 = arith.muli %add3A_322, %mul3A_351 : i32
      %add3A_353 = arith.addi %mul3A_350, %mul3A_352 : i32
      %dma_start3A_354 = arith.constant 0 : i32
      %dma_start3A_355 = arith.constant 0 : i32
      %dma_start3A_356 = arith.constant 0 : i32
      %dma_start3A_357 = tpu.memref_slice %arg6[%dma_start3A_354, %dma_start3A_355, %dma_start3A_356] : memref<8x208x64xf32, #tpu.memory_space<vmem>> -> memref<1x208x64xf32, #tpu.memory_space<vmem>>
      %dma_start3A_358 = tpu.memref_squeeze %dma_start3A_357 : memref<1x208x64xf32, #tpu.memory_space<vmem>> -> memref<208x64xf32, #tpu.memory_space<vmem>>
      %dma_start3A_359 = arith.constant 0 : i32
      %dma_start3A_360 = tpu.memref_slice %arg4[%add3A_353, %dma_start3A_359] : memref<212992x64xf32, #tpu.memory_space<hbm>> -> memref<208x64xf32, #tpu.memory_space<hbm>>
      %dma_start3A_361 = arith.constant 0 : i32
      %dma_start3A_362 = tpu.memref_slice %arg4[%add3A_353, %dma_start3A_361] : memref<212992x64xf32, #tpu.memory_space<hbm>> -> memref<208x64xf32, #tpu.memory_space<hbm>>
      %dma_start3A_363 = arith.constant 0 : i32
      %dma_start3A_364 = arith.constant 0 : i32
      %dma_start3A_365 = tpu.memref_slice %arg6[%dma_start3A_354, %dma_start3A_363, %dma_start3A_364] : memref<8x208x64xf32, #tpu.memory_space<vmem>> -> memref<1x208x64xf32, #tpu.memory_space<vmem>>
      %dma_start3A_366 = tpu.memref_squeeze %dma_start3A_365 : memref<1x208x64xf32, #tpu.memory_space<vmem>> -> memref<208x64xf32, #tpu.memory_space<vmem>>
      tpu.enqueue_dma source(%dma_start3A_366 : memref<208x64xf32, #tpu.memory_space<vmem>>) target(%dma_start3A_362 : memref<208x64xf32, #tpu.memory_space<hbm>>) target_semaphore(%arg15 : memref<!tpu.dma_semaphore, #tpu.memory_space<semaphore_mem>>)
      %ge3A = arith.constant 6 : i32
      %ge3A_367 = arith.cmpi sge, %add3A_322, %ge3A : i32
      %add3A_368 = arith.constant 2 : i32
      %add3A_369 = arith.addi %add3A_322, %add3A_368 : i32
      %lt3A = arith.constant 32 : i32
      %lt3A_370 = arith.cmpi slt, %add3A_369, %lt3A : i32
      %and3A = arith.andi %ge3A_367, %lt3A_370 : i1
      %convert_element_type3A = arith.extui %and3A : i1 to i32
      %cond3A = arith.constant 0 : i32
      %cond3A_371 = arith.cmpi ne, %convert_element_type3A, %cond3A : i32
      scf.if %cond3A_371 {
        %dma_wait3A_778 = arith.constant 2 : i32
        %dma_wait3A_779 = arith.constant 0 : i32
        %dma_wait3A_780 = arith.constant 0 : i32
        %dma_wait3A_781 = tpu.memref_slice %arg6[%dma_wait3A_778, %dma_wait3A_779, %dma_wait3A_780] : memref<8x208x64xf32, #tpu.memory_space<vmem>> -> memref<1x208x64xf32, #tpu.memory_space<vmem>>
        %dma_wait3A_782 = tpu.memref_squeeze %dma_wait3A_781 : memref<1x208x64xf32, #tpu.memory_space<vmem>> -> memref<208x64xf32, #tpu.memory_space<vmem>>
        %dma_wait3A_783 = arith.constant 0 : i32
        %dma_wait3A_784 = arith.constant 0 : i32
        %dma_wait3A_785 = tpu.memref_slice %arg4[%dma_wait3A_783, %dma_wait3A_784] : memref<212992x64xf32, #tpu.memory_space<hbm>> -> memref<208x64xf32, #tpu.memory_space<hbm>>
        %dma_wait3A_786 = arith.constant 0 : i32
        %dma_wait3A_787 = arith.constant 0 : i32
        %dma_wait3A_788 = tpu.memref_slice %arg4[%dma_wait3A_786, %dma_wait3A_787] : memref<212992x64xf32, #tpu.memory_space<hbm>> -> memref<208x64xf32, #tpu.memory_space<hbm>>
        %dma_wait3A_789 = arith.constant 0 : i32
        %dma_wait3A_790 = arith.constant 0 : i32
        %dma_wait3A_791 = tpu.memref_slice %arg6[%dma_wait3A_778, %dma_wait3A_789, %dma_wait3A_790] : memref<8x208x64xf32, #tpu.memory_space<vmem>> -> memref<1x208x64xf32, #tpu.memory_space<vmem>>
        %dma_wait3A_792 = tpu.memref_squeeze %dma_wait3A_791 : memref<1x208x64xf32, #tpu.memory_space<vmem>> -> memref<208x64xf32, #tpu.memory_space<vmem>>
        tpu.wait_dma2 semaphore(%arg17 : memref<!tpu.dma_semaphore, #tpu.memory_space<semaphore_mem>>) src(%dma_wait3A_792 : memref<208x64xf32, #tpu.memory_space<vmem>>) dst(%dma_wait3A_788 : memref<208x64xf32, #tpu.memory_space<hbm>>)
        %add3A_793 = arith.constant 2 : i32
        %add3A_794 = arith.addi %add3A_322, %add3A_793 : i32
        %mul3A_795 = arith.constant 2 : i32
        %mul3A_796 = arith.muli %add3A_794, %mul3A_795 : i32
        %add3A_797 = arith.constant 0 : i32
        %add3A_798 = arith.addi %mul3A_796, %add3A_797 : i32
        %dma_start3A_799 = arith.constant 2 : i32
        %dma_start3A_800 = arith.constant 0 : i32
        %dma_start3A_801 = arith.constant 0 : i32
        %dma_start3A_802 = tpu.memref_slice %arg6[%dma_start3A_799, %dma_start3A_800, %dma_start3A_801] : memref<8x208x64xf32, #tpu.memory_space<vmem>> -> memref<1x104x64xf32, #tpu.memory_space<vmem>>
        %dma_start3A_803 = tpu.memref_squeeze %dma_start3A_802 : memref<1x104x64xf32, #tpu.memory_space<vmem>> -> memref<104x64xf32, #tpu.memory_space<vmem>>
        %dma_start3A_804 = arith.constant 0 : i32
        %dma_start3A_805 = tpu.memref_slice %arg5[%add3A_798, %dma_start3A_804] : memref<64x104xi32, #tpu.memory_space<vmem>> -> memref<1x104xi32, #tpu.memory_space<vmem>>
        %dma_start3A_806 = tpu.memref_squeeze %dma_start3A_805 : memref<1x104xi32, #tpu.memory_space<vmem>> -> memref<104xi32, #tpu.memory_space<vmem>>
        %dma_start3A_807 = arith.constant 0 : i32
        %dma_start3A_808 = arith.constant 0 : i32
        %dma_start3A_809 = tpu.memref_slice %arg3[%dma_start3A_807, %dma_start3A_808] : memref<260000x64xf32, #tpu.memory_space<hbm>> -> memref<260000x64xf32, #tpu.memory_space<hbm>>
        tpu.enqueue_indirect_dma source(%dma_start3A_809 : memref<260000x64xf32, #tpu.memory_space<hbm>>) target(%dma_start3A_803 : memref<104x64xf32, #tpu.memory_space<vmem>>) offsets(%dma_start3A_806 : memref<104xi32, #tpu.memory_space<vmem>>) semaphore(%arg9 : memref<!tpu.dma_semaphore, #tpu.memory_space<semaphore_mem>>)
        %mul3A_810 = arith.constant 2 : i32
        %mul3A_811 = arith.muli %add3A_794, %mul3A_810 : i32
        %add3A_812 = arith.constant 1 : i32
        %add3A_813 = arith.addi %mul3A_811, %add3A_812 : i32
        %dma_start3A_814 = arith.constant 2 : i32
        %dma_start3A_815 = arith.constant 104 : i32
        %dma_start3A_816 = arith.constant 0 : i32
        %dma_start3A_817 = tpu.memref_slice %arg6[%dma_start3A_814, %dma_start3A_815, %dma_start3A_816] : memref<8x208x64xf32, #tpu.memory_space<vmem>> -> memref<1x104x64xf32, #tpu.memory_space<vmem>>
        %dma_start3A_818 = tpu.memref_squeeze %dma_start3A_817 : memref<1x104x64xf32, #tpu.memory_space<vmem>> -> memref<104x64xf32, #tpu.memory_space<vmem>>
        %dma_start3A_819 = arith.constant 0 : i32
        %dma_start3A_820 = tpu.memref_slice %arg5[%add3A_813, %dma_start3A_819] : memref<64x104xi32, #tpu.memory_space<vmem>> -> memref<1x104xi32, #tpu.memory_space<vmem>>
        %dma_start3A_821 = tpu.memref_squeeze %dma_start3A_820 : memref<1x104xi32, #tpu.memory_space<vmem>> -> memref<104xi32, #tpu.memory_space<vmem>>
        %dma_start3A_822 = arith.constant 0 : i32
        %dma_start3A_823 = arith.constant 0 : i32
        %dma_start3A_824 = tpu.memref_slice %arg3[%dma_start3A_822, %dma_start3A_823] : memref<260000x64xf32, #tpu.memory_space<hbm>> -> memref<260000x64xf32, #tpu.memory_space<hbm>>
        tpu.enqueue_indirect_dma source(%dma_start3A_824 : memref<260000x64xf32, #tpu.memory_space<hbm>>) target(%dma_start3A_818 : memref<104x64xf32, #tpu.memory_space<vmem>>) offsets(%dma_start3A_821 : memref<104xi32, #tpu.memory_space<vmem>>) semaphore(%arg9 : memref<!tpu.dma_semaphore, #tpu.memory_space<semaphore_mem>>)
      } else {
      }
      %mul3A_372 = arith.constant 8 : i32
      %mul3A_373 = arith.muli %mul3A_372, %scan3A_318 : i32
      %add3A_374 = arith.constant 1 : i32
      %add3A_375 = arith.addi %mul3A_373, %add3A_374 : i32
      %dma_wait3A_376 = arith.constant 0 : i32
      %dma_wait3A_377 = arith.constant 1 : i32
      %dma_wait3A_378 = arith.constant 0 : i32
      %dma_wait3A_379 = arith.constant 0 : i32
      %dma_wait3A_380 = tpu.memref_slice %arg6[%dma_wait3A_377, %dma_wait3A_378, %dma_wait3A_379] : memref<8x208x64xf32, #tpu.memory_space<vmem>> -> memref<1x104x64xf32, #tpu.memory_space<vmem>>
      %dma_wait3A_381 = tpu.memref_squeeze %dma_wait3A_380 : memref<1x104x64xf32, #tpu.memory_space<vmem>> -> memref<104x64xf32, #tpu.memory_space<vmem>>
      %dma_wait3A_382 = arith.constant 0 : i32
      %dma_wait3A_383 = tpu.memref_slice %arg5[%dma_wait3A_376, %dma_wait3A_382] : memref<64x104xi32, #tpu.memory_space<vmem>> -> memref<1x104xi32, #tpu.memory_space<vmem>>
      %dma_wait3A_384 = tpu.memref_squeeze %dma_wait3A_383 : memref<1x104xi32, #tpu.memory_space<vmem>> -> memref<104xi32, #tpu.memory_space<vmem>>
      %dma_wait3A_385 = arith.constant 0 : i32
      %dma_wait3A_386 = arith.constant 0 : i32
      %dma_wait3A_387 = tpu.memref_slice %arg3[%dma_wait3A_385, %dma_wait3A_386] : memref<260000x64xf32, #tpu.memory_space<hbm>> -> memref<260000x64xf32, #tpu.memory_space<hbm>>
      tpu.wait_indirect_dma semaphore(%arg8 : memref<!tpu.dma_semaphore, #tpu.memory_space<semaphore_mem>>) src(%dma_wait3A_387 : memref<260000x64xf32, #tpu.memory_space<hbm>>) dst(%dma_wait3A_381 : memref<104x64xf32, #tpu.memory_space<vmem>>)
      %dma_wait3A_388 = arith.constant 0 : i32
      %dma_wait3A_389 = arith.constant 1 : i32
      %dma_wait3A_390 = arith.constant 104 : i32
      %dma_wait3A_391 = arith.constant 0 : i32
      %dma_wait3A_392 = tpu.memref_slice %arg6[%dma_wait3A_389, %dma_wait3A_390, %dma_wait3A_391] : memref<8x208x64xf32, #tpu.memory_space<vmem>> -> memref<1x104x64xf32, #tpu.memory_space<vmem>>
      %dma_wait3A_393 = tpu.memref_squeeze %dma_wait3A_392 : memref<1x104x64xf32, #tpu.memory_space<vmem>> -> memref<104x64xf32, #tpu.memory_space<vmem>>
      %dma_wait3A_394 = arith.constant 0 : i32
      %dma_wait3A_395 = tpu.memref_slice %arg5[%dma_wait3A_388, %dma_wait3A_394] : memref<64x104xi32, #tpu.memory_space<vmem>> -> memref<1x104xi32, #tpu.memory_space<vmem>>
      %dma_wait3A_396 = tpu.memref_squeeze %dma_wait3A_395 : memref<1x104xi32, #tpu.memory_space<vmem>> -> memref<104xi32, #tpu.memory_space<vmem>>
      %dma_wait3A_397 = arith.constant 0 : i32
      %dma_wait3A_398 = arith.constant 0 : i32
      %dma_wait3A_399 = tpu.memref_slice %arg3[%dma_wait3A_397, %dma_wait3A_398] : memref<260000x64xf32, #tpu.memory_space<hbm>> -> memref<260000x64xf32, #tpu.memory_space<hbm>>
      tpu.wait_indirect_dma semaphore(%arg8 : memref<!tpu.dma_semaphore, #tpu.memory_space<semaphore_mem>>) src(%dma_wait3A_399 : memref<260000x64xf32, #tpu.memory_space<hbm>>) dst(%dma_wait3A_393 : memref<104x64xf32, #tpu.memory_space<vmem>>)
      %mul3A_400 = arith.constant 256 : i32
      %mul3A_401 = arith.muli %add3A, %mul3A_400 : i32
      %mul3A_402 = arith.constant 26 : i32
      %mul3A_403 = arith.muli %mul3A_401, %mul3A_402 : i32
      %mul3A_404 = arith.constant 208 : i32
      %mul3A_405 = arith.muli %add3A_375, %mul3A_404 : i32
      %add3A_406 = arith.addi %mul3A_403, %mul3A_405 : i32
      %dma_start3A_407 = arith.constant 1 : i32
      %dma_start3A_408 = arith.constant 0 : i32
      %dma_start3A_409 = arith.constant 0 : i32
      %dma_start3A_410 = tpu.memref_slice %arg6[%dma_start3A_407, %dma_start3A_408, %dma_start3A_409] : memref<8x208x64xf32, #tpu.memory_space<vmem>> -> memref<1x208x64xf32, #tpu.memory_space<vmem>>
      %dma_start3A_411 = tpu.memref_squeeze %dma_start3A_410 : memref<1x208x64xf32, #tpu.memory_space<vmem>> -> memref<208x64xf32, #tpu.memory_space<vmem>>
      %dma_start3A_412 = arith.constant 0 : i32
      %dma_start3A_413 = tpu.memref_slice %arg4[%add3A_406, %dma_start3A_412] : memref<212992x64xf32, #tpu.memory_space<hbm>> -> memref<208x64xf32, #tpu.memory_space<hbm>>
      %dma_start3A_414 = arith.constant 0 : i32
      %dma_start3A_415 = tpu.memref_slice %arg4[%add3A_406, %dma_start3A_414] : memref<212992x64xf32, #tpu.memory_space<hbm>> -> memref<208x64xf32, #tpu.memory_space<hbm>>
      %dma_start3A_416 = arith.constant 0 : i32
      %dma_start3A_417 = arith.constant 0 : i32
      %dma_start3A_418 = tpu.memref_slice %arg6[%dma_start3A_407, %dma_start3A_416, %dma_start3A_417] : memref<8x208x64xf32, #tpu.memory_space<vmem>> -> memref<1x208x64xf32, #tpu.memory_space<vmem>>
      %dma_start3A_419 = tpu.memref_squeeze %dma_start3A_418 : memref<1x208x64xf32, #tpu.memory_space<vmem>> -> memref<208x64xf32, #tpu.memory_space<vmem>>
      tpu.enqueue_dma source(%dma_start3A_419 : memref<208x64xf32, #tpu.memory_space<vmem>>) target(%dma_start3A_415 : memref<208x64xf32, #tpu.memory_space<hbm>>) target_semaphore(%arg16 : memref<!tpu.dma_semaphore, #tpu.memory_space<semaphore_mem>>)
      %ge3A_420 = arith.constant 6 : i32
      %ge3A_421 = arith.cmpi sge, %add3A_375, %ge3A_420 : i32
      %add3A_422 = arith.constant 2 : i32
      %add3A_423 = arith.addi %add3A_375, %add3A_422 : i32
      %lt3A_424 = arith.constant 32 : i32
      %lt3A_425 = arith.cmpi slt, %add3A_423, %lt3A_424 : i32
      %and3A_426 = arith.andi %ge3A_421, %lt3A_425 : i1
      %convert_element_type3A_427 = arith.extui %and3A_426 : i1 to i32
      %cond3A_428 = arith.constant 0 : i32
      %cond3A_429 = arith.cmpi ne, %convert_element_type3A_427, %cond3A_428 : i32
      scf.if %cond3A_429 {
        %dma_wait3A_778 = arith.constant 3 : i32
        %dma_wait3A_779 = arith.constant 0 : i32
        %dma_wait3A_780 = arith.constant 0 : i32
        %dma_wait3A_781 = tpu.memref_slice %arg6[%dma_wait3A_778, %dma_wait3A_779, %dma_wait3A_780] : memref<8x208x64xf32, #tpu.memory_space<vmem>> -> memref<1x208x64xf32, #tpu.memory_space<vmem>>
        %dma_wait3A_782 = tpu.memref_squeeze %dma_wait3A_781 : memref<1x208x64xf32, #tpu.memory_space<vmem>> -> memref<208x64xf32, #tpu.memory_space<vmem>>
        %dma_wait3A_783 = arith.constant 0 : i32
        %dma_wait3A_784 = arith.constant 0 : i32
        %dma_wait3A_785 = tpu.memref_slice %arg4[%dma_wait3A_783, %dma_wait3A_784] : memref<212992x64xf32, #tpu.memory_space<hbm>> -> memref<208x64xf32, #tpu.memory_space<hbm>>
        %dma_wait3A_786 = arith.constant 0 : i32
        %dma_wait3A_787 = arith.constant 0 : i32
        %dma_wait3A_788 = tpu.memref_slice %arg4[%dma_wait3A_786, %dma_wait3A_787] : memref<212992x64xf32, #tpu.memory_space<hbm>> -> memref<208x64xf32, #tpu.memory_space<hbm>>
        %dma_wait3A_789 = arith.constant 0 : i32
        %dma_wait3A_790 = arith.constant 0 : i32
        %dma_wait3A_791 = tpu.memref_slice %arg6[%dma_wait3A_778, %dma_wait3A_789, %dma_wait3A_790] : memref<8x208x64xf32, #tpu.memory_space<vmem>> -> memref<1x208x64xf32, #tpu.memory_space<vmem>>
        %dma_wait3A_792 = tpu.memref_squeeze %dma_wait3A_791 : memref<1x208x64xf32, #tpu.memory_space<vmem>> -> memref<208x64xf32, #tpu.memory_space<vmem>>
        tpu.wait_dma2 semaphore(%arg18 : memref<!tpu.dma_semaphore, #tpu.memory_space<semaphore_mem>>) src(%dma_wait3A_792 : memref<208x64xf32, #tpu.memory_space<vmem>>) dst(%dma_wait3A_788 : memref<208x64xf32, #tpu.memory_space<hbm>>)
        %add3A_793 = arith.constant 2 : i32
        %add3A_794 = arith.addi %add3A_375, %add3A_793 : i32
        %mul3A_795 = arith.constant 2 : i32
        %mul3A_796 = arith.muli %add3A_794, %mul3A_795 : i32
        %add3A_797 = arith.constant 0 : i32
        %add3A_798 = arith.addi %mul3A_796, %add3A_797 : i32
        %dma_start3A_799 = arith.constant 3 : i32
        %dma_start3A_800 = arith.constant 0 : i32
        %dma_start3A_801 = arith.constant 0 : i32
        %dma_start3A_802 = tpu.memref_slice %arg6[%dma_start3A_799, %dma_start3A_800, %dma_start3A_801] : memref<8x208x64xf32, #tpu.memory_space<vmem>> -> memref<1x104x64xf32, #tpu.memory_space<vmem>>
        %dma_start3A_803 = tpu.memref_squeeze %dma_start3A_802 : memref<1x104x64xf32, #tpu.memory_space<vmem>> -> memref<104x64xf32, #tpu.memory_space<vmem>>
        %dma_start3A_804 = arith.constant 0 : i32
        %dma_start3A_805 = tpu.memref_slice %arg5[%add3A_798, %dma_start3A_804] : memref<64x104xi32, #tpu.memory_space<vmem>> -> memref<1x104xi32, #tpu.memory_space<vmem>>
        %dma_start3A_806 = tpu.memref_squeeze %dma_start3A_805 : memref<1x104xi32, #tpu.memory_space<vmem>> -> memref<104xi32, #tpu.memory_space<vmem>>
        %dma_start3A_807 = arith.constant 0 : i32
        %dma_start3A_808 = arith.constant 0 : i32
        %dma_start3A_809 = tpu.memref_slice %arg3[%dma_start3A_807, %dma_start3A_808] : memref<260000x64xf32, #tpu.memory_space<hbm>> -> memref<260000x64xf32, #tpu.memory_space<hbm>>
        tpu.enqueue_indirect_dma source(%dma_start3A_809 : memref<260000x64xf32, #tpu.memory_space<hbm>>) target(%dma_start3A_803 : memref<104x64xf32, #tpu.memory_space<vmem>>) offsets(%dma_start3A_806 : memref<104xi32, #tpu.memory_space<vmem>>) semaphore(%arg10 : memref<!tpu.dma_semaphore, #tpu.memory_space<semaphore_mem>>)
        %mul3A_810 = arith.constant 2 : i32
        %mul3A_811 = arith.muli %add3A_794, %mul3A_810 : i32
        %add3A_812 = arith.constant 1 : i32
        %add3A_813 = arith.addi %mul3A_811, %add3A_812 : i32
        %dma_start3A_814 = arith.constant 3 : i32
        %dma_start3A_815 = arith.constant 104 : i32
        %dma_start3A_816 = arith.constant 0 : i32
        %dma_start3A_817 = tpu.memref_slice %arg6[%dma_start3A_814, %dma_start3A_815, %dma_start3A_816] : memref<8x208x64xf32, #tpu.memory_space<vmem>> -> memref<1x104x64xf32, #tpu.memory_space<vmem>>
        %dma_start3A_818 = tpu.memref_squeeze %dma_start3A_817 : memref<1x104x64xf32, #tpu.memory_space<vmem>> -> memref<104x64xf32, #tpu.memory_space<vmem>>
        %dma_start3A_819 = arith.constant 0 : i32
        %dma_start3A_820 = tpu.memref_slice %arg5[%add3A_813, %dma_start3A_819] : memref<64x104xi32, #tpu.memory_space<vmem>> -> memref<1x104xi32, #tpu.memory_space<vmem>>
        %dma_start3A_821 = tpu.memref_squeeze %dma_start3A_820 : memref<1x104xi32, #tpu.memory_space<vmem>> -> memref<104xi32, #tpu.memory_space<vmem>>
        %dma_start3A_822 = arith.constant 0 : i32
        %dma_start3A_823 = arith.constant 0 : i32
        %dma_start3A_824 = tpu.memref_slice %arg3[%dma_start3A_822, %dma_start3A_823] : memref<260000x64xf32, #tpu.memory_space<hbm>> -> memref<260000x64xf32, #tpu.memory_space<hbm>>
        tpu.enqueue_indirect_dma source(%dma_start3A_824 : memref<260000x64xf32, #tpu.memory_space<hbm>>) target(%dma_start3A_818 : memref<104x64xf32, #tpu.memory_space<vmem>>) offsets(%dma_start3A_821 : memref<104xi32, #tpu.memory_space<vmem>>) semaphore(%arg10 : memref<!tpu.dma_semaphore, #tpu.memory_space<semaphore_mem>>)
      } else {
      }
      %mul3A_430 = arith.constant 8 : i32
      %mul3A_431 = arith.muli %mul3A_430, %scan3A_318 : i32
      %add3A_432 = arith.constant 2 : i32
      %add3A_433 = arith.addi %mul3A_431, %add3A_432 : i32
      %dma_wait3A_434 = arith.constant 0 : i32
      %dma_wait3A_435 = arith.constant 2 : i32
      %dma_wait3A_436 = arith.constant 0 : i32
      %dma_wait3A_437 = arith.constant 0 : i32
      %dma_wait3A_438 = tpu.memref_slice %arg6[%dma_wait3A_435, %dma_wait3A_436, %dma_wait3A_437] : memref<8x208x64xf32, #tpu.memory_space<vmem>> -> memref<1x104x64xf32, #tpu.memory_space<vmem>>
      %dma_wait3A_439 = tpu.memref_squeeze %dma_wait3A_438 : memref<1x104x64xf32, #tpu.memory_space<vmem>> -> memref<104x64xf32, #tpu.memory_space<vmem>>
      %dma_wait3A_440 = arith.constant 0 : i32
      %dma_wait3A_441 = tpu.memref_slice %arg5[%dma_wait3A_434, %dma_wait3A_440] : memref<64x104xi32, #tpu.memory_space<vmem>> -> memref<1x104xi32, #tpu.memory_space<vmem>>
      %dma_wait3A_442 = tpu.memref_squeeze %dma_wait3A_441 : memref<1x104xi32, #tpu.memory_space<vmem>> -> memref<104xi32, #tpu.memory_space<vmem>>
      %dma_wait3A_443 = arith.constant 0 : i32
      %dma_wait3A_444 = arith.constant 0 : i32
      %dma_wait3A_445 = tpu.memref_slice %arg3[%dma_wait3A_443, %dma_wait3A_444] : memref<260000x64xf32, #tpu.memory_space<hbm>> -> memref<260000x64xf32, #tpu.memory_space<hbm>>
      tpu.wait_indirect_dma semaphore(%arg9 : memref<!tpu.dma_semaphore, #tpu.memory_space<semaphore_mem>>) src(%dma_wait3A_445 : memref<260000x64xf32, #tpu.memory_space<hbm>>) dst(%dma_wait3A_439 : memref<104x64xf32, #tpu.memory_space<vmem>>)
      %dma_wait3A_446 = arith.constant 0 : i32
      %dma_wait3A_447 = arith.constant 2 : i32
      %dma_wait3A_448 = arith.constant 104 : i32
      %dma_wait3A_449 = arith.constant 0 : i32
      %dma_wait3A_450 = tpu.memref_slice %arg6[%dma_wait3A_447, %dma_wait3A_448, %dma_wait3A_449] : memref<8x208x64xf32, #tpu.memory_space<vmem>> -> memref<1x104x64xf32, #tpu.memory_space<vmem>>
      %dma_wait3A_451 = tpu.memref_squeeze %dma_wait3A_450 : memref<1x104x64xf32, #tpu.memory_space<vmem>> -> memref<104x64xf32, #tpu.memory_space<vmem>>
      %dma_wait3A_452 = arith.constant 0 : i32
      %dma_wait3A_453 = tpu.memref_slice %arg5[%dma_wait3A_446, %dma_wait3A_452] : memref<64x104xi32, #tpu.memory_space<vmem>> -> memref<1x104xi32, #tpu.memory_space<vmem>>
      %dma_wait3A_454 = tpu.memref_squeeze %dma_wait3A_453 : memref<1x104xi32, #tpu.memory_space<vmem>> -> memref<104xi32, #tpu.memory_space<vmem>>
      %dma_wait3A_455 = arith.constant 0 : i32
      %dma_wait3A_456 = arith.constant 0 : i32
      %dma_wait3A_457 = tpu.memref_slice %arg3[%dma_wait3A_455, %dma_wait3A_456] : memref<260000x64xf32, #tpu.memory_space<hbm>> -> memref<260000x64xf32, #tpu.memory_space<hbm>>
      tpu.wait_indirect_dma semaphore(%arg9 : memref<!tpu.dma_semaphore, #tpu.memory_space<semaphore_mem>>) src(%dma_wait3A_457 : memref<260000x64xf32, #tpu.memory_space<hbm>>) dst(%dma_wait3A_451 : memref<104x64xf32, #tpu.memory_space<vmem>>)
      %mul3A_458 = arith.constant 256 : i32
      %mul3A_459 = arith.muli %add3A, %mul3A_458 : i32
      %mul3A_460 = arith.constant 26 : i32
      %mul3A_461 = arith.muli %mul3A_459, %mul3A_460 : i32
      %mul3A_462 = arith.constant 208 : i32
      %mul3A_463 = arith.muli %add3A_433, %mul3A_462 : i32
      %add3A_464 = arith.addi %mul3A_461, %mul3A_463 : i32
      %dma_start3A_465 = arith.constant 2 : i32
      %dma_start3A_466 = arith.constant 0 : i32
      %dma_start3A_467 = arith.constant 0 : i32
      %dma_start3A_468 = tpu.memref_slice %arg6[%dma_start3A_465, %dma_start3A_466, %dma_start3A_467] : memref<8x208x64xf32, #tpu.memory_space<vmem>> -> memref<1x208x64xf32, #tpu.memory_space<vmem>>
      %dma_start3A_469 = tpu.memref_squeeze %dma_start3A_468 : memref<1x208x64xf32, #tpu.memory_space<vmem>> -> memref<208x64xf32, #tpu.memory_space<vmem>>
      %dma_start3A_470 = arith.constant 0 : i32
      %dma_start3A_471 = tpu.memref_slice %arg4[%add3A_464, %dma_start3A_470] : memref<212992x64xf32, #tpu.memory_space<hbm>> -> memref<208x64xf32, #tpu.memory_space<hbm>>
      %dma_start3A_472 = arith.constant 0 : i32
      %dma_start3A_473 = tpu.memref_slice %arg4[%add3A_464, %dma_start3A_472] : memref<212992x64xf32, #tpu.memory_space<hbm>> -> memref<208x64xf32, #tpu.memory_space<hbm>>
      %dma_start3A_474 = arith.constant 0 : i32
      %dma_start3A_475 = arith.constant 0 : i32
      %dma_start3A_476 = tpu.memref_slice %arg6[%dma_start3A_465, %dma_start3A_474, %dma_start3A_475] : memref<8x208x64xf32, #tpu.memory_space<vmem>> -> memref<1x208x64xf32, #tpu.memory_space<vmem>>
      %dma_start3A_477 = tpu.memref_squeeze %dma_start3A_476 : memref<1x208x64xf32, #tpu.memory_space<vmem>> -> memref<208x64xf32, #tpu.memory_space<vmem>>
      tpu.enqueue_dma source(%dma_start3A_477 : memref<208x64xf32, #tpu.memory_space<vmem>>) target(%dma_start3A_473 : memref<208x64xf32, #tpu.memory_space<hbm>>) target_semaphore(%arg17 : memref<!tpu.dma_semaphore, #tpu.memory_space<semaphore_mem>>)
      %ge3A_478 = arith.constant 6 : i32
      %ge3A_479 = arith.cmpi sge, %add3A_433, %ge3A_478 : i32
      %add3A_480 = arith.constant 2 : i32
      %add3A_481 = arith.addi %add3A_433, %add3A_480 : i32
      %lt3A_482 = arith.constant 32 : i32
      %lt3A_483 = arith.cmpi slt, %add3A_481, %lt3A_482 : i32
      %and3A_484 = arith.andi %ge3A_479, %lt3A_483 : i1
      %convert_element_type3A_485 = arith.extui %and3A_484 : i1 to i32
      %cond3A_486 = arith.constant 0 : i32
      %cond3A_487 = arith.cmpi ne, %convert_element_type3A_485, %cond3A_486 : i32
      scf.if %cond3A_487 {
        %dma_wait3A_778 = arith.constant 4 : i32
        %dma_wait3A_779 = arith.constant 0 : i32
        %dma_wait3A_780 = arith.constant 0 : i32
        %dma_wait3A_781 = tpu.memref_slice %arg6[%dma_wait3A_778, %dma_wait3A_779, %dma_wait3A_780] : memref<8x208x64xf32, #tpu.memory_space<vmem>> -> memref<1x208x64xf32, #tpu.memory_space<vmem>>
        %dma_wait3A_782 = tpu.memref_squeeze %dma_wait3A_781 : memref<1x208x64xf32, #tpu.memory_space<vmem>> -> memref<208x64xf32, #tpu.memory_space<vmem>>
        %dma_wait3A_783 = arith.constant 0 : i32
        %dma_wait3A_784 = arith.constant 0 : i32
        %dma_wait3A_785 = tpu.memref_slice %arg4[%dma_wait3A_783, %dma_wait3A_784] : memref<212992x64xf32, #tpu.memory_space<hbm>> -> memref<208x64xf32, #tpu.memory_space<hbm>>
        %dma_wait3A_786 = arith.constant 0 : i32
        %dma_wait3A_787 = arith.constant 0 : i32
        %dma_wait3A_788 = tpu.memref_slice %arg4[%dma_wait3A_786, %dma_wait3A_787] : memref<212992x64xf32, #tpu.memory_space<hbm>> -> memref<208x64xf32, #tpu.memory_space<hbm>>
        %dma_wait3A_789 = arith.constant 0 : i32
        %dma_wait3A_790 = arith.constant 0 : i32
        %dma_wait3A_791 = tpu.memref_slice %arg6[%dma_wait3A_778, %dma_wait3A_789, %dma_wait3A_790] : memref<8x208x64xf32, #tpu.memory_space<vmem>> -> memref<1x208x64xf32, #tpu.memory_space<vmem>>
        %dma_wait3A_792 = tpu.memref_squeeze %dma_wait3A_791 : memref<1x208x64xf32, #tpu.memory_space<vmem>> -> memref<208x64xf32, #tpu.memory_space<vmem>>
        tpu.wait_dma2 semaphore(%arg19 : memref<!tpu.dma_semaphore, #tpu.memory_space<semaphore_mem>>) src(%dma_wait3A_792 : memref<208x64xf32, #tpu.memory_space<vmem>>) dst(%dma_wait3A_788 : memref<208x64xf32, #tpu.memory_space<hbm>>)
        %add3A_793 = arith.constant 2 : i32
        %add3A_794 = arith.addi %add3A_433, %add3A_793 : i32
        %mul3A_795 = arith.constant 2 : i32
        %mul3A_796 = arith.muli %add3A_794, %mul3A_795 : i32
        %add3A_797 = arith.constant 0 : i32
        %add3A_798 = arith.addi %mul3A_796, %add3A_797 : i32
        %dma_start3A_799 = arith.constant 4 : i32
        %dma_start3A_800 = arith.constant 0 : i32
        %dma_start3A_801 = arith.constant 0 : i32
        %dma_start3A_802 = tpu.memref_slice %arg6[%dma_start3A_799, %dma_start3A_800, %dma_start3A_801] : memref<8x208x64xf32, #tpu.memory_space<vmem>> -> memref<1x104x64xf32, #tpu.memory_space<vmem>>
        %dma_start3A_803 = tpu.memref_squeeze %dma_start3A_802 : memref<1x104x64xf32, #tpu.memory_space<vmem>> -> memref<104x64xf32, #tpu.memory_space<vmem>>
        %dma_start3A_804 = arith.constant 0 : i32
        %dma_start3A_805 = tpu.memref_slice %arg5[%add3A_798, %dma_start3A_804] : memref<64x104xi32, #tpu.memory_space<vmem>> -> memref<1x104xi32, #tpu.memory_space<vmem>>
        %dma_start3A_806 = tpu.memref_squeeze %dma_start3A_805 : memref<1x104xi32, #tpu.memory_space<vmem>> -> memref<104xi32, #tpu.memory_space<vmem>>
        %dma_start3A_807 = arith.constant 0 : i32
        %dma_start3A_808 = arith.constant 0 : i32
        %dma_start3A_809 = tpu.memref_slice %arg3[%dma_start3A_807, %dma_start3A_808] : memref<260000x64xf32, #tpu.memory_space<hbm>> -> memref<260000x64xf32, #tpu.memory_space<hbm>>
        tpu.enqueue_indirect_dma source(%dma_start3A_809 : memref<260000x64xf32, #tpu.memory_space<hbm>>) target(%dma_start3A_803 : memref<104x64xf32, #tpu.memory_space<vmem>>) offsets(%dma_start3A_806 : memref<104xi32, #tpu.memory_space<vmem>>) semaphore(%arg11 : memref<!tpu.dma_semaphore, #tpu.memory_space<semaphore_mem>>)
        %mul3A_810 = arith.constant 2 : i32
        %mul3A_811 = arith.muli %add3A_794, %mul3A_810 : i32
        %add3A_812 = arith.constant 1 : i32
        %add3A_813 = arith.addi %mul3A_811, %add3A_812 : i32
        %dma_start3A_814 = arith.constant 4 : i32
        %dma_start3A_815 = arith.constant 104 : i32
        %dma_start3A_816 = arith.constant 0 : i32
        %dma_start3A_817 = tpu.memref_slice %arg6[%dma_start3A_814, %dma_start3A_815, %dma_start3A_816] : memref<8x208x64xf32, #tpu.memory_space<vmem>> -> memref<1x104x64xf32, #tpu.memory_space<vmem>>
        %dma_start3A_818 = tpu.memref_squeeze %dma_start3A_817 : memref<1x104x64xf32, #tpu.memory_space<vmem>> -> memref<104x64xf32, #tpu.memory_space<vmem>>
        %dma_start3A_819 = arith.constant 0 : i32
        %dma_start3A_820 = tpu.memref_slice %arg5[%add3A_813, %dma_start3A_819] : memref<64x104xi32, #tpu.memory_space<vmem>> -> memref<1x104xi32, #tpu.memory_space<vmem>>
        %dma_start3A_821 = tpu.memref_squeeze %dma_start3A_820 : memref<1x104xi32, #tpu.memory_space<vmem>> -> memref<104xi32, #tpu.memory_space<vmem>>
        %dma_start3A_822 = arith.constant 0 : i32
        %dma_start3A_823 = arith.constant 0 : i32
        %dma_start3A_824 = tpu.memref_slice %arg3[%dma_start3A_822, %dma_start3A_823] : memref<260000x64xf32, #tpu.memory_space<hbm>> -> memref<260000x64xf32, #tpu.memory_space<hbm>>
        tpu.enqueue_indirect_dma source(%dma_start3A_824 : memref<260000x64xf32, #tpu.memory_space<hbm>>) target(%dma_start3A_818 : memref<104x64xf32, #tpu.memory_space<vmem>>) offsets(%dma_start3A_821 : memref<104xi32, #tpu.memory_space<vmem>>) semaphore(%arg11 : memref<!tpu.dma_semaphore, #tpu.memory_space<semaphore_mem>>)
      } else {
      }
      %mul3A_488 = arith.constant 8 : i32
      %mul3A_489 = arith.muli %mul3A_488, %scan3A_318 : i32
      %add3A_490 = arith.constant 3 : i32
      %add3A_491 = arith.addi %mul3A_489, %add3A_490 : i32
      %dma_wait3A_492 = arith.constant 0 : i32
      %dma_wait3A_493 = arith.constant 3 : i32
      %dma_wait3A_494 = arith.constant 0 : i32
      %dma_wait3A_495 = arith.constant 0 : i32
      %dma_wait3A_496 = tpu.memref_slice %arg6[%dma_wait3A_493, %dma_wait3A_494, %dma_wait3A_495] : memref<8x208x64xf32, #tpu.memory_space<vmem>> -> memref<1x104x64xf32, #tpu.memory_space<vmem>>
      %dma_wait3A_497 = tpu.memref_squeeze %dma_wait3A_496 : memref<1x104x64xf32, #tpu.memory_space<vmem>> -> memref<104x64xf32, #tpu.memory_space<vmem>>
      %dma_wait3A_498 = arith.constant 0 : i32
      %dma_wait3A_499 = tpu.memref_slice %arg5[%dma_wait3A_492, %dma_wait3A_498] : memref<64x104xi32, #tpu.memory_space<vmem>> -> memref<1x104xi32, #tpu.memory_space<vmem>>
      %dma_wait3A_500 = tpu.memref_squeeze %dma_wait3A_499 : memref<1x104xi32, #tpu.memory_space<vmem>> -> memref<104xi32, #tpu.memory_space<vmem>>
      %dma_wait3A_501 = arith.constant 0 : i32
      %dma_wait3A_502 = arith.constant 0 : i32
      %dma_wait3A_503 = tpu.memref_slice %arg3[%dma_wait3A_501, %dma_wait3A_502] : memref<260000x64xf32, #tpu.memory_space<hbm>> -> memref<260000x64xf32, #tpu.memory_space<hbm>>
      tpu.wait_indirect_dma semaphore(%arg10 : memref<!tpu.dma_semaphore, #tpu.memory_space<semaphore_mem>>) src(%dma_wait3A_503 : memref<260000x64xf32, #tpu.memory_space<hbm>>) dst(%dma_wait3A_497 : memref<104x64xf32, #tpu.memory_space<vmem>>)
      %dma_wait3A_504 = arith.constant 0 : i32
      %dma_wait3A_505 = arith.constant 3 : i32
      %dma_wait3A_506 = arith.constant 104 : i32
      %dma_wait3A_507 = arith.constant 0 : i32
      %dma_wait3A_508 = tpu.memref_slice %arg6[%dma_wait3A_505, %dma_wait3A_506, %dma_wait3A_507] : memref<8x208x64xf32, #tpu.memory_space<vmem>> -> memref<1x104x64xf32, #tpu.memory_space<vmem>>
      %dma_wait3A_509 = tpu.memref_squeeze %dma_wait3A_508 : memref<1x104x64xf32, #tpu.memory_space<vmem>> -> memref<104x64xf32, #tpu.memory_space<vmem>>
      %dma_wait3A_510 = arith.constant 0 : i32
      %dma_wait3A_511 = tpu.memref_slice %arg5[%dma_wait3A_504, %dma_wait3A_510] : memref<64x104xi32, #tpu.memory_space<vmem>> -> memref<1x104xi32, #tpu.memory_space<vmem>>
      %dma_wait3A_512 = tpu.memref_squeeze %dma_wait3A_511 : memref<1x104xi32, #tpu.memory_space<vmem>> -> memref<104xi32, #tpu.memory_space<vmem>>
      %dma_wait3A_513 = arith.constant 0 : i32
      %dma_wait3A_514 = arith.constant 0 : i32
      %dma_wait3A_515 = tpu.memref_slice %arg3[%dma_wait3A_513, %dma_wait3A_514] : memref<260000x64xf32, #tpu.memory_space<hbm>> -> memref<260000x64xf32, #tpu.memory_space<hbm>>
      tpu.wait_indirect_dma semaphore(%arg10 : memref<!tpu.dma_semaphore, #tpu.memory_space<semaphore_mem>>) src(%dma_wait3A_515 : memref<260000x64xf32, #tpu.memory_space<hbm>>) dst(%dma_wait3A_509 : memref<104x64xf32, #tpu.memory_space<vmem>>)
      %mul3A_516 = arith.constant 256 : i32
      %mul3A_517 = arith.muli %add3A, %mul3A_516 : i32
      %mul3A_518 = arith.constant 26 : i32
      %mul3A_519 = arith.muli %mul3A_517, %mul3A_518 : i32
      %mul3A_520 = arith.constant 208 : i32
      %mul3A_521 = arith.muli %add3A_491, %mul3A_520 : i32
      %add3A_522 = arith.addi %mul3A_519, %mul3A_521 : i32
      %dma_start3A_523 = arith.constant 3 : i32
      %dma_start3A_524 = arith.constant 0 : i32
      %dma_start3A_525 = arith.constant 0 : i32
      %dma_start3A_526 = tpu.memref_slice %arg6[%dma_start3A_523, %dma_start3A_524, %dma_start3A_525] : memref<8x208x64xf32, #tpu.memory_space<vmem>> -> memref<1x208x64xf32, #tpu.memory_space<vmem>>
      %dma_start3A_527 = tpu.memref_squeeze %dma_start3A_526 : memref<1x208x64xf32, #tpu.memory_space<vmem>> -> memref<208x64xf32, #tpu.memory_space<vmem>>
      %dma_start3A_528 = arith.constant 0 : i32
      %dma_start3A_529 = tpu.memref_slice %arg4[%add3A_522, %dma_start3A_528] : memref<212992x64xf32, #tpu.memory_space<hbm>> -> memref<208x64xf32, #tpu.memory_space<hbm>>
      %dma_start3A_530 = arith.constant 0 : i32
      %dma_start3A_531 = tpu.memref_slice %arg4[%add3A_522, %dma_start3A_530] : memref<212992x64xf32, #tpu.memory_space<hbm>> -> memref<208x64xf32, #tpu.memory_space<hbm>>
      %dma_start3A_532 = arith.constant 0 : i32
      %dma_start3A_533 = arith.constant 0 : i32
      %dma_start3A_534 = tpu.memref_slice %arg6[%dma_start3A_523, %dma_start3A_532, %dma_start3A_533] : memref<8x208x64xf32, #tpu.memory_space<vmem>> -> memref<1x208x64xf32, #tpu.memory_space<vmem>>
      %dma_start3A_535 = tpu.memref_squeeze %dma_start3A_534 : memref<1x208x64xf32, #tpu.memory_space<vmem>> -> memref<208x64xf32, #tpu.memory_space<vmem>>
      tpu.enqueue_dma source(%dma_start3A_535 : memref<208x64xf32, #tpu.memory_space<vmem>>) target(%dma_start3A_531 : memref<208x64xf32, #tpu.memory_space<hbm>>) target_semaphore(%arg18 : memref<!tpu.dma_semaphore, #tpu.memory_space<semaphore_mem>>)
      %ge3A_536 = arith.constant 6 : i32
      %ge3A_537 = arith.cmpi sge, %add3A_491, %ge3A_536 : i32
      %add3A_538 = arith.constant 2 : i32
      %add3A_539 = arith.addi %add3A_491, %add3A_538 : i32
      %lt3A_540 = arith.constant 32 : i32
      %lt3A_541 = arith.cmpi slt, %add3A_539, %lt3A_540 : i32
      %and3A_542 = arith.andi %ge3A_537, %lt3A_541 : i1
      %convert_element_type3A_543 = arith.extui %and3A_542 : i1 to i32
      %cond3A_544 = arith.constant 0 : i32
      %cond3A_545 = arith.cmpi ne, %convert_element_type3A_543, %cond3A_544 : i32
      scf.if %cond3A_545 {
        %dma_wait3A_778 = arith.constant 5 : i32
        %dma_wait3A_779 = arith.constant 0 : i32
        %dma_wait3A_780 = arith.constant 0 : i32
        %dma_wait3A_781 = tpu.memref_slice %arg6[%dma_wait3A_778, %dma_wait3A_779, %dma_wait3A_780] : memref<8x208x64xf32, #tpu.memory_space<vmem>> -> memref<1x208x64xf32, #tpu.memory_space<vmem>>
        %dma_wait3A_782 = tpu.memref_squeeze %dma_wait3A_781 : memref<1x208x64xf32, #tpu.memory_space<vmem>> -> memref<208x64xf32, #tpu.memory_space<vmem>>
        %dma_wait3A_783 = arith.constant 0 : i32
        %dma_wait3A_784 = arith.constant 0 : i32
        %dma_wait3A_785 = tpu.memref_slice %arg4[%dma_wait3A_783, %dma_wait3A_784] : memref<212992x64xf32, #tpu.memory_space<hbm>> -> memref<208x64xf32, #tpu.memory_space<hbm>>
        %dma_wait3A_786 = arith.constant 0 : i32
        %dma_wait3A_787 = arith.constant 0 : i32
        %dma_wait3A_788 = tpu.memref_slice %arg4[%dma_wait3A_786, %dma_wait3A_787] : memref<212992x64xf32, #tpu.memory_space<hbm>> -> memref<208x64xf32, #tpu.memory_space<hbm>>
        %dma_wait3A_789 = arith.constant 0 : i32
        %dma_wait3A_790 = arith.constant 0 : i32
        %dma_wait3A_791 = tpu.memref_slice %arg6[%dma_wait3A_778, %dma_wait3A_789, %dma_wait3A_790] : memref<8x208x64xf32, #tpu.memory_space<vmem>> -> memref<1x208x64xf32, #tpu.memory_space<vmem>>
        %dma_wait3A_792 = tpu.memref_squeeze %dma_wait3A_791 : memref<1x208x64xf32, #tpu.memory_space<vmem>> -> memref<208x64xf32, #tpu.memory_space<vmem>>
        tpu.wait_dma2 semaphore(%arg20 : memref<!tpu.dma_semaphore, #tpu.memory_space<semaphore_mem>>) src(%dma_wait3A_792 : memref<208x64xf32, #tpu.memory_space<vmem>>) dst(%dma_wait3A_788 : memref<208x64xf32, #tpu.memory_space<hbm>>)
        %add3A_793 = arith.constant 2 : i32
        %add3A_794 = arith.addi %add3A_491, %add3A_793 : i32
        %mul3A_795 = arith.constant 2 : i32
        %mul3A_796 = arith.muli %add3A_794, %mul3A_795 : i32
        %add3A_797 = arith.constant 0 : i32
        %add3A_798 = arith.addi %mul3A_796, %add3A_797 : i32
        %dma_start3A_799 = arith.constant 5 : i32
        %dma_start3A_800 = arith.constant 0 : i32
        %dma_start3A_801 = arith.constant 0 : i32
        %dma_start3A_802 = tpu.memref_slice %arg6[%dma_start3A_799, %dma_start3A_800, %dma_start3A_801] : memref<8x208x64xf32, #tpu.memory_space<vmem>> -> memref<1x104x64xf32, #tpu.memory_space<vmem>>
        %dma_start3A_803 = tpu.memref_squeeze %dma_start3A_802 : memref<1x104x64xf32, #tpu.memory_space<vmem>> -> memref<104x64xf32, #tpu.memory_space<vmem>>
        %dma_start3A_804 = arith.constant 0 : i32
        %dma_start3A_805 = tpu.memref_slice %arg5[%add3A_798, %dma_start3A_804] : memref<64x104xi32, #tpu.memory_space<vmem>> -> memref<1x104xi32, #tpu.memory_space<vmem>>
        %dma_start3A_806 = tpu.memref_squeeze %dma_start3A_805 : memref<1x104xi32, #tpu.memory_space<vmem>> -> memref<104xi32, #tpu.memory_space<vmem>>
        %dma_start3A_807 = arith.constant 0 : i32
        %dma_start3A_808 = arith.constant 0 : i32
        %dma_start3A_809 = tpu.memref_slice %arg3[%dma_start3A_807, %dma_start3A_808] : memref<260000x64xf32, #tpu.memory_space<hbm>> -> memref<260000x64xf32, #tpu.memory_space<hbm>>
        tpu.enqueue_indirect_dma source(%dma_start3A_809 : memref<260000x64xf32, #tpu.memory_space<hbm>>) target(%dma_start3A_803 : memref<104x64xf32, #tpu.memory_space<vmem>>) offsets(%dma_start3A_806 : memref<104xi32, #tpu.memory_space<vmem>>) semaphore(%arg12 : memref<!tpu.dma_semaphore, #tpu.memory_space<semaphore_mem>>)
        %mul3A_810 = arith.constant 2 : i32
        %mul3A_811 = arith.muli %add3A_794, %mul3A_810 : i32
        %add3A_812 = arith.constant 1 : i32
        %add3A_813 = arith.addi %mul3A_811, %add3A_812 : i32
        %dma_start3A_814 = arith.constant 5 : i32
        %dma_start3A_815 = arith.constant 104 : i32
        %dma_start3A_816 = arith.constant 0 : i32
        %dma_start3A_817 = tpu.memref_slice %arg6[%dma_start3A_814, %dma_start3A_815, %dma_start3A_816] : memref<8x208x64xf32, #tpu.memory_space<vmem>> -> memref<1x104x64xf32, #tpu.memory_space<vmem>>
        %dma_start3A_818 = tpu.memref_squeeze %dma_start3A_817 : memref<1x104x64xf32, #tpu.memory_space<vmem>> -> memref<104x64xf32, #tpu.memory_space<vmem>>
        %dma_start3A_819 = arith.constant 0 : i32
        %dma_start3A_820 = tpu.memref_slice %arg5[%add3A_813, %dma_start3A_819] : memref<64x104xi32, #tpu.memory_space<vmem>> -> memref<1x104xi32, #tpu.memory_space<vmem>>
        %dma_start3A_821 = tpu.memref_squeeze %dma_start3A_820 : memref<1x104xi32, #tpu.memory_space<vmem>> -> memref<104xi32, #tpu.memory_space<vmem>>
        %dma_start3A_822 = arith.constant 0 : i32
        %dma_start3A_823 = arith.constant 0 : i32
        %dma_start3A_824 = tpu.memref_slice %arg3[%dma_start3A_822, %dma_start3A_823] : memref<260000x64xf32, #tpu.memory_space<hbm>> -> memref<260000x64xf32, #tpu.memory_space<hbm>>
        tpu.enqueue_indirect_dma source(%dma_start3A_824 : memref<260000x64xf32, #tpu.memory_space<hbm>>) target(%dma_start3A_818 : memref<104x64xf32, #tpu.memory_space<vmem>>) offsets(%dma_start3A_821 : memref<104xi32, #tpu.memory_space<vmem>>) semaphore(%arg12 : memref<!tpu.dma_semaphore, #tpu.memory_space<semaphore_mem>>)
      } else {
      }
      %mul3A_546 = arith.constant 8 : i32
      %mul3A_547 = arith.muli %mul3A_546, %scan3A_318 : i32
      %add3A_548 = arith.constant 4 : i32
      %add3A_549 = arith.addi %mul3A_547, %add3A_548 : i32
      %dma_wait3A_550 = arith.constant 0 : i32
      %dma_wait3A_551 = arith.constant 4 : i32
      %dma_wait3A_552 = arith.constant 0 : i32
      %dma_wait3A_553 = arith.constant 0 : i32
      %dma_wait3A_554 = tpu.memref_slice %arg6[%dma_wait3A_551, %dma_wait3A_552, %dma_wait3A_553] : memref<8x208x64xf32, #tpu.memory_space<vmem>> -> memref<1x104x64xf32, #tpu.memory_space<vmem>>
      %dma_wait3A_555 = tpu.memref_squeeze %dma_wait3A_554 : memref<1x104x64xf32, #tpu.memory_space<vmem>> -> memref<104x64xf32, #tpu.memory_space<vmem>>
      %dma_wait3A_556 = arith.constant 0 : i32
      %dma_wait3A_557 = tpu.memref_slice %arg5[%dma_wait3A_550, %dma_wait3A_556] : memref<64x104xi32, #tpu.memory_space<vmem>> -> memref<1x104xi32, #tpu.memory_space<vmem>>
      %dma_wait3A_558 = tpu.memref_squeeze %dma_wait3A_557 : memref<1x104xi32, #tpu.memory_space<vmem>> -> memref<104xi32, #tpu.memory_space<vmem>>
      %dma_wait3A_559 = arith.constant 0 : i32
      %dma_wait3A_560 = arith.constant 0 : i32
      %dma_wait3A_561 = tpu.memref_slice %arg3[%dma_wait3A_559, %dma_wait3A_560] : memref<260000x64xf32, #tpu.memory_space<hbm>> -> memref<260000x64xf32, #tpu.memory_space<hbm>>
      tpu.wait_indirect_dma semaphore(%arg11 : memref<!tpu.dma_semaphore, #tpu.memory_space<semaphore_mem>>) src(%dma_wait3A_561 : memref<260000x64xf32, #tpu.memory_space<hbm>>) dst(%dma_wait3A_555 : memref<104x64xf32, #tpu.memory_space<vmem>>)
      %dma_wait3A_562 = arith.constant 0 : i32
      %dma_wait3A_563 = arith.constant 4 : i32
      %dma_wait3A_564 = arith.constant 104 : i32
      %dma_wait3A_565 = arith.constant 0 : i32
      %dma_wait3A_566 = tpu.memref_slice %arg6[%dma_wait3A_563, %dma_wait3A_564, %dma_wait3A_565] : memref<8x208x64xf32, #tpu.memory_space<vmem>> -> memref<1x104x64xf32, #tpu.memory_space<vmem>>
      %dma_wait3A_567 = tpu.memref_squeeze %dma_wait3A_566 : memref<1x104x64xf32, #tpu.memory_space<vmem>> -> memref<104x64xf32, #tpu.memory_space<vmem>>
      %dma_wait3A_568 = arith.constant 0 : i32
      %dma_wait3A_569 = tpu.memref_slice %arg5[%dma_wait3A_562, %dma_wait3A_568] : memref<64x104xi32, #tpu.memory_space<vmem>> -> memref<1x104xi32, #tpu.memory_space<vmem>>
      %dma_wait3A_570 = tpu.memref_squeeze %dma_wait3A_569 : memref<1x104xi32, #tpu.memory_space<vmem>> -> memref<104xi32, #tpu.memory_space<vmem>>
      %dma_wait3A_571 = arith.constant 0 : i32
      %dma_wait3A_572 = arith.constant 0 : i32
      %dma_wait3A_573 = tpu.memref_slice %arg3[%dma_wait3A_571, %dma_wait3A_572] : memref<260000x64xf32, #tpu.memory_space<hbm>> -> memref<260000x64xf32, #tpu.memory_space<hbm>>
      tpu.wait_indirect_dma semaphore(%arg11 : memref<!tpu.dma_semaphore, #tpu.memory_space<semaphore_mem>>) src(%dma_wait3A_573 : memref<260000x64xf32, #tpu.memory_space<hbm>>) dst(%dma_wait3A_567 : memref<104x64xf32, #tpu.memory_space<vmem>>)
      %mul3A_574 = arith.constant 256 : i32
      %mul3A_575 = arith.muli %add3A, %mul3A_574 : i32
      %mul3A_576 = arith.constant 26 : i32
      %mul3A_577 = arith.muli %mul3A_575, %mul3A_576 : i32
      %mul3A_578 = arith.constant 208 : i32
      %mul3A_579 = arith.muli %add3A_549, %mul3A_578 : i32
      %add3A_580 = arith.addi %mul3A_577, %mul3A_579 : i32
      %dma_start3A_581 = arith.constant 4 : i32
      %dma_start3A_582 = arith.constant 0 : i32
      %dma_start3A_583 = arith.constant 0 : i32
      %dma_start3A_584 = tpu.memref_slice %arg6[%dma_start3A_581, %dma_start3A_582, %dma_start3A_583] : memref<8x208x64xf32, #tpu.memory_space<vmem>> -> memref<1x208x64xf32, #tpu.memory_space<vmem>>
      %dma_start3A_585 = tpu.memref_squeeze %dma_start3A_584 : memref<1x208x64xf32, #tpu.memory_space<vmem>> -> memref<208x64xf32, #tpu.memory_space<vmem>>
      %dma_start3A_586 = arith.constant 0 : i32
      %dma_start3A_587 = tpu.memref_slice %arg4[%add3A_580, %dma_start3A_586] : memref<212992x64xf32, #tpu.memory_space<hbm>> -> memref<208x64xf32, #tpu.memory_space<hbm>>
      %dma_start3A_588 = arith.constant 0 : i32
      %dma_start3A_589 = tpu.memref_slice %arg4[%add3A_580, %dma_start3A_588] : memref<212992x64xf32, #tpu.memory_space<hbm>> -> memref<208x64xf32, #tpu.memory_space<hbm>>
      %dma_start3A_590 = arith.constant 0 : i32
      %dma_start3A_591 = arith.constant 0 : i32
      %dma_start3A_592 = tpu.memref_slice %arg6[%dma_start3A_581, %dma_start3A_590, %dma_start3A_591] : memref<8x208x64xf32, #tpu.memory_space<vmem>> -> memref<1x208x64xf32, #tpu.memory_space<vmem>>
      %dma_start3A_593 = tpu.memref_squeeze %dma_start3A_592 : memref<1x208x64xf32, #tpu.memory_space<vmem>> -> memref<208x64xf32, #tpu.memory_space<vmem>>
      tpu.enqueue_dma source(%dma_start3A_593 : memref<208x64xf32, #tpu.memory_space<vmem>>) target(%dma_start3A_589 : memref<208x64xf32, #tpu.memory_space<hbm>>) target_semaphore(%arg19 : memref<!tpu.dma_semaphore, #tpu.memory_space<semaphore_mem>>)
      %ge3A_594 = arith.constant 6 : i32
      %ge3A_595 = arith.cmpi sge, %add3A_549, %ge3A_594 : i32
      %add3A_596 = arith.constant 2 : i32
      %add3A_597 = arith.addi %add3A_549, %add3A_596 : i32
      %lt3A_598 = arith.constant 32 : i32
      %lt3A_599 = arith.cmpi slt, %add3A_597, %lt3A_598 : i32
      %and3A_600 = arith.andi %ge3A_595, %lt3A_599 : i1
      %convert_element_type3A_601 = arith.extui %and3A_600 : i1 to i32
      %cond3A_602 = arith.constant 0 : i32
      %cond3A_603 = arith.cmpi ne, %convert_element_type3A_601, %cond3A_602 : i32
      scf.if %cond3A_603 {
        %dma_wait3A_778 = arith.constant 6 : i32
        %dma_wait3A_779 = arith.constant 0 : i32
        %dma_wait3A_780 = arith.constant 0 : i32
        %dma_wait3A_781 = tpu.memref_slice %arg6[%dma_wait3A_778, %dma_wait3A_779, %dma_wait3A_780] : memref<8x208x64xf32, #tpu.memory_space<vmem>> -> memref<1x208x64xf32, #tpu.memory_space<vmem>>
        %dma_wait3A_782 = tpu.memref_squeeze %dma_wait3A_781 : memref<1x208x64xf32, #tpu.memory_space<vmem>> -> memref<208x64xf32, #tpu.memory_space<vmem>>
        %dma_wait3A_783 = arith.constant 0 : i32
        %dma_wait3A_784 = arith.constant 0 : i32
        %dma_wait3A_785 = tpu.memref_slice %arg4[%dma_wait3A_783, %dma_wait3A_784] : memref<212992x64xf32, #tpu.memory_space<hbm>> -> memref<208x64xf32, #tpu.memory_space<hbm>>
        %dma_wait3A_786 = arith.constant 0 : i32
        %dma_wait3A_787 = arith.constant 0 : i32
        %dma_wait3A_788 = tpu.memref_slice %arg4[%dma_wait3A_786, %dma_wait3A_787] : memref<212992x64xf32, #tpu.memory_space<hbm>> -> memref<208x64xf32, #tpu.memory_space<hbm>>
        %dma_wait3A_789 = arith.constant 0 : i32
        %dma_wait3A_790 = arith.constant 0 : i32
        %dma_wait3A_791 = tpu.memref_slice %arg6[%dma_wait3A_778, %dma_wait3A_789, %dma_wait3A_790] : memref<8x208x64xf32, #tpu.memory_space<vmem>> -> memref<1x208x64xf32, #tpu.memory_space<vmem>>
        %dma_wait3A_792 = tpu.memref_squeeze %dma_wait3A_791 : memref<1x208x64xf32, #tpu.memory_space<vmem>> -> memref<208x64xf32, #tpu.memory_space<vmem>>
        tpu.wait_dma2 semaphore(%arg21 : memref<!tpu.dma_semaphore, #tpu.memory_space<semaphore_mem>>) src(%dma_wait3A_792 : memref<208x64xf32, #tpu.memory_space<vmem>>) dst(%dma_wait3A_788 : memref<208x64xf32, #tpu.memory_space<hbm>>)
        %add3A_793 = arith.constant 2 : i32
        %add3A_794 = arith.addi %add3A_549, %add3A_793 : i32
        %mul3A_795 = arith.constant 2 : i32
        %mul3A_796 = arith.muli %add3A_794, %mul3A_795 : i32
        %add3A_797 = arith.constant 0 : i32
        %add3A_798 = arith.addi %mul3A_796, %add3A_797 : i32
        %dma_start3A_799 = arith.constant 6 : i32
        %dma_start3A_800 = arith.constant 0 : i32
        %dma_start3A_801 = arith.constant 0 : i32
        %dma_start3A_802 = tpu.memref_slice %arg6[%dma_start3A_799, %dma_start3A_800, %dma_start3A_801] : memref<8x208x64xf32, #tpu.memory_space<vmem>> -> memref<1x104x64xf32, #tpu.memory_space<vmem>>
        %dma_start3A_803 = tpu.memref_squeeze %dma_start3A_802 : memref<1x104x64xf32, #tpu.memory_space<vmem>> -> memref<104x64xf32, #tpu.memory_space<vmem>>
        %dma_start3A_804 = arith.constant 0 : i32
        %dma_start3A_805 = tpu.memref_slice %arg5[%add3A_798, %dma_start3A_804] : memref<64x104xi32, #tpu.memory_space<vmem>> -> memref<1x104xi32, #tpu.memory_space<vmem>>
        %dma_start3A_806 = tpu.memref_squeeze %dma_start3A_805 : memref<1x104xi32, #tpu.memory_space<vmem>> -> memref<104xi32, #tpu.memory_space<vmem>>
        %dma_start3A_807 = arith.constant 0 : i32
        %dma_start3A_808 = arith.constant 0 : i32
        %dma_start3A_809 = tpu.memref_slice %arg3[%dma_start3A_807, %dma_start3A_808] : memref<260000x64xf32, #tpu.memory_space<hbm>> -> memref<260000x64xf32, #tpu.memory_space<hbm>>
        tpu.enqueue_indirect_dma source(%dma_start3A_809 : memref<260000x64xf32, #tpu.memory_space<hbm>>) target(%dma_start3A_803 : memref<104x64xf32, #tpu.memory_space<vmem>>) offsets(%dma_start3A_806 : memref<104xi32, #tpu.memory_space<vmem>>) semaphore(%arg13 : memref<!tpu.dma_semaphore, #tpu.memory_space<semaphore_mem>>)
        %mul3A_810 = arith.constant 2 : i32
        %mul3A_811 = arith.muli %add3A_794, %mul3A_810 : i32
        %add3A_812 = arith.constant 1 : i32
        %add3A_813 = arith.addi %mul3A_811, %add3A_812 : i32
        %dma_start3A_814 = arith.constant 6 : i32
        %dma_start3A_815 = arith.constant 104 : i32
        %dma_start3A_816 = arith.constant 0 : i32
        %dma_start3A_817 = tpu.memref_slice %arg6[%dma_start3A_814, %dma_start3A_815, %dma_start3A_816] : memref<8x208x64xf32, #tpu.memory_space<vmem>> -> memref<1x104x64xf32, #tpu.memory_space<vmem>>
        %dma_start3A_818 = tpu.memref_squeeze %dma_start3A_817 : memref<1x104x64xf32, #tpu.memory_space<vmem>> -> memref<104x64xf32, #tpu.memory_space<vmem>>
        %dma_start3A_819 = arith.constant 0 : i32
        %dma_start3A_820 = tpu.memref_slice %arg5[%add3A_813, %dma_start3A_819] : memref<64x104xi32, #tpu.memory_space<vmem>> -> memref<1x104xi32, #tpu.memory_space<vmem>>
        %dma_start3A_821 = tpu.memref_squeeze %dma_start3A_820 : memref<1x104xi32, #tpu.memory_space<vmem>> -> memref<104xi32, #tpu.memory_space<vmem>>
        %dma_start3A_822 = arith.constant 0 : i32
        %dma_start3A_823 = arith.constant 0 : i32
        %dma_start3A_824 = tpu.memref_slice %arg3[%dma_start3A_822, %dma_start3A_823] : memref<260000x64xf32, #tpu.memory_space<hbm>> -> memref<260000x64xf32, #tpu.memory_space<hbm>>
        tpu.enqueue_indirect_dma source(%dma_start3A_824 : memref<260000x64xf32, #tpu.memory_space<hbm>>) target(%dma_start3A_818 : memref<104x64xf32, #tpu.memory_space<vmem>>) offsets(%dma_start3A_821 : memref<104xi32, #tpu.memory_space<vmem>>) semaphore(%arg13 : memref<!tpu.dma_semaphore, #tpu.memory_space<semaphore_mem>>)
      } else {
      }
      %mul3A_604 = arith.constant 8 : i32
      %mul3A_605 = arith.muli %mul3A_604, %scan3A_318 : i32
      %add3A_606 = arith.constant 5 : i32
      %add3A_607 = arith.addi %mul3A_605, %add3A_606 : i32
      %dma_wait3A_608 = arith.constant 0 : i32
      %dma_wait3A_609 = arith.constant 5 : i32
      %dma_wait3A_610 = arith.constant 0 : i32
      %dma_wait3A_611 = arith.constant 0 : i32
      %dma_wait3A_612 = tpu.memref_slice %arg6[%dma_wait3A_609, %dma_wait3A_610, %dma_wait3A_611] : memref<8x208x64xf32, #tpu.memory_space<vmem>> -> memref<1x104x64xf32, #tpu.memory_space<vmem>>
      %dma_wait3A_613 = tpu.memref_squeeze %dma_wait3A_612 : memref<1x104x64xf32, #tpu.memory_space<vmem>> -> memref<104x64xf32, #tpu.memory_space<vmem>>
      %dma_wait3A_614 = arith.constant 0 : i32
      %dma_wait3A_615 = tpu.memref_slice %arg5[%dma_wait3A_608, %dma_wait3A_614] : memref<64x104xi32, #tpu.memory_space<vmem>> -> memref<1x104xi32, #tpu.memory_space<vmem>>
      %dma_wait3A_616 = tpu.memref_squeeze %dma_wait3A_615 : memref<1x104xi32, #tpu.memory_space<vmem>> -> memref<104xi32, #tpu.memory_space<vmem>>
      %dma_wait3A_617 = arith.constant 0 : i32
      %dma_wait3A_618 = arith.constant 0 : i32
      %dma_wait3A_619 = tpu.memref_slice %arg3[%dma_wait3A_617, %dma_wait3A_618] : memref<260000x64xf32, #tpu.memory_space<hbm>> -> memref<260000x64xf32, #tpu.memory_space<hbm>>
      tpu.wait_indirect_dma semaphore(%arg12 : memref<!tpu.dma_semaphore, #tpu.memory_space<semaphore_mem>>) src(%dma_wait3A_619 : memref<260000x64xf32, #tpu.memory_space<hbm>>) dst(%dma_wait3A_613 : memref<104x64xf32, #tpu.memory_space<vmem>>)
      %dma_wait3A_620 = arith.constant 0 : i32
      %dma_wait3A_621 = arith.constant 5 : i32
      %dma_wait3A_622 = arith.constant 104 : i32
      %dma_wait3A_623 = arith.constant 0 : i32
      %dma_wait3A_624 = tpu.memref_slice %arg6[%dma_wait3A_621, %dma_wait3A_622, %dma_wait3A_623] : memref<8x208x64xf32, #tpu.memory_space<vmem>> -> memref<1x104x64xf32, #tpu.memory_space<vmem>>
      %dma_wait3A_625 = tpu.memref_squeeze %dma_wait3A_624 : memref<1x104x64xf32, #tpu.memory_space<vmem>> -> memref<104x64xf32, #tpu.memory_space<vmem>>
      %dma_wait3A_626 = arith.constant 0 : i32
      %dma_wait3A_627 = tpu.memref_slice %arg5[%dma_wait3A_620, %dma_wait3A_626] : memref<64x104xi32, #tpu.memory_space<vmem>> -> memref<1x104xi32, #tpu.memory_space<vmem>>
      %dma_wait3A_628 = tpu.memref_squeeze %dma_wait3A_627 : memref<1x104xi32, #tpu.memory_space<vmem>> -> memref<104xi32, #tpu.memory_space<vmem>>
      %dma_wait3A_629 = arith.constant 0 : i32
      %dma_wait3A_630 = arith.constant 0 : i32
      %dma_wait3A_631 = tpu.memref_slice %arg3[%dma_wait3A_629, %dma_wait3A_630] : memref<260000x64xf32, #tpu.memory_space<hbm>> -> memref<260000x64xf32, #tpu.memory_space<hbm>>
      tpu.wait_indirect_dma semaphore(%arg12 : memref<!tpu.dma_semaphore, #tpu.memory_space<semaphore_mem>>) src(%dma_wait3A_631 : memref<260000x64xf32, #tpu.memory_space<hbm>>) dst(%dma_wait3A_625 : memref<104x64xf32, #tpu.memory_space<vmem>>)
      %mul3A_632 = arith.constant 256 : i32
      %mul3A_633 = arith.muli %add3A, %mul3A_632 : i32
      %mul3A_634 = arith.constant 26 : i32
      %mul3A_635 = arith.muli %mul3A_633, %mul3A_634 : i32
      %mul3A_636 = arith.constant 208 : i32
      %mul3A_637 = arith.muli %add3A_607, %mul3A_636 : i32
      %add3A_638 = arith.addi %mul3A_635, %mul3A_637 : i32
      %dma_start3A_639 = arith.constant 5 : i32
      %dma_start3A_640 = arith.constant 0 : i32
      %dma_start3A_641 = arith.constant 0 : i32
      %dma_start3A_642 = tpu.memref_slice %arg6[%dma_start3A_639, %dma_start3A_640, %dma_start3A_641] : memref<8x208x64xf32, #tpu.memory_space<vmem>> -> memref<1x208x64xf32, #tpu.memory_space<vmem>>
      %dma_start3A_643 = tpu.memref_squeeze %dma_start3A_642 : memref<1x208x64xf32, #tpu.memory_space<vmem>> -> memref<208x64xf32, #tpu.memory_space<vmem>>
      %dma_start3A_644 = arith.constant 0 : i32
      %dma_start3A_645 = tpu.memref_slice %arg4[%add3A_638, %dma_start3A_644] : memref<212992x64xf32, #tpu.memory_space<hbm>> -> memref<208x64xf32, #tpu.memory_space<hbm>>
      %dma_start3A_646 = arith.constant 0 : i32
      %dma_start3A_647 = tpu.memref_slice %arg4[%add3A_638, %dma_start3A_646] : memref<212992x64xf32, #tpu.memory_space<hbm>> -> memref<208x64xf32, #tpu.memory_space<hbm>>
      %dma_start3A_648 = arith.constant 0 : i32
      %dma_start3A_649 = arith.constant 0 : i32
      %dma_start3A_650 = tpu.memref_slice %arg6[%dma_start3A_639, %dma_start3A_648, %dma_start3A_649] : memref<8x208x64xf32, #tpu.memory_space<vmem>> -> memref<1x208x64xf32, #tpu.memory_space<vmem>>
      %dma_start3A_651 = tpu.memref_squeeze %dma_start3A_650 : memref<1x208x64xf32, #tpu.memory_space<vmem>> -> memref<208x64xf32, #tpu.memory_space<vmem>>
      tpu.enqueue_dma source(%dma_start3A_651 : memref<208x64xf32, #tpu.memory_space<vmem>>) target(%dma_start3A_647 : memref<208x64xf32, #tpu.memory_space<hbm>>) target_semaphore(%arg20 : memref<!tpu.dma_semaphore, #tpu.memory_space<semaphore_mem>>)
      %ge3A_652 = arith.constant 6 : i32
      %ge3A_653 = arith.cmpi sge, %add3A_607, %ge3A_652 : i32
      %add3A_654 = arith.constant 2 : i32
      %add3A_655 = arith.addi %add3A_607, %add3A_654 : i32
      %lt3A_656 = arith.constant 32 : i32
      %lt3A_657 = arith.cmpi slt, %add3A_655, %lt3A_656 : i32
      %and3A_658 = arith.andi %ge3A_653, %lt3A_657 : i1
      %convert_element_type3A_659 = arith.extui %and3A_658 : i1 to i32
      %cond3A_660 = arith.constant 0 : i32
      %cond3A_661 = arith.cmpi ne, %convert_element_type3A_659, %cond3A_660 : i32
      scf.if %cond3A_661 {
        %dma_wait3A_778 = arith.constant 7 : i32
        %dma_wait3A_779 = arith.constant 0 : i32
        %dma_wait3A_780 = arith.constant 0 : i32
        %dma_wait3A_781 = tpu.memref_slice %arg6[%dma_wait3A_778, %dma_wait3A_779, %dma_wait3A_780] : memref<8x208x64xf32, #tpu.memory_space<vmem>> -> memref<1x208x64xf32, #tpu.memory_space<vmem>>
        %dma_wait3A_782 = tpu.memref_squeeze %dma_wait3A_781 : memref<1x208x64xf32, #tpu.memory_space<vmem>> -> memref<208x64xf32, #tpu.memory_space<vmem>>
        %dma_wait3A_783 = arith.constant 0 : i32
        %dma_wait3A_784 = arith.constant 0 : i32
        %dma_wait3A_785 = tpu.memref_slice %arg4[%dma_wait3A_783, %dma_wait3A_784] : memref<212992x64xf32, #tpu.memory_space<hbm>> -> memref<208x64xf32, #tpu.memory_space<hbm>>
        %dma_wait3A_786 = arith.constant 0 : i32
        %dma_wait3A_787 = arith.constant 0 : i32
        %dma_wait3A_788 = tpu.memref_slice %arg4[%dma_wait3A_786, %dma_wait3A_787] : memref<212992x64xf32, #tpu.memory_space<hbm>> -> memref<208x64xf32, #tpu.memory_space<hbm>>
        %dma_wait3A_789 = arith.constant 0 : i32
        %dma_wait3A_790 = arith.constant 0 : i32
        %dma_wait3A_791 = tpu.memref_slice %arg6[%dma_wait3A_778, %dma_wait3A_789, %dma_wait3A_790] : memref<8x208x64xf32, #tpu.memory_space<vmem>> -> memref<1x208x64xf32, #tpu.memory_space<vmem>>
        %dma_wait3A_792 = tpu.memref_squeeze %dma_wait3A_791 : memref<1x208x64xf32, #tpu.memory_space<vmem>> -> memref<208x64xf32, #tpu.memory_space<vmem>>
        tpu.wait_dma2 semaphore(%arg22 : memref<!tpu.dma_semaphore, #tpu.memory_space<semaphore_mem>>) src(%dma_wait3A_792 : memref<208x64xf32, #tpu.memory_space<vmem>>) dst(%dma_wait3A_788 : memref<208x64xf32, #tpu.memory_space<hbm>>)
        %add3A_793 = arith.constant 2 : i32
        %add3A_794 = arith.addi %add3A_607, %add3A_793 : i32
        %mul3A_795 = arith.constant 2 : i32
        %mul3A_796 = arith.muli %add3A_794, %mul3A_795 : i32
        %add3A_797 = arith.constant 0 : i32
        %add3A_798 = arith.addi %mul3A_796, %add3A_797 : i32
        %dma_start3A_799 = arith.constant 7 : i32
        %dma_start3A_800 = arith.constant 0 : i32
        %dma_start3A_801 = arith.constant 0 : i32
        %dma_start3A_802 = tpu.memref_slice %arg6[%dma_start3A_799, %dma_start3A_800, %dma_start3A_801] : memref<8x208x64xf32, #tpu.memory_space<vmem>> -> memref<1x104x64xf32, #tpu.memory_space<vmem>>
        %dma_start3A_803 = tpu.memref_squeeze %dma_start3A_802 : memref<1x104x64xf32, #tpu.memory_space<vmem>> -> memref<104x64xf32, #tpu.memory_space<vmem>>
        %dma_start3A_804 = arith.constant 0 : i32
        %dma_start3A_805 = tpu.memref_slice %arg5[%add3A_798, %dma_start3A_804] : memref<64x104xi32, #tpu.memory_space<vmem>> -> memref<1x104xi32, #tpu.memory_space<vmem>>
        %dma_start3A_806 = tpu.memref_squeeze %dma_start3A_805 : memref<1x104xi32, #tpu.memory_space<vmem>> -> memref<104xi32, #tpu.memory_space<vmem>>
        %dma_start3A_807 = arith.constant 0 : i32
        %dma_start3A_808 = arith.constant 0 : i32
        %dma_start3A_809 = tpu.memref_slice %arg3[%dma_start3A_807, %dma_start3A_808] : memref<260000x64xf32, #tpu.memory_space<hbm>> -> memref<260000x64xf32, #tpu.memory_space<hbm>>
        tpu.enqueue_indirect_dma source(%dma_start3A_809 : memref<260000x64xf32, #tpu.memory_space<hbm>>) target(%dma_start3A_803 : memref<104x64xf32, #tpu.memory_space<vmem>>) offsets(%dma_start3A_806 : memref<104xi32, #tpu.memory_space<vmem>>) semaphore(%arg14 : memref<!tpu.dma_semaphore, #tpu.memory_space<semaphore_mem>>)
        %mul3A_810 = arith.constant 2 : i32
        %mul3A_811 = arith.muli %add3A_794, %mul3A_810 : i32
        %add3A_812 = arith.constant 1 : i32
        %add3A_813 = arith.addi %mul3A_811, %add3A_812 : i32
        %dma_start3A_814 = arith.constant 7 : i32
        %dma_start3A_815 = arith.constant 104 : i32
        %dma_start3A_816 = arith.constant 0 : i32
        %dma_start3A_817 = tpu.memref_slice %arg6[%dma_start3A_814, %dma_start3A_815, %dma_start3A_816] : memref<8x208x64xf32, #tpu.memory_space<vmem>> -> memref<1x104x64xf32, #tpu.memory_space<vmem>>
        %dma_start3A_818 = tpu.memref_squeeze %dma_start3A_817 : memref<1x104x64xf32, #tpu.memory_space<vmem>> -> memref<104x64xf32, #tpu.memory_space<vmem>>
        %dma_start3A_819 = arith.constant 0 : i32
        %dma_start3A_820 = tpu.memref_slice %arg5[%add3A_813, %dma_start3A_819] : memref<64x104xi32, #tpu.memory_space<vmem>> -> memref<1x104xi32, #tpu.memory_space<vmem>>
        %dma_start3A_821 = tpu.memref_squeeze %dma_start3A_820 : memref<1x104xi32, #tpu.memory_space<vmem>> -> memref<104xi32, #tpu.memory_space<vmem>>
        %dma_start3A_822 = arith.constant 0 : i32
        %dma_start3A_823 = arith.constant 0 : i32
        %dma_start3A_824 = tpu.memref_slice %arg3[%dma_start3A_822, %dma_start3A_823] : memref<260000x64xf32, #tpu.memory_space<hbm>> -> memref<260000x64xf32, #tpu.memory_space<hbm>>
        tpu.enqueue_indirect_dma source(%dma_start3A_824 : memref<260000x64xf32, #tpu.memory_space<hbm>>) target(%dma_start3A_818 : memref<104x64xf32, #tpu.memory_space<vmem>>) offsets(%dma_start3A_821 : memref<104xi32, #tpu.memory_space<vmem>>) semaphore(%arg14 : memref<!tpu.dma_semaphore, #tpu.memory_space<semaphore_mem>>)
      } else {
      }
      %mul3A_662 = arith.constant 8 : i32
      %mul3A_663 = arith.muli %mul3A_662, %scan3A_318 : i32
      %add3A_664 = arith.constant 6 : i32
      %add3A_665 = arith.addi %mul3A_663, %add3A_664 : i32
      %dma_wait3A_666 = arith.constant 0 : i32
      %dma_wait3A_667 = arith.constant 6 : i32
      %dma_wait3A_668 = arith.constant 0 : i32
      %dma_wait3A_669 = arith.constant 0 : i32
      %dma_wait3A_670 = tpu.memref_slice %arg6[%dma_wait3A_667, %dma_wait3A_668, %dma_wait3A_669] : memref<8x208x64xf32, #tpu.memory_space<vmem>> -> memref<1x104x64xf32, #tpu.memory_space<vmem>>
      %dma_wait3A_671 = tpu.memref_squeeze %dma_wait3A_670 : memref<1x104x64xf32, #tpu.memory_space<vmem>> -> memref<104x64xf32, #tpu.memory_space<vmem>>
      %dma_wait3A_672 = arith.constant 0 : i32
      %dma_wait3A_673 = tpu.memref_slice %arg5[%dma_wait3A_666, %dma_wait3A_672] : memref<64x104xi32, #tpu.memory_space<vmem>> -> memref<1x104xi32, #tpu.memory_space<vmem>>
      %dma_wait3A_674 = tpu.memref_squeeze %dma_wait3A_673 : memref<1x104xi32, #tpu.memory_space<vmem>> -> memref<104xi32, #tpu.memory_space<vmem>>
      %dma_wait3A_675 = arith.constant 0 : i32
      %dma_wait3A_676 = arith.constant 0 : i32
      %dma_wait3A_677 = tpu.memref_slice %arg3[%dma_wait3A_675, %dma_wait3A_676] : memref<260000x64xf32, #tpu.memory_space<hbm>> -> memref<260000x64xf32, #tpu.memory_space<hbm>>
      tpu.wait_indirect_dma semaphore(%arg13 : memref<!tpu.dma_semaphore, #tpu.memory_space<semaphore_mem>>) src(%dma_wait3A_677 : memref<260000x64xf32, #tpu.memory_space<hbm>>) dst(%dma_wait3A_671 : memref<104x64xf32, #tpu.memory_space<vmem>>)
      %dma_wait3A_678 = arith.constant 0 : i32
      %dma_wait3A_679 = arith.constant 6 : i32
      %dma_wait3A_680 = arith.constant 104 : i32
      %dma_wait3A_681 = arith.constant 0 : i32
      %dma_wait3A_682 = tpu.memref_slice %arg6[%dma_wait3A_679, %dma_wait3A_680, %dma_wait3A_681] : memref<8x208x64xf32, #tpu.memory_space<vmem>> -> memref<1x104x64xf32, #tpu.memory_space<vmem>>
      %dma_wait3A_683 = tpu.memref_squeeze %dma_wait3A_682 : memref<1x104x64xf32, #tpu.memory_space<vmem>> -> memref<104x64xf32, #tpu.memory_space<vmem>>
      %dma_wait3A_684 = arith.constant 0 : i32
      %dma_wait3A_685 = tpu.memref_slice %arg5[%dma_wait3A_678, %dma_wait3A_684] : memref<64x104xi32, #tpu.memory_space<vmem>> -> memref<1x104xi32, #tpu.memory_space<vmem>>
      %dma_wait3A_686 = tpu.memref_squeeze %dma_wait3A_685 : memref<1x104xi32, #tpu.memory_space<vmem>> -> memref<104xi32, #tpu.memory_space<vmem>>
      %dma_wait3A_687 = arith.constant 0 : i32
      %dma_wait3A_688 = arith.constant 0 : i32
      %dma_wait3A_689 = tpu.memref_slice %arg3[%dma_wait3A_687, %dma_wait3A_688] : memref<260000x64xf32, #tpu.memory_space<hbm>> -> memref<260000x64xf32, #tpu.memory_space<hbm>>
      tpu.wait_indirect_dma semaphore(%arg13 : memref<!tpu.dma_semaphore, #tpu.memory_space<semaphore_mem>>) src(%dma_wait3A_689 : memref<260000x64xf32, #tpu.memory_space<hbm>>) dst(%dma_wait3A_683 : memref<104x64xf32, #tpu.memory_space<vmem>>)
      %mul3A_690 = arith.constant 256 : i32
      %mul3A_691 = arith.muli %add3A, %mul3A_690 : i32
      %mul3A_692 = arith.constant 26 : i32
      %mul3A_693 = arith.muli %mul3A_691, %mul3A_692 : i32
      %mul3A_694 = arith.constant 208 : i32
      %mul3A_695 = arith.muli %add3A_665, %mul3A_694 : i32
      %add3A_696 = arith.addi %mul3A_693, %mul3A_695 : i32
      %dma_start3A_697 = arith.constant 6 : i32
      %dma_start3A_698 = arith.constant 0 : i32
      %dma_start3A_699 = arith.constant 0 : i32
      %dma_start3A_700 = tpu.memref_slice %arg6[%dma_start3A_697, %dma_start3A_698, %dma_start3A_699] : memref<8x208x64xf32, #tpu.memory_space<vmem>> -> memref<1x208x64xf32, #tpu.memory_space<vmem>>
      %dma_start3A_701 = tpu.memref_squeeze %dma_start3A_700 : memref<1x208x64xf32, #tpu.memory_space<vmem>> -> memref<208x64xf32, #tpu.memory_space<vmem>>
      %dma_start3A_702 = arith.constant 0 : i32
      %dma_start3A_703 = tpu.memref_slice %arg4[%add3A_696, %dma_start3A_702] : memref<212992x64xf32, #tpu.memory_space<hbm>> -> memref<208x64xf32, #tpu.memory_space<hbm>>
      %dma_start3A_704 = arith.constant 0 : i32
      %dma_start3A_705 = tpu.memref_slice %arg4[%add3A_696, %dma_start3A_704] : memref<212992x64xf32, #tpu.memory_space<hbm>> -> memref<208x64xf32, #tpu.memory_space<hbm>>
      %dma_start3A_706 = arith.constant 0 : i32
      %dma_start3A_707 = arith.constant 0 : i32
      %dma_start3A_708 = tpu.memref_slice %arg6[%dma_start3A_697, %dma_start3A_706, %dma_start3A_707] : memref<8x208x64xf32, #tpu.memory_space<vmem>> -> memref<1x208x64xf32, #tpu.memory_space<vmem>>
      %dma_start3A_709 = tpu.memref_squeeze %dma_start3A_708 : memref<1x208x64xf32, #tpu.memory_space<vmem>> -> memref<208x64xf32, #tpu.memory_space<vmem>>
      tpu.enqueue_dma source(%dma_start3A_709 : memref<208x64xf32, #tpu.memory_space<vmem>>) target(%dma_start3A_705 : memref<208x64xf32, #tpu.memory_space<hbm>>) target_semaphore(%arg21 : memref<!tpu.dma_semaphore, #tpu.memory_space<semaphore_mem>>)
      %ge3A_710 = arith.constant 6 : i32
      %ge3A_711 = arith.cmpi sge, %add3A_665, %ge3A_710 : i32
      %add3A_712 = arith.constant 2 : i32
      %add3A_713 = arith.addi %add3A_665, %add3A_712 : i32
      %lt3A_714 = arith.constant 32 : i32
      %lt3A_715 = arith.cmpi slt, %add3A_713, %lt3A_714 : i32
      %and3A_716 = arith.andi %ge3A_711, %lt3A_715 : i1
      %convert_element_type3A_717 = arith.extui %and3A_716 : i1 to i32
      %cond3A_718 = arith.constant 0 : i32
      %cond3A_719 = arith.cmpi ne, %convert_element_type3A_717, %cond3A_718 : i32
      scf.if %cond3A_719 {
        %dma_wait3A_778 = arith.constant 0 : i32
        %dma_wait3A_779 = arith.constant 0 : i32
        %dma_wait3A_780 = arith.constant 0 : i32
        %dma_wait3A_781 = tpu.memref_slice %arg6[%dma_wait3A_778, %dma_wait3A_779, %dma_wait3A_780] : memref<8x208x64xf32, #tpu.memory_space<vmem>> -> memref<1x208x64xf32, #tpu.memory_space<vmem>>
        %dma_wait3A_782 = tpu.memref_squeeze %dma_wait3A_781 : memref<1x208x64xf32, #tpu.memory_space<vmem>> -> memref<208x64xf32, #tpu.memory_space<vmem>>
        %dma_wait3A_783 = arith.constant 0 : i32
        %dma_wait3A_784 = arith.constant 0 : i32
        %dma_wait3A_785 = tpu.memref_slice %arg4[%dma_wait3A_783, %dma_wait3A_784] : memref<212992x64xf32, #tpu.memory_space<hbm>> -> memref<208x64xf32, #tpu.memory_space<hbm>>
        %dma_wait3A_786 = arith.constant 0 : i32
        %dma_wait3A_787 = arith.constant 0 : i32
        %dma_wait3A_788 = tpu.memref_slice %arg4[%dma_wait3A_786, %dma_wait3A_787] : memref<212992x64xf32, #tpu.memory_space<hbm>> -> memref<208x64xf32, #tpu.memory_space<hbm>>
        %dma_wait3A_789 = arith.constant 0 : i32
        %dma_wait3A_790 = arith.constant 0 : i32
        %dma_wait3A_791 = tpu.memref_slice %arg6[%dma_wait3A_778, %dma_wait3A_789, %dma_wait3A_790] : memref<8x208x64xf32, #tpu.memory_space<vmem>> -> memref<1x208x64xf32, #tpu.memory_space<vmem>>
        %dma_wait3A_792 = tpu.memref_squeeze %dma_wait3A_791 : memref<1x208x64xf32, #tpu.memory_space<vmem>> -> memref<208x64xf32, #tpu.memory_space<vmem>>
        tpu.wait_dma2 semaphore(%arg15 : memref<!tpu.dma_semaphore, #tpu.memory_space<semaphore_mem>>) src(%dma_wait3A_792 : memref<208x64xf32, #tpu.memory_space<vmem>>) dst(%dma_wait3A_788 : memref<208x64xf32, #tpu.memory_space<hbm>>)
        %add3A_793 = arith.constant 2 : i32
        %add3A_794 = arith.addi %add3A_665, %add3A_793 : i32
        %mul3A_795 = arith.constant 2 : i32
        %mul3A_796 = arith.muli %add3A_794, %mul3A_795 : i32
        %add3A_797 = arith.constant 0 : i32
        %add3A_798 = arith.addi %mul3A_796, %add3A_797 : i32
        %dma_start3A_799 = arith.constant 0 : i32
        %dma_start3A_800 = arith.constant 0 : i32
        %dma_start3A_801 = arith.constant 0 : i32
        %dma_start3A_802 = tpu.memref_slice %arg6[%dma_start3A_799, %dma_start3A_800, %dma_start3A_801] : memref<8x208x64xf32, #tpu.memory_space<vmem>> -> memref<1x104x64xf32, #tpu.memory_space<vmem>>
        %dma_start3A_803 = tpu.memref_squeeze %dma_start3A_802 : memref<1x104x64xf32, #tpu.memory_space<vmem>> -> memref<104x64xf32, #tpu.memory_space<vmem>>
        %dma_start3A_804 = arith.constant 0 : i32
        %dma_start3A_805 = tpu.memref_slice %arg5[%add3A_798, %dma_start3A_804] : memref<64x104xi32, #tpu.memory_space<vmem>> -> memref<1x104xi32, #tpu.memory_space<vmem>>
        %dma_start3A_806 = tpu.memref_squeeze %dma_start3A_805 : memref<1x104xi32, #tpu.memory_space<vmem>> -> memref<104xi32, #tpu.memory_space<vmem>>
        %dma_start3A_807 = arith.constant 0 : i32
        %dma_start3A_808 = arith.constant 0 : i32
        %dma_start3A_809 = tpu.memref_slice %arg3[%dma_start3A_807, %dma_start3A_808] : memref<260000x64xf32, #tpu.memory_space<hbm>> -> memref<260000x64xf32, #tpu.memory_space<hbm>>
        tpu.enqueue_indirect_dma source(%dma_start3A_809 : memref<260000x64xf32, #tpu.memory_space<hbm>>) target(%dma_start3A_803 : memref<104x64xf32, #tpu.memory_space<vmem>>) offsets(%dma_start3A_806 : memref<104xi32, #tpu.memory_space<vmem>>) semaphore(%arg7 : memref<!tpu.dma_semaphore, #tpu.memory_space<semaphore_mem>>)
        %mul3A_810 = arith.constant 2 : i32
        %mul3A_811 = arith.muli %add3A_794, %mul3A_810 : i32
        %add3A_812 = arith.constant 1 : i32
        %add3A_813 = arith.addi %mul3A_811, %add3A_812 : i32
        %dma_start3A_814 = arith.constant 0 : i32
        %dma_start3A_815 = arith.constant 104 : i32
        %dma_start3A_816 = arith.constant 0 : i32
        %dma_start3A_817 = tpu.memref_slice %arg6[%dma_start3A_814, %dma_start3A_815, %dma_start3A_816] : memref<8x208x64xf32, #tpu.memory_space<vmem>> -> memref<1x104x64xf32, #tpu.memory_space<vmem>>
        %dma_start3A_818 = tpu.memref_squeeze %dma_start3A_817 : memref<1x104x64xf32, #tpu.memory_space<vmem>> -> memref<104x64xf32, #tpu.memory_space<vmem>>
        %dma_start3A_819 = arith.constant 0 : i32
        %dma_start3A_820 = tpu.memref_slice %arg5[%add3A_813, %dma_start3A_819] : memref<64x104xi32, #tpu.memory_space<vmem>> -> memref<1x104xi32, #tpu.memory_space<vmem>>
        %dma_start3A_821 = tpu.memref_squeeze %dma_start3A_820 : memref<1x104xi32, #tpu.memory_space<vmem>> -> memref<104xi32, #tpu.memory_space<vmem>>
        %dma_start3A_822 = arith.constant 0 : i32
        %dma_start3A_823 = arith.constant 0 : i32
        %dma_start3A_824 = tpu.memref_slice %arg3[%dma_start3A_822, %dma_start3A_823] : memref<260000x64xf32, #tpu.memory_space<hbm>> -> memref<260000x64xf32, #tpu.memory_space<hbm>>
        tpu.enqueue_indirect_dma source(%dma_start3A_824 : memref<260000x64xf32, #tpu.memory_space<hbm>>) target(%dma_start3A_818 : memref<104x64xf32, #tpu.memory_space<vmem>>) offsets(%dma_start3A_821 : memref<104xi32, #tpu.memory_space<vmem>>) semaphore(%arg7 : memref<!tpu.dma_semaphore, #tpu.memory_space<semaphore_mem>>)
      } else {
      }
      %mul3A_720 = arith.constant 8 : i32
      %mul3A_721 = arith.muli %mul3A_720, %scan3A_318 : i32
      %add3A_722 = arith.constant 7 : i32
      %add3A_723 = arith.addi %mul3A_721, %add3A_722 : i32
      %dma_wait3A_724 = arith.constant 0 : i32
      %dma_wait3A_725 = arith.constant 7 : i32
      %dma_wait3A_726 = arith.constant 0 : i32
      %dma_wait3A_727 = arith.constant 0 : i32
      %dma_wait3A_728 = tpu.memref_slice %arg6[%dma_wait3A_725, %dma_wait3A_726, %dma_wait3A_727] : memref<8x208x64xf32, #tpu.memory_space<vmem>> -> memref<1x104x64xf32, #tpu.memory_space<vmem>>
      %dma_wait3A_729 = tpu.memref_squeeze %dma_wait3A_728 : memref<1x104x64xf32, #tpu.memory_space<vmem>> -> memref<104x64xf32, #tpu.memory_space<vmem>>
      %dma_wait3A_730 = arith.constant 0 : i32
      %dma_wait3A_731 = tpu.memref_slice %arg5[%dma_wait3A_724, %dma_wait3A_730] : memref<64x104xi32, #tpu.memory_space<vmem>> -> memref<1x104xi32, #tpu.memory_space<vmem>>
      %dma_wait3A_732 = tpu.memref_squeeze %dma_wait3A_731 : memref<1x104xi32, #tpu.memory_space<vmem>> -> memref<104xi32, #tpu.memory_space<vmem>>
      %dma_wait3A_733 = arith.constant 0 : i32
      %dma_wait3A_734 = arith.constant 0 : i32
      %dma_wait3A_735 = tpu.memref_slice %arg3[%dma_wait3A_733, %dma_wait3A_734] : memref<260000x64xf32, #tpu.memory_space<hbm>> -> memref<260000x64xf32, #tpu.memory_space<hbm>>
      tpu.wait_indirect_dma semaphore(%arg14 : memref<!tpu.dma_semaphore, #tpu.memory_space<semaphore_mem>>) src(%dma_wait3A_735 : memref<260000x64xf32, #tpu.memory_space<hbm>>) dst(%dma_wait3A_729 : memref<104x64xf32, #tpu.memory_space<vmem>>)
      %dma_wait3A_736 = arith.constant 0 : i32
      %dma_wait3A_737 = arith.constant 7 : i32
      %dma_wait3A_738 = arith.constant 104 : i32
      %dma_wait3A_739 = arith.constant 0 : i32
      %dma_wait3A_740 = tpu.memref_slice %arg6[%dma_wait3A_737, %dma_wait3A_738, %dma_wait3A_739] : memref<8x208x64xf32, #tpu.memory_space<vmem>> -> memref<1x104x64xf32, #tpu.memory_space<vmem>>
      %dma_wait3A_741 = tpu.memref_squeeze %dma_wait3A_740 : memref<1x104x64xf32, #tpu.memory_space<vmem>> -> memref<104x64xf32, #tpu.memory_space<vmem>>
      %dma_wait3A_742 = arith.constant 0 : i32
      %dma_wait3A_743 = tpu.memref_slice %arg5[%dma_wait3A_736, %dma_wait3A_742] : memref<64x104xi32, #tpu.memory_space<vmem>> -> memref<1x104xi32, #tpu.memory_space<vmem>>
      %dma_wait3A_744 = tpu.memref_squeeze %dma_wait3A_743 : memref<1x104xi32, #tpu.memory_space<vmem>> -> memref<104xi32, #tpu.memory_space<vmem>>
      %dma_wait3A_745 = arith.constant 0 : i32
      %dma_wait3A_746 = arith.constant 0 : i32
      %dma_wait3A_747 = tpu.memref_slice %arg3[%dma_wait3A_745, %dma_wait3A_746] : memref<260000x64xf32, #tpu.memory_space<hbm>> -> memref<260000x64xf32, #tpu.memory_space<hbm>>
      tpu.wait_indirect_dma semaphore(%arg14 : memref<!tpu.dma_semaphore, #tpu.memory_space<semaphore_mem>>) src(%dma_wait3A_747 : memref<260000x64xf32, #tpu.memory_space<hbm>>) dst(%dma_wait3A_741 : memref<104x64xf32, #tpu.memory_space<vmem>>)
      %mul3A_748 = arith.constant 256 : i32
      %mul3A_749 = arith.muli %add3A, %mul3A_748 : i32
      %mul3A_750 = arith.constant 26 : i32
      %mul3A_751 = arith.muli %mul3A_749, %mul3A_750 : i32
      %mul3A_752 = arith.constant 208 : i32
      %mul3A_753 = arith.muli %add3A_723, %mul3A_752 : i32
      %add3A_754 = arith.addi %mul3A_751, %mul3A_753 : i32
      %dma_start3A_755 = arith.constant 7 : i32
      %dma_start3A_756 = arith.constant 0 : i32
      %dma_start3A_757 = arith.constant 0 : i32
      %dma_start3A_758 = tpu.memref_slice %arg6[%dma_start3A_755, %dma_start3A_756, %dma_start3A_757] : memref<8x208x64xf32, #tpu.memory_space<vmem>> -> memref<1x208x64xf32, #tpu.memory_space<vmem>>
      %dma_start3A_759 = tpu.memref_squeeze %dma_start3A_758 : memref<1x208x64xf32, #tpu.memory_space<vmem>> -> memref<208x64xf32, #tpu.memory_space<vmem>>
      %dma_start3A_760 = arith.constant 0 : i32
      %dma_start3A_761 = tpu.memref_slice %arg4[%add3A_754, %dma_start3A_760] : memref<212992x64xf32, #tpu.memory_space<hbm>> -> memref<208x64xf32, #tpu.memory_space<hbm>>
      %dma_start3A_762 = arith.constant 0 : i32
      %dma_start3A_763 = tpu.memref_slice %arg4[%add3A_754, %dma_start3A_762] : memref<212992x64xf32, #tpu.memory_space<hbm>> -> memref<208x64xf32, #tpu.memory_space<hbm>>
      %dma_start3A_764 = arith.constant 0 : i32
      %dma_start3A_765 = arith.constant 0 : i32
      %dma_start3A_766 = tpu.memref_slice %arg6[%dma_start3A_755, %dma_start3A_764, %dma_start3A_765] : memref<8x208x64xf32, #tpu.memory_space<vmem>> -> memref<1x208x64xf32, #tpu.memory_space<vmem>>
      %dma_start3A_767 = tpu.memref_squeeze %dma_start3A_766 : memref<1x208x64xf32, #tpu.memory_space<vmem>> -> memref<208x64xf32, #tpu.memory_space<vmem>>
      tpu.enqueue_dma source(%dma_start3A_767 : memref<208x64xf32, #tpu.memory_space<vmem>>) target(%dma_start3A_763 : memref<208x64xf32, #tpu.memory_space<hbm>>) target_semaphore(%arg22 : memref<!tpu.dma_semaphore, #tpu.memory_space<semaphore_mem>>)
      %ge3A_768 = arith.constant 6 : i32
      %ge3A_769 = arith.cmpi sge, %add3A_723, %ge3A_768 : i32
      %add3A_770 = arith.constant 2 : i32
      %add3A_771 = arith.addi %add3A_723, %add3A_770 : i32
      %lt3A_772 = arith.constant 32 : i32
      %lt3A_773 = arith.cmpi slt, %add3A_771, %lt3A_772 : i32
      %and3A_774 = arith.andi %ge3A_769, %lt3A_773 : i1
      %convert_element_type3A_775 = arith.extui %and3A_774 : i1 to i32
      %cond3A_776 = arith.constant 0 : i32
      %cond3A_777 = arith.cmpi ne, %convert_element_type3A_775, %cond3A_776 : i32
      scf.if %cond3A_777 {
        %dma_wait3A_778 = arith.constant 1 : i32
        %dma_wait3A_779 = arith.constant 0 : i32
        %dma_wait3A_780 = arith.constant 0 : i32
        %dma_wait3A_781 = tpu.memref_slice %arg6[%dma_wait3A_778, %dma_wait3A_779, %dma_wait3A_780] : memref<8x208x64xf32, #tpu.memory_space<vmem>> -> memref<1x208x64xf32, #tpu.memory_space<vmem>>
        %dma_wait3A_782 = tpu.memref_squeeze %dma_wait3A_781 : memref<1x208x64xf32, #tpu.memory_space<vmem>> -> memref<208x64xf32, #tpu.memory_space<vmem>>
        %dma_wait3A_783 = arith.constant 0 : i32
        %dma_wait3A_784 = arith.constant 0 : i32
        %dma_wait3A_785 = tpu.memref_slice %arg4[%dma_wait3A_783, %dma_wait3A_784] : memref<212992x64xf32, #tpu.memory_space<hbm>> -> memref<208x64xf32, #tpu.memory_space<hbm>>
        %dma_wait3A_786 = arith.constant 0 : i32
        %dma_wait3A_787 = arith.constant 0 : i32
        %dma_wait3A_788 = tpu.memref_slice %arg4[%dma_wait3A_786, %dma_wait3A_787] : memref<212992x64xf32, #tpu.memory_space<hbm>> -> memref<208x64xf32, #tpu.memory_space<hbm>>
        %dma_wait3A_789 = arith.constant 0 : i32
        %dma_wait3A_790 = arith.constant 0 : i32
        %dma_wait3A_791 = tpu.memref_slice %arg6[%dma_wait3A_778, %dma_wait3A_789, %dma_wait3A_790] : memref<8x208x64xf32, #tpu.memory_space<vmem>> -> memref<1x208x64xf32, #tpu.memory_space<vmem>>
        %dma_wait3A_792 = tpu.memref_squeeze %dma_wait3A_791 : memref<1x208x64xf32, #tpu.memory_space<vmem>> -> memref<208x64xf32, #tpu.memory_space<vmem>>
        tpu.wait_dma2 semaphore(%arg16 : memref<!tpu.dma_semaphore, #tpu.memory_space<semaphore_mem>>) src(%dma_wait3A_792 : memref<208x64xf32, #tpu.memory_space<vmem>>) dst(%dma_wait3A_788 : memref<208x64xf32, #tpu.memory_space<hbm>>)
        %add3A_793 = arith.constant 2 : i32
        %add3A_794 = arith.addi %add3A_723, %add3A_793 : i32
        %mul3A_795 = arith.constant 2 : i32
        %mul3A_796 = arith.muli %add3A_794, %mul3A_795 : i32
        %add3A_797 = arith.constant 0 : i32
        %add3A_798 = arith.addi %mul3A_796, %add3A_797 : i32
        %dma_start3A_799 = arith.constant 1 : i32
        %dma_start3A_800 = arith.constant 0 : i32
        %dma_start3A_801 = arith.constant 0 : i32
        %dma_start3A_802 = tpu.memref_slice %arg6[%dma_start3A_799, %dma_start3A_800, %dma_start3A_801] : memref<8x208x64xf32, #tpu.memory_space<vmem>> -> memref<1x104x64xf32, #tpu.memory_space<vmem>>
        %dma_start3A_803 = tpu.memref_squeeze %dma_start3A_802 : memref<1x104x64xf32, #tpu.memory_space<vmem>> -> memref<104x64xf32, #tpu.memory_space<vmem>>
        %dma_start3A_804 = arith.constant 0 : i32
        %dma_start3A_805 = tpu.memref_slice %arg5[%add3A_798, %dma_start3A_804] : memref<64x104xi32, #tpu.memory_space<vmem>> -> memref<1x104xi32, #tpu.memory_space<vmem>>
        %dma_start3A_806 = tpu.memref_squeeze %dma_start3A_805 : memref<1x104xi32, #tpu.memory_space<vmem>> -> memref<104xi32, #tpu.memory_space<vmem>>
        %dma_start3A_807 = arith.constant 0 : i32
        %dma_start3A_808 = arith.constant 0 : i32
        %dma_start3A_809 = tpu.memref_slice %arg3[%dma_start3A_807, %dma_start3A_808] : memref<260000x64xf32, #tpu.memory_space<hbm>> -> memref<260000x64xf32, #tpu.memory_space<hbm>>
        tpu.enqueue_indirect_dma source(%dma_start3A_809 : memref<260000x64xf32, #tpu.memory_space<hbm>>) target(%dma_start3A_803 : memref<104x64xf32, #tpu.memory_space<vmem>>) offsets(%dma_start3A_806 : memref<104xi32, #tpu.memory_space<vmem>>) semaphore(%arg8 : memref<!tpu.dma_semaphore, #tpu.memory_space<semaphore_mem>>)
        %mul3A_810 = arith.constant 2 : i32
        %mul3A_811 = arith.muli %add3A_794, %mul3A_810 : i32
        %add3A_812 = arith.constant 1 : i32
        %add3A_813 = arith.addi %mul3A_811, %add3A_812 : i32
        %dma_start3A_814 = arith.constant 1 : i32
        %dma_start3A_815 = arith.constant 104 : i32
        %dma_start3A_816 = arith.constant 0 : i32
        %dma_start3A_817 = tpu.memref_slice %arg6[%dma_start3A_814, %dma_start3A_815, %dma_start3A_816] : memref<8x208x64xf32, #tpu.memory_space<vmem>> -> memref<1x104x64xf32, #tpu.memory_space<vmem>>
        %dma_start3A_818 = tpu.memref_squeeze %dma_start3A_817 : memref<1x104x64xf32, #tpu.memory_space<vmem>> -> memref<104x64xf32, #tpu.memory_space<vmem>>
        %dma_start3A_819 = arith.constant 0 : i32
        %dma_start3A_820 = tpu.memref_slice %arg5[%add3A_813, %dma_start3A_819] : memref<64x104xi32, #tpu.memory_space<vmem>> -> memref<1x104xi32, #tpu.memory_space<vmem>>
        %dma_start3A_821 = tpu.memref_squeeze %dma_start3A_820 : memref<1x104xi32, #tpu.memory_space<vmem>> -> memref<104xi32, #tpu.memory_space<vmem>>
        %dma_start3A_822 = arith.constant 0 : i32
        %dma_start3A_823 = arith.constant 0 : i32
        %dma_start3A_824 = tpu.memref_slice %arg3[%dma_start3A_822, %dma_start3A_823] : memref<260000x64xf32, #tpu.memory_space<hbm>> -> memref<260000x64xf32, #tpu.memory_space<hbm>>
        tpu.enqueue_indirect_dma source(%dma_start3A_824 : memref<260000x64xf32, #tpu.memory_space<hbm>>) target(%dma_start3A_818 : memref<104x64xf32, #tpu.memory_space<vmem>>) offsets(%dma_start3A_821 : memref<104xi32, #tpu.memory_space<vmem>>) semaphore(%arg8 : memref<!tpu.dma_semaphore, #tpu.memory_space<semaphore_mem>>)
      } else {
      }
    }
    %scan3A_198 = arith.constant 4 : i32
    %dma_wait3A = arith.constant 0 : i32
    %dma_wait3A_199 = arith.constant 0 : i32
    %dma_wait3A_200 = arith.constant 0 : i32
    %dma_wait3A_201 = tpu.memref_slice %arg6[%dma_wait3A, %dma_wait3A_199, %dma_wait3A_200] : memref<8x208x64xf32, #tpu.memory_space<vmem>> -> memref<1x208x64xf32, #tpu.memory_space<vmem>>
    %dma_wait3A_202 = tpu.memref_squeeze %dma_wait3A_201 : memref<1x208x64xf32, #tpu.memory_space<vmem>> -> memref<208x64xf32, #tpu.memory_space<vmem>>
    %dma_wait3A_203 = arith.constant 0 : i32
    %dma_wait3A_204 = arith.constant 0 : i32
    %dma_wait3A_205 = tpu.memref_slice %arg4[%dma_wait3A_203, %dma_wait3A_204] : memref<212992x64xf32, #tpu.memory_space<hbm>> -> memref<208x64xf32, #tpu.memory_space<hbm>>
    %dma_wait3A_206 = arith.constant 0 : i32
    %dma_wait3A_207 = arith.constant 0 : i32
    %dma_wait3A_208 = tpu.memref_slice %arg4[%dma_wait3A_206, %dma_wait3A_207] : memref<212992x64xf32, #tpu.memory_space<hbm>> -> memref<208x64xf32, #tpu.memory_space<hbm>>
    %dma_wait3A_209 = arith.constant 0 : i32
    %dma_wait3A_210 = arith.constant 0 : i32
    %dma_wait3A_211 = tpu.memref_slice %arg6[%dma_wait3A, %dma_wait3A_209, %dma_wait3A_210] : memref<8x208x64xf32, #tpu.memory_space<vmem>> -> memref<1x208x64xf32, #tpu.memory_space<vmem>>
    %dma_wait3A_212 = tpu.memref_squeeze %dma_wait3A_211 : memref<1x208x64xf32, #tpu.memory_space<vmem>> -> memref<208x64xf32, #tpu.memory_space<vmem>>
    tpu.wait_dma2 semaphore(%arg15 : memref<!tpu.dma_semaphore, #tpu.memory_space<semaphore_mem>>) src(%dma_wait3A_212 : memref<208x64xf32, #tpu.memory_space<vmem>>) dst(%dma_wait3A_208 : memref<208x64xf32, #tpu.memory_space<hbm>>)
    %dma_wait3A_213 = arith.constant 1 : i32
    %dma_wait3A_214 = arith.constant 0 : i32
    %dma_wait3A_215 = arith.constant 0 : i32
    %dma_wait3A_216 = tpu.memref_slice %arg6[%dma_wait3A_213, %dma_wait3A_214, %dma_wait3A_215] : memref<8x208x64xf32, #tpu.memory_space<vmem>> -> memref<1x208x64xf32, #tpu.memory_space<vmem>>
    %dma_wait3A_217 = tpu.memref_squeeze %dma_wait3A_216 : memref<1x208x64xf32, #tpu.memory_space<vmem>> -> memref<208x64xf32, #tpu.memory_space<vmem>>
    %dma_wait3A_218 = arith.constant 0 : i32
    %dma_wait3A_219 = arith.constant 0 : i32
    %dma_wait3A_220 = tpu.memref_slice %arg4[%dma_wait3A_218, %dma_wait3A_219] : memref<212992x64xf32, #tpu.memory_space<hbm>> -> memref<208x64xf32, #tpu.memory_space<hbm>>
    %dma_wait3A_221 = arith.constant 0 : i32
    %dma_wait3A_222 = arith.constant 0 : i32
    %dma_wait3A_223 = tpu.memref_slice %arg4[%dma_wait3A_221, %dma_wait3A_222] : memref<212992x64xf32, #tpu.memory_space<hbm>> -> memref<208x64xf32, #tpu.memory_space<hbm>>
    %dma_wait3A_224 = arith.constant 0 : i32
    %dma_wait3A_225 = arith.constant 0 : i32
    %dma_wait3A_226 = tpu.memref_slice %arg6[%dma_wait3A_213, %dma_wait3A_224, %dma_wait3A_225] : memref<8x208x64xf32, #tpu.memory_space<vmem>> -> memref<1x208x64xf32, #tpu.memory_space<vmem>>
    %dma_wait3A_227 = tpu.memref_squeeze %dma_wait3A_226 : memref<1x208x64xf32, #tpu.memory_space<vmem>> -> memref<208x64xf32, #tpu.memory_space<vmem>>
    tpu.wait_dma2 semaphore(%arg16 : memref<!tpu.dma_semaphore, #tpu.memory_space<semaphore_mem>>) src(%dma_wait3A_227 : memref<208x64xf32, #tpu.memory_space<vmem>>) dst(%dma_wait3A_223 : memref<208x64xf32, #tpu.memory_space<hbm>>)
    %dma_wait3A_228 = arith.constant 2 : i32
    %dma_wait3A_229 = arith.constant 0 : i32
    %dma_wait3A_230 = arith.constant 0 : i32
    %dma_wait3A_231 = tpu.memref_slice %arg6[%dma_wait3A_228, %dma_wait3A_229, %dma_wait3A_230] : memref<8x208x64xf32, #tpu.memory_space<vmem>> -> memref<1x208x64xf32, #tpu.memory_space<vmem>>
    %dma_wait3A_232 = tpu.memref_squeeze %dma_wait3A_231 : memref<1x208x64xf32, #tpu.memory_space<vmem>> -> memref<208x64xf32, #tpu.memory_space<vmem>>
    %dma_wait3A_233 = arith.constant 0 : i32
    %dma_wait3A_234 = arith.constant 0 : i32
    %dma_wait3A_235 = tpu.memref_slice %arg4[%dma_wait3A_233, %dma_wait3A_234] : memref<212992x64xf32, #tpu.memory_space<hbm>> -> memref<208x64xf32, #tpu.memory_space<hbm>>
    %dma_wait3A_236 = arith.constant 0 : i32
    %dma_wait3A_237 = arith.constant 0 : i32
    %dma_wait3A_238 = tpu.memref_slice %arg4[%dma_wait3A_236, %dma_wait3A_237] : memref<212992x64xf32, #tpu.memory_space<hbm>> -> memref<208x64xf32, #tpu.memory_space<hbm>>
    %dma_wait3A_239 = arith.constant 0 : i32
    %dma_wait3A_240 = arith.constant 0 : i32
    %dma_wait3A_241 = tpu.memref_slice %arg6[%dma_wait3A_228, %dma_wait3A_239, %dma_wait3A_240] : memref<8x208x64xf32, #tpu.memory_space<vmem>> -> memref<1x208x64xf32, #tpu.memory_space<vmem>>
    %dma_wait3A_242 = tpu.memref_squeeze %dma_wait3A_241 : memref<1x208x64xf32, #tpu.memory_space<vmem>> -> memref<208x64xf32, #tpu.memory_space<vmem>>
    tpu.wait_dma2 semaphore(%arg17 : memref<!tpu.dma_semaphore, #tpu.memory_space<semaphore_mem>>) src(%dma_wait3A_242 : memref<208x64xf32, #tpu.memory_space<vmem>>) dst(%dma_wait3A_238 : memref<208x64xf32, #tpu.memory_space<hbm>>)
    %dma_wait3A_243 = arith.constant 3 : i32
    %dma_wait3A_244 = arith.constant 0 : i32
    %dma_wait3A_245 = arith.constant 0 : i32
    %dma_wait3A_246 = tpu.memref_slice %arg6[%dma_wait3A_243, %dma_wait3A_244, %dma_wait3A_245] : memref<8x208x64xf32, #tpu.memory_space<vmem>> -> memref<1x208x64xf32, #tpu.memory_space<vmem>>
    %dma_wait3A_247 = tpu.memref_squeeze %dma_wait3A_246 : memref<1x208x64xf32, #tpu.memory_space<vmem>> -> memref<208x64xf32, #tpu.memory_space<vmem>>
    %dma_wait3A_248 = arith.constant 0 : i32
    %dma_wait3A_249 = arith.constant 0 : i32
    %dma_wait3A_250 = tpu.memref_slice %arg4[%dma_wait3A_248, %dma_wait3A_249] : memref<212992x64xf32, #tpu.memory_space<hbm>> -> memref<208x64xf32, #tpu.memory_space<hbm>>
    %dma_wait3A_251 = arith.constant 0 : i32
    %dma_wait3A_252 = arith.constant 0 : i32
    %dma_wait3A_253 = tpu.memref_slice %arg4[%dma_wait3A_251, %dma_wait3A_252] : memref<212992x64xf32, #tpu.memory_space<hbm>> -> memref<208x64xf32, #tpu.memory_space<hbm>>
    %dma_wait3A_254 = arith.constant 0 : i32
    %dma_wait3A_255 = arith.constant 0 : i32
    %dma_wait3A_256 = tpu.memref_slice %arg6[%dma_wait3A_243, %dma_wait3A_254, %dma_wait3A_255] : memref<8x208x64xf32, #tpu.memory_space<vmem>> -> memref<1x208x64xf32, #tpu.memory_space<vmem>>
    %dma_wait3A_257 = tpu.memref_squeeze %dma_wait3A_256 : memref<1x208x64xf32, #tpu.memory_space<vmem>> -> memref<208x64xf32, #tpu.memory_space<vmem>>
    tpu.wait_dma2 semaphore(%arg18 : memref<!tpu.dma_semaphore, #tpu.memory_space<semaphore_mem>>) src(%dma_wait3A_257 : memref<208x64xf32, #tpu.memory_space<vmem>>) dst(%dma_wait3A_253 : memref<208x64xf32, #tpu.memory_space<hbm>>)
    %dma_wait3A_258 = arith.constant 4 : i32
    %dma_wait3A_259 = arith.constant 0 : i32
    %dma_wait3A_260 = arith.constant 0 : i32
    %dma_wait3A_261 = tpu.memref_slice %arg6[%dma_wait3A_258, %dma_wait3A_259, %dma_wait3A_260] : memref<8x208x64xf32, #tpu.memory_space<vmem>> -> memref<1x208x64xf32, #tpu.memory_space<vmem>>
    %dma_wait3A_262 = tpu.memref_squeeze %dma_wait3A_261 : memref<1x208x64xf32, #tpu.memory_space<vmem>> -> memref<208x64xf32, #tpu.memory_space<vmem>>
    %dma_wait3A_263 = arith.constant 0 : i32
    %dma_wait3A_264 = arith.constant 0 : i32
    %dma_wait3A_265 = tpu.memref_slice %arg4[%dma_wait3A_263, %dma_wait3A_264] : memref<212992x64xf32, #tpu.memory_space<hbm>> -> memref<208x64xf32, #tpu.memory_space<hbm>>
    %dma_wait3A_266 = arith.constant 0 : i32
    %dma_wait3A_267 = arith.constant 0 : i32
    %dma_wait3A_268 = tpu.memref_slice %arg4[%dma_wait3A_266, %dma_wait3A_267] : memref<212992x64xf32, #tpu.memory_space<hbm>> -> memref<208x64xf32, #tpu.memory_space<hbm>>
    %dma_wait3A_269 = arith.constant 0 : i32
    %dma_wait3A_270 = arith.constant 0 : i32
    %dma_wait3A_271 = tpu.memref_slice %arg6[%dma_wait3A_258, %dma_wait3A_269, %dma_wait3A_270] : memref<8x208x64xf32, #tpu.memory_space<vmem>> -> memref<1x208x64xf32, #tpu.memory_space<vmem>>
    %dma_wait3A_272 = tpu.memref_squeeze %dma_wait3A_271 : memref<1x208x64xf32, #tpu.memory_space<vmem>> -> memref<208x64xf32, #tpu.memory_space<vmem>>
    tpu.wait_dma2 semaphore(%arg19 : memref<!tpu.dma_semaphore, #tpu.memory_space<semaphore_mem>>) src(%dma_wait3A_272 : memref<208x64xf32, #tpu.memory_space<vmem>>) dst(%dma_wait3A_268 : memref<208x64xf32, #tpu.memory_space<hbm>>)
    %dma_wait3A_273 = arith.constant 5 : i32
    %dma_wait3A_274 = arith.constant 0 : i32
    %dma_wait3A_275 = arith.constant 0 : i32
    %dma_wait3A_276 = tpu.memref_slice %arg6[%dma_wait3A_273, %dma_wait3A_274, %dma_wait3A_275] : memref<8x208x64xf32, #tpu.memory_space<vmem>> -> memref<1x208x64xf32, #tpu.memory_space<vmem>>
    %dma_wait3A_277 = tpu.memref_squeeze %dma_wait3A_276 : memref<1x208x64xf32, #tpu.memory_space<vmem>> -> memref<208x64xf32, #tpu.memory_space<vmem>>
    %dma_wait3A_278 = arith.constant 0 : i32
    %dma_wait3A_279 = arith.constant 0 : i32
    %dma_wait3A_280 = tpu.memref_slice %arg4[%dma_wait3A_278, %dma_wait3A_279] : memref<212992x64xf32, #tpu.memory_space<hbm>> -> memref<208x64xf32, #tpu.memory_space<hbm>>
    %dma_wait3A_281 = arith.constant 0 : i32
    %dma_wait3A_282 = arith.constant 0 : i32
    %dma_wait3A_283 = tpu.memref_slice %arg4[%dma_wait3A_281, %dma_wait3A_282] : memref<212992x64xf32, #tpu.memory_space<hbm>> -> memref<208x64xf32, #tpu.memory_space<hbm>>
    %dma_wait3A_284 = arith.constant 0 : i32
    %dma_wait3A_285 = arith.constant 0 : i32
    %dma_wait3A_286 = tpu.memref_slice %arg6[%dma_wait3A_273, %dma_wait3A_284, %dma_wait3A_285] : memref<8x208x64xf32, #tpu.memory_space<vmem>> -> memref<1x208x64xf32, #tpu.memory_space<vmem>>
    %dma_wait3A_287 = tpu.memref_squeeze %dma_wait3A_286 : memref<1x208x64xf32, #tpu.memory_space<vmem>> -> memref<208x64xf32, #tpu.memory_space<vmem>>
    tpu.wait_dma2 semaphore(%arg20 : memref<!tpu.dma_semaphore, #tpu.memory_space<semaphore_mem>>) src(%dma_wait3A_287 : memref<208x64xf32, #tpu.memory_space<vmem>>) dst(%dma_wait3A_283 : memref<208x64xf32, #tpu.memory_space<hbm>>)
    %dma_wait3A_288 = arith.constant 6 : i32
    %dma_wait3A_289 = arith.constant 0 : i32
    %dma_wait3A_290 = arith.constant 0 : i32
    %dma_wait3A_291 = tpu.memref_slice %arg6[%dma_wait3A_288, %dma_wait3A_289, %dma_wait3A_290] : memref<8x208x64xf32, #tpu.memory_space<vmem>> -> memref<1x208x64xf32, #tpu.memory_space<vmem>>
    %dma_wait3A_292 = tpu.memref_squeeze %dma_wait3A_291 : memref<1x208x64xf32, #tpu.memory_space<vmem>> -> memref<208x64xf32, #tpu.memory_space<vmem>>
    %dma_wait3A_293 = arith.constant 0 : i32
    %dma_wait3A_294 = arith.constant 0 : i32
    %dma_wait3A_295 = tpu.memref_slice %arg4[%dma_wait3A_293, %dma_wait3A_294] : memref<212992x64xf32, #tpu.memory_space<hbm>> -> memref<208x64xf32, #tpu.memory_space<hbm>>
    %dma_wait3A_296 = arith.constant 0 : i32
    %dma_wait3A_297 = arith.constant 0 : i32
    %dma_wait3A_298 = tpu.memref_slice %arg4[%dma_wait3A_296, %dma_wait3A_297] : memref<212992x64xf32, #tpu.memory_space<hbm>> -> memref<208x64xf32, #tpu.memory_space<hbm>>
    %dma_wait3A_299 = arith.constant 0 : i32
    %dma_wait3A_300 = arith.constant 0 : i32
    %dma_wait3A_301 = tpu.memref_slice %arg6[%dma_wait3A_288, %dma_wait3A_299, %dma_wait3A_300] : memref<8x208x64xf32, #tpu.memory_space<vmem>> -> memref<1x208x64xf32, #tpu.memory_space<vmem>>
    %dma_wait3A_302 = tpu.memref_squeeze %dma_wait3A_301 : memref<1x208x64xf32, #tpu.memory_space<vmem>> -> memref<208x64xf32, #tpu.memory_space<vmem>>
    tpu.wait_dma2 semaphore(%arg21 : memref<!tpu.dma_semaphore, #tpu.memory_space<semaphore_mem>>) src(%dma_wait3A_302 : memref<208x64xf32, #tpu.memory_space<vmem>>) dst(%dma_wait3A_298 : memref<208x64xf32, #tpu.memory_space<hbm>>)
    %dma_wait3A_303 = arith.constant 7 : i32
    %dma_wait3A_304 = arith.constant 0 : i32
    %dma_wait3A_305 = arith.constant 0 : i32
    %dma_wait3A_306 = tpu.memref_slice %arg6[%dma_wait3A_303, %dma_wait3A_304, %dma_wait3A_305] : memref<8x208x64xf32, #tpu.memory_space<vmem>> -> memref<1x208x64xf32, #tpu.memory_space<vmem>>
    %dma_wait3A_307 = tpu.memref_squeeze %dma_wait3A_306 : memref<1x208x64xf32, #tpu.memory_space<vmem>> -> memref<208x64xf32, #tpu.memory_space<vmem>>
    %dma_wait3A_308 = arith.constant 0 : i32
    %dma_wait3A_309 = arith.constant 0 : i32
    %dma_wait3A_310 = tpu.memref_slice %arg4[%dma_wait3A_308, %dma_wait3A_309] : memref<212992x64xf32, #tpu.memory_space<hbm>> -> memref<208x64xf32, #tpu.memory_space<hbm>>
    %dma_wait3A_311 = arith.constant 0 : i32
    %dma_wait3A_312 = arith.constant 0 : i32
    %dma_wait3A_313 = tpu.memref_slice %arg4[%dma_wait3A_311, %dma_wait3A_312] : memref<212992x64xf32, #tpu.memory_space<hbm>> -> memref<208x64xf32, #tpu.memory_space<hbm>>
    %dma_wait3A_314 = arith.constant 0 : i32
    %dma_wait3A_315 = arith.constant 0 : i32
    %dma_wait3A_316 = tpu.memref_slice %arg6[%dma_wait3A_303, %dma_wait3A_314, %dma_wait3A_315] : memref<8x208x64xf32, #tpu.memory_space<vmem>> -> memref<1x208x64xf32, #tpu.memory_space<vmem>>
    %dma_wait3A_317 = tpu.memref_squeeze %dma_wait3A_316 : memref<1x208x64xf32, #tpu.memory_space<vmem>> -> memref<208x64xf32, #tpu.memory_space<vmem>>
    tpu.wait_dma2 semaphore(%arg22 : memref<!tpu.dma_semaphore, #tpu.memory_space<semaphore_mem>>) src(%dma_wait3A_317 : memref<208x64xf32, #tpu.memory_space<vmem>>) dst(%dma_wait3A_313 : memref<208x64xf32, #tpu.memory_space<hbm>>)
    return
  }
}

#map = affine_map<(d0, d1) -> (0, 0)>
module attributes {stable_mosaic.version = 14 : i64} {
  func.func @_gather_sc(%arg0: i32, %arg1: i32, %arg2: memref<2048x104xi32, #tpu.memory_space<hbm>>, %arg3: memref<260000x64xf32, #tpu.memory_space<hbm>>, %arg4: memref<212992x64xf32, #tpu.memory_space<hbm>>, %arg5: memref<64x104xi32, #tpu.memory_space<vmem>>, %arg6: memref<8x208x64xf32, #tpu.memory_space<vmem>>, %arg7: memref<!tpu.dma_semaphore, #tpu.memory_space<semaphore_mem>>, %arg8: memref<!tpu.dma_semaphore, #tpu.memory_space<semaphore_mem>>, %arg9: memref<!tpu.dma_semaphore, #tpu.memory_space<semaphore_mem>>, %arg10: memref<!tpu.dma_semaphore, #tpu.memory_space<semaphore_mem>>, %arg11: memref<!tpu.dma_semaphore, #tpu.memory_space<semaphore_mem>>, %arg12: memref<!tpu.dma_semaphore, #tpu.memory_space<semaphore_mem>>, %arg13: memref<!tpu.dma_semaphore, #tpu.memory_space<semaphore_mem>>, %arg14: memref<!tpu.dma_semaphore, #tpu.memory_space<semaphore_mem>>, %arg15: memref<!tpu.dma_semaphore, #tpu.memory_space<semaphore_mem>>, %arg16: memref<!tpu.dma_semaphore, #tpu.memory_space<semaphore_mem>>, %arg17: memref<!tpu.dma_semaphore, #tpu.memory_space<semaphore_mem>>, %arg18: memref<!tpu.dma_semaphore, #tpu.memory_space<semaphore_mem>>, %arg19: memref<!tpu.dma_semaphore, #tpu.memory_space<semaphore_mem>>, %arg20: memref<!tpu.dma_semaphore, #tpu.memory_space<semaphore_mem>>, %arg21: memref<!tpu.dma_semaphore, #tpu.memory_space<semaphore_mem>>, %arg22: memref<!tpu.dma_semaphore, #tpu.memory_space<semaphore_mem>>) attributes {dimension_semantics = [#tpu.dimension_semantics<core_parallel>, #tpu.dimension_semantics<subcore_parallel>], iteration_bounds = array<i64: 2, 16>, scalar_prefetch = 0 : i64, scratch_operands = 18 : i64, tpu.core_type = #tpu.core_type<sc_vector_subcore>, window_params = [{transform_indices = #map}, {transform_indices = #map}, {transform_indices = #map}]} {
    %mul3A = arith.constant 2 : i32
    %mul3A_0 = arith.muli %arg1, %mul3A : i32
    %add3A = arith.addi %mul3A_0, %arg0 : i32
    %mul3A_1 = arith.constant 64 : i32
    %mul3A_2 = arith.muli %add3A, %mul3A_1 : i32
    "tpu.region"() ({
      %run_scoped3A = tpu.sem_alloc : memref<!tpu.dma_semaphore, #tpu.memory_space<semaphore_mem>>
      %dma_start3A_318 = arith.constant 0 : i32
      %dma_start3A_319 = tpu.memref_slice %arg2[%mul3A_2, %dma_start3A_318] : memref<2048x104xi32, #tpu.memory_space<hbm>> -> memref<64x104xi32, #tpu.memory_space<hbm>>
      %dma_start3A_320 = arith.constant 0 : i32
      %dma_start3A_321 = tpu.memref_slice %arg2[%mul3A_2, %dma_start3A_320] : memref<2048x104xi32, #tpu.memory_space<hbm>> -> memref<64x104xi32, #tpu.memory_space<hbm>>
      tpu.enqueue_dma source(%dma_start3A_321 : memref<64x104xi32, #tpu.memory_space<hbm>>) target(%arg5 : memref<64x104xi32, #tpu.memory_space<vmem>>) target_semaphore(%run_scoped3A : memref<!tpu.dma_semaphore, #tpu.memory_space<semaphore_mem>>)
      %dma_wait3A_322 = arith.constant 0 : i32
      %dma_wait3A_323 = tpu.memref_slice %arg2[%mul3A_2, %dma_wait3A_322] : memref<2048x104xi32, #tpu.memory_space<hbm>> -> memref<64x104xi32, #tpu.memory_space<hbm>>
      %dma_wait3A_324 = arith.constant 0 : i32
      %dma_wait3A_325 = tpu.memref_slice %arg2[%mul3A_2, %dma_wait3A_324] : memref<2048x104xi32, #tpu.memory_space<hbm>> -> memref<64x104xi32, #tpu.memory_space<hbm>>
      tpu.wait_dma2 semaphore(%run_scoped3A : memref<!tpu.dma_semaphore, #tpu.memory_space<semaphore_mem>>) src(%dma_wait3A_325 : memref<64x104xi32, #tpu.memory_space<hbm>>) dst(%arg5 : memref<64x104xi32, #tpu.memory_space<vmem>>)
      tpu.yield
    }) : () -> ()
    %dma_start3A = arith.constant 0 : i32
    %dma_start3A_3 = arith.constant 0 : i32
    %dma_start3A_4 = arith.constant 0 : i32
    %dma_start3A_5 = arith.constant 0 : i32
    %dma_start3A_6 = tpu.memref_slice %arg6[%dma_start3A_3, %dma_start3A_4, %dma_start3A_5] : memref<8x208x64xf32, #tpu.memory_space<vmem>> -> memref<1x104x64xf32, #tpu.memory_space<vmem>>
    %dma_start3A_7 = tpu.memref_squeeze %dma_start3A_6 : memref<1x104x64xf32, #tpu.memory_space<vmem>> -> memref<104x64xf32, #tpu.memory_space<vmem>>
    %dma_start3A_8 = arith.constant 0 : i32
    %dma_start3A_9 = tpu.memref_slice %arg5[%dma_start3A, %dma_start3A_8] : memref<64x104xi32, #tpu.memory_space<vmem>> -> memref<1x104xi32, #tpu.memory_space<vmem>>
    %dma_start3A_10 = tpu.memref_squeeze %dma_start3A_9 : memref<1x104xi32, #tpu.memory_space<vmem>> -> memref<104xi32, #tpu.memory_space<vmem>>
    %dma_start3A_11 = arith.constant 0 : i32
    %dma_start3A_12 = arith.constant 0 : i32
    %dma_start3A_13 = tpu.memref_slice %arg3[%dma_start3A_11, %dma_start3A_12] : memref<260000x64xf32, #tpu.memory_space<hbm>> -> memref<260000x64xf32, #tpu.memory_space<hbm>>
    tpu.enqueue_indirect_dma source(%dma_start3A_13 : memref<260000x64xf32, #tpu.memory_space<hbm>>) target(%dma_start3A_7 : memref<104x64xf32, #tpu.memory_space<vmem>>) offsets(%dma_start3A_10 : memref<104xi32, #tpu.memory_space<vmem>>) semaphore(%arg7 : memref<!tpu.dma_semaphore, #tpu.memory_space<semaphore_mem>>)
    %dma_start3A_14 = arith.constant 1 : i32
    %dma_start3A_15 = arith.constant 0 : i32
    %dma_start3A_16 = arith.constant 104 : i32
    %dma_start3A_17 = arith.constant 0 : i32
    %dma_start3A_18 = tpu.memref_slice %arg6[%dma_start3A_15, %dma_start3A_16, %dma_start3A_17] : memref<8x208x64xf32, #tpu.memory_space<vmem>> -> memref<1x104x64xf32, #tpu.memory_space<vmem>>
    %dma_start3A_19 = tpu.memref_squeeze %dma_start3A_18 : memref<1x104x64xf32, #tpu.memory_space<vmem>> -> memref<104x64xf32, #tpu.memory_space<vmem>>
    %dma_start3A_20 = arith.constant 0 : i32
    %dma_start3A_21 = tpu.memref_slice %arg5[%dma_start3A_14, %dma_start3A_20] : memref<64x104xi32, #tpu.memory_space<vmem>> -> memref<1x104xi32, #tpu.memory_space<vmem>>
    %dma_start3A_22 = tpu.memref_squeeze %dma_start3A_21 : memref<1x104xi32, #tpu.memory_space<vmem>> -> memref<104xi32, #tpu.memory_space<vmem>>
    %dma_start3A_23 = arith.constant 0 : i32
    %dma_start3A_24 = arith.constant 0 : i32
    %dma_start3A_25 = tpu.memref_slice %arg3[%dma_start3A_23, %dma_start3A_24] : memref<260000x64xf32, #tpu.memory_space<hbm>> -> memref<260000x64xf32, #tpu.memory_space<hbm>>
    tpu.enqueue_indirect_dma source(%dma_start3A_25 : memref<260000x64xf32, #tpu.memory_space<hbm>>) target(%dma_start3A_19 : memref<104x64xf32, #tpu.memory_space<vmem>>) offsets(%dma_start3A_22 : memref<104xi32, #tpu.memory_space<vmem>>) semaphore(%arg7 : memref<!tpu.dma_semaphore, #tpu.memory_space<semaphore_mem>>)
    %dma_start3A_26 = arith.constant 2 : i32
    %dma_start3A_27 = arith.constant 1 : i32
    %dma_start3A_28 = arith.constant 0 : i32
    %dma_start3A_29 = arith.constant 0 : i32
    %dma_start3A_30 = tpu.memref_slice %arg6[%dma_start3A_27, %dma_start3A_28, %dma_start3A_29] : memref<8x208x64xf32, #tpu.memory_space<vmem>> -> memref<1x104x64xf32, #tpu.memory_space<vmem>>
    %dma_start3A_31 = tpu.memref_squeeze %dma_start3A_30 : memref<1x104x64xf32, #tpu.memory_space<vmem>> -> memref<104x64xf32, #tpu.memory_space<vmem>>
    %dma_start3A_32 = arith.constant 0 : i32
    %dma_start3A_33 = tpu.memref_slice %arg5[%dma_start3A_26, %dma_start3A_32] : memref<64x104xi32, #tpu.memory_space<vmem>> -> memref<1x104xi32, #tpu.memory_space<vmem>>
    %dma_start3A_34 = tpu.memref_squeeze %dma_start3A_33 : memref<1x104xi32, #tpu.memory_space<vmem>> -> memref<104xi32, #tpu.memory_space<vmem>>
    %dma_start3A_35 = arith.constant 0 : i32
    %dma_start3A_36 = arith.constant 0 : i32
    %dma_start3A_37 = tpu.memref_slice %arg3[%dma_start3A_35, %dma_start3A_36] : memref<260000x64xf32, #tpu.memory_space<hbm>> -> memref<260000x64xf32, #tpu.memory_space<hbm>>
    tpu.enqueue_indirect_dma source(%dma_start3A_37 : memref<260000x64xf32, #tpu.memory_space<hbm>>) target(%dma_start3A_31 : memref<104x64xf32, #tpu.memory_space<vmem>>) offsets(%dma_start3A_34 : memref<104xi32, #tpu.memory_space<vmem>>) semaphore(%arg8 : memref<!tpu.dma_semaphore, #tpu.memory_space<semaphore_mem>>)
    %dma_start3A_38 = arith.constant 3 : i32
    %dma_start3A_39 = arith.constant 1 : i32
    %dma_start3A_40 = arith.constant 104 : i32
    %dma_start3A_41 = arith.constant 0 : i32
    %dma_start3A_42 = tpu.memref_slice %arg6[%dma_start3A_39, %dma_start3A_40, %dma_start3A_41] : memref<8x208x64xf32, #tpu.memory_space<vmem>> -> memref<1x104x64xf32, #tpu.memory_space<vmem>>
    %dma_start3A_43 = tpu.memref_squeeze %dma_start3A_42 : memref<1x104x64xf32, #tpu.memory_space<vmem>> -> memref<104x64xf32, #tpu.memory_space<vmem>>
    %dma_start3A_44 = arith.constant 0 : i32
    %dma_start3A_45 = tpu.memref_slice %arg5[%dma_start3A_38, %dma_start3A_44] : memref<64x104xi32, #tpu.memory_space<vmem>> -> memref<1x104xi32, #tpu.memory_space<vmem>>
    %dma_start3A_46 = tpu.memref_squeeze %dma_start3A_45 : memref<1x104xi32, #tpu.memory_space<vmem>> -> memref<104xi32, #tpu.memory_space<vmem>>
    %dma_start3A_47 = arith.constant 0 : i32
    %dma_start3A_48 = arith.constant 0 : i32
    %dma_start3A_49 = tpu.memref_slice %arg3[%dma_start3A_47, %dma_start3A_48] : memref<260000x64xf32, #tpu.memory_space<hbm>> -> memref<260000x64xf32, #tpu.memory_space<hbm>>
    tpu.enqueue_indirect_dma source(%dma_start3A_49 : memref<260000x64xf32, #tpu.memory_space<hbm>>) target(%dma_start3A_43 : memref<104x64xf32, #tpu.memory_space<vmem>>) offsets(%dma_start3A_46 : memref<104xi32, #tpu.memory_space<vmem>>) semaphore(%arg8 : memref<!tpu.dma_semaphore, #tpu.memory_space<semaphore_mem>>)
    %dma_start3A_50 = arith.constant 4 : i32
    %dma_start3A_51 = arith.constant 2 : i32
    %dma_start3A_52 = arith.constant 0 : i32
    %dma_start3A_53 = arith.constant 0 : i32
    %dma_start3A_54 = tpu.memref_slice %arg6[%dma_start3A_51, %dma_start3A_52, %dma_start3A_53] : memref<8x208x64xf32, #tpu.memory_space<vmem>> -> memref<1x104x64xf32, #tpu.memory_space<vmem>>
    %dma_start3A_55 = tpu.memref_squeeze %dma_start3A_54 : memref<1x104x64xf32, #tpu.memory_space<vmem>> -> memref<104x64xf32, #tpu.memory_space<vmem>>
    %dma_start3A_56 = arith.constant 0 : i32
    %dma_start3A_57 = tpu.memref_slice %arg5[%dma_start3A_50, %dma_start3A_56] : memref<64x104xi32, #tpu.memory_space<vmem>> -> memref<1x104xi32, #tpu.memory_space<vmem>>
    %dma_start3A_58 = tpu.memref_squeeze %dma_start3A_57 : memref<1x104xi32, #tpu.memory_space<vmem>> -> memref<104xi32, #tpu.memory_space<vmem>>
    %dma_start3A_59 = arith.constant 0 : i32
    %dma_start3A_60 = arith.constant 0 : i32
    %dma_start3A_61 = tpu.memref_slice %arg3[%dma_start3A_59, %dma_start3A_60] : memref<260000x64xf32, #tpu.memory_space<hbm>> -> memref<260000x64xf32, #tpu.memory_space<hbm>>
    tpu.enqueue_indirect_dma source(%dma_start3A_61 : memref<260000x64xf32, #tpu.memory_space<hbm>>) target(%dma_start3A_55 : memref<104x64xf32, #tpu.memory_space<vmem>>) offsets(%dma_start3A_58 : memref<104xi32, #tpu.memory_space<vmem>>) semaphore(%arg9 : memref<!tpu.dma_semaphore, #tpu.memory_space<semaphore_mem>>)
    %dma_start3A_62 = arith.constant 5 : i32
    %dma_start3A_63 = arith.constant 2 : i32
    %dma_start3A_64 = arith.constant 104 : i32
    %dma_start3A_65 = arith.constant 0 : i32
    %dma_start3A_66 = tpu.memref_slice %arg6[%dma_start3A_63, %dma_start3A_64, %dma_start3A_65] : memref<8x208x64xf32, #tpu.memory_space<vmem>> -> memref<1x104x64xf32, #tpu.memory_space<vmem>>
    %dma_start3A_67 = tpu.memref_squeeze %dma_start3A_66 : memref<1x104x64xf32, #tpu.memory_space<vmem>> -> memref<104x64xf32, #tpu.memory_space<vmem>>
    %dma_start3A_68 = arith.constant 0 : i32
    %dma_start3A_69 = tpu.memref_slice %arg5[%dma_start3A_62, %dma_start3A_68] : memref<64x104xi32, #tpu.memory_space<vmem>> -> memref<1x104xi32, #tpu.memory_space<vmem>>
    %dma_start3A_70 = tpu.memref_squeeze %dma_start3A_69 : memref<1x104xi32, #tpu.memory_space<vmem>> -> memref<104xi32, #tpu.memory_space<vmem>>
    %dma_start3A_71 = arith.constant 0 : i32
    %dma_start3A_72 = arith.constant 0 : i32
    %dma_start3A_73 = tpu.memref_slice %arg3[%dma_start3A_71, %dma_start3A_72] : memref<260000x64xf32, #tpu.memory_space<hbm>> -> memref<260000x64xf32, #tpu.memory_space<hbm>>
    tpu.enqueue_indirect_dma source(%dma_start3A_73 : memref<260000x64xf32, #tpu.memory_space<hbm>>) target(%dma_start3A_67 : memref<104x64xf32, #tpu.memory_space<vmem>>) offsets(%dma_start3A_70 : memref<104xi32, #tpu.memory_space<vmem>>) semaphore(%arg9 : memref<!tpu.dma_semaphore, #tpu.memory_space<semaphore_mem>>)
    %dma_start3A_74 = arith.constant 6 : i32
    %dma_start3A_75 = arith.constant 3 : i32
    %dma_start3A_76 = arith.constant 0 : i32
    %dma_start3A_77 = arith.constant 0 : i32
    %dma_start3A_78 = tpu.memref_slice %arg6[%dma_start3A_75, %dma_start3A_76, %dma_start3A_77] : memref<8x208x64xf32, #tpu.memory_space<vmem>> -> memref<1x104x64xf32, #tpu.memory_space<vmem>>
    %dma_start3A_79 = tpu.memref_squeeze %dma_start3A_78 : memref<1x104x64xf32, #tpu.memory_space<vmem>> -> memref<104x64xf32, #tpu.memory_space<vmem>>
    %dma_start3A_80 = arith.constant 0 : i32
    %dma_start3A_81 = tpu.memref_slice %arg5[%dma_start3A_74, %dma_start3A_80] : memref<64x104xi32, #tpu.memory_space<vmem>> -> memref<1x104xi32, #tpu.memory_space<vmem>>
    %dma_start3A_82 = tpu.memref_squeeze %dma_start3A_81 : memref<1x104xi32, #tpu.memory_space<vmem>> -> memref<104xi32, #tpu.memory_space<vmem>>
    %dma_start3A_83 = arith.constant 0 : i32
    %dma_start3A_84 = arith.constant 0 : i32
    %dma_start3A_85 = tpu.memref_slice %arg3[%dma_start3A_83, %dma_start3A_84] : memref<260000x64xf32, #tpu.memory_space<hbm>> -> memref<260000x64xf32, #tpu.memory_space<hbm>>
    tpu.enqueue_indirect_dma source(%dma_start3A_85 : memref<260000x64xf32, #tpu.memory_space<hbm>>) target(%dma_start3A_79 : memref<104x64xf32, #tpu.memory_space<vmem>>) offsets(%dma_start3A_82 : memref<104xi32, #tpu.memory_space<vmem>>) semaphore(%arg10 : memref<!tpu.dma_semaphore, #tpu.memory_space<semaphore_mem>>)
    %dma_start3A_86 = arith.constant 7 : i32
    %dma_start3A_87 = arith.constant 3 : i32
    %dma_start3A_88 = arith.constant 104 : i32
    %dma_start3A_89 = arith.constant 0 : i32
    %dma_start3A_90 = tpu.memref_slice %arg6[%dma_start3A_87, %dma_start3A_88, %dma_start3A_89] : memref<8x208x64xf32, #tpu.memory_space<vmem>> -> memref<1x104x64xf32, #tpu.memory_space<vmem>>
    %dma_start3A_91 = tpu.memref_squeeze %dma_start3A_90 : memref<1x104x64xf32, #tpu.memory_space<vmem>> -> memref<104x64xf32, #tpu.memory_space<vmem>>
    %dma_start3A_92 = arith.constant 0 : i32
    %dma_start3A_93 = tpu.memref_slice %arg5[%dma_start3A_86, %dma_start3A_92] : memref<64x104xi32, #tpu.memory_space<vmem>> -> memref<1x104xi32, #tpu.memory_space<vmem>>
    %dma_start3A_94 = tpu.memref_squeeze %dma_start3A_93 : memref<1x104xi32, #tpu.memory_space<vmem>> -> memref<104xi32, #tpu.memory_space<vmem>>
    %dma_start3A_95 = arith.constant 0 : i32
    %dma_start3A_96 = arith.constant 0 : i32
    %dma_start3A_97 = tpu.memref_slice %arg3[%dma_start3A_95, %dma_start3A_96] : memref<260000x64xf32, #tpu.memory_space<hbm>> -> memref<260000x64xf32, #tpu.memory_space<hbm>>
    tpu.enqueue_indirect_dma source(%dma_start3A_97 : memref<260000x64xf32, #tpu.memory_space<hbm>>) target(%dma_start3A_91 : memref<104x64xf32, #tpu.memory_space<vmem>>) offsets(%dma_start3A_94 : memref<104xi32, #tpu.memory_space<vmem>>) semaphore(%arg10 : memref<!tpu.dma_semaphore, #tpu.memory_space<semaphore_mem>>)
    %dma_start3A_98 = arith.constant 8 : i32
    %dma_start3A_99 = arith.constant 4 : i32
    %dma_start3A_100 = arith.constant 0 : i32
    %dma_start3A_101 = arith.constant 0 : i32
    %dma_start3A_102 = tpu.memref_slice %arg6[%dma_start3A_99, %dma_start3A_100, %dma_start3A_101] : memref<8x208x64xf32, #tpu.memory_space<vmem>> -> memref<1x104x64xf32, #tpu.memory_space<vmem>>
    %dma_start3A_103 = tpu.memref_squeeze %dma_start3A_102 : memref<1x104x64xf32, #tpu.memory_space<vmem>> -> memref<104x64xf32, #tpu.memory_space<vmem>>
    %dma_start3A_104 = arith.constant 0 : i32
    %dma_start3A_105 = tpu.memref_slice %arg5[%dma_start3A_98, %dma_start3A_104] : memref<64x104xi32, #tpu.memory_space<vmem>> -> memref<1x104xi32, #tpu.memory_space<vmem>>
    %dma_start3A_106 = tpu.memref_squeeze %dma_start3A_105 : memref<1x104xi32, #tpu.memory_space<vmem>> -> memref<104xi32, #tpu.memory_space<vmem>>
    %dma_start3A_107 = arith.constant 0 : i32
    %dma_start3A_108 = arith.constant 0 : i32
    %dma_start3A_109 = tpu.memref_slice %arg3[%dma_start3A_107, %dma_start3A_108] : memref<260000x64xf32, #tpu.memory_space<hbm>> -> memref<260000x64xf32, #tpu.memory_space<hbm>>
    tpu.enqueue_indirect_dma source(%dma_start3A_109 : memref<260000x64xf32, #tpu.memory_space<hbm>>) target(%dma_start3A_103 : memref<104x64xf32, #tpu.memory_space<vmem>>) offsets(%dma_start3A_106 : memref<104xi32, #tpu.memory_space<vmem>>) semaphore(%arg11 : memref<!tpu.dma_semaphore, #tpu.memory_space<semaphore_mem>>)
    %dma_start3A_110 = arith.constant 9 : i32
    %dma_start3A_111 = arith.constant 4 : i32
    %dma_start3A_112 = arith.constant 104 : i32
    %dma_start3A_113 = arith.constant 0 : i32
    %dma_start3A_114 = tpu.memref_slice %arg6[%dma_start3A_111, %dma_start3A_112, %dma_start3A_113] : memref<8x208x64xf32, #tpu.memory_space<vmem>> -> memref<1x104x64xf32, #tpu.memory_space<vmem>>
    %dma_start3A_115 = tpu.memref_squeeze %dma_start3A_114 : memref<1x104x64xf32, #tpu.memory_space<vmem>> -> memref<104x64xf32, #tpu.memory_space<vmem>>
    %dma_start3A_116 = arith.constant 0 : i32
    %dma_start3A_117 = tpu.memref_slice %arg5[%dma_start3A_110, %dma_start3A_116] : memref<64x104xi32, #tpu.memory_space<vmem>> -> memref<1x104xi32, #tpu.memory_space<vmem>>
    %dma_start3A_118 = tpu.memref_squeeze %dma_start3A_117 : memref<1x104xi32, #tpu.memory_space<vmem>> -> memref<104xi32, #tpu.memory_space<vmem>>
    %dma_start3A_119 = arith.constant 0 : i32
    %dma_start3A_120 = arith.constant 0 : i32
    %dma_start3A_121 = tpu.memref_slice %arg3[%dma_start3A_119, %dma_start3A_120] : memref<260000x64xf32, #tpu.memory_space<hbm>> -> memref<260000x64xf32, #tpu.memory_space<hbm>>
    tpu.enqueue_indirect_dma source(%dma_start3A_121 : memref<260000x64xf32, #tpu.memory_space<hbm>>) target(%dma_start3A_115 : memref<104x64xf32, #tpu.memory_space<vmem>>) offsets(%dma_start3A_118 : memref<104xi32, #tpu.memory_space<vmem>>) semaphore(%arg11 : memref<!tpu.dma_semaphore, #tpu.memory_space<semaphore_mem>>)
    %dma_start3A_122 = arith.constant 10 : i32
    %dma_start3A_123 = arith.constant 5 : i32
    %dma_start3A_124 = arith.constant 0 : i32
    %dma_start3A_125 = arith.constant 0 : i32
    %dma_start3A_126 = tpu.memref_slice %arg6[%dma_start3A_123, %dma_start3A_124, %dma_start3A_125] : memref<8x208x64xf32, #tpu.memory_space<vmem>> -> memref<1x104x64xf32, #tpu.memory_space<vmem>>
    %dma_start3A_127 = tpu.memref_squeeze %dma_start3A_126 : memref<1x104x64xf32, #tpu.memory_space<vmem>> -> memref<104x64xf32, #tpu.memory_space<vmem>>
    %dma_start3A_128 = arith.constant 0 : i32
    %dma_start3A_129 = tpu.memref_slice %arg5[%dma_start3A_122, %dma_start3A_128] : memref<64x104xi32, #tpu.memory_space<vmem>> -> memref<1x104xi32, #tpu.memory_space<vmem>>
    %dma_start3A_130 = tpu.memref_squeeze %dma_start3A_129 : memref<1x104xi32, #tpu.memory_space<vmem>> -> memref<104xi32, #tpu.memory_space<vmem>>
    %dma_start3A_131 = arith.constant 0 : i32
    %dma_start3A_132 = arith.constant 0 : i32
    %dma_start3A_133 = tpu.memref_slice %arg3[%dma_start3A_131, %dma_start3A_132] : memref<260000x64xf32, #tpu.memory_space<hbm>> -> memref<260000x64xf32, #tpu.memory_space<hbm>>
    tpu.enqueue_indirect_dma source(%dma_start3A_133 : memref<260000x64xf32, #tpu.memory_space<hbm>>) target(%dma_start3A_127 : memref<104x64xf32, #tpu.memory_space<vmem>>) offsets(%dma_start3A_130 : memref<104xi32, #tpu.memory_space<vmem>>) semaphore(%arg12 : memref<!tpu.dma_semaphore, #tpu.memory_space<semaphore_mem>>)
    %dma_start3A_134 = arith.constant 11 : i32
    %dma_start3A_135 = arith.constant 5 : i32
    %dma_start3A_136 = arith.constant 104 : i32
    %dma_start3A_137 = arith.constant 0 : i32
    %dma_start3A_138 = tpu.memref_slice %arg6[%dma_start3A_135, %dma_start3A_136, %dma_start3A_137] : memref<8x208x64xf32, #tpu.memory_space<vmem>> -> memref<1x104x64xf32, #tpu.memory_space<vmem>>
    %dma_start3A_139 = tpu.memref_squeeze %dma_start3A_138 : memref<1x104x64xf32, #tpu.memory_space<vmem>> -> memref<104x64xf32, #tpu.memory_space<vmem>>
    %dma_start3A_140 = arith.constant 0 : i32
    %dma_start3A_141 = tpu.memref_slice %arg5[%dma_start3A_134, %dma_start3A_140] : memref<64x104xi32, #tpu.memory_space<vmem>> -> memref<1x104xi32, #tpu.memory_space<vmem>>
    %dma_start3A_142 = tpu.memref_squeeze %dma_start3A_141 : memref<1x104xi32, #tpu.memory_space<vmem>> -> memref<104xi32, #tpu.memory_space<vmem>>
    %dma_start3A_143 = arith.constant 0 : i32
    %dma_start3A_144 = arith.constant 0 : i32
    %dma_start3A_145 = tpu.memref_slice %arg3[%dma_start3A_143, %dma_start3A_144] : memref<260000x64xf32, #tpu.memory_space<hbm>> -> memref<260000x64xf32, #tpu.memory_space<hbm>>
    tpu.enqueue_indirect_dma source(%dma_start3A_145 : memref<260000x64xf32, #tpu.memory_space<hbm>>) target(%dma_start3A_139 : memref<104x64xf32, #tpu.memory_space<vmem>>) offsets(%dma_start3A_142 : memref<104xi32, #tpu.memory_space<vmem>>) semaphore(%arg12 : memref<!tpu.dma_semaphore, #tpu.memory_space<semaphore_mem>>)
    %dma_start3A_146 = arith.constant 12 : i32
    %dma_start3A_147 = arith.constant 6 : i32
    %dma_start3A_148 = arith.constant 0 : i32
    %dma_start3A_149 = arith.constant 0 : i32
    %dma_start3A_150 = tpu.memref_slice %arg6[%dma_start3A_147, %dma_start3A_148, %dma_start3A_149] : memref<8x208x64xf32, #tpu.memory_space<vmem>> -> memref<1x104x64xf32, #tpu.memory_space<vmem>>
    %dma_start3A_151 = tpu.memref_squeeze %dma_start3A_150 : memref<1x104x64xf32, #tpu.memory_space<vmem>> -> memref<104x64xf32, #tpu.memory_space<vmem>>
    %dma_start3A_152 = arith.constant 0 : i32
    %dma_start3A_153 = tpu.memref_slice %arg5[%dma_start3A_146, %dma_start3A_152] : memref<64x104xi32, #tpu.memory_space<vmem>> -> memref<1x104xi32, #tpu.memory_space<vmem>>
    %dma_start3A_154 = tpu.memref_squeeze %dma_start3A_153 : memref<1x104xi32, #tpu.memory_space<vmem>> -> memref<104xi32, #tpu.memory_space<vmem>>
    %dma_start3A_155 = arith.constant 0 : i32
    %dma_start3A_156 = arith.constant 0 : i32
    %dma_start3A_157 = tpu.memref_slice %arg3[%dma_start3A_155, %dma_start3A_156] : memref<260000x64xf32, #tpu.memory_space<hbm>> -> memref<260000x64xf32, #tpu.memory_space<hbm>>
    tpu.enqueue_indirect_dma source(%dma_start3A_157 : memref<260000x64xf32, #tpu.memory_space<hbm>>) target(%dma_start3A_151 : memref<104x64xf32, #tpu.memory_space<vmem>>) offsets(%dma_start3A_154 : memref<104xi32, #tpu.memory_space<vmem>>) semaphore(%arg13 : memref<!tpu.dma_semaphore, #tpu.memory_space<semaphore_mem>>)
    %dma_start3A_158 = arith.constant 13 : i32
    %dma_start3A_159 = arith.constant 6 : i32
    %dma_start3A_160 = arith.constant 104 : i32
    %dma_start3A_161 = arith.constant 0 : i32
    %dma_start3A_162 = tpu.memref_slice %arg6[%dma_start3A_159, %dma_start3A_160, %dma_start3A_161] : memref<8x208x64xf32, #tpu.memory_space<vmem>> -> memref<1x104x64xf32, #tpu.memory_space<vmem>>
    %dma_start3A_163 = tpu.memref_squeeze %dma_start3A_162 : memref<1x104x64xf32, #tpu.memory_space<vmem>> -> memref<104x64xf32, #tpu.memory_space<vmem>>
    %dma_start3A_164 = arith.constant 0 : i32
    %dma_start3A_165 = tpu.memref_slice %arg5[%dma_start3A_158, %dma_start3A_164] : memref<64x104xi32, #tpu.memory_space<vmem>> -> memref<1x104xi32, #tpu.memory_space<vmem>>
    %dma_start3A_166 = tpu.memref_squeeze %dma_start3A_165 : memref<1x104xi32, #tpu.memory_space<vmem>> -> memref<104xi32, #tpu.memory_space<vmem>>
    %dma_start3A_167 = arith.constant 0 : i32
    %dma_start3A_168 = arith.constant 0 : i32
    %dma_start3A_169 = tpu.memref_slice %arg3[%dma_start3A_167, %dma_start3A_168] : memref<260000x64xf32, #tpu.memory_space<hbm>> -> memref<260000x64xf32, #tpu.memory_space<hbm>>
    tpu.enqueue_indirect_dma source(%dma_start3A_169 : memref<260000x64xf32, #tpu.memory_space<hbm>>) target(%dma_start3A_163 : memref<104x64xf32, #tpu.memory_space<vmem>>) offsets(%dma_start3A_166 : memref<104xi32, #tpu.memory_space<vmem>>) semaphore(%arg13 : memref<!tpu.dma_semaphore, #tpu.memory_space<semaphore_mem>>)
    %dma_start3A_170 = arith.constant 14 : i32
    %dma_start3A_171 = arith.constant 7 : i32
    %dma_start3A_172 = arith.constant 0 : i32
    %dma_start3A_173 = arith.constant 0 : i32
    %dma_start3A_174 = tpu.memref_slice %arg6[%dma_start3A_171, %dma_start3A_172, %dma_start3A_173] : memref<8x208x64xf32, #tpu.memory_space<vmem>> -> memref<1x104x64xf32, #tpu.memory_space<vmem>>
    %dma_start3A_175 = tpu.memref_squeeze %dma_start3A_174 : memref<1x104x64xf32, #tpu.memory_space<vmem>> -> memref<104x64xf32, #tpu.memory_space<vmem>>
    %dma_start3A_176 = arith.constant 0 : i32
    %dma_start3A_177 = tpu.memref_slice %arg5[%dma_start3A_170, %dma_start3A_176] : memref<64x104xi32, #tpu.memory_space<vmem>> -> memref<1x104xi32, #tpu.memory_space<vmem>>
    %dma_start3A_178 = tpu.memref_squeeze %dma_start3A_177 : memref<1x104xi32, #tpu.memory_space<vmem>> -> memref<104xi32, #tpu.memory_space<vmem>>
    %dma_start3A_179 = arith.constant 0 : i32
    %dma_start3A_180 = arith.constant 0 : i32
    %dma_start3A_181 = tpu.memref_slice %arg3[%dma_start3A_179, %dma_start3A_180] : memref<260000x64xf32, #tpu.memory_space<hbm>> -> memref<260000x64xf32, #tpu.memory_space<hbm>>
    tpu.enqueue_indirect_dma source(%dma_start3A_181 : memref<260000x64xf32, #tpu.memory_space<hbm>>) target(%dma_start3A_175 : memref<104x64xf32, #tpu.memory_space<vmem>>) offsets(%dma_start3A_178 : memref<104xi32, #tpu.memory_space<vmem>>) semaphore(%arg14 : memref<!tpu.dma_semaphore, #tpu.memory_space<semaphore_mem>>)
    %dma_start3A_182 = arith.constant 15 : i32
    %dma_start3A_183 = arith.constant 7 : i32
    %dma_start3A_184 = arith.constant 104 : i32
    %dma_start3A_185 = arith.constant 0 : i32
    %dma_start3A_186 = tpu.memref_slice %arg6[%dma_start3A_183, %dma_start3A_184, %dma_start3A_185] : memref<8x208x64xf32, #tpu.memory_space<vmem>> -> memref<1x104x64xf32, #tpu.memory_space<vmem>>
    %dma_start3A_187 = tpu.memref_squeeze %dma_start3A_186 : memref<1x104x64xf32, #tpu.memory_space<vmem>> -> memref<104x64xf32, #tpu.memory_space<vmem>>
    %dma_start3A_188 = arith.constant 0 : i32
    %dma_start3A_189 = tpu.memref_slice %arg5[%dma_start3A_182, %dma_start3A_188] : memref<64x104xi32, #tpu.memory_space<vmem>> -> memref<1x104xi32, #tpu.memory_space<vmem>>
    %dma_start3A_190 = tpu.memref_squeeze %dma_start3A_189 : memref<1x104xi32, #tpu.memory_space<vmem>> -> memref<104xi32, #tpu.memory_space<vmem>>
    %dma_start3A_191 = arith.constant 0 : i32
    %dma_start3A_192 = arith.constant 0 : i32
    %dma_start3A_193 = tpu.memref_slice %arg3[%dma_start3A_191, %dma_start3A_192] : memref<260000x64xf32, #tpu.memory_space<hbm>> -> memref<260000x64xf32, #tpu.memory_space<hbm>>
    tpu.enqueue_indirect_dma source(%dma_start3A_193 : memref<260000x64xf32, #tpu.memory_space<hbm>>) target(%dma_start3A_187 : memref<104x64xf32, #tpu.memory_space<vmem>>) offsets(%dma_start3A_190 : memref<104xi32, #tpu.memory_space<vmem>>) semaphore(%arg14 : memref<!tpu.dma_semaphore, #tpu.memory_space<semaphore_mem>>)
    %scan3A = arith.constant 0 : i32
    %scan3A_194 = arith.constant 0 : i32
    %scan3A_195 = arith.constant 4 : i32
    %scan3A_196 = arith.addi %scan3A_194, %scan3A_195 : i32
    %scan3A_197 = arith.constant 1 : i32
    scf.for %scan3A_318 = %scan3A_194 to %scan3A_196 step %scan3A_197  : i32 {
      %mul3A_319 = arith.constant 8 : i32
      %mul3A_320 = arith.muli %mul3A_319, %scan3A_318 : i32
      %add3A_321 = arith.constant 0 : i32
      %add3A_322 = arith.addi %mul3A_320, %add3A_321 : i32
      %dma_wait3A_323 = arith.constant 0 : i32
      %dma_wait3A_324 = arith.constant 0 : i32
      %dma_wait3A_325 = arith.constant 0 : i32
      %dma_wait3A_326 = arith.constant 0 : i32
      %dma_wait3A_327 = tpu.memref_slice %arg6[%dma_wait3A_324, %dma_wait3A_325, %dma_wait3A_326] : memref<8x208x64xf32, #tpu.memory_space<vmem>> -> memref<1x104x64xf32, #tpu.memory_space<vmem>>
      %dma_wait3A_328 = tpu.memref_squeeze %dma_wait3A_327 : memref<1x104x64xf32, #tpu.memory_space<vmem>> -> memref<104x64xf32, #tpu.memory_space<vmem>>
      %dma_wait3A_329 = arith.constant 0 : i32
      %dma_wait3A_330 = tpu.memref_slice %arg5[%dma_wait3A_323, %dma_wait3A_329] : memref<64x104xi32, #tpu.memory_space<vmem>> -> memref<1x104xi32, #tpu.memory_space<vmem>>
      %dma_wait3A_331 = tpu.memref_squeeze %dma_wait3A_330 : memref<1x104xi32, #tpu.memory_space<vmem>> -> memref<104xi32, #tpu.memory_space<vmem>>
      %dma_wait3A_332 = arith.constant 0 : i32
      %dma_wait3A_333 = arith.constant 0 : i32
      %dma_wait3A_334 = tpu.memref_slice %arg3[%dma_wait3A_332, %dma_wait3A_333] : memref<260000x64xf32, #tpu.memory_space<hbm>> -> memref<260000x64xf32, #tpu.memory_space<hbm>>
      tpu.wait_indirect_dma semaphore(%arg7 : memref<!tpu.dma_semaphore, #tpu.memory_space<semaphore_mem>>) src(%dma_wait3A_334 : memref<260000x64xf32, #tpu.memory_space<hbm>>) dst(%dma_wait3A_328 : memref<104x64xf32, #tpu.memory_space<vmem>>)
      %dma_wait3A_335 = arith.constant 0 : i32
      %dma_wait3A_336 = arith.constant 0 : i32
      %dma_wait3A_337 = arith.constant 104 : i32
      %dma_wait3A_338 = arith.constant 0 : i32
      %dma_wait3A_339 = tpu.memref_slice %arg6[%dma_wait3A_336, %dma_wait3A_337, %dma_wait3A_338] : memref<8x208x64xf32, #tpu.memory_space<vmem>> -> memref<1x104x64xf32, #tpu.memory_space<vmem>>
      %dma_wait3A_340 = tpu.memref_squeeze %dma_wait3A_339 : memref<1x104x64xf32, #tpu.memory_space<vmem>> -> memref<104x64xf32, #tpu.memory_space<vmem>>
      %dma_wait3A_341 = arith.constant 0 : i32
      %dma_wait3A_342 = tpu.memref_slice %arg5[%dma_wait3A_335, %dma_wait3A_341] : memref<64x104xi32, #tpu.memory_space<vmem>> -> memref<1x104xi32, #tpu.memory_space<vmem>>
      %dma_wait3A_343 = tpu.memref_squeeze %dma_wait3A_342 : memref<1x104xi32, #tpu.memory_space<vmem>> -> memref<104xi32, #tpu.memory_space<vmem>>
      %dma_wait3A_344 = arith.constant 0 : i32
      %dma_wait3A_345 = arith.constant 0 : i32
      %dma_wait3A_346 = tpu.memref_slice %arg3[%dma_wait3A_344, %dma_wait3A_345] : memref<260000x64xf32, #tpu.memory_space<hbm>> -> memref<260000x64xf32, #tpu.memory_space<hbm>>
      tpu.wait_indirect_dma semaphore(%arg7 : memref<!tpu.dma_semaphore, #tpu.memory_space<semaphore_mem>>) src(%dma_wait3A_346 : memref<260000x64xf32, #tpu.memory_space<hbm>>) dst(%dma_wait3A_340 : memref<104x64xf32, #tpu.memory_space<vmem>>)
      %mul3A_347 = arith.constant 256 : i32
      %mul3A_348 = arith.muli %add3A, %mul3A_347 : i32
      %mul3A_349 = arith.constant 26 : i32
      %mul3A_350 = arith.muli %mul3A_348, %mul3A_349 : i32
      %mul3A_351 = arith.constant 208 : i32
      %mul3A_352 = arith.muli %add3A_322, %mul3A_351 : i32
      %add3A_353 = arith.addi %mul3A_350, %mul3A_352 : i32
      %dma_start3A_354 = arith.constant 0 : i32
      %dma_start3A_355 = arith.constant 0 : i32
      %dma_start3A_356 = arith.constant 0 : i32
      %dma_start3A_357 = tpu.memref_slice %arg6[%dma_start3A_354, %dma_start3A_355, %dma_start3A_356] : memref<8x208x64xf32, #tpu.memory_space<vmem>> -> memref<1x208x64xf32, #tpu.memory_space<vmem>>
      %dma_start3A_358 = tpu.memref_squeeze %dma_start3A_357 : memref<1x208x64xf32, #tpu.memory_space<vmem>> -> memref<208x64xf32, #tpu.memory_space<vmem>>
      %dma_start3A_359 = arith.constant 0 : i32
      %dma_start3A_360 = tpu.memref_slice %arg4[%add3A_353, %dma_start3A_359] : memref<212992x64xf32, #tpu.memory_space<hbm>> -> memref<208x64xf32, #tpu.memory_space<hbm>>
      %dma_start3A_361 = arith.constant 0 : i32
      %dma_start3A_362 = tpu.memref_slice %arg4[%add3A_353, %dma_start3A_361] : memref<212992x64xf32, #tpu.memory_space<hbm>> -> memref<208x64xf32, #tpu.memory_space<hbm>>
      %dma_start3A_363 = arith.constant 0 : i32
      %dma_start3A_364 = arith.constant 0 : i32
      %dma_start3A_365 = tpu.memref_slice %arg6[%dma_start3A_354, %dma_start3A_363, %dma_start3A_364] : memref<8x208x64xf32, #tpu.memory_space<vmem>> -> memref<1x208x64xf32, #tpu.memory_space<vmem>>
      %dma_start3A_366 = tpu.memref_squeeze %dma_start3A_365 : memref<1x208x64xf32, #tpu.memory_space<vmem>> -> memref<208x64xf32, #tpu.memory_space<vmem>>
      tpu.enqueue_dma source(%dma_start3A_366 : memref<208x64xf32, #tpu.memory_space<vmem>>) target(%dma_start3A_362 : memref<208x64xf32, #tpu.memory_space<hbm>>) target_semaphore(%arg15 : memref<!tpu.dma_semaphore, #tpu.memory_space<semaphore_mem>>)
      %ge3A = arith.constant 6 : i32
      %ge3A_367 = arith.cmpi sge, %add3A_322, %ge3A : i32
      %add3A_368 = arith.constant 2 : i32
      %add3A_369 = arith.addi %add3A_322, %add3A_368 : i32
      %lt3A = arith.constant 32 : i32
      %lt3A_370 = arith.cmpi slt, %add3A_369, %lt3A : i32
      %and3A = arith.andi %ge3A_367, %lt3A_370 : i1
      %convert_element_type3A = arith.extui %and3A : i1 to i32
      %cond3A = arith.constant 0 : i32
      %cond3A_371 = arith.cmpi ne, %convert_element_type3A, %cond3A : i32
      scf.if %cond3A_371 {
        %dma_wait3A_778 = arith.constant 2 : i32
        %dma_wait3A_779 = arith.constant 0 : i32
        %dma_wait3A_780 = arith.constant 0 : i32
        %dma_wait3A_781 = tpu.memref_slice %arg6[%dma_wait3A_778, %dma_wait3A_779, %dma_wait3A_780] : memref<8x208x64xf32, #tpu.memory_space<vmem>> -> memref<1x208x64xf32, #tpu.memory_space<vmem>>
        %dma_wait3A_782 = tpu.memref_squeeze %dma_wait3A_781 : memref<1x208x64xf32, #tpu.memory_space<vmem>> -> memref<208x64xf32, #tpu.memory_space<vmem>>
        %dma_wait3A_783 = arith.constant 0 : i32
        %dma_wait3A_784 = arith.constant 0 : i32
        %dma_wait3A_785 = tpu.memref_slice %arg4[%dma_wait3A_783, %dma_wait3A_784] : memref<212992x64xf32, #tpu.memory_space<hbm>> -> memref<208x64xf32, #tpu.memory_space<hbm>>
        %dma_wait3A_786 = arith.constant 0 : i32
        %dma_wait3A_787 = arith.constant 0 : i32
        %dma_wait3A_788 = tpu.memref_slice %arg4[%dma_wait3A_786, %dma_wait3A_787] : memref<212992x64xf32, #tpu.memory_space<hbm>> -> memref<208x64xf32, #tpu.memory_space<hbm>>
        %dma_wait3A_789 = arith.constant 0 : i32
        %dma_wait3A_790 = arith.constant 0 : i32
        %dma_wait3A_791 = tpu.memref_slice %arg6[%dma_wait3A_778, %dma_wait3A_789, %dma_wait3A_790] : memref<8x208x64xf32, #tpu.memory_space<vmem>> -> memref<1x208x64xf32, #tpu.memory_space<vmem>>
        %dma_wait3A_792 = tpu.memref_squeeze %dma_wait3A_791 : memref<1x208x64xf32, #tpu.memory_space<vmem>> -> memref<208x64xf32, #tpu.memory_space<vmem>>
        tpu.wait_dma2 semaphore(%arg17 : memref<!tpu.dma_semaphore, #tpu.memory_space<semaphore_mem>>) src(%dma_wait3A_792 : memref<208x64xf32, #tpu.memory_space<vmem>>) dst(%dma_wait3A_788 : memref<208x64xf32, #tpu.memory_space<hbm>>)
        %add3A_793 = arith.constant 2 : i32
        %add3A_794 = arith.addi %add3A_322, %add3A_793 : i32
        %mul3A_795 = arith.constant 2 : i32
        %mul3A_796 = arith.muli %add3A_794, %mul3A_795 : i32
        %add3A_797 = arith.constant 0 : i32
        %add3A_798 = arith.addi %mul3A_796, %add3A_797 : i32
        %dma_start3A_799 = arith.constant 2 : i32
        %dma_start3A_800 = arith.constant 0 : i32
        %dma_start3A_801 = arith.constant 0 : i32
        %dma_start3A_802 = tpu.memref_slice %arg6[%dma_start3A_799, %dma_start3A_800, %dma_start3A_801] : memref<8x208x64xf32, #tpu.memory_space<vmem>> -> memref<1x104x64xf32, #tpu.memory_space<vmem>>
        %dma_start3A_803 = tpu.memref_squeeze %dma_start3A_802 : memref<1x104x64xf32, #tpu.memory_space<vmem>> -> memref<104x64xf32, #tpu.memory_space<vmem>>
        %dma_start3A_804 = arith.constant 0 : i32
        %dma_start3A_805 = tpu.memref_slice %arg5[%add3A_798, %dma_start3A_804] : memref<64x104xi32, #tpu.memory_space<vmem>> -> memref<1x104xi32, #tpu.memory_space<vmem>>
        %dma_start3A_806 = tpu.memref_squeeze %dma_start3A_805 : memref<1x104xi32, #tpu.memory_space<vmem>> -> memref<104xi32, #tpu.memory_space<vmem>>
        %dma_start3A_807 = arith.constant 0 : i32
        %dma_start3A_808 = arith.constant 0 : i32
        %dma_start3A_809 = tpu.memref_slice %arg3[%dma_start3A_807, %dma_start3A_808] : memref<260000x64xf32, #tpu.memory_space<hbm>> -> memref<260000x64xf32, #tpu.memory_space<hbm>>
        tpu.enqueue_indirect_dma source(%dma_start3A_809 : memref<260000x64xf32, #tpu.memory_space<hbm>>) target(%dma_start3A_803 : memref<104x64xf32, #tpu.memory_space<vmem>>) offsets(%dma_start3A_806 : memref<104xi32, #tpu.memory_space<vmem>>) semaphore(%arg9 : memref<!tpu.dma_semaphore, #tpu.memory_space<semaphore_mem>>)
        %mul3A_810 = arith.constant 2 : i32
        %mul3A_811 = arith.muli %add3A_794, %mul3A_810 : i32
        %add3A_812 = arith.constant 1 : i32
        %add3A_813 = arith.addi %mul3A_811, %add3A_812 : i32
        %dma_start3A_814 = arith.constant 2 : i32
        %dma_start3A_815 = arith.constant 104 : i32
        %dma_start3A_816 = arith.constant 0 : i32
        %dma_start3A_817 = tpu.memref_slice %arg6[%dma_start3A_814, %dma_start3A_815, %dma_start3A_816] : memref<8x208x64xf32, #tpu.memory_space<vmem>> -> memref<1x104x64xf32, #tpu.memory_space<vmem>>
        %dma_start3A_818 = tpu.memref_squeeze %dma_start3A_817 : memref<1x104x64xf32, #tpu.memory_space<vmem>> -> memref<104x64xf32, #tpu.memory_space<vmem>>
        %dma_start3A_819 = arith.constant 0 : i32
        %dma_start3A_820 = tpu.memref_slice %arg5[%add3A_813, %dma_start3A_819] : memref<64x104xi32, #tpu.memory_space<vmem>> -> memref<1x104xi32, #tpu.memory_space<vmem>>
        %dma_start3A_821 = tpu.memref_squeeze %dma_start3A_820 : memref<1x104xi32, #tpu.memory_space<vmem>> -> memref<104xi32, #tpu.memory_space<vmem>>
        %dma_start3A_822 = arith.constant 0 : i32
        %dma_start3A_823 = arith.constant 0 : i32
        %dma_start3A_824 = tpu.memref_slice %arg3[%dma_start3A_822, %dma_start3A_823] : memref<260000x64xf32, #tpu.memory_space<hbm>> -> memref<260000x64xf32, #tpu.memory_space<hbm>>
        tpu.enqueue_indirect_dma source(%dma_start3A_824 : memref<260000x64xf32, #tpu.memory_space<hbm>>) target(%dma_start3A_818 : memref<104x64xf32, #tpu.memory_space<vmem>>) offsets(%dma_start3A_821 : memref<104xi32, #tpu.memory_space<vmem>>) semaphore(%arg9 : memref<!tpu.dma_semaphore, #tpu.memory_space<semaphore_mem>>)
      } else {
      }
      %mul3A_372 = arith.constant 8 : i32
      %mul3A_373 = arith.muli %mul3A_372, %scan3A_318 : i32
      %add3A_374 = arith.constant 1 : i32
      %add3A_375 = arith.addi %mul3A_373, %add3A_374 : i32
      %dma_wait3A_376 = arith.constant 0 : i32
      %dma_wait3A_377 = arith.constant 1 : i32
      %dma_wait3A_378 = arith.constant 0 : i32
      %dma_wait3A_379 = arith.constant 0 : i32
      %dma_wait3A_380 = tpu.memref_slice %arg6[%dma_wait3A_377, %dma_wait3A_378, %dma_wait3A_379] : memref<8x208x64xf32, #tpu.memory_space<vmem>> -> memref<1x104x64xf32, #tpu.memory_space<vmem>>
      %dma_wait3A_381 = tpu.memref_squeeze %dma_wait3A_380 : memref<1x104x64xf32, #tpu.memory_space<vmem>> -> memref<104x64xf32, #tpu.memory_space<vmem>>
      %dma_wait3A_382 = arith.constant 0 : i32
      %dma_wait3A_383 = tpu.memref_slice %arg5[%dma_wait3A_376, %dma_wait3A_382] : memref<64x104xi32, #tpu.memory_space<vmem>> -> memref<1x104xi32, #tpu.memory_space<vmem>>
      %dma_wait3A_384 = tpu.memref_squeeze %dma_wait3A_383 : memref<1x104xi32, #tpu.memory_space<vmem>> -> memref<104xi32, #tpu.memory_space<vmem>>
      %dma_wait3A_385 = arith.constant 0 : i32
      %dma_wait3A_386 = arith.constant 0 : i32
      %dma_wait3A_387 = tpu.memref_slice %arg3[%dma_wait3A_385, %dma_wait3A_386] : memref<260000x64xf32, #tpu.memory_space<hbm>> -> memref<260000x64xf32, #tpu.memory_space<hbm>>
      tpu.wait_indirect_dma semaphore(%arg8 : memref<!tpu.dma_semaphore, #tpu.memory_space<semaphore_mem>>) src(%dma_wait3A_387 : memref<260000x64xf32, #tpu.memory_space<hbm>>) dst(%dma_wait3A_381 : memref<104x64xf32, #tpu.memory_space<vmem>>)
      %dma_wait3A_388 = arith.constant 0 : i32
      %dma_wait3A_389 = arith.constant 1 : i32
      %dma_wait3A_390 = arith.constant 104 : i32
      %dma_wait3A_391 = arith.constant 0 : i32
      %dma_wait3A_392 = tpu.memref_slice %arg6[%dma_wait3A_389, %dma_wait3A_390, %dma_wait3A_391] : memref<8x208x64xf32, #tpu.memory_space<vmem>> -> memref<1x104x64xf32, #tpu.memory_space<vmem>>
      %dma_wait3A_393 = tpu.memref_squeeze %dma_wait3A_392 : memref<1x104x64xf32, #tpu.memory_space<vmem>> -> memref<104x64xf32, #tpu.memory_space<vmem>>
      %dma_wait3A_394 = arith.constant 0 : i32
      %dma_wait3A_395 = tpu.memref_slice %arg5[%dma_wait3A_388, %dma_wait3A_394] : memref<64x104xi32, #tpu.memory_space<vmem>> -> memref<1x104xi32, #tpu.memory_space<vmem>>
      %dma_wait3A_396 = tpu.memref_squeeze %dma_wait3A_395 : memref<1x104xi32, #tpu.memory_space<vmem>> -> memref<104xi32, #tpu.memory_space<vmem>>
      %dma_wait3A_397 = arith.constant 0 : i32
      %dma_wait3A_398 = arith.constant 0 : i32
      %dma_wait3A_399 = tpu.memref_slice %arg3[%dma_wait3A_397, %dma_wait3A_398] : memref<260000x64xf32, #tpu.memory_space<hbm>> -> memref<260000x64xf32, #tpu.memory_space<hbm>>
      tpu.wait_indirect_dma semaphore(%arg8 : memref<!tpu.dma_semaphore, #tpu.memory_space<semaphore_mem>>) src(%dma_wait3A_399 : memref<260000x64xf32, #tpu.memory_space<hbm>>) dst(%dma_wait3A_393 : memref<104x64xf32, #tpu.memory_space<vmem>>)
      %mul3A_400 = arith.constant 256 : i32
      %mul3A_401 = arith.muli %add3A, %mul3A_400 : i32
      %mul3A_402 = arith.constant 26 : i32
      %mul3A_403 = arith.muli %mul3A_401, %mul3A_402 : i32
      %mul3A_404 = arith.constant 208 : i32
      %mul3A_405 = arith.muli %add3A_375, %mul3A_404 : i32
      %add3A_406 = arith.addi %mul3A_403, %mul3A_405 : i32
      %dma_start3A_407 = arith.constant 1 : i32
      %dma_start3A_408 = arith.constant 0 : i32
      %dma_start3A_409 = arith.constant 0 : i32
      %dma_start3A_410 = tpu.memref_slice %arg6[%dma_start3A_407, %dma_start3A_408, %dma_start3A_409] : memref<8x208x64xf32, #tpu.memory_space<vmem>> -> memref<1x208x64xf32, #tpu.memory_space<vmem>>
      %dma_start3A_411 = tpu.memref_squeeze %dma_start3A_410 : memref<1x208x64xf32, #tpu.memory_space<vmem>> -> memref<208x64xf32, #tpu.memory_space<vmem>>
      %dma_start3A_412 = arith.constant 0 : i32
      %dma_start3A_413 = tpu.memref_slice %arg4[%add3A_406, %dma_start3A_412] : memref<212992x64xf32, #tpu.memory_space<hbm>> -> memref<208x64xf32, #tpu.memory_space<hbm>>
      %dma_start3A_414 = arith.constant 0 : i32
      %dma_start3A_415 = tpu.memref_slice %arg4[%add3A_406, %dma_start3A_414] : memref<212992x64xf32, #tpu.memory_space<hbm>> -> memref<208x64xf32, #tpu.memory_space<hbm>>
      %dma_start3A_416 = arith.constant 0 : i32
      %dma_start3A_417 = arith.constant 0 : i32
      %dma_start3A_418 = tpu.memref_slice %arg6[%dma_start3A_407, %dma_start3A_416, %dma_start3A_417] : memref<8x208x64xf32, #tpu.memory_space<vmem>> -> memref<1x208x64xf32, #tpu.memory_space<vmem>>
      %dma_start3A_419 = tpu.memref_squeeze %dma_start3A_418 : memref<1x208x64xf32, #tpu.memory_space<vmem>> -> memref<208x64xf32, #tpu.memory_space<vmem>>
      tpu.enqueue_dma source(%dma_start3A_419 : memref<208x64xf32, #tpu.memory_space<vmem>>) target(%dma_start3A_415 : memref<208x64xf32, #tpu.memory_space<hbm>>) target_semaphore(%arg16 : memref<!tpu.dma_semaphore, #tpu.memory_space<semaphore_mem>>)
      %ge3A_420 = arith.constant 6 : i32
      %ge3A_421 = arith.cmpi sge, %add3A_375, %ge3A_420 : i32
      %add3A_422 = arith.constant 2 : i32
      %add3A_423 = arith.addi %add3A_375, %add3A_422 : i32
      %lt3A_424 = arith.constant 32 : i32
      %lt3A_425 = arith.cmpi slt, %add3A_423, %lt3A_424 : i32
      %and3A_426 = arith.andi %ge3A_421, %lt3A_425 : i1
      %convert_element_type3A_427 = arith.extui %and3A_426 : i1 to i32
      %cond3A_428 = arith.constant 0 : i32
      %cond3A_429 = arith.cmpi ne, %convert_element_type3A_427, %cond3A_428 : i32
      scf.if %cond3A_429 {
        %dma_wait3A_778 = arith.constant 3 : i32
        %dma_wait3A_779 = arith.constant 0 : i32
        %dma_wait3A_780 = arith.constant 0 : i32
        %dma_wait3A_781 = tpu.memref_slice %arg6[%dma_wait3A_778, %dma_wait3A_779, %dma_wait3A_780] : memref<8x208x64xf32, #tpu.memory_space<vmem>> -> memref<1x208x64xf32, #tpu.memory_space<vmem>>
        %dma_wait3A_782 = tpu.memref_squeeze %dma_wait3A_781 : memref<1x208x64xf32, #tpu.memory_space<vmem>> -> memref<208x64xf32, #tpu.memory_space<vmem>>
        %dma_wait3A_783 = arith.constant 0 : i32
        %dma_wait3A_784 = arith.constant 0 : i32
        %dma_wait3A_785 = tpu.memref_slice %arg4[%dma_wait3A_783, %dma_wait3A_784] : memref<212992x64xf32, #tpu.memory_space<hbm>> -> memref<208x64xf32, #tpu.memory_space<hbm>>
        %dma_wait3A_786 = arith.constant 0 : i32
        %dma_wait3A_787 = arith.constant 0 : i32
        %dma_wait3A_788 = tpu.memref_slice %arg4[%dma_wait3A_786, %dma_wait3A_787] : memref<212992x64xf32, #tpu.memory_space<hbm>> -> memref<208x64xf32, #tpu.memory_space<hbm>>
        %dma_wait3A_789 = arith.constant 0 : i32
        %dma_wait3A_790 = arith.constant 0 : i32
        %dma_wait3A_791 = tpu.memref_slice %arg6[%dma_wait3A_778, %dma_wait3A_789, %dma_wait3A_790] : memref<8x208x64xf32, #tpu.memory_space<vmem>> -> memref<1x208x64xf32, #tpu.memory_space<vmem>>
        %dma_wait3A_792 = tpu.memref_squeeze %dma_wait3A_791 : memref<1x208x64xf32, #tpu.memory_space<vmem>> -> memref<208x64xf32, #tpu.memory_space<vmem>>
        tpu.wait_dma2 semaphore(%arg18 : memref<!tpu.dma_semaphore, #tpu.memory_space<semaphore_mem>>) src(%dma_wait3A_792 : memref<208x64xf32, #tpu.memory_space<vmem>>) dst(%dma_wait3A_788 : memref<208x64xf32, #tpu.memory_space<hbm>>)
        %add3A_793 = arith.constant 2 : i32
        %add3A_794 = arith.addi %add3A_375, %add3A_793 : i32
        %mul3A_795 = arith.constant 2 : i32
        %mul3A_796 = arith.muli %add3A_794, %mul3A_795 : i32
        %add3A_797 = arith.constant 0 : i32
        %add3A_798 = arith.addi %mul3A_796, %add3A_797 : i32
        %dma_start3A_799 = arith.constant 3 : i32
        %dma_start3A_800 = arith.constant 0 : i32
        %dma_start3A_801 = arith.constant 0 : i32
        %dma_start3A_802 = tpu.memref_slice %arg6[%dma_start3A_799, %dma_start3A_800, %dma_start3A_801] : memref<8x208x64xf32, #tpu.memory_space<vmem>> -> memref<1x104x64xf32, #tpu.memory_space<vmem>>
        %dma_start3A_803 = tpu.memref_squeeze %dma_start3A_802 : memref<1x104x64xf32, #tpu.memory_space<vmem>> -> memref<104x64xf32, #tpu.memory_space<vmem>>
        %dma_start3A_804 = arith.constant 0 : i32
        %dma_start3A_805 = tpu.memref_slice %arg5[%add3A_798, %dma_start3A_804] : memref<64x104xi32, #tpu.memory_space<vmem>> -> memref<1x104xi32, #tpu.memory_space<vmem>>
        %dma_start3A_806 = tpu.memref_squeeze %dma_start3A_805 : memref<1x104xi32, #tpu.memory_space<vmem>> -> memref<104xi32, #tpu.memory_space<vmem>>
        %dma_start3A_807 = arith.constant 0 : i32
        %dma_start3A_808 = arith.constant 0 : i32
        %dma_start3A_809 = tpu.memref_slice %arg3[%dma_start3A_807, %dma_start3A_808] : memref<260000x64xf32, #tpu.memory_space<hbm>> -> memref<260000x64xf32, #tpu.memory_space<hbm>>
        tpu.enqueue_indirect_dma source(%dma_start3A_809 : memref<260000x64xf32, #tpu.memory_space<hbm>>) target(%dma_start3A_803 : memref<104x64xf32, #tpu.memory_space<vmem>>) offsets(%dma_start3A_806 : memref<104xi32, #tpu.memory_space<vmem>>) semaphore(%arg10 : memref<!tpu.dma_semaphore, #tpu.memory_space<semaphore_mem>>)
        %mul3A_810 = arith.constant 2 : i32
        %mul3A_811 = arith.muli %add3A_794, %mul3A_810 : i32
        %add3A_812 = arith.constant 1 : i32
        %add3A_813 = arith.addi %mul3A_811, %add3A_812 : i32
        %dma_start3A_814 = arith.constant 3 : i32
        %dma_start3A_815 = arith.constant 104 : i32
        %dma_start3A_816 = arith.constant 0 : i32
        %dma_start3A_817 = tpu.memref_slice %arg6[%dma_start3A_814, %dma_start3A_815, %dma_start3A_816] : memref<8x208x64xf32, #tpu.memory_space<vmem>> -> memref<1x104x64xf32, #tpu.memory_space<vmem>>
        %dma_start3A_818 = tpu.memref_squeeze %dma_start3A_817 : memref<1x104x64xf32, #tpu.memory_space<vmem>> -> memref<104x64xf32, #tpu.memory_space<vmem>>
        %dma_start3A_819 = arith.constant 0 : i32
        %dma_start3A_820 = tpu.memref_slice %arg5[%add3A_813, %dma_start3A_819] : memref<64x104xi32, #tpu.memory_space<vmem>> -> memref<1x104xi32, #tpu.memory_space<vmem>>
        %dma_start3A_821 = tpu.memref_squeeze %dma_start3A_820 : memref<1x104xi32, #tpu.memory_space<vmem>> -> memref<104xi32, #tpu.memory_space<vmem>>
        %dma_start3A_822 = arith.constant 0 : i32
        %dma_start3A_823 = arith.constant 0 : i32
        %dma_start3A_824 = tpu.memref_slice %arg3[%dma_start3A_822, %dma_start3A_823] : memref<260000x64xf32, #tpu.memory_space<hbm>> -> memref<260000x64xf32, #tpu.memory_space<hbm>>
        tpu.enqueue_indirect_dma source(%dma_start3A_824 : memref<260000x64xf32, #tpu.memory_space<hbm>>) target(%dma_start3A_818 : memref<104x64xf32, #tpu.memory_space<vmem>>) offsets(%dma_start3A_821 : memref<104xi32, #tpu.memory_space<vmem>>) semaphore(%arg10 : memref<!tpu.dma_semaphore, #tpu.memory_space<semaphore_mem>>)
      } else {
      }
      %mul3A_430 = arith.constant 8 : i32
      %mul3A_431 = arith.muli %mul3A_430, %scan3A_318 : i32
      %add3A_432 = arith.constant 2 : i32
      %add3A_433 = arith.addi %mul3A_431, %add3A_432 : i32
      %dma_wait3A_434 = arith.constant 0 : i32
      %dma_wait3A_435 = arith.constant 2 : i32
      %dma_wait3A_436 = arith.constant 0 : i32
      %dma_wait3A_437 = arith.constant 0 : i32
      %dma_wait3A_438 = tpu.memref_slice %arg6[%dma_wait3A_435, %dma_wait3A_436, %dma_wait3A_437] : memref<8x208x64xf32, #tpu.memory_space<vmem>> -> memref<1x104x64xf32, #tpu.memory_space<vmem>>
      %dma_wait3A_439 = tpu.memref_squeeze %dma_wait3A_438 : memref<1x104x64xf32, #tpu.memory_space<vmem>> -> memref<104x64xf32, #tpu.memory_space<vmem>>
      %dma_wait3A_440 = arith.constant 0 : i32
      %dma_wait3A_441 = tpu.memref_slice %arg5[%dma_wait3A_434, %dma_wait3A_440] : memref<64x104xi32, #tpu.memory_space<vmem>> -> memref<1x104xi32, #tpu.memory_space<vmem>>
      %dma_wait3A_442 = tpu.memref_squeeze %dma_wait3A_441 : memref<1x104xi32, #tpu.memory_space<vmem>> -> memref<104xi32, #tpu.memory_space<vmem>>
      %dma_wait3A_443 = arith.constant 0 : i32
      %dma_wait3A_444 = arith.constant 0 : i32
      %dma_wait3A_445 = tpu.memref_slice %arg3[%dma_wait3A_443, %dma_wait3A_444] : memref<260000x64xf32, #tpu.memory_space<hbm>> -> memref<260000x64xf32, #tpu.memory_space<hbm>>
      tpu.wait_indirect_dma semaphore(%arg9 : memref<!tpu.dma_semaphore, #tpu.memory_space<semaphore_mem>>) src(%dma_wait3A_445 : memref<260000x64xf32, #tpu.memory_space<hbm>>) dst(%dma_wait3A_439 : memref<104x64xf32, #tpu.memory_space<vmem>>)
      %dma_wait3A_446 = arith.constant 0 : i32
      %dma_wait3A_447 = arith.constant 2 : i32
      %dma_wait3A_448 = arith.constant 104 : i32
      %dma_wait3A_449 = arith.constant 0 : i32
      %dma_wait3A_450 = tpu.memref_slice %arg6[%dma_wait3A_447, %dma_wait3A_448, %dma_wait3A_449] : memref<8x208x64xf32, #tpu.memory_space<vmem>> -> memref<1x104x64xf32, #tpu.memory_space<vmem>>
      %dma_wait3A_451 = tpu.memref_squeeze %dma_wait3A_450 : memref<1x104x64xf32, #tpu.memory_space<vmem>> -> memref<104x64xf32, #tpu.memory_space<vmem>>
      %dma_wait3A_452 = arith.constant 0 : i32
      %dma_wait3A_453 = tpu.memref_slice %arg5[%dma_wait3A_446, %dma_wait3A_452] : memref<64x104xi32, #tpu.memory_space<vmem>> -> memref<1x104xi32, #tpu.memory_space<vmem>>
      %dma_wait3A_454 = tpu.memref_squeeze %dma_wait3A_453 : memref<1x104xi32, #tpu.memory_space<vmem>> -> memref<104xi32, #tpu.memory_space<vmem>>
      %dma_wait3A_455 = arith.constant 0 : i32
      %dma_wait3A_456 = arith.constant 0 : i32
      %dma_wait3A_457 = tpu.memref_slice %arg3[%dma_wait3A_455, %dma_wait3A_456] : memref<260000x64xf32, #tpu.memory_space<hbm>> -> memref<260000x64xf32, #tpu.memory_space<hbm>>
      tpu.wait_indirect_dma semaphore(%arg9 : memref<!tpu.dma_semaphore, #tpu.memory_space<semaphore_mem>>) src(%dma_wait3A_457 : memref<260000x64xf32, #tpu.memory_space<hbm>>) dst(%dma_wait3A_451 : memref<104x64xf32, #tpu.memory_space<vmem>>)
      %mul3A_458 = arith.constant 256 : i32
      %mul3A_459 = arith.muli %add3A, %mul3A_458 : i32
      %mul3A_460 = arith.constant 26 : i32
      %mul3A_461 = arith.muli %mul3A_459, %mul3A_460 : i32
      %mul3A_462 = arith.constant 208 : i32
      %mul3A_463 = arith.muli %add3A_433, %mul3A_462 : i32
      %add3A_464 = arith.addi %mul3A_461, %mul3A_463 : i32
      %dma_start3A_465 = arith.constant 2 : i32
      %dma_start3A_466 = arith.constant 0 : i32
      %dma_start3A_467 = arith.constant 0 : i32
      %dma_start3A_468 = tpu.memref_slice %arg6[%dma_start3A_465, %dma_start3A_466, %dma_start3A_467] : memref<8x208x64xf32, #tpu.memory_space<vmem>> -> memref<1x208x64xf32, #tpu.memory_space<vmem>>
      %dma_start3A_469 = tpu.memref_squeeze %dma_start3A_468 : memref<1x208x64xf32, #tpu.memory_space<vmem>> -> memref<208x64xf32, #tpu.memory_space<vmem>>
      %dma_start3A_470 = arith.constant 0 : i32
      %dma_start3A_471 = tpu.memref_slice %arg4[%add3A_464, %dma_start3A_470] : memref<212992x64xf32, #tpu.memory_space<hbm>> -> memref<208x64xf32, #tpu.memory_space<hbm>>
      %dma_start3A_472 = arith.constant 0 : i32
      %dma_start3A_473 = tpu.memref_slice %arg4[%add3A_464, %dma_start3A_472] : memref<212992x64xf32, #tpu.memory_space<hbm>> -> memref<208x64xf32, #tpu.memory_space<hbm>>
      %dma_start3A_474 = arith.constant 0 : i32
      %dma_start3A_475 = arith.constant 0 : i32
      %dma_start3A_476 = tpu.memref_slice %arg6[%dma_start3A_465, %dma_start3A_474, %dma_start3A_475] : memref<8x208x64xf32, #tpu.memory_space<vmem>> -> memref<1x208x64xf32, #tpu.memory_space<vmem>>
      %dma_start3A_477 = tpu.memref_squeeze %dma_start3A_476 : memref<1x208x64xf32, #tpu.memory_space<vmem>> -> memref<208x64xf32, #tpu.memory_space<vmem>>
      tpu.enqueue_dma source(%dma_start3A_477 : memref<208x64xf32, #tpu.memory_space<vmem>>) target(%dma_start3A_473 : memref<208x64xf32, #tpu.memory_space<hbm>>) target_semaphore(%arg17 : memref<!tpu.dma_semaphore, #tpu.memory_space<semaphore_mem>>)
      %ge3A_478 = arith.constant 6 : i32
      %ge3A_479 = arith.cmpi sge, %add3A_433, %ge3A_478 : i32
      %add3A_480 = arith.constant 2 : i32
      %add3A_481 = arith.addi %add3A_433, %add3A_480 : i32
      %lt3A_482 = arith.constant 32 : i32
      %lt3A_483 = arith.cmpi slt, %add3A_481, %lt3A_482 : i32
      %and3A_484 = arith.andi %ge3A_479, %lt3A_483 : i1
      %convert_element_type3A_485 = arith.extui %and3A_484 : i1 to i32
      %cond3A_486 = arith.constant 0 : i32
      %cond3A_487 = arith.cmpi ne, %convert_element_type3A_485, %cond3A_486 : i32
      scf.if %cond3A_487 {
        %dma_wait3A_778 = arith.constant 4 : i32
        %dma_wait3A_779 = arith.constant 0 : i32
        %dma_wait3A_780 = arith.constant 0 : i32
        %dma_wait3A_781 = tpu.memref_slice %arg6[%dma_wait3A_778, %dma_wait3A_779, %dma_wait3A_780] : memref<8x208x64xf32, #tpu.memory_space<vmem>> -> memref<1x208x64xf32, #tpu.memory_space<vmem>>
        %dma_wait3A_782 = tpu.memref_squeeze %dma_wait3A_781 : memref<1x208x64xf32, #tpu.memory_space<vmem>> -> memref<208x64xf32, #tpu.memory_space<vmem>>
        %dma_wait3A_783 = arith.constant 0 : i32
        %dma_wait3A_784 = arith.constant 0 : i32
        %dma_wait3A_785 = tpu.memref_slice %arg4[%dma_wait3A_783, %dma_wait3A_784] : memref<212992x64xf32, #tpu.memory_space<hbm>> -> memref<208x64xf32, #tpu.memory_space<hbm>>
        %dma_wait3A_786 = arith.constant 0 : i32
        %dma_wait3A_787 = arith.constant 0 : i32
        %dma_wait3A_788 = tpu.memref_slice %arg4[%dma_wait3A_786, %dma_wait3A_787] : memref<212992x64xf32, #tpu.memory_space<hbm>> -> memref<208x64xf32, #tpu.memory_space<hbm>>
        %dma_wait3A_789 = arith.constant 0 : i32
        %dma_wait3A_790 = arith.constant 0 : i32
        %dma_wait3A_791 = tpu.memref_slice %arg6[%dma_wait3A_778, %dma_wait3A_789, %dma_wait3A_790] : memref<8x208x64xf32, #tpu.memory_space<vmem>> -> memref<1x208x64xf32, #tpu.memory_space<vmem>>
        %dma_wait3A_792 = tpu.memref_squeeze %dma_wait3A_791 : memref<1x208x64xf32, #tpu.memory_space<vmem>> -> memref<208x64xf32, #tpu.memory_space<vmem>>
        tpu.wait_dma2 semaphore(%arg19 : memref<!tpu.dma_semaphore, #tpu.memory_space<semaphore_mem>>) src(%dma_wait3A_792 : memref<208x64xf32, #tpu.memory_space<vmem>>) dst(%dma_wait3A_788 : memref<208x64xf32, #tpu.memory_space<hbm>>)
        %add3A_793 = arith.constant 2 : i32
        %add3A_794 = arith.addi %add3A_433, %add3A_793 : i32
        %mul3A_795 = arith.constant 2 : i32
        %mul3A_796 = arith.muli %add3A_794, %mul3A_795 : i32
        %add3A_797 = arith.constant 0 : i32
        %add3A_798 = arith.addi %mul3A_796, %add3A_797 : i32
        %dma_start3A_799 = arith.constant 4 : i32
        %dma_start3A_800 = arith.constant 0 : i32
        %dma_start3A_801 = arith.constant 0 : i32
        %dma_start3A_802 = tpu.memref_slice %arg6[%dma_start3A_799, %dma_start3A_800, %dma_start3A_801] : memref<8x208x64xf32, #tpu.memory_space<vmem>> -> memref<1x104x64xf32, #tpu.memory_space<vmem>>
        %dma_start3A_803 = tpu.memref_squeeze %dma_start3A_802 : memref<1x104x64xf32, #tpu.memory_space<vmem>> -> memref<104x64xf32, #tpu.memory_space<vmem>>
        %dma_start3A_804 = arith.constant 0 : i32
        %dma_start3A_805 = tpu.memref_slice %arg5[%add3A_798, %dma_start3A_804] : memref<64x104xi32, #tpu.memory_space<vmem>> -> memref<1x104xi32, #tpu.memory_space<vmem>>
        %dma_start3A_806 = tpu.memref_squeeze %dma_start3A_805 : memref<1x104xi32, #tpu.memory_space<vmem>> -> memref<104xi32, #tpu.memory_space<vmem>>
        %dma_start3A_807 = arith.constant 0 : i32
        %dma_start3A_808 = arith.constant 0 : i32
        %dma_start3A_809 = tpu.memref_slice %arg3[%dma_start3A_807, %dma_start3A_808] : memref<260000x64xf32, #tpu.memory_space<hbm>> -> memref<260000x64xf32, #tpu.memory_space<hbm>>
        tpu.enqueue_indirect_dma source(%dma_start3A_809 : memref<260000x64xf32, #tpu.memory_space<hbm>>) target(%dma_start3A_803 : memref<104x64xf32, #tpu.memory_space<vmem>>) offsets(%dma_start3A_806 : memref<104xi32, #tpu.memory_space<vmem>>) semaphore(%arg11 : memref<!tpu.dma_semaphore, #tpu.memory_space<semaphore_mem>>)
        %mul3A_810 = arith.constant 2 : i32
        %mul3A_811 = arith.muli %add3A_794, %mul3A_810 : i32
        %add3A_812 = arith.constant 1 : i32
        %add3A_813 = arith.addi %mul3A_811, %add3A_812 : i32
        %dma_start3A_814 = arith.constant 4 : i32
        %dma_start3A_815 = arith.constant 104 : i32
        %dma_start3A_816 = arith.constant 0 : i32
        %dma_start3A_817 = tpu.memref_slice %arg6[%dma_start3A_814, %dma_start3A_815, %dma_start3A_816] : memref<8x208x64xf32, #tpu.memory_space<vmem>> -> memref<1x104x64xf32, #tpu.memory_space<vmem>>
        %dma_start3A_818 = tpu.memref_squeeze %dma_start3A_817 : memref<1x104x64xf32, #tpu.memory_space<vmem>> -> memref<104x64xf32, #tpu.memory_space<vmem>>
        %dma_start3A_819 = arith.constant 0 : i32
        %dma_start3A_820 = tpu.memref_slice %arg5[%add3A_813, %dma_start3A_819] : memref<64x104xi32, #tpu.memory_space<vmem>> -> memref<1x104xi32, #tpu.memory_space<vmem>>
        %dma_start3A_821 = tpu.memref_squeeze %dma_start3A_820 : memref<1x104xi32, #tpu.memory_space<vmem>> -> memref<104xi32, #tpu.memory_space<vmem>>
        %dma_start3A_822 = arith.constant 0 : i32
        %dma_start3A_823 = arith.constant 0 : i32
        %dma_start3A_824 = tpu.memref_slice %arg3[%dma_start3A_822, %dma_start3A_823] : memref<260000x64xf32, #tpu.memory_space<hbm>> -> memref<260000x64xf32, #tpu.memory_space<hbm>>
        tpu.enqueue_indirect_dma source(%dma_start3A_824 : memref<260000x64xf32, #tpu.memory_space<hbm>>) target(%dma_start3A_818 : memref<104x64xf32, #tpu.memory_space<vmem>>) offsets(%dma_start3A_821 : memref<104xi32, #tpu.memory_space<vmem>>) semaphore(%arg11 : memref<!tpu.dma_semaphore, #tpu.memory_space<semaphore_mem>>)
      } else {
      }
      %mul3A_488 = arith.constant 8 : i32
      %mul3A_489 = arith.muli %mul3A_488, %scan3A_318 : i32
      %add3A_490 = arith.constant 3 : i32
      %add3A_491 = arith.addi %mul3A_489, %add3A_490 : i32
      %dma_wait3A_492 = arith.constant 0 : i32
      %dma_wait3A_493 = arith.constant 3 : i32
      %dma_wait3A_494 = arith.constant 0 : i32
      %dma_wait3A_495 = arith.constant 0 : i32
      %dma_wait3A_496 = tpu.memref_slice %arg6[%dma_wait3A_493, %dma_wait3A_494, %dma_wait3A_495] : memref<8x208x64xf32, #tpu.memory_space<vmem>> -> memref<1x104x64xf32, #tpu.memory_space<vmem>>
      %dma_wait3A_497 = tpu.memref_squeeze %dma_wait3A_496 : memref<1x104x64xf32, #tpu.memory_space<vmem>> -> memref<104x64xf32, #tpu.memory_space<vmem>>
      %dma_wait3A_498 = arith.constant 0 : i32
      %dma_wait3A_499 = tpu.memref_slice %arg5[%dma_wait3A_492, %dma_wait3A_498] : memref<64x104xi32, #tpu.memory_space<vmem>> -> memref<1x104xi32, #tpu.memory_space<vmem>>
      %dma_wait3A_500 = tpu.memref_squeeze %dma_wait3A_499 : memref<1x104xi32, #tpu.memory_space<vmem>> -> memref<104xi32, #tpu.memory_space<vmem>>
      %dma_wait3A_501 = arith.constant 0 : i32
      %dma_wait3A_502 = arith.constant 0 : i32
      %dma_wait3A_503 = tpu.memref_slice %arg3[%dma_wait3A_501, %dma_wait3A_502] : memref<260000x64xf32, #tpu.memory_space<hbm>> -> memref<260000x64xf32, #tpu.memory_space<hbm>>
      tpu.wait_indirect_dma semaphore(%arg10 : memref<!tpu.dma_semaphore, #tpu.memory_space<semaphore_mem>>) src(%dma_wait3A_503 : memref<260000x64xf32, #tpu.memory_space<hbm>>) dst(%dma_wait3A_497 : memref<104x64xf32, #tpu.memory_space<vmem>>)
      %dma_wait3A_504 = arith.constant 0 : i32
      %dma_wait3A_505 = arith.constant 3 : i32
      %dma_wait3A_506 = arith.constant 104 : i32
      %dma_wait3A_507 = arith.constant 0 : i32
      %dma_wait3A_508 = tpu.memref_slice %arg6[%dma_wait3A_505, %dma_wait3A_506, %dma_wait3A_507] : memref<8x208x64xf32, #tpu.memory_space<vmem>> -> memref<1x104x64xf32, #tpu.memory_space<vmem>>
      %dma_wait3A_509 = tpu.memref_squeeze %dma_wait3A_508 : memref<1x104x64xf32, #tpu.memory_space<vmem>> -> memref<104x64xf32, #tpu.memory_space<vmem>>
      %dma_wait3A_510 = arith.constant 0 : i32
      %dma_wait3A_511 = tpu.memref_slice %arg5[%dma_wait3A_504, %dma_wait3A_510] : memref<64x104xi32, #tpu.memory_space<vmem>> -> memref<1x104xi32, #tpu.memory_space<vmem>>
      %dma_wait3A_512 = tpu.memref_squeeze %dma_wait3A_511 : memref<1x104xi32, #tpu.memory_space<vmem>> -> memref<104xi32, #tpu.memory_space<vmem>>
      %dma_wait3A_513 = arith.constant 0 : i32
      %dma_wait3A_514 = arith.constant 0 : i32
      %dma_wait3A_515 = tpu.memref_slice %arg3[%dma_wait3A_513, %dma_wait3A_514] : memref<260000x64xf32, #tpu.memory_space<hbm>> -> memref<260000x64xf32, #tpu.memory_space<hbm>>
      tpu.wait_indirect_dma semaphore(%arg10 : memref<!tpu.dma_semaphore, #tpu.memory_space<semaphore_mem>>) src(%dma_wait3A_515 : memref<260000x64xf32, #tpu.memory_space<hbm>>) dst(%dma_wait3A_509 : memref<104x64xf32, #tpu.memory_space<vmem>>)
      %mul3A_516 = arith.constant 256 : i32
      %mul3A_517 = arith.muli %add3A, %mul3A_516 : i32
      %mul3A_518 = arith.constant 26 : i32
      %mul3A_519 = arith.muli %mul3A_517, %mul3A_518 : i32
      %mul3A_520 = arith.constant 208 : i32
      %mul3A_521 = arith.muli %add3A_491, %mul3A_520 : i32
      %add3A_522 = arith.addi %mul3A_519, %mul3A_521 : i32
      %dma_start3A_523 = arith.constant 3 : i32
      %dma_start3A_524 = arith.constant 0 : i32
      %dma_start3A_525 = arith.constant 0 : i32
      %dma_start3A_526 = tpu.memref_slice %arg6[%dma_start3A_523, %dma_start3A_524, %dma_start3A_525] : memref<8x208x64xf32, #tpu.memory_space<vmem>> -> memref<1x208x64xf32, #tpu.memory_space<vmem>>
      %dma_start3A_527 = tpu.memref_squeeze %dma_start3A_526 : memref<1x208x64xf32, #tpu.memory_space<vmem>> -> memref<208x64xf32, #tpu.memory_space<vmem>>
      %dma_start3A_528 = arith.constant 0 : i32
      %dma_start3A_529 = tpu.memref_slice %arg4[%add3A_522, %dma_start3A_528] : memref<212992x64xf32, #tpu.memory_space<hbm>> -> memref<208x64xf32, #tpu.memory_space<hbm>>
      %dma_start3A_530 = arith.constant 0 : i32
      %dma_start3A_531 = tpu.memref_slice %arg4[%add3A_522, %dma_start3A_530] : memref<212992x64xf32, #tpu.memory_space<hbm>> -> memref<208x64xf32, #tpu.memory_space<hbm>>
      %dma_start3A_532 = arith.constant 0 : i32
      %dma_start3A_533 = arith.constant 0 : i32
      %dma_start3A_534 = tpu.memref_slice %arg6[%dma_start3A_523, %dma_start3A_532, %dma_start3A_533] : memref<8x208x64xf32, #tpu.memory_space<vmem>> -> memref<1x208x64xf32, #tpu.memory_space<vmem>>
      %dma_start3A_535 = tpu.memref_squeeze %dma_start3A_534 : memref<1x208x64xf32, #tpu.memory_space<vmem>> -> memref<208x64xf32, #tpu.memory_space<vmem>>
      tpu.enqueue_dma source(%dma_start3A_535 : memref<208x64xf32, #tpu.memory_space<vmem>>) target(%dma_start3A_531 : memref<208x64xf32, #tpu.memory_space<hbm>>) target_semaphore(%arg18 : memref<!tpu.dma_semaphore, #tpu.memory_space<semaphore_mem>>)
      %ge3A_536 = arith.constant 6 : i32
      %ge3A_537 = arith.cmpi sge, %add3A_491, %ge3A_536 : i32
      %add3A_538 = arith.constant 2 : i32
      %add3A_539 = arith.addi %add3A_491, %add3A_538 : i32
      %lt3A_540 = arith.constant 32 : i32
      %lt3A_541 = arith.cmpi slt, %add3A_539, %lt3A_540 : i32
      %and3A_542 = arith.andi %ge3A_537, %lt3A_541 : i1
      %convert_element_type3A_543 = arith.extui %and3A_542 : i1 to i32
      %cond3A_544 = arith.constant 0 : i32
      %cond3A_545 = arith.cmpi ne, %convert_element_type3A_543, %cond3A_544 : i32
      scf.if %cond3A_545 {
        %dma_wait3A_778 = arith.constant 5 : i32
        %dma_wait3A_779 = arith.constant 0 : i32
        %dma_wait3A_780 = arith.constant 0 : i32
        %dma_wait3A_781 = tpu.memref_slice %arg6[%dma_wait3A_778, %dma_wait3A_779, %dma_wait3A_780] : memref<8x208x64xf32, #tpu.memory_space<vmem>> -> memref<1x208x64xf32, #tpu.memory_space<vmem>>
        %dma_wait3A_782 = tpu.memref_squeeze %dma_wait3A_781 : memref<1x208x64xf32, #tpu.memory_space<vmem>> -> memref<208x64xf32, #tpu.memory_space<vmem>>
        %dma_wait3A_783 = arith.constant 0 : i32
        %dma_wait3A_784 = arith.constant 0 : i32
        %dma_wait3A_785 = tpu.memref_slice %arg4[%dma_wait3A_783, %dma_wait3A_784] : memref<212992x64xf32, #tpu.memory_space<hbm>> -> memref<208x64xf32, #tpu.memory_space<hbm>>
        %dma_wait3A_786 = arith.constant 0 : i32
        %dma_wait3A_787 = arith.constant 0 : i32
        %dma_wait3A_788 = tpu.memref_slice %arg4[%dma_wait3A_786, %dma_wait3A_787] : memref<212992x64xf32, #tpu.memory_space<hbm>> -> memref<208x64xf32, #tpu.memory_space<hbm>>
        %dma_wait3A_789 = arith.constant 0 : i32
        %dma_wait3A_790 = arith.constant 0 : i32
        %dma_wait3A_791 = tpu.memref_slice %arg6[%dma_wait3A_778, %dma_wait3A_789, %dma_wait3A_790] : memref<8x208x64xf32, #tpu.memory_space<vmem>> -> memref<1x208x64xf32, #tpu.memory_space<vmem>>
        %dma_wait3A_792 = tpu.memref_squeeze %dma_wait3A_791 : memref<1x208x64xf32, #tpu.memory_space<vmem>> -> memref<208x64xf32, #tpu.memory_space<vmem>>
        tpu.wait_dma2 semaphore(%arg20 : memref<!tpu.dma_semaphore, #tpu.memory_space<semaphore_mem>>) src(%dma_wait3A_792 : memref<208x64xf32, #tpu.memory_space<vmem>>) dst(%dma_wait3A_788 : memref<208x64xf32, #tpu.memory_space<hbm>>)
        %add3A_793 = arith.constant 2 : i32
        %add3A_794 = arith.addi %add3A_491, %add3A_793 : i32
        %mul3A_795 = arith.constant 2 : i32
        %mul3A_796 = arith.muli %add3A_794, %mul3A_795 : i32
        %add3A_797 = arith.constant 0 : i32
        %add3A_798 = arith.addi %mul3A_796, %add3A_797 : i32
        %dma_start3A_799 = arith.constant 5 : i32
        %dma_start3A_800 = arith.constant 0 : i32
        %dma_start3A_801 = arith.constant 0 : i32
        %dma_start3A_802 = tpu.memref_slice %arg6[%dma_start3A_799, %dma_start3A_800, %dma_start3A_801] : memref<8x208x64xf32, #tpu.memory_space<vmem>> -> memref<1x104x64xf32, #tpu.memory_space<vmem>>
        %dma_start3A_803 = tpu.memref_squeeze %dma_start3A_802 : memref<1x104x64xf32, #tpu.memory_space<vmem>> -> memref<104x64xf32, #tpu.memory_space<vmem>>
        %dma_start3A_804 = arith.constant 0 : i32
        %dma_start3A_805 = tpu.memref_slice %arg5[%add3A_798, %dma_start3A_804] : memref<64x104xi32, #tpu.memory_space<vmem>> -> memref<1x104xi32, #tpu.memory_space<vmem>>
        %dma_start3A_806 = tpu.memref_squeeze %dma_start3A_805 : memref<1x104xi32, #tpu.memory_space<vmem>> -> memref<104xi32, #tpu.memory_space<vmem>>
        %dma_start3A_807 = arith.constant 0 : i32
        %dma_start3A_808 = arith.constant 0 : i32
        %dma_start3A_809 = tpu.memref_slice %arg3[%dma_start3A_807, %dma_start3A_808] : memref<260000x64xf32, #tpu.memory_space<hbm>> -> memref<260000x64xf32, #tpu.memory_space<hbm>>
        tpu.enqueue_indirect_dma source(%dma_start3A_809 : memref<260000x64xf32, #tpu.memory_space<hbm>>) target(%dma_start3A_803 : memref<104x64xf32, #tpu.memory_space<vmem>>) offsets(%dma_start3A_806 : memref<104xi32, #tpu.memory_space<vmem>>) semaphore(%arg12 : memref<!tpu.dma_semaphore, #tpu.memory_space<semaphore_mem>>)
        %mul3A_810 = arith.constant 2 : i32
        %mul3A_811 = arith.muli %add3A_794, %mul3A_810 : i32
        %add3A_812 = arith.constant 1 : i32
        %add3A_813 = arith.addi %mul3A_811, %add3A_812 : i32
        %dma_start3A_814 = arith.constant 5 : i32
        %dma_start3A_815 = arith.constant 104 : i32
        %dma_start3A_816 = arith.constant 0 : i32
        %dma_start3A_817 = tpu.memref_slice %arg6[%dma_start3A_814, %dma_start3A_815, %dma_start3A_816] : memref<8x208x64xf32, #tpu.memory_space<vmem>> -> memref<1x104x64xf32, #tpu.memory_space<vmem>>
        %dma_start3A_818 = tpu.memref_squeeze %dma_start3A_817 : memref<1x104x64xf32, #tpu.memory_space<vmem>> -> memref<104x64xf32, #tpu.memory_space<vmem>>
        %dma_start3A_819 = arith.constant 0 : i32
        %dma_start3A_820 = tpu.memref_slice %arg5[%add3A_813, %dma_start3A_819] : memref<64x104xi32, #tpu.memory_space<vmem>> -> memref<1x104xi32, #tpu.memory_space<vmem>>
        %dma_start3A_821 = tpu.memref_squeeze %dma_start3A_820 : memref<1x104xi32, #tpu.memory_space<vmem>> -> memref<104xi32, #tpu.memory_space<vmem>>
        %dma_start3A_822 = arith.constant 0 : i32
        %dma_start3A_823 = arith.constant 0 : i32
        %dma_start3A_824 = tpu.memref_slice %arg3[%dma_start3A_822, %dma_start3A_823] : memref<260000x64xf32, #tpu.memory_space<hbm>> -> memref<260000x64xf32, #tpu.memory_space<hbm>>
        tpu.enqueue_indirect_dma source(%dma_start3A_824 : memref<260000x64xf32, #tpu.memory_space<hbm>>) target(%dma_start3A_818 : memref<104x64xf32, #tpu.memory_space<vmem>>) offsets(%dma_start3A_821 : memref<104xi32, #tpu.memory_space<vmem>>) semaphore(%arg12 : memref<!tpu.dma_semaphore, #tpu.memory_space<semaphore_mem>>)
      } else {
      }
      %mul3A_546 = arith.constant 8 : i32
      %mul3A_547 = arith.muli %mul3A_546, %scan3A_318 : i32
      %add3A_548 = arith.constant 4 : i32
      %add3A_549 = arith.addi %mul3A_547, %add3A_548 : i32
      %dma_wait3A_550 = arith.constant 0 : i32
      %dma_wait3A_551 = arith.constant 4 : i32
      %dma_wait3A_552 = arith.constant 0 : i32
      %dma_wait3A_553 = arith.constant 0 : i32
      %dma_wait3A_554 = tpu.memref_slice %arg6[%dma_wait3A_551, %dma_wait3A_552, %dma_wait3A_553] : memref<8x208x64xf32, #tpu.memory_space<vmem>> -> memref<1x104x64xf32, #tpu.memory_space<vmem>>
      %dma_wait3A_555 = tpu.memref_squeeze %dma_wait3A_554 : memref<1x104x64xf32, #tpu.memory_space<vmem>> -> memref<104x64xf32, #tpu.memory_space<vmem>>
      %dma_wait3A_556 = arith.constant 0 : i32
      %dma_wait3A_557 = tpu.memref_slice %arg5[%dma_wait3A_550, %dma_wait3A_556] : memref<64x104xi32, #tpu.memory_space<vmem>> -> memref<1x104xi32, #tpu.memory_space<vmem>>
      %dma_wait3A_558 = tpu.memref_squeeze %dma_wait3A_557 : memref<1x104xi32, #tpu.memory_space<vmem>> -> memref<104xi32, #tpu.memory_space<vmem>>
      %dma_wait3A_559 = arith.constant 0 : i32
      %dma_wait3A_560 = arith.constant 0 : i32
      %dma_wait3A_561 = tpu.memref_slice %arg3[%dma_wait3A_559, %dma_wait3A_560] : memref<260000x64xf32, #tpu.memory_space<hbm>> -> memref<260000x64xf32, #tpu.memory_space<hbm>>
      tpu.wait_indirect_dma semaphore(%arg11 : memref<!tpu.dma_semaphore, #tpu.memory_space<semaphore_mem>>) src(%dma_wait3A_561 : memref<260000x64xf32, #tpu.memory_space<hbm>>) dst(%dma_wait3A_555 : memref<104x64xf32, #tpu.memory_space<vmem>>)
      %dma_wait3A_562 = arith.constant 0 : i32
      %dma_wait3A_563 = arith.constant 4 : i32
      %dma_wait3A_564 = arith.constant 104 : i32
      %dma_wait3A_565 = arith.constant 0 : i32
      %dma_wait3A_566 = tpu.memref_slice %arg6[%dma_wait3A_563, %dma_wait3A_564, %dma_wait3A_565] : memref<8x208x64xf32, #tpu.memory_space<vmem>> -> memref<1x104x64xf32, #tpu.memory_space<vmem>>
      %dma_wait3A_567 = tpu.memref_squeeze %dma_wait3A_566 : memref<1x104x64xf32, #tpu.memory_space<vmem>> -> memref<104x64xf32, #tpu.memory_space<vmem>>
      %dma_wait3A_568 = arith.constant 0 : i32
      %dma_wait3A_569 = tpu.memref_slice %arg5[%dma_wait3A_562, %dma_wait3A_568] : memref<64x104xi32, #tpu.memory_space<vmem>> -> memref<1x104xi32, #tpu.memory_space<vmem>>
      %dma_wait3A_570 = tpu.memref_squeeze %dma_wait3A_569 : memref<1x104xi32, #tpu.memory_space<vmem>> -> memref<104xi32, #tpu.memory_space<vmem>>
      %dma_wait3A_571 = arith.constant 0 : i32
      %dma_wait3A_572 = arith.constant 0 : i32
      %dma_wait3A_573 = tpu.memref_slice %arg3[%dma_wait3A_571, %dma_wait3A_572] : memref<260000x64xf32, #tpu.memory_space<hbm>> -> memref<260000x64xf32, #tpu.memory_space<hbm>>
      tpu.wait_indirect_dma semaphore(%arg11 : memref<!tpu.dma_semaphore, #tpu.memory_space<semaphore_mem>>) src(%dma_wait3A_573 : memref<260000x64xf32, #tpu.memory_space<hbm>>) dst(%dma_wait3A_567 : memref<104x64xf32, #tpu.memory_space<vmem>>)
      %mul3A_574 = arith.constant 256 : i32
      %mul3A_575 = arith.muli %add3A, %mul3A_574 : i32
      %mul3A_576 = arith.constant 26 : i32
      %mul3A_577 = arith.muli %mul3A_575, %mul3A_576 : i32
      %mul3A_578 = arith.constant 208 : i32
      %mul3A_579 = arith.muli %add3A_549, %mul3A_578 : i32
      %add3A_580 = arith.addi %mul3A_577, %mul3A_579 : i32
      %dma_start3A_581 = arith.constant 4 : i32
      %dma_start3A_582 = arith.constant 0 : i32
      %dma_start3A_583 = arith.constant 0 : i32
      %dma_start3A_584 = tpu.memref_slice %arg6[%dma_start3A_581, %dma_start3A_582, %dma_start3A_583] : memref<8x208x64xf32, #tpu.memory_space<vmem>> -> memref<1x208x64xf32, #tpu.memory_space<vmem>>
      %dma_start3A_585 = tpu.memref_squeeze %dma_start3A_584 : memref<1x208x64xf32, #tpu.memory_space<vmem>> -> memref<208x64xf32, #tpu.memory_space<vmem>>
      %dma_start3A_586 = arith.constant 0 : i32
      %dma_start3A_587 = tpu.memref_slice %arg4[%add3A_580, %dma_start3A_586] : memref<212992x64xf32, #tpu.memory_space<hbm>> -> memref<208x64xf32, #tpu.memory_space<hbm>>
      %dma_start3A_588 = arith.constant 0 : i32
      %dma_start3A_589 = tpu.memref_slice %arg4[%add3A_580, %dma_start3A_588] : memref<212992x64xf32, #tpu.memory_space<hbm>> -> memref<208x64xf32, #tpu.memory_space<hbm>>
      %dma_start3A_590 = arith.constant 0 : i32
      %dma_start3A_591 = arith.constant 0 : i32
      %dma_start3A_592 = tpu.memref_slice %arg6[%dma_start3A_581, %dma_start3A_590, %dma_start3A_591] : memref<8x208x64xf32, #tpu.memory_space<vmem>> -> memref<1x208x64xf32, #tpu.memory_space<vmem>>
      %dma_start3A_593 = tpu.memref_squeeze %dma_start3A_592 : memref<1x208x64xf32, #tpu.memory_space<vmem>> -> memref<208x64xf32, #tpu.memory_space<vmem>>
      tpu.enqueue_dma source(%dma_start3A_593 : memref<208x64xf32, #tpu.memory_space<vmem>>) target(%dma_start3A_589 : memref<208x64xf32, #tpu.memory_space<hbm>>) target_semaphore(%arg19 : memref<!tpu.dma_semaphore, #tpu.memory_space<semaphore_mem>>)
      %ge3A_594 = arith.constant 6 : i32
      %ge3A_595 = arith.cmpi sge, %add3A_549, %ge3A_594 : i32
      %add3A_596 = arith.constant 2 : i32
      %add3A_597 = arith.addi %add3A_549, %add3A_596 : i32
      %lt3A_598 = arith.constant 32 : i32
      %lt3A_599 = arith.cmpi slt, %add3A_597, %lt3A_598 : i32
      %and3A_600 = arith.andi %ge3A_595, %lt3A_599 : i1
      %convert_element_type3A_601 = arith.extui %and3A_600 : i1 to i32
      %cond3A_602 = arith.constant 0 : i32
      %cond3A_603 = arith.cmpi ne, %convert_element_type3A_601, %cond3A_602 : i32
      scf.if %cond3A_603 {
        %dma_wait3A_778 = arith.constant 6 : i32
        %dma_wait3A_779 = arith.constant 0 : i32
        %dma_wait3A_780 = arith.constant 0 : i32
        %dma_wait3A_781 = tpu.memref_slice %arg6[%dma_wait3A_778, %dma_wait3A_779, %dma_wait3A_780] : memref<8x208x64xf32, #tpu.memory_space<vmem>> -> memref<1x208x64xf32, #tpu.memory_space<vmem>>
        %dma_wait3A_782 = tpu.memref_squeeze %dma_wait3A_781 : memref<1x208x64xf32, #tpu.memory_space<vmem>> -> memref<208x64xf32, #tpu.memory_space<vmem>>
        %dma_wait3A_783 = arith.constant 0 : i32
        %dma_wait3A_784 = arith.constant 0 : i32
        %dma_wait3A_785 = tpu.memref_slice %arg4[%dma_wait3A_783, %dma_wait3A_784] : memref<212992x64xf32, #tpu.memory_space<hbm>> -> memref<208x64xf32, #tpu.memory_space<hbm>>
        %dma_wait3A_786 = arith.constant 0 : i32
        %dma_wait3A_787 = arith.constant 0 : i32
        %dma_wait3A_788 = tpu.memref_slice %arg4[%dma_wait3A_786, %dma_wait3A_787] : memref<212992x64xf32, #tpu.memory_space<hbm>> -> memref<208x64xf32, #tpu.memory_space<hbm>>
        %dma_wait3A_789 = arith.constant 0 : i32
        %dma_wait3A_790 = arith.constant 0 : i32
        %dma_wait3A_791 = tpu.memref_slice %arg6[%dma_wait3A_778, %dma_wait3A_789, %dma_wait3A_790] : memref<8x208x64xf32, #tpu.memory_space<vmem>> -> memref<1x208x64xf32, #tpu.memory_space<vmem>>
        %dma_wait3A_792 = tpu.memref_squeeze %dma_wait3A_791 : memref<1x208x64xf32, #tpu.memory_space<vmem>> -> memref<208x64xf32, #tpu.memory_space<vmem>>
        tpu.wait_dma2 semaphore(%arg21 : memref<!tpu.dma_semaphore, #tpu.memory_space<semaphore_mem>>) src(%dma_wait3A_792 : memref<208x64xf32, #tpu.memory_space<vmem>>) dst(%dma_wait3A_788 : memref<208x64xf32, #tpu.memory_space<hbm>>)
        %add3A_793 = arith.constant 2 : i32
        %add3A_794 = arith.addi %add3A_549, %add3A_793 : i32
        %mul3A_795 = arith.constant 2 : i32
        %mul3A_796 = arith.muli %add3A_794, %mul3A_795 : i32
        %add3A_797 = arith.constant 0 : i32
        %add3A_798 = arith.addi %mul3A_796, %add3A_797 : i32
        %dma_start3A_799 = arith.constant 6 : i32
        %dma_start3A_800 = arith.constant 0 : i32
        %dma_start3A_801 = arith.constant 0 : i32
        %dma_start3A_802 = tpu.memref_slice %arg6[%dma_start3A_799, %dma_start3A_800, %dma_start3A_801] : memref<8x208x64xf32, #tpu.memory_space<vmem>> -> memref<1x104x64xf32, #tpu.memory_space<vmem>>
        %dma_start3A_803 = tpu.memref_squeeze %dma_start3A_802 : memref<1x104x64xf32, #tpu.memory_space<vmem>> -> memref<104x64xf32, #tpu.memory_space<vmem>>
        %dma_start3A_804 = arith.constant 0 : i32
        %dma_start3A_805 = tpu.memref_slice %arg5[%add3A_798, %dma_start3A_804] : memref<64x104xi32, #tpu.memory_space<vmem>> -> memref<1x104xi32, #tpu.memory_space<vmem>>
        %dma_start3A_806 = tpu.memref_squeeze %dma_start3A_805 : memref<1x104xi32, #tpu.memory_space<vmem>> -> memref<104xi32, #tpu.memory_space<vmem>>
        %dma_start3A_807 = arith.constant 0 : i32
        %dma_start3A_808 = arith.constant 0 : i32
        %dma_start3A_809 = tpu.memref_slice %arg3[%dma_start3A_807, %dma_start3A_808] : memref<260000x64xf32, #tpu.memory_space<hbm>> -> memref<260000x64xf32, #tpu.memory_space<hbm>>
        tpu.enqueue_indirect_dma source(%dma_start3A_809 : memref<260000x64xf32, #tpu.memory_space<hbm>>) target(%dma_start3A_803 : memref<104x64xf32, #tpu.memory_space<vmem>>) offsets(%dma_start3A_806 : memref<104xi32, #tpu.memory_space<vmem>>) semaphore(%arg13 : memref<!tpu.dma_semaphore, #tpu.memory_space<semaphore_mem>>)
        %mul3A_810 = arith.constant 2 : i32
        %mul3A_811 = arith.muli %add3A_794, %mul3A_810 : i32
        %add3A_812 = arith.constant 1 : i32
        %add3A_813 = arith.addi %mul3A_811, %add3A_812 : i32
        %dma_start3A_814 = arith.constant 6 : i32
        %dma_start3A_815 = arith.constant 104 : i32
        %dma_start3A_816 = arith.constant 0 : i32
        %dma_start3A_817 = tpu.memref_slice %arg6[%dma_start3A_814, %dma_start3A_815, %dma_start3A_816] : memref<8x208x64xf32, #tpu.memory_space<vmem>> -> memref<1x104x64xf32, #tpu.memory_space<vmem>>
        %dma_start3A_818 = tpu.memref_squeeze %dma_start3A_817 : memref<1x104x64xf32, #tpu.memory_space<vmem>> -> memref<104x64xf32, #tpu.memory_space<vmem>>
        %dma_start3A_819 = arith.constant 0 : i32
        %dma_start3A_820 = tpu.memref_slice %arg5[%add3A_813, %dma_start3A_819] : memref<64x104xi32, #tpu.memory_space<vmem>> -> memref<1x104xi32, #tpu.memory_space<vmem>>
        %dma_start3A_821 = tpu.memref_squeeze %dma_start3A_820 : memref<1x104xi32, #tpu.memory_space<vmem>> -> memref<104xi32, #tpu.memory_space<vmem>>
        %dma_start3A_822 = arith.constant 0 : i32
        %dma_start3A_823 = arith.constant 0 : i32
        %dma_start3A_824 = tpu.memref_slice %arg3[%dma_start3A_822, %dma_start3A_823] : memref<260000x64xf32, #tpu.memory_space<hbm>> -> memref<260000x64xf32, #tpu.memory_space<hbm>>
        tpu.enqueue_indirect_dma source(%dma_start3A_824 : memref<260000x64xf32, #tpu.memory_space<hbm>>) target(%dma_start3A_818 : memref<104x64xf32, #tpu.memory_space<vmem>>) offsets(%dma_start3A_821 : memref<104xi32, #tpu.memory_space<vmem>>) semaphore(%arg13 : memref<!tpu.dma_semaphore, #tpu.memory_space<semaphore_mem>>)
      } else {
      }
      %mul3A_604 = arith.constant 8 : i32
      %mul3A_605 = arith.muli %mul3A_604, %scan3A_318 : i32
      %add3A_606 = arith.constant 5 : i32
      %add3A_607 = arith.addi %mul3A_605, %add3A_606 : i32
      %dma_wait3A_608 = arith.constant 0 : i32
      %dma_wait3A_609 = arith.constant 5 : i32
      %dma_wait3A_610 = arith.constant 0 : i32
      %dma_wait3A_611 = arith.constant 0 : i32
      %dma_wait3A_612 = tpu.memref_slice %arg6[%dma_wait3A_609, %dma_wait3A_610, %dma_wait3A_611] : memref<8x208x64xf32, #tpu.memory_space<vmem>> -> memref<1x104x64xf32, #tpu.memory_space<vmem>>
      %dma_wait3A_613 = tpu.memref_squeeze %dma_wait3A_612 : memref<1x104x64xf32, #tpu.memory_space<vmem>> -> memref<104x64xf32, #tpu.memory_space<vmem>>
      %dma_wait3A_614 = arith.constant 0 : i32
      %dma_wait3A_615 = tpu.memref_slice %arg5[%dma_wait3A_608, %dma_wait3A_614] : memref<64x104xi32, #tpu.memory_space<vmem>> -> memref<1x104xi32, #tpu.memory_space<vmem>>
      %dma_wait3A_616 = tpu.memref_squeeze %dma_wait3A_615 : memref<1x104xi32, #tpu.memory_space<vmem>> -> memref<104xi32, #tpu.memory_space<vmem>>
      %dma_wait3A_617 = arith.constant 0 : i32
      %dma_wait3A_618 = arith.constant 0 : i32
      %dma_wait3A_619 = tpu.memref_slice %arg3[%dma_wait3A_617, %dma_wait3A_618] : memref<260000x64xf32, #tpu.memory_space<hbm>> -> memref<260000x64xf32, #tpu.memory_space<hbm>>
      tpu.wait_indirect_dma semaphore(%arg12 : memref<!tpu.dma_semaphore, #tpu.memory_space<semaphore_mem>>) src(%dma_wait3A_619 : memref<260000x64xf32, #tpu.memory_space<hbm>>) dst(%dma_wait3A_613 : memref<104x64xf32, #tpu.memory_space<vmem>>)
      %dma_wait3A_620 = arith.constant 0 : i32
      %dma_wait3A_621 = arith.constant 5 : i32
      %dma_wait3A_622 = arith.constant 104 : i32
      %dma_wait3A_623 = arith.constant 0 : i32
      %dma_wait3A_624 = tpu.memref_slice %arg6[%dma_wait3A_621, %dma_wait3A_622, %dma_wait3A_623] : memref<8x208x64xf32, #tpu.memory_space<vmem>> -> memref<1x104x64xf32, #tpu.memory_space<vmem>>
      %dma_wait3A_625 = tpu.memref_squeeze %dma_wait3A_624 : memref<1x104x64xf32, #tpu.memory_space<vmem>> -> memref<104x64xf32, #tpu.memory_space<vmem>>
      %dma_wait3A_626 = arith.constant 0 : i32
      %dma_wait3A_627 = tpu.memref_slice %arg5[%dma_wait3A_620, %dma_wait3A_626] : memref<64x104xi32, #tpu.memory_space<vmem>> -> memref<1x104xi32, #tpu.memory_space<vmem>>
      %dma_wait3A_628 = tpu.memref_squeeze %dma_wait3A_627 : memref<1x104xi32, #tpu.memory_space<vmem>> -> memref<104xi32, #tpu.memory_space<vmem>>
      %dma_wait3A_629 = arith.constant 0 : i32
      %dma_wait3A_630 = arith.constant 0 : i32
      %dma_wait3A_631 = tpu.memref_slice %arg3[%dma_wait3A_629, %dma_wait3A_630] : memref<260000x64xf32, #tpu.memory_space<hbm>> -> memref<260000x64xf32, #tpu.memory_space<hbm>>
      tpu.wait_indirect_dma semaphore(%arg12 : memref<!tpu.dma_semaphore, #tpu.memory_space<semaphore_mem>>) src(%dma_wait3A_631 : memref<260000x64xf32, #tpu.memory_space<hbm>>) dst(%dma_wait3A_625 : memref<104x64xf32, #tpu.memory_space<vmem>>)
      %mul3A_632 = arith.constant 256 : i32
      %mul3A_633 = arith.muli %add3A, %mul3A_632 : i32
      %mul3A_634 = arith.constant 26 : i32
      %mul3A_635 = arith.muli %mul3A_633, %mul3A_634 : i32
      %mul3A_636 = arith.constant 208 : i32
      %mul3A_637 = arith.muli %add3A_607, %mul3A_636 : i32
      %add3A_638 = arith.addi %mul3A_635, %mul3A_637 : i32
      %dma_start3A_639 = arith.constant 5 : i32
      %dma_start3A_640 = arith.constant 0 : i32
      %dma_start3A_641 = arith.constant 0 : i32
      %dma_start3A_642 = tpu.memref_slice %arg6[%dma_start3A_639, %dma_start3A_640, %dma_start3A_641] : memref<8x208x64xf32, #tpu.memory_space<vmem>> -> memref<1x208x64xf32, #tpu.memory_space<vmem>>
      %dma_start3A_643 = tpu.memref_squeeze %dma_start3A_642 : memref<1x208x64xf32, #tpu.memory_space<vmem>> -> memref<208x64xf32, #tpu.memory_space<vmem>>
      %dma_start3A_644 = arith.constant 0 : i32
      %dma_start3A_645 = tpu.memref_slice %arg4[%add3A_638, %dma_start3A_644] : memref<212992x64xf32, #tpu.memory_space<hbm>> -> memref<208x64xf32, #tpu.memory_space<hbm>>
      %dma_start3A_646 = arith.constant 0 : i32
      %dma_start3A_647 = tpu.memref_slice %arg4[%add3A_638, %dma_start3A_646] : memref<212992x64xf32, #tpu.memory_space<hbm>> -> memref<208x64xf32, #tpu.memory_space<hbm>>
      %dma_start3A_648 = arith.constant 0 : i32
      %dma_start3A_649 = arith.constant 0 : i32
      %dma_start3A_650 = tpu.memref_slice %arg6[%dma_start3A_639, %dma_start3A_648, %dma_start3A_649] : memref<8x208x64xf32, #tpu.memory_space<vmem>> -> memref<1x208x64xf32, #tpu.memory_space<vmem>>
      %dma_start3A_651 = tpu.memref_squeeze %dma_start3A_650 : memref<1x208x64xf32, #tpu.memory_space<vmem>> -> memref<208x64xf32, #tpu.memory_space<vmem>>
      tpu.enqueue_dma source(%dma_start3A_651 : memref<208x64xf32, #tpu.memory_space<vmem>>) target(%dma_start3A_647 : memref<208x64xf32, #tpu.memory_space<hbm>>) target_semaphore(%arg20 : memref<!tpu.dma_semaphore, #tpu.memory_space<semaphore_mem>>)
      %ge3A_652 = arith.constant 6 : i32
      %ge3A_653 = arith.cmpi sge, %add3A_607, %ge3A_652 : i32
      %add3A_654 = arith.constant 2 : i32
      %add3A_655 = arith.addi %add3A_607, %add3A_654 : i32
      %lt3A_656 = arith.constant 32 : i32
      %lt3A_657 = arith.cmpi slt, %add3A_655, %lt3A_656 : i32
      %and3A_658 = arith.andi %ge3A_653, %lt3A_657 : i1
      %convert_element_type3A_659 = arith.extui %and3A_658 : i1 to i32
      %cond3A_660 = arith.constant 0 : i32
      %cond3A_661 = arith.cmpi ne, %convert_element_type3A_659, %cond3A_660 : i32
      scf.if %cond3A_661 {
        %dma_wait3A_778 = arith.constant 7 : i32
        %dma_wait3A_779 = arith.constant 0 : i32
        %dma_wait3A_780 = arith.constant 0 : i32
        %dma_wait3A_781 = tpu.memref_slice %arg6[%dma_wait3A_778, %dma_wait3A_779, %dma_wait3A_780] : memref<8x208x64xf32, #tpu.memory_space<vmem>> -> memref<1x208x64xf32, #tpu.memory_space<vmem>>
        %dma_wait3A_782 = tpu.memref_squeeze %dma_wait3A_781 : memref<1x208x64xf32, #tpu.memory_space<vmem>> -> memref<208x64xf32, #tpu.memory_space<vmem>>
        %dma_wait3A_783 = arith.constant 0 : i32
        %dma_wait3A_784 = arith.constant 0 : i32
        %dma_wait3A_785 = tpu.memref_slice %arg4[%dma_wait3A_783, %dma_wait3A_784] : memref<212992x64xf32, #tpu.memory_space<hbm>> -> memref<208x64xf32, #tpu.memory_space<hbm>>
        %dma_wait3A_786 = arith.constant 0 : i32
        %dma_wait3A_787 = arith.constant 0 : i32
        %dma_wait3A_788 = tpu.memref_slice %arg4[%dma_wait3A_786, %dma_wait3A_787] : memref<212992x64xf32, #tpu.memory_space<hbm>> -> memref<208x64xf32, #tpu.memory_space<hbm>>
        %dma_wait3A_789 = arith.constant 0 : i32
        %dma_wait3A_790 = arith.constant 0 : i32
        %dma_wait3A_791 = tpu.memref_slice %arg6[%dma_wait3A_778, %dma_wait3A_789, %dma_wait3A_790] : memref<8x208x64xf32, #tpu.memory_space<vmem>> -> memref<1x208x64xf32, #tpu.memory_space<vmem>>
        %dma_wait3A_792 = tpu.memref_squeeze %dma_wait3A_791 : memref<1x208x64xf32, #tpu.memory_space<vmem>> -> memref<208x64xf32, #tpu.memory_space<vmem>>
        tpu.wait_dma2 semaphore(%arg22 : memref<!tpu.dma_semaphore, #tpu.memory_space<semaphore_mem>>) src(%dma_wait3A_792 : memref<208x64xf32, #tpu.memory_space<vmem>>) dst(%dma_wait3A_788 : memref<208x64xf32, #tpu.memory_space<hbm>>)
        %add3A_793 = arith.constant 2 : i32
        %add3A_794 = arith.addi %add3A_607, %add3A_793 : i32
        %mul3A_795 = arith.constant 2 : i32
        %mul3A_796 = arith.muli %add3A_794, %mul3A_795 : i32
        %add3A_797 = arith.constant 0 : i32
        %add3A_798 = arith.addi %mul3A_796, %add3A_797 : i32
        %dma_start3A_799 = arith.constant 7 : i32
        %dma_start3A_800 = arith.constant 0 : i32
        %dma_start3A_801 = arith.constant 0 : i32
        %dma_start3A_802 = tpu.memref_slice %arg6[%dma_start3A_799, %dma_start3A_800, %dma_start3A_801] : memref<8x208x64xf32, #tpu.memory_space<vmem>> -> memref<1x104x64xf32, #tpu.memory_space<vmem>>
        %dma_start3A_803 = tpu.memref_squeeze %dma_start3A_802 : memref<1x104x64xf32, #tpu.memory_space<vmem>> -> memref<104x64xf32, #tpu.memory_space<vmem>>
        %dma_start3A_804 = arith.constant 0 : i32
        %dma_start3A_805 = tpu.memref_slice %arg5[%add3A_798, %dma_start3A_804] : memref<64x104xi32, #tpu.memory_space<vmem>> -> memref<1x104xi32, #tpu.memory_space<vmem>>
        %dma_start3A_806 = tpu.memref_squeeze %dma_start3A_805 : memref<1x104xi32, #tpu.memory_space<vmem>> -> memref<104xi32, #tpu.memory_space<vmem>>
        %dma_start3A_807 = arith.constant 0 : i32
        %dma_start3A_808 = arith.constant 0 : i32
        %dma_start3A_809 = tpu.memref_slice %arg3[%dma_start3A_807, %dma_start3A_808] : memref<260000x64xf32, #tpu.memory_space<hbm>> -> memref<260000x64xf32, #tpu.memory_space<hbm>>
        tpu.enqueue_indirect_dma source(%dma_start3A_809 : memref<260000x64xf32, #tpu.memory_space<hbm>>) target(%dma_start3A_803 : memref<104x64xf32, #tpu.memory_space<vmem>>) offsets(%dma_start3A_806 : memref<104xi32, #tpu.memory_space<vmem>>) semaphore(%arg14 : memref<!tpu.dma_semaphore, #tpu.memory_space<semaphore_mem>>)
        %mul3A_810 = arith.constant 2 : i32
        %mul3A_811 = arith.muli %add3A_794, %mul3A_810 : i32
        %add3A_812 = arith.constant 1 : i32
        %add3A_813 = arith.addi %mul3A_811, %add3A_812 : i32
        %dma_start3A_814 = arith.constant 7 : i32
        %dma_start3A_815 = arith.constant 104 : i32
        %dma_start3A_816 = arith.constant 0 : i32
        %dma_start3A_817 = tpu.memref_slice %arg6[%dma_start3A_814, %dma_start3A_815, %dma_start3A_816] : memref<8x208x64xf32, #tpu.memory_space<vmem>> -> memref<1x104x64xf32, #tpu.memory_space<vmem>>
        %dma_start3A_818 = tpu.memref_squeeze %dma_start3A_817 : memref<1x104x64xf32, #tpu.memory_space<vmem>> -> memref<104x64xf32, #tpu.memory_space<vmem>>
        %dma_start3A_819 = arith.constant 0 : i32
        %dma_start3A_820 = tpu.memref_slice %arg5[%add3A_813, %dma_start3A_819] : memref<64x104xi32, #tpu.memory_space<vmem>> -> memref<1x104xi32, #tpu.memory_space<vmem>>
        %dma_start3A_821 = tpu.memref_squeeze %dma_start3A_820 : memref<1x104xi32, #tpu.memory_space<vmem>> -> memref<104xi32, #tpu.memory_space<vmem>>
        %dma_start3A_822 = arith.constant 0 : i32
        %dma_start3A_823 = arith.constant 0 : i32
        %dma_start3A_824 = tpu.memref_slice %arg3[%dma_start3A_822, %dma_start3A_823] : memref<260000x64xf32, #tpu.memory_space<hbm>> -> memref<260000x64xf32, #tpu.memory_space<hbm>>
        tpu.enqueue_indirect_dma source(%dma_start3A_824 : memref<260000x64xf32, #tpu.memory_space<hbm>>) target(%dma_start3A_818 : memref<104x64xf32, #tpu.memory_space<vmem>>) offsets(%dma_start3A_821 : memref<104xi32, #tpu.memory_space<vmem>>) semaphore(%arg14 : memref<!tpu.dma_semaphore, #tpu.memory_space<semaphore_mem>>)
      } else {
      }
      %mul3A_662 = arith.constant 8 : i32
      %mul3A_663 = arith.muli %mul3A_662, %scan3A_318 : i32
      %add3A_664 = arith.constant 6 : i32
      %add3A_665 = arith.addi %mul3A_663, %add3A_664 : i32
      %dma_wait3A_666 = arith.constant 0 : i32
      %dma_wait3A_667 = arith.constant 6 : i32
      %dma_wait3A_668 = arith.constant 0 : i32
      %dma_wait3A_669 = arith.constant 0 : i32
      %dma_wait3A_670 = tpu.memref_slice %arg6[%dma_wait3A_667, %dma_wait3A_668, %dma_wait3A_669] : memref<8x208x64xf32, #tpu.memory_space<vmem>> -> memref<1x104x64xf32, #tpu.memory_space<vmem>>
      %dma_wait3A_671 = tpu.memref_squeeze %dma_wait3A_670 : memref<1x104x64xf32, #tpu.memory_space<vmem>> -> memref<104x64xf32, #tpu.memory_space<vmem>>
      %dma_wait3A_672 = arith.constant 0 : i32
      %dma_wait3A_673 = tpu.memref_slice %arg5[%dma_wait3A_666, %dma_wait3A_672] : memref<64x104xi32, #tpu.memory_space<vmem>> -> memref<1x104xi32, #tpu.memory_space<vmem>>
      %dma_wait3A_674 = tpu.memref_squeeze %dma_wait3A_673 : memref<1x104xi32, #tpu.memory_space<vmem>> -> memref<104xi32, #tpu.memory_space<vmem>>
      %dma_wait3A_675 = arith.constant 0 : i32
      %dma_wait3A_676 = arith.constant 0 : i32
      %dma_wait3A_677 = tpu.memref_slice %arg3[%dma_wait3A_675, %dma_wait3A_676] : memref<260000x64xf32, #tpu.memory_space<hbm>> -> memref<260000x64xf32, #tpu.memory_space<hbm>>
      tpu.wait_indirect_dma semaphore(%arg13 : memref<!tpu.dma_semaphore, #tpu.memory_space<semaphore_mem>>) src(%dma_wait3A_677 : memref<260000x64xf32, #tpu.memory_space<hbm>>) dst(%dma_wait3A_671 : memref<104x64xf32, #tpu.memory_space<vmem>>)
      %dma_wait3A_678 = arith.constant 0 : i32
      %dma_wait3A_679 = arith.constant 6 : i32
      %dma_wait3A_680 = arith.constant 104 : i32
      %dma_wait3A_681 = arith.constant 0 : i32
      %dma_wait3A_682 = tpu.memref_slice %arg6[%dma_wait3A_679, %dma_wait3A_680, %dma_wait3A_681] : memref<8x208x64xf32, #tpu.memory_space<vmem>> -> memref<1x104x64xf32, #tpu.memory_space<vmem>>
      %dma_wait3A_683 = tpu.memref_squeeze %dma_wait3A_682 : memref<1x104x64xf32, #tpu.memory_space<vmem>> -> memref<104x64xf32, #tpu.memory_space<vmem>>
      %dma_wait3A_684 = arith.constant 0 : i32
      %dma_wait3A_685 = tpu.memref_slice %arg5[%dma_wait3A_678, %dma_wait3A_684] : memref<64x104xi32, #tpu.memory_space<vmem>> -> memref<1x104xi32, #tpu.memory_space<vmem>>
      %dma_wait3A_686 = tpu.memref_squeeze %dma_wait3A_685 : memref<1x104xi32, #tpu.memory_space<vmem>> -> memref<104xi32, #tpu.memory_space<vmem>>
      %dma_wait3A_687 = arith.constant 0 : i32
      %dma_wait3A_688 = arith.constant 0 : i32
      %dma_wait3A_689 = tpu.memref_slice %arg3[%dma_wait3A_687, %dma_wait3A_688] : memref<260000x64xf32, #tpu.memory_space<hbm>> -> memref<260000x64xf32, #tpu.memory_space<hbm>>
      tpu.wait_indirect_dma semaphore(%arg13 : memref<!tpu.dma_semaphore, #tpu.memory_space<semaphore_mem>>) src(%dma_wait3A_689 : memref<260000x64xf32, #tpu.memory_space<hbm>>) dst(%dma_wait3A_683 : memref<104x64xf32, #tpu.memory_space<vmem>>)
      %mul3A_690 = arith.constant 256 : i32
      %mul3A_691 = arith.muli %add3A, %mul3A_690 : i32
      %mul3A_692 = arith.constant 26 : i32
      %mul3A_693 = arith.muli %mul3A_691, %mul3A_692 : i32
      %mul3A_694 = arith.constant 208 : i32
      %mul3A_695 = arith.muli %add3A_665, %mul3A_694 : i32
      %add3A_696 = arith.addi %mul3A_693, %mul3A_695 : i32
      %dma_start3A_697 = arith.constant 6 : i32
      %dma_start3A_698 = arith.constant 0 : i32
      %dma_start3A_699 = arith.constant 0 : i32
      %dma_start3A_700 = tpu.memref_slice %arg6[%dma_start3A_697, %dma_start3A_698, %dma_start3A_699] : memref<8x208x64xf32, #tpu.memory_space<vmem>> -> memref<1x208x64xf32, #tpu.memory_space<vmem>>
      %dma_start3A_701 = tpu.memref_squeeze %dma_start3A_700 : memref<1x208x64xf32, #tpu.memory_space<vmem>> -> memref<208x64xf32, #tpu.memory_space<vmem>>
      %dma_start3A_702 = arith.constant 0 : i32
      %dma_start3A_703 = tpu.memref_slice %arg4[%add3A_696, %dma_start3A_702] : memref<212992x64xf32, #tpu.memory_space<hbm>> -> memref<208x64xf32, #tpu.memory_space<hbm>>
      %dma_start3A_704 = arith.constant 0 : i32
      %dma_start3A_705 = tpu.memref_slice %arg4[%add3A_696, %dma_start3A_704] : memref<212992x64xf32, #tpu.memory_space<hbm>> -> memref<208x64xf32, #tpu.memory_space<hbm>>
      %dma_start3A_706 = arith.constant 0 : i32
      %dma_start3A_707 = arith.constant 0 : i32
      %dma_start3A_708 = tpu.memref_slice %arg6[%dma_start3A_697, %dma_start3A_706, %dma_start3A_707] : memref<8x208x64xf32, #tpu.memory_space<vmem>> -> memref<1x208x64xf32, #tpu.memory_space<vmem>>
      %dma_start3A_709 = tpu.memref_squeeze %dma_start3A_708 : memref<1x208x64xf32, #tpu.memory_space<vmem>> -> memref<208x64xf32, #tpu.memory_space<vmem>>
      tpu.enqueue_dma source(%dma_start3A_709 : memref<208x64xf32, #tpu.memory_space<vmem>>) target(%dma_start3A_705 : memref<208x64xf32, #tpu.memory_space<hbm>>) target_semaphore(%arg21 : memref<!tpu.dma_semaphore, #tpu.memory_space<semaphore_mem>>)
      %ge3A_710 = arith.constant 6 : i32
      %ge3A_711 = arith.cmpi sge, %add3A_665, %ge3A_710 : i32
      %add3A_712 = arith.constant 2 : i32
      %add3A_713 = arith.addi %add3A_665, %add3A_712 : i32
      %lt3A_714 = arith.constant 32 : i32
      %lt3A_715 = arith.cmpi slt, %add3A_713, %lt3A_714 : i32
      %and3A_716 = arith.andi %ge3A_711, %lt3A_715 : i1
      %convert_element_type3A_717 = arith.extui %and3A_716 : i1 to i32
      %cond3A_718 = arith.constant 0 : i32
      %cond3A_719 = arith.cmpi ne, %convert_element_type3A_717, %cond3A_718 : i32
      scf.if %cond3A_719 {
        %dma_wait3A_778 = arith.constant 0 : i32
        %dma_wait3A_779 = arith.constant 0 : i32
        %dma_wait3A_780 = arith.constant 0 : i32
        %dma_wait3A_781 = tpu.memref_slice %arg6[%dma_wait3A_778, %dma_wait3A_779, %dma_wait3A_780] : memref<8x208x64xf32, #tpu.memory_space<vmem>> -> memref<1x208x64xf32, #tpu.memory_space<vmem>>
        %dma_wait3A_782 = tpu.memref_squeeze %dma_wait3A_781 : memref<1x208x64xf32, #tpu.memory_space<vmem>> -> memref<208x64xf32, #tpu.memory_space<vmem>>
        %dma_wait3A_783 = arith.constant 0 : i32
        %dma_wait3A_784 = arith.constant 0 : i32
        %dma_wait3A_785 = tpu.memref_slice %arg4[%dma_wait3A_783, %dma_wait3A_784] : memref<212992x64xf32, #tpu.memory_space<hbm>> -> memref<208x64xf32, #tpu.memory_space<hbm>>
        %dma_wait3A_786 = arith.constant 0 : i32
        %dma_wait3A_787 = arith.constant 0 : i32
        %dma_wait3A_788 = tpu.memref_slice %arg4[%dma_wait3A_786, %dma_wait3A_787] : memref<212992x64xf32, #tpu.memory_space<hbm>> -> memref<208x64xf32, #tpu.memory_space<hbm>>
        %dma_wait3A_789 = arith.constant 0 : i32
        %dma_wait3A_790 = arith.constant 0 : i32
        %dma_wait3A_791 = tpu.memref_slice %arg6[%dma_wait3A_778, %dma_wait3A_789, %dma_wait3A_790] : memref<8x208x64xf32, #tpu.memory_space<vmem>> -> memref<1x208x64xf32, #tpu.memory_space<vmem>>
        %dma_wait3A_792 = tpu.memref_squeeze %dma_wait3A_791 : memref<1x208x64xf32, #tpu.memory_space<vmem>> -> memref<208x64xf32, #tpu.memory_space<vmem>>
        tpu.wait_dma2 semaphore(%arg15 : memref<!tpu.dma_semaphore, #tpu.memory_space<semaphore_mem>>) src(%dma_wait3A_792 : memref<208x64xf32, #tpu.memory_space<vmem>>) dst(%dma_wait3A_788 : memref<208x64xf32, #tpu.memory_space<hbm>>)
        %add3A_793 = arith.constant 2 : i32
        %add3A_794 = arith.addi %add3A_665, %add3A_793 : i32
        %mul3A_795 = arith.constant 2 : i32
        %mul3A_796 = arith.muli %add3A_794, %mul3A_795 : i32
        %add3A_797 = arith.constant 0 : i32
        %add3A_798 = arith.addi %mul3A_796, %add3A_797 : i32
        %dma_start3A_799 = arith.constant 0 : i32
        %dma_start3A_800 = arith.constant 0 : i32
        %dma_start3A_801 = arith.constant 0 : i32
        %dma_start3A_802 = tpu.memref_slice %arg6[%dma_start3A_799, %dma_start3A_800, %dma_start3A_801] : memref<8x208x64xf32, #tpu.memory_space<vmem>> -> memref<1x104x64xf32, #tpu.memory_space<vmem>>
        %dma_start3A_803 = tpu.memref_squeeze %dma_start3A_802 : memref<1x104x64xf32, #tpu.memory_space<vmem>> -> memref<104x64xf32, #tpu.memory_space<vmem>>
        %dma_start3A_804 = arith.constant 0 : i32
        %dma_start3A_805 = tpu.memref_slice %arg5[%add3A_798, %dma_start3A_804] : memref<64x104xi32, #tpu.memory_space<vmem>> -> memref<1x104xi32, #tpu.memory_space<vmem>>
        %dma_start3A_806 = tpu.memref_squeeze %dma_start3A_805 : memref<1x104xi32, #tpu.memory_space<vmem>> -> memref<104xi32, #tpu.memory_space<vmem>>
        %dma_start3A_807 = arith.constant 0 : i32
        %dma_start3A_808 = arith.constant 0 : i32
        %dma_start3A_809 = tpu.memref_slice %arg3[%dma_start3A_807, %dma_start3A_808] : memref<260000x64xf32, #tpu.memory_space<hbm>> -> memref<260000x64xf32, #tpu.memory_space<hbm>>
        tpu.enqueue_indirect_dma source(%dma_start3A_809 : memref<260000x64xf32, #tpu.memory_space<hbm>>) target(%dma_start3A_803 : memref<104x64xf32, #tpu.memory_space<vmem>>) offsets(%dma_start3A_806 : memref<104xi32, #tpu.memory_space<vmem>>) semaphore(%arg7 : memref<!tpu.dma_semaphore, #tpu.memory_space<semaphore_mem>>)
        %mul3A_810 = arith.constant 2 : i32
        %mul3A_811 = arith.muli %add3A_794, %mul3A_810 : i32
        %add3A_812 = arith.constant 1 : i32
        %add3A_813 = arith.addi %mul3A_811, %add3A_812 : i32
        %dma_start3A_814 = arith.constant 0 : i32
        %dma_start3A_815 = arith.constant 104 : i32
        %dma_start3A_816 = arith.constant 0 : i32
        %dma_start3A_817 = tpu.memref_slice %arg6[%dma_start3A_814, %dma_start3A_815, %dma_start3A_816] : memref<8x208x64xf32, #tpu.memory_space<vmem>> -> memref<1x104x64xf32, #tpu.memory_space<vmem>>
        %dma_start3A_818 = tpu.memref_squeeze %dma_start3A_817 : memref<1x104x64xf32, #tpu.memory_space<vmem>> -> memref<104x64xf32, #tpu.memory_space<vmem>>
        %dma_start3A_819 = arith.constant 0 : i32
        %dma_start3A_820 = tpu.memref_slice %arg5[%add3A_813, %dma_start3A_819] : memref<64x104xi32, #tpu.memory_space<vmem>> -> memref<1x104xi32, #tpu.memory_space<vmem>>
        %dma_start3A_821 = tpu.memref_squeeze %dma_start3A_820 : memref<1x104xi32, #tpu.memory_space<vmem>> -> memref<104xi32, #tpu.memory_space<vmem>>
        %dma_start3A_822 = arith.constant 0 : i32
        %dma_start3A_823 = arith.constant 0 : i32
        %dma_start3A_824 = tpu.memref_slice %arg3[%dma_start3A_822, %dma_start3A_823] : memref<260000x64xf32, #tpu.memory_space<hbm>> -> memref<260000x64xf32, #tpu.memory_space<hbm>>
        tpu.enqueue_indirect_dma source(%dma_start3A_824 : memref<260000x64xf32, #tpu.memory_space<hbm>>) target(%dma_start3A_818 : memref<104x64xf32, #tpu.memory_space<vmem>>) offsets(%dma_start3A_821 : memref<104xi32, #tpu.memory_space<vmem>>) semaphore(%arg7 : memref<!tpu.dma_semaphore, #tpu.memory_space<semaphore_mem>>)
      } else {
      }
      %mul3A_720 = arith.constant 8 : i32
      %mul3A_721 = arith.muli %mul3A_720, %scan3A_318 : i32
      %add3A_722 = arith.constant 7 : i32
      %add3A_723 = arith.addi %mul3A_721, %add3A_722 : i32
      %dma_wait3A_724 = arith.constant 0 : i32
      %dma_wait3A_725 = arith.constant 7 : i32
      %dma_wait3A_726 = arith.constant 0 : i32
      %dma_wait3A_727 = arith.constant 0 : i32
      %dma_wait3A_728 = tpu.memref_slice %arg6[%dma_wait3A_725, %dma_wait3A_726, %dma_wait3A_727] : memref<8x208x64xf32, #tpu.memory_space<vmem>> -> memref<1x104x64xf32, #tpu.memory_space<vmem>>
      %dma_wait3A_729 = tpu.memref_squeeze %dma_wait3A_728 : memref<1x104x64xf32, #tpu.memory_space<vmem>> -> memref<104x64xf32, #tpu.memory_space<vmem>>
      %dma_wait3A_730 = arith.constant 0 : i32
      %dma_wait3A_731 = tpu.memref_slice %arg5[%dma_wait3A_724, %dma_wait3A_730] : memref<64x104xi32, #tpu.memory_space<vmem>> -> memref<1x104xi32, #tpu.memory_space<vmem>>
      %dma_wait3A_732 = tpu.memref_squeeze %dma_wait3A_731 : memref<1x104xi32, #tpu.memory_space<vmem>> -> memref<104xi32, #tpu.memory_space<vmem>>
      %dma_wait3A_733 = arith.constant 0 : i32
      %dma_wait3A_734 = arith.constant 0 : i32
      %dma_wait3A_735 = tpu.memref_slice %arg3[%dma_wait3A_733, %dma_wait3A_734] : memref<260000x64xf32, #tpu.memory_space<hbm>> -> memref<260000x64xf32, #tpu.memory_space<hbm>>
      tpu.wait_indirect_dma semaphore(%arg14 : memref<!tpu.dma_semaphore, #tpu.memory_space<semaphore_mem>>) src(%dma_wait3A_735 : memref<260000x64xf32, #tpu.memory_space<hbm>>) dst(%dma_wait3A_729 : memref<104x64xf32, #tpu.memory_space<vmem>>)
      %dma_wait3A_736 = arith.constant 0 : i32
      %dma_wait3A_737 = arith.constant 7 : i32
      %dma_wait3A_738 = arith.constant 104 : i32
      %dma_wait3A_739 = arith.constant 0 : i32
      %dma_wait3A_740 = tpu.memref_slice %arg6[%dma_wait3A_737, %dma_wait3A_738, %dma_wait3A_739] : memref<8x208x64xf32, #tpu.memory_space<vmem>> -> memref<1x104x64xf32, #tpu.memory_space<vmem>>
      %dma_wait3A_741 = tpu.memref_squeeze %dma_wait3A_740 : memref<1x104x64xf32, #tpu.memory_space<vmem>> -> memref<104x64xf32, #tpu.memory_space<vmem>>
      %dma_wait3A_742 = arith.constant 0 : i32
      %dma_wait3A_743 = tpu.memref_slice %arg5[%dma_wait3A_736, %dma_wait3A_742] : memref<64x104xi32, #tpu.memory_space<vmem>> -> memref<1x104xi32, #tpu.memory_space<vmem>>
      %dma_wait3A_744 = tpu.memref_squeeze %dma_wait3A_743 : memref<1x104xi32, #tpu.memory_space<vmem>> -> memref<104xi32, #tpu.memory_space<vmem>>
      %dma_wait3A_745 = arith.constant 0 : i32
      %dma_wait3A_746 = arith.constant 0 : i32
      %dma_wait3A_747 = tpu.memref_slice %arg3[%dma_wait3A_745, %dma_wait3A_746] : memref<260000x64xf32, #tpu.memory_space<hbm>> -> memref<260000x64xf32, #tpu.memory_space<hbm>>
      tpu.wait_indirect_dma semaphore(%arg14 : memref<!tpu.dma_semaphore, #tpu.memory_space<semaphore_mem>>) src(%dma_wait3A_747 : memref<260000x64xf32, #tpu.memory_space<hbm>>) dst(%dma_wait3A_741 : memref<104x64xf32, #tpu.memory_space<vmem>>)
      %mul3A_748 = arith.constant 256 : i32
      %mul3A_749 = arith.muli %add3A, %mul3A_748 : i32
      %mul3A_750 = arith.constant 26 : i32
      %mul3A_751 = arith.muli %mul3A_749, %mul3A_750 : i32
      %mul3A_752 = arith.constant 208 : i32
      %mul3A_753 = arith.muli %add3A_723, %mul3A_752 : i32
      %add3A_754 = arith.addi %mul3A_751, %mul3A_753 : i32
      %dma_start3A_755 = arith.constant 7 : i32
      %dma_start3A_756 = arith.constant 0 : i32
      %dma_start3A_757 = arith.constant 0 : i32
      %dma_start3A_758 = tpu.memref_slice %arg6[%dma_start3A_755, %dma_start3A_756, %dma_start3A_757] : memref<8x208x64xf32, #tpu.memory_space<vmem>> -> memref<1x208x64xf32, #tpu.memory_space<vmem>>
      %dma_start3A_759 = tpu.memref_squeeze %dma_start3A_758 : memref<1x208x64xf32, #tpu.memory_space<vmem>> -> memref<208x64xf32, #tpu.memory_space<vmem>>
      %dma_start3A_760 = arith.constant 0 : i32
      %dma_start3A_761 = tpu.memref_slice %arg4[%add3A_754, %dma_start3A_760] : memref<212992x64xf32, #tpu.memory_space<hbm>> -> memref<208x64xf32, #tpu.memory_space<hbm>>
      %dma_start3A_762 = arith.constant 0 : i32
      %dma_start3A_763 = tpu.memref_slice %arg4[%add3A_754, %dma_start3A_762] : memref<212992x64xf32, #tpu.memory_space<hbm>> -> memref<208x64xf32, #tpu.memory_space<hbm>>
      %dma_start3A_764 = arith.constant 0 : i32
      %dma_start3A_765 = arith.constant 0 : i32
      %dma_start3A_766 = tpu.memref_slice %arg6[%dma_start3A_755, %dma_start3A_764, %dma_start3A_765] : memref<8x208x64xf32, #tpu.memory_space<vmem>> -> memref<1x208x64xf32, #tpu.memory_space<vmem>>
      %dma_start3A_767 = tpu.memref_squeeze %dma_start3A_766 : memref<1x208x64xf32, #tpu.memory_space<vmem>> -> memref<208x64xf32, #tpu.memory_space<vmem>>
      tpu.enqueue_dma source(%dma_start3A_767 : memref<208x64xf32, #tpu.memory_space<vmem>>) target(%dma_start3A_763 : memref<208x64xf32, #tpu.memory_space<hbm>>) target_semaphore(%arg22 : memref<!tpu.dma_semaphore, #tpu.memory_space<semaphore_mem>>)
      %ge3A_768 = arith.constant 6 : i32
      %ge3A_769 = arith.cmpi sge, %add3A_723, %ge3A_768 : i32
      %add3A_770 = arith.constant 2 : i32
      %add3A_771 = arith.addi %add3A_723, %add3A_770 : i32
      %lt3A_772 = arith.constant 32 : i32
      %lt3A_773 = arith.cmpi slt, %add3A_771, %lt3A_772 : i32
      %and3A_774 = arith.andi %ge3A_769, %lt3A_773 : i1
      %convert_element_type3A_775 = arith.extui %and3A_774 : i1 to i32
      %cond3A_776 = arith.constant 0 : i32
      %cond3A_777 = arith.cmpi ne, %convert_element_type3A_775, %cond3A_776 : i32
      scf.if %cond3A_777 {
        %dma_wait3A_778 = arith.constant 1 : i32
        %dma_wait3A_779 = arith.constant 0 : i32
        %dma_wait3A_780 = arith.constant 0 : i32
        %dma_wait3A_781 = tpu.memref_slice %arg6[%dma_wait3A_778, %dma_wait3A_779, %dma_wait3A_780] : memref<8x208x64xf32, #tpu.memory_space<vmem>> -> memref<1x208x64xf32, #tpu.memory_space<vmem>>
        %dma_wait3A_782 = tpu.memref_squeeze %dma_wait3A_781 : memref<1x208x64xf32, #tpu.memory_space<vmem>> -> memref<208x64xf32, #tpu.memory_space<vmem>>
        %dma_wait3A_783 = arith.constant 0 : i32
        %dma_wait3A_784 = arith.constant 0 : i32
        %dma_wait3A_785 = tpu.memref_slice %arg4[%dma_wait3A_783, %dma_wait3A_784] : memref<212992x64xf32, #tpu.memory_space<hbm>> -> memref<208x64xf32, #tpu.memory_space<hbm>>
        %dma_wait3A_786 = arith.constant 0 : i32
        %dma_wait3A_787 = arith.constant 0 : i32
        %dma_wait3A_788 = tpu.memref_slice %arg4[%dma_wait3A_786, %dma_wait3A_787] : memref<212992x64xf32, #tpu.memory_space<hbm>> -> memref<208x64xf32, #tpu.memory_space<hbm>>
        %dma_wait3A_789 = arith.constant 0 : i32
        %dma_wait3A_790 = arith.constant 0 : i32
        %dma_wait3A_791 = tpu.memref_slice %arg6[%dma_wait3A_778, %dma_wait3A_789, %dma_wait3A_790] : memref<8x208x64xf32, #tpu.memory_space<vmem>> -> memref<1x208x64xf32, #tpu.memory_space<vmem>>
        %dma_wait3A_792 = tpu.memref_squeeze %dma_wait3A_791 : memref<1x208x64xf32, #tpu.memory_space<vmem>> -> memref<208x64xf32, #tpu.memory_space<vmem>>
        tpu.wait_dma2 semaphore(%arg16 : memref<!tpu.dma_semaphore, #tpu.memory_space<semaphore_mem>>) src(%dma_wait3A_792 : memref<208x64xf32, #tpu.memory_space<vmem>>) dst(%dma_wait3A_788 : memref<208x64xf32, #tpu.memory_space<hbm>>)
        %add3A_793 = arith.constant 2 : i32
        %add3A_794 = arith.addi %add3A_723, %add3A_793 : i32
        %mul3A_795 = arith.constant 2 : i32
        %mul3A_796 = arith.muli %add3A_794, %mul3A_795 : i32
        %add3A_797 = arith.constant 0 : i32
        %add3A_798 = arith.addi %mul3A_796, %add3A_797 : i32
        %dma_start3A_799 = arith.constant 1 : i32
        %dma_start3A_800 = arith.constant 0 : i32
        %dma_start3A_801 = arith.constant 0 : i32
        %dma_start3A_802 = tpu.memref_slice %arg6[%dma_start3A_799, %dma_start3A_800, %dma_start3A_801] : memref<8x208x64xf32, #tpu.memory_space<vmem>> -> memref<1x104x64xf32, #tpu.memory_space<vmem>>
        %dma_start3A_803 = tpu.memref_squeeze %dma_start3A_802 : memref<1x104x64xf32, #tpu.memory_space<vmem>> -> memref<104x64xf32, #tpu.memory_space<vmem>>
        %dma_start3A_804 = arith.constant 0 : i32
        %dma_start3A_805 = tpu.memref_slice %arg5[%add3A_798, %dma_start3A_804] : memref<64x104xi32, #tpu.memory_space<vmem>> -> memref<1x104xi32, #tpu.memory_space<vmem>>
        %dma_start3A_806 = tpu.memref_squeeze %dma_start3A_805 : memref<1x104xi32, #tpu.memory_space<vmem>> -> memref<104xi32, #tpu.memory_space<vmem>>
        %dma_start3A_807 = arith.constant 0 : i32
        %dma_start3A_808 = arith.constant 0 : i32
        %dma_start3A_809 = tpu.memref_slice %arg3[%dma_start3A_807, %dma_start3A_808] : memref<260000x64xf32, #tpu.memory_space<hbm>> -> memref<260000x64xf32, #tpu.memory_space<hbm>>
        tpu.enqueue_indirect_dma source(%dma_start3A_809 : memref<260000x64xf32, #tpu.memory_space<hbm>>) target(%dma_start3A_803 : memref<104x64xf32, #tpu.memory_space<vmem>>) offsets(%dma_start3A_806 : memref<104xi32, #tpu.memory_space<vmem>>) semaphore(%arg8 : memref<!tpu.dma_semaphore, #tpu.memory_space<semaphore_mem>>)
        %mul3A_810 = arith.constant 2 : i32
        %mul3A_811 = arith.muli %add3A_794, %mul3A_810 : i32
        %add3A_812 = arith.constant 1 : i32
        %add3A_813 = arith.addi %mul3A_811, %add3A_812 : i32
        %dma_start3A_814 = arith.constant 1 : i32
        %dma_start3A_815 = arith.constant 104 : i32
        %dma_start3A_816 = arith.constant 0 : i32
        %dma_start3A_817 = tpu.memref_slice %arg6[%dma_start3A_814, %dma_start3A_815, %dma_start3A_816] : memref<8x208x64xf32, #tpu.memory_space<vmem>> -> memref<1x104x64xf32, #tpu.memory_space<vmem>>
        %dma_start3A_818 = tpu.memref_squeeze %dma_start3A_817 : memref<1x104x64xf32, #tpu.memory_space<vmem>> -> memref<104x64xf32, #tpu.memory_space<vmem>>
        %dma_start3A_819 = arith.constant 0 : i32
        %dma_start3A_820 = tpu.memref_slice %arg5[%add3A_813, %dma_start3A_819] : memref<64x104xi32, #tpu.memory_space<vmem>> -> memref<1x104xi32, #tpu.memory_space<vmem>>
        %dma_start3A_821 = tpu.memref_squeeze %dma_start3A_820 : memref<1x104xi32, #tpu.memory_space<vmem>> -> memref<104xi32, #tpu.memory_space<vmem>>
        %dma_start3A_822 = arith.constant 0 : i32
        %dma_start3A_823 = arith.constant 0 : i32
        %dma_start3A_824 = tpu.memref_slice %arg3[%dma_start3A_822, %dma_start3A_823] : memref<260000x64xf32, #tpu.memory_space<hbm>> -> memref<260000x64xf32, #tpu.memory_space<hbm>>
        tpu.enqueue_indirect_dma source(%dma_start3A_824 : memref<260000x64xf32, #tpu.memory_space<hbm>>) target(%dma_start3A_818 : memref<104x64xf32, #tpu.memory_space<vmem>>) offsets(%dma_start3A_821 : memref<104xi32, #tpu.memory_space<vmem>>) semaphore(%arg8 : memref<!tpu.dma_semaphore, #tpu.memory_space<semaphore_mem>>)
      } else {
      }
    }
    %scan3A_198 = arith.constant 4 : i32
    %dma_wait3A = arith.constant 0 : i32
    %dma_wait3A_199 = arith.constant 0 : i32
    %dma_wait3A_200 = arith.constant 0 : i32
    %dma_wait3A_201 = tpu.memref_slice %arg6[%dma_wait3A, %dma_wait3A_199, %dma_wait3A_200] : memref<8x208x64xf32, #tpu.memory_space<vmem>> -> memref<1x208x64xf32, #tpu.memory_space<vmem>>
    %dma_wait3A_202 = tpu.memref_squeeze %dma_wait3A_201 : memref<1x208x64xf32, #tpu.memory_space<vmem>> -> memref<208x64xf32, #tpu.memory_space<vmem>>
    %dma_wait3A_203 = arith.constant 0 : i32
    %dma_wait3A_204 = arith.constant 0 : i32
    %dma_wait3A_205 = tpu.memref_slice %arg4[%dma_wait3A_203, %dma_wait3A_204] : memref<212992x64xf32, #tpu.memory_space<hbm>> -> memref<208x64xf32, #tpu.memory_space<hbm>>
    %dma_wait3A_206 = arith.constant 0 : i32
    %dma_wait3A_207 = arith.constant 0 : i32
    %dma_wait3A_208 = tpu.memref_slice %arg4[%dma_wait3A_206, %dma_wait3A_207] : memref<212992x64xf32, #tpu.memory_space<hbm>> -> memref<208x64xf32, #tpu.memory_space<hbm>>
    %dma_wait3A_209 = arith.constant 0 : i32
    %dma_wait3A_210 = arith.constant 0 : i32
    %dma_wait3A_211 = tpu.memref_slice %arg6[%dma_wait3A, %dma_wait3A_209, %dma_wait3A_210] : memref<8x208x64xf32, #tpu.memory_space<vmem>> -> memref<1x208x64xf32, #tpu.memory_space<vmem>>
    %dma_wait3A_212 = tpu.memref_squeeze %dma_wait3A_211 : memref<1x208x64xf32, #tpu.memory_space<vmem>> -> memref<208x64xf32, #tpu.memory_space<vmem>>
    tpu.wait_dma2 semaphore(%arg15 : memref<!tpu.dma_semaphore, #tpu.memory_space<semaphore_mem>>) src(%dma_wait3A_212 : memref<208x64xf32, #tpu.memory_space<vmem>>) dst(%dma_wait3A_208 : memref<208x64xf32, #tpu.memory_space<hbm>>)
    %dma_wait3A_213 = arith.constant 1 : i32
    %dma_wait3A_214 = arith.constant 0 : i32
    %dma_wait3A_215 = arith.constant 0 : i32
    %dma_wait3A_216 = tpu.memref_slice %arg6[%dma_wait3A_213, %dma_wait3A_214, %dma_wait3A_215] : memref<8x208x64xf32, #tpu.memory_space<vmem>> -> memref<1x208x64xf32, #tpu.memory_space<vmem>>
    %dma_wait3A_217 = tpu.memref_squeeze %dma_wait3A_216 : memref<1x208x64xf32, #tpu.memory_space<vmem>> -> memref<208x64xf32, #tpu.memory_space<vmem>>
    %dma_wait3A_218 = arith.constant 0 : i32
    %dma_wait3A_219 = arith.constant 0 : i32
    %dma_wait3A_220 = tpu.memref_slice %arg4[%dma_wait3A_218, %dma_wait3A_219] : memref<212992x64xf32, #tpu.memory_space<hbm>> -> memref<208x64xf32, #tpu.memory_space<hbm>>
    %dma_wait3A_221 = arith.constant 0 : i32
    %dma_wait3A_222 = arith.constant 0 : i32
    %dma_wait3A_223 = tpu.memref_slice %arg4[%dma_wait3A_221, %dma_wait3A_222] : memref<212992x64xf32, #tpu.memory_space<hbm>> -> memref<208x64xf32, #tpu.memory_space<hbm>>
    %dma_wait3A_224 = arith.constant 0 : i32
    %dma_wait3A_225 = arith.constant 0 : i32
    %dma_wait3A_226 = tpu.memref_slice %arg6[%dma_wait3A_213, %dma_wait3A_224, %dma_wait3A_225] : memref<8x208x64xf32, #tpu.memory_space<vmem>> -> memref<1x208x64xf32, #tpu.memory_space<vmem>>
    %dma_wait3A_227 = tpu.memref_squeeze %dma_wait3A_226 : memref<1x208x64xf32, #tpu.memory_space<vmem>> -> memref<208x64xf32, #tpu.memory_space<vmem>>
    tpu.wait_dma2 semaphore(%arg16 : memref<!tpu.dma_semaphore, #tpu.memory_space<semaphore_mem>>) src(%dma_wait3A_227 : memref<208x64xf32, #tpu.memory_space<vmem>>) dst(%dma_wait3A_223 : memref<208x64xf32, #tpu.memory_space<hbm>>)
    %dma_wait3A_228 = arith.constant 2 : i32
    %dma_wait3A_229 = arith.constant 0 : i32
    %dma_wait3A_230 = arith.constant 0 : i32
    %dma_wait3A_231 = tpu.memref_slice %arg6[%dma_wait3A_228, %dma_wait3A_229, %dma_wait3A_230] : memref<8x208x64xf32, #tpu.memory_space<vmem>> -> memref<1x208x64xf32, #tpu.memory_space<vmem>>
    %dma_wait3A_232 = tpu.memref_squeeze %dma_wait3A_231 : memref<1x208x64xf32, #tpu.memory_space<vmem>> -> memref<208x64xf32, #tpu.memory_space<vmem>>
    %dma_wait3A_233 = arith.constant 0 : i32
    %dma_wait3A_234 = arith.constant 0 : i32
    %dma_wait3A_235 = tpu.memref_slice %arg4[%dma_wait3A_233, %dma_wait3A_234] : memref<212992x64xf32, #tpu.memory_space<hbm>> -> memref<208x64xf32, #tpu.memory_space<hbm>>
    %dma_wait3A_236 = arith.constant 0 : i32
    %dma_wait3A_237 = arith.constant 0 : i32
    %dma_wait3A_238 = tpu.memref_slice %arg4[%dma_wait3A_236, %dma_wait3A_237] : memref<212992x64xf32, #tpu.memory_space<hbm>> -> memref<208x64xf32, #tpu.memory_space<hbm>>
    %dma_wait3A_239 = arith.constant 0 : i32
    %dma_wait3A_240 = arith.constant 0 : i32
    %dma_wait3A_241 = tpu.memref_slice %arg6[%dma_wait3A_228, %dma_wait3A_239, %dma_wait3A_240] : memref<8x208x64xf32, #tpu.memory_space<vmem>> -> memref<1x208x64xf32, #tpu.memory_space<vmem>>
    %dma_wait3A_242 = tpu.memref_squeeze %dma_wait3A_241 : memref<1x208x64xf32, #tpu.memory_space<vmem>> -> memref<208x64xf32, #tpu.memory_space<vmem>>
    tpu.wait_dma2 semaphore(%arg17 : memref<!tpu.dma_semaphore, #tpu.memory_space<semaphore_mem>>) src(%dma_wait3A_242 : memref<208x64xf32, #tpu.memory_space<vmem>>) dst(%dma_wait3A_238 : memref<208x64xf32, #tpu.memory_space<hbm>>)
    %dma_wait3A_243 = arith.constant 3 : i32
    %dma_wait3A_244 = arith.constant 0 : i32
    %dma_wait3A_245 = arith.constant 0 : i32
    %dma_wait3A_246 = tpu.memref_slice %arg6[%dma_wait3A_243, %dma_wait3A_244, %dma_wait3A_245] : memref<8x208x64xf32, #tpu.memory_space<vmem>> -> memref<1x208x64xf32, #tpu.memory_space<vmem>>
    %dma_wait3A_247 = tpu.memref_squeeze %dma_wait3A_246 : memref<1x208x64xf32, #tpu.memory_space<vmem>> -> memref<208x64xf32, #tpu.memory_space<vmem>>
    %dma_wait3A_248 = arith.constant 0 : i32
    %dma_wait3A_249 = arith.constant 0 : i32
    %dma_wait3A_250 = tpu.memref_slice %arg4[%dma_wait3A_248, %dma_wait3A_249] : memref<212992x64xf32, #tpu.memory_space<hbm>> -> memref<208x64xf32, #tpu.memory_space<hbm>>
    %dma_wait3A_251 = arith.constant 0 : i32
    %dma_wait3A_252 = arith.constant 0 : i32
    %dma_wait3A_253 = tpu.memref_slice %arg4[%dma_wait3A_251, %dma_wait3A_252] : memref<212992x64xf32, #tpu.memory_space<hbm>> -> memref<208x64xf32, #tpu.memory_space<hbm>>
    %dma_wait3A_254 = arith.constant 0 : i32
    %dma_wait3A_255 = arith.constant 0 : i32
    %dma_wait3A_256 = tpu.memref_slice %arg6[%dma_wait3A_243, %dma_wait3A_254, %dma_wait3A_255] : memref<8x208x64xf32, #tpu.memory_space<vmem>> -> memref<1x208x64xf32, #tpu.memory_space<vmem>>
    %dma_wait3A_257 = tpu.memref_squeeze %dma_wait3A_256 : memref<1x208x64xf32, #tpu.memory_space<vmem>> -> memref<208x64xf32, #tpu.memory_space<vmem>>
    tpu.wait_dma2 semaphore(%arg18 : memref<!tpu.dma_semaphore, #tpu.memory_space<semaphore_mem>>) src(%dma_wait3A_257 : memref<208x64xf32, #tpu.memory_space<vmem>>) dst(%dma_wait3A_253 : memref<208x64xf32, #tpu.memory_space<hbm>>)
    %dma_wait3A_258 = arith.constant 4 : i32
    %dma_wait3A_259 = arith.constant 0 : i32
    %dma_wait3A_260 = arith.constant 0 : i32
    %dma_wait3A_261 = tpu.memref_slice %arg6[%dma_wait3A_258, %dma_wait3A_259, %dma_wait3A_260] : memref<8x208x64xf32, #tpu.memory_space<vmem>> -> memref<1x208x64xf32, #tpu.memory_space<vmem>>
    %dma_wait3A_262 = tpu.memref_squeeze %dma_wait3A_261 : memref<1x208x64xf32, #tpu.memory_space<vmem>> -> memref<208x64xf32, #tpu.memory_space<vmem>>
    %dma_wait3A_263 = arith.constant 0 : i32
    %dma_wait3A_264 = arith.constant 0 : i32
    %dma_wait3A_265 = tpu.memref_slice %arg4[%dma_wait3A_263, %dma_wait3A_264] : memref<212992x64xf32, #tpu.memory_space<hbm>> -> memref<208x64xf32, #tpu.memory_space<hbm>>
    %dma_wait3A_266 = arith.constant 0 : i32
    %dma_wait3A_267 = arith.constant 0 : i32
    %dma_wait3A_268 = tpu.memref_slice %arg4[%dma_wait3A_266, %dma_wait3A_267] : memref<212992x64xf32, #tpu.memory_space<hbm>> -> memref<208x64xf32, #tpu.memory_space<hbm>>
    %dma_wait3A_269 = arith.constant 0 : i32
    %dma_wait3A_270 = arith.constant 0 : i32
    %dma_wait3A_271 = tpu.memref_slice %arg6[%dma_wait3A_258, %dma_wait3A_269, %dma_wait3A_270] : memref<8x208x64xf32, #tpu.memory_space<vmem>> -> memref<1x208x64xf32, #tpu.memory_space<vmem>>
    %dma_wait3A_272 = tpu.memref_squeeze %dma_wait3A_271 : memref<1x208x64xf32, #tpu.memory_space<vmem>> -> memref<208x64xf32, #tpu.memory_space<vmem>>
    tpu.wait_dma2 semaphore(%arg19 : memref<!tpu.dma_semaphore, #tpu.memory_space<semaphore_mem>>) src(%dma_wait3A_272 : memref<208x64xf32, #tpu.memory_space<vmem>>) dst(%dma_wait3A_268 : memref<208x64xf32, #tpu.memory_space<hbm>>)
    %dma_wait3A_273 = arith.constant 5 : i32
    %dma_wait3A_274 = arith.constant 0 : i32
    %dma_wait3A_275 = arith.constant 0 : i32
    %dma_wait3A_276 = tpu.memref_slice %arg6[%dma_wait3A_273, %dma_wait3A_274, %dma_wait3A_275] : memref<8x208x64xf32, #tpu.memory_space<vmem>> -> memref<1x208x64xf32, #tpu.memory_space<vmem>>
    %dma_wait3A_277 = tpu.memref_squeeze %dma_wait3A_276 : memref<1x208x64xf32, #tpu.memory_space<vmem>> -> memref<208x64xf32, #tpu.memory_space<vmem>>
    %dma_wait3A_278 = arith.constant 0 : i32
    %dma_wait3A_279 = arith.constant 0 : i32
    %dma_wait3A_280 = tpu.memref_slice %arg4[%dma_wait3A_278, %dma_wait3A_279] : memref<212992x64xf32, #tpu.memory_space<hbm>> -> memref<208x64xf32, #tpu.memory_space<hbm>>
    %dma_wait3A_281 = arith.constant 0 : i32
    %dma_wait3A_282 = arith.constant 0 : i32
    %dma_wait3A_283 = tpu.memref_slice %arg4[%dma_wait3A_281, %dma_wait3A_282] : memref<212992x64xf32, #tpu.memory_space<hbm>> -> memref<208x64xf32, #tpu.memory_space<hbm>>
    %dma_wait3A_284 = arith.constant 0 : i32
    %dma_wait3A_285 = arith.constant 0 : i32
    %dma_wait3A_286 = tpu.memref_slice %arg6[%dma_wait3A_273, %dma_wait3A_284, %dma_wait3A_285] : memref<8x208x64xf32, #tpu.memory_space<vmem>> -> memref<1x208x64xf32, #tpu.memory_space<vmem>>
    %dma_wait3A_287 = tpu.memref_squeeze %dma_wait3A_286 : memref<1x208x64xf32, #tpu.memory_space<vmem>> -> memref<208x64xf32, #tpu.memory_space<vmem>>
    tpu.wait_dma2 semaphore(%arg20 : memref<!tpu.dma_semaphore, #tpu.memory_space<semaphore_mem>>) src(%dma_wait3A_287 : memref<208x64xf32, #tpu.memory_space<vmem>>) dst(%dma_wait3A_283 : memref<208x64xf32, #tpu.memory_space<hbm>>)
    %dma_wait3A_288 = arith.constant 6 : i32
    %dma_wait3A_289 = arith.constant 0 : i32
    %dma_wait3A_290 = arith.constant 0 : i32
    %dma_wait3A_291 = tpu.memref_slice %arg6[%dma_wait3A_288, %dma_wait3A_289, %dma_wait3A_290] : memref<8x208x64xf32, #tpu.memory_space<vmem>> -> memref<1x208x64xf32, #tpu.memory_space<vmem>>
    %dma_wait3A_292 = tpu.memref_squeeze %dma_wait3A_291 : memref<1x208x64xf32, #tpu.memory_space<vmem>> -> memref<208x64xf32, #tpu.memory_space<vmem>>
    %dma_wait3A_293 = arith.constant 0 : i32
    %dma_wait3A_294 = arith.constant 0 : i32
    %dma_wait3A_295 = tpu.memref_slice %arg4[%dma_wait3A_293, %dma_wait3A_294] : memref<212992x64xf32, #tpu.memory_space<hbm>> -> memref<208x64xf32, #tpu.memory_space<hbm>>
    %dma_wait3A_296 = arith.constant 0 : i32
    %dma_wait3A_297 = arith.constant 0 : i32
    %dma_wait3A_298 = tpu.memref_slice %arg4[%dma_wait3A_296, %dma_wait3A_297] : memref<212992x64xf32, #tpu.memory_space<hbm>> -> memref<208x64xf32, #tpu.memory_space<hbm>>
    %dma_wait3A_299 = arith.constant 0 : i32
    %dma_wait3A_300 = arith.constant 0 : i32
    %dma_wait3A_301 = tpu.memref_slice %arg6[%dma_wait3A_288, %dma_wait3A_299, %dma_wait3A_300] : memref<8x208x64xf32, #tpu.memory_space<vmem>> -> memref<1x208x64xf32, #tpu.memory_space<vmem>>
    %dma_wait3A_302 = tpu.memref_squeeze %dma_wait3A_301 : memref<1x208x64xf32, #tpu.memory_space<vmem>> -> memref<208x64xf32, #tpu.memory_space<vmem>>
    tpu.wait_dma2 semaphore(%arg21 : memref<!tpu.dma_semaphore, #tpu.memory_space<semaphore_mem>>) src(%dma_wait3A_302 : memref<208x64xf32, #tpu.memory_space<vmem>>) dst(%dma_wait3A_298 : memref<208x64xf32, #tpu.memory_space<hbm>>)
    %dma_wait3A_303 = arith.constant 7 : i32
    %dma_wait3A_304 = arith.constant 0 : i32
    %dma_wait3A_305 = arith.constant 0 : i32
    %dma_wait3A_306 = tpu.memref_slice %arg6[%dma_wait3A_303, %dma_wait3A_304, %dma_wait3A_305] : memref<8x208x64xf32, #tpu.memory_space<vmem>> -> memref<1x208x64xf32, #tpu.memory_space<vmem>>
    %dma_wait3A_307 = tpu.memref_squeeze %dma_wait3A_306 : memref<1x208x64xf32, #tpu.memory_space<vmem>> -> memref<208x64xf32, #tpu.memory_space<vmem>>
    %dma_wait3A_308 = arith.constant 0 : i32
    %dma_wait3A_309 = arith.constant 0 : i32
    %dma_wait3A_310 = tpu.memref_slice %arg4[%dma_wait3A_308, %dma_wait3A_309] : memref<212992x64xf32, #tpu.memory_space<hbm>> -> memref<208x64xf32, #tpu.memory_space<hbm>>
    %dma_wait3A_311 = arith.constant 0 : i32
    %dma_wait3A_312 = arith.constant 0 : i32
    %dma_wait3A_313 = tpu.memref_slice %arg4[%dma_wait3A_311, %dma_wait3A_312] : memref<212992x64xf32, #tpu.memory_space<hbm>> -> memref<208x64xf32, #tpu.memory_space<hbm>>
    %dma_wait3A_314 = arith.constant 0 : i32
    %dma_wait3A_315 = arith.constant 0 : i32
    %dma_wait3A_316 = tpu.memref_slice %arg6[%dma_wait3A_303, %dma_wait3A_314, %dma_wait3A_315] : memref<8x208x64xf32, #tpu.memory_space<vmem>> -> memref<1x208x64xf32, #tpu.memory_space<vmem>>
    %dma_wait3A_317 = tpu.memref_squeeze %dma_wait3A_316 : memref<1x208x64xf32, #tpu.memory_space<vmem>> -> memref<208x64xf32, #tpu.memory_space<vmem>>
    tpu.wait_dma2 semaphore(%arg22 : memref<!tpu.dma_semaphore, #tpu.memory_space<semaphore_mem>>) src(%dma_wait3A_317 : memref<208x64xf32, #tpu.memory_space<vmem>>) dst(%dma_wait3A_313 : memref<208x64xf32, #tpu.memory_space<hbm>>)
    return
  }
}

module attributes {stable_mosaic.version = 14 : i64} {
  func.func @_assemble_tc(%arg0: i32, %arg1: memref<512x16xf32, #tpu.memory_space<vmem>>, %arg2: memref<512x1664xf32, #tpu.memory_space<vmem>>, %arg3: memref<1x896xf32, #tpu.memory_space<vmem>>, %arg4: memref<1x896xf32, #tpu.memory_space<vmem>>, %arg5: memref<1x1664xf32, #tpu.memory_space<vmem>>, %arg6: memref<512x2560xf32, #tpu.memory_space<vmem>>) attributes {dimension_semantics = [#tpu.dimension_semantics<arbitrary>], iteration_bounds = array<i64: 16>, scalar_prefetch = 0 : i64, scratch_operands = 0 : i64, tpu.core_type = #tpu.core_type<tc>, window_params = [{transform_indices = @transform_0, window_bounds = array<i64: 512, 16>}, {transform_indices = @transform_1, window_bounds = array<i64: 512, 1664>}, {pipeline_mode = #tpu.pipeline_mode<synchronous>, transform_indices = @transform_2, window_bounds = array<i64: 1, 896>}, {pipeline_mode = #tpu.pipeline_mode<synchronous>, transform_indices = @transform_3, window_bounds = array<i64: 1, 896>}, {pipeline_mode = #tpu.pipeline_mode<synchronous>, transform_indices = @transform_4, window_bounds = array<i64: 1, 1664>}, {transform_indices = @transform_5, window_bounds = array<i64: 512, 2560>}]} {
    %iota3A = tpu.iota {dimensions = array<i32: 1>} : vector<16x896xi32>
    %jit3A = arith.constant 64 : i32
    %div3A = vector.broadcast %jit3A : i32 to vector<16x896xi32>
    %div3A_0 = arith.divsi %iota3A, %div3A : vector<16x896xi32>
    %sign3A = arith.constant 0 : i32
    %sign3A_1 = vector.broadcast %sign3A : i32 to vector<16x896xi32>
    %sign3A_2 = arith.cmpi sgt, %iota3A, %sign3A_1 : vector<16x896xi32>
    %sign3A_3 = arith.extui %sign3A_2 : vector<16x896xi1> to vector<16x896xi32>
    %sign3A_4 = arith.constant 0 : i32
    %sign3A_5 = vector.broadcast %sign3A_4 : i32 to vector<16x896xi32>
    %sign3A_6 = arith.cmpi slt, %iota3A, %sign3A_5 : vector<16x896xi32>
    %sign3A_7 = arith.extui %sign3A_6 : vector<16x896xi1> to vector<16x896xi32>
    %sign3A_8 = arith.subi %sign3A_3, %sign3A_7 : vector<16x896xi32>
    %sign3A_9 = arith.constant 0 : i32
    %sign3A_10 = arith.cmpi sgt, %jit3A, %sign3A_9 : i32
    %sign3A_11 = arith.extui %sign3A_10 : i1 to i32
    %sign3A_12 = arith.constant 0 : i32
    %sign3A_13 = arith.cmpi slt, %jit3A, %sign3A_12 : i32
    %sign3A_14 = arith.extui %sign3A_13 : i1 to i32
    %sign3A_15 = arith.subi %sign3A_11, %sign3A_14 : i32
    %ne3A = vector.broadcast %sign3A_15 : i32 to vector<16x896xi32>
    %ne3A_16 = arith.cmpi ne, %sign3A_8, %ne3A : vector<16x896xi32>
    %rem3A = vector.broadcast %jit3A : i32 to vector<16x896xi32>
    %rem3A_17 = arith.remsi %iota3A, %rem3A : vector<16x896xi32>
    %ne3A_18 = arith.constant 0 : i32
    %ne3A_19 = vector.broadcast %ne3A_18 : i32 to vector<16x896xi32>
    %ne3A_20 = arith.cmpi ne, %rem3A_17, %ne3A_19 : vector<16x896xi32>
    %and3A = arith.andi %ne3A_16, %ne3A_20 : vector<16x896xi1>
    %sub3A = arith.constant 1 : i32
    %sub3A_21 = vector.broadcast %sub3A : i32 to vector<16x896xi32>
    %sub3A_22 = arith.subi %div3A_0, %sub3A_21 : vector<16x896xi32>
    %select_n3A = arith.select %and3A, %sub3A_22, %div3A_0 : vector<16x896xi1>, vector<16x896xi32>
    %iota3A_23 = tpu.iota {dimensions = array<i32: 0>} : vector<16x896xi32>
    %eq3A = arith.cmpi eq, %select_n3A, %iota3A_23 : vector<16x896xi32>
    %convert_element_type3A = arith.extui %eq3A : vector<16x896xi1> to vector<16x896xi32>
    %convert_element_type3A_24 = arith.sitofp %convert_element_type3A : vector<16x896xi32> to vector<16x896xf32>
    %get3A = arith.constant 0 : index
    %get3A_25 = arith.constant 0 : index
    %get3A_26 = vector.load %arg1[%get3A, %get3A_25] : memref<512x16xf32, #tpu.memory_space<vmem>>, vector<512x16xf32>
    %dot_general3A = arith.constant dense<0.000000e+00> : vector<512x896xf32>
    %dot_general3A_27 = tpu.matmul %get3A_26, %convert_element_type3A_24, %dot_general3A {dimension_numbers = #tpu.dot_dimension_numbers<[1], [0], [0], [1], [0, 0, 1, 1], [], []>, transpose_lhs_hint = false} : vector<512x16xf32>, vector<16x896xf32>, vector<512x896xf32> -> vector<512x896xf32>
    %get3A_28 = arith.constant 0 : index
    %get3A_29 = arith.constant 0 : index
    %get3A_30 = vector.load %arg3[%get3A_28, %get3A_29] : memref<1x896xf32, #tpu.memory_space<vmem>>, vector<1x896xf32>
    %mul3A = vector.broadcast %get3A_30 : vector<1x896xf32> to vector<512x896xf32>
    %mul3A_31 = arith.mulf %dot_general3A_27, %mul3A : vector<512x896xf32>
    %get3A_32 = arith.constant 0 : index
    %get3A_33 = arith.constant 0 : index
    %get3A_34 = vector.load %arg4[%get3A_32, %get3A_33] : memref<1x896xf32, #tpu.memory_space<vmem>>, vector<1x896xf32>
    %add3A = vector.broadcast %get3A_34 : vector<1x896xf32> to vector<512x896xf32>
    %add3A_35 = arith.addf %mul3A_31, %add3A : vector<512x896xf32>
    %swap3A = arith.constant 0 : index
    %swap3A_36 = arith.constant 0 : index
    %swap3A_37 = vector.load %arg6[%swap3A, %swap3A_36] : memref<512x2560xf32, #tpu.memory_space<vmem>>, vector<512x896xf32>
    tpu.vector_store %arg6[%swap3A, %swap3A_36], %add3A_35 {strides = array<i32>} : memref<512x2560xf32, #tpu.memory_space<vmem>>, vector<512x896xf32>,
    %get3A_38 = arith.constant 0 : index
    %get3A_39 = arith.constant 0 : index
    %get3A_40 = vector.load %arg2[%get3A_38, %get3A_39] : memref<512x1664xf32, #tpu.memory_space<vmem>>, vector<512x1664xf32>
    %get3A_41 = arith.constant 0 : index
    %get3A_42 = arith.constant 0 : index
    %get3A_43 = vector.load %arg5[%get3A_41, %get3A_42] : memref<1x1664xf32, #tpu.memory_space<vmem>>, vector<1x1664xf32>
    %add3A_44 = vector.broadcast %get3A_43 : vector<1x1664xf32> to vector<512x1664xf32>
    %add3A_45 = arith.addf %get3A_40, %add3A_44 : vector<512x1664xf32>
    %swap3A_46 = arith.constant 0 : index
    %swap3A_47 = arith.constant 896 : index
    %swap3A_48 = vector.load %arg6[%swap3A_46, %swap3A_47] : memref<512x2560xf32, #tpu.memory_space<vmem>>, vector<512x1664xf32>
    tpu.vector_store %arg6[%swap3A_46, %swap3A_47], %add3A_45 {strides = array<i32>} : memref<512x2560xf32, #tpu.memory_space<vmem>>, vector<512x1664xf32>,
    return
  }
  func.func @transform_0(%arg0: i32) -> (i32, i32) {
    %add3A = arith.constant 0 : i32
    %add3A_0 = arith.addi %add3A, %arg0 : i32
    %c0_i32 = arith.constant 0 : i32
    %c0_i32_1 = arith.constant 0 : i32
    return %add3A_0, %c0_i32 : i32, i32
  }
  func.func @transform_1(%arg0: i32) -> (i32, i32) {
    %c0_i32 = arith.constant 0 : i32
    %c0_i32_0 = arith.constant 0 : i32
    return %arg0, %c0_i32 : i32, i32
  }
  func.func @transform_2(%arg0: i32) -> (i32, i32) {
    %c0_i32 = arith.constant 0 : i32
    %c0_i32_0 = arith.constant 0 : i32
    %c0_i32_1 = arith.constant 0 : i32
    return %c0_i32, %c0_i32_0 : i32, i32
  }
  func.func @transform_3(%arg0: i32) -> (i32, i32) {
    %c0_i32 = arith.constant 0 : i32
    %c0_i32_0 = arith.constant 0 : i32
    %c0_i32_1 = arith.constant 0 : i32
    return %c0_i32, %c0_i32_0 : i32, i32
  }
  func.func @transform_4(%arg0: i32) -> (i32, i32) {
    %c0_i32 = arith.constant 0 : i32
    %c0_i32_0 = arith.constant 0 : i32
    %c0_i32_1 = arith.constant 0 : i32
    return %c0_i32, %c0_i32_0 : i32, i32
  }
  func.func @transform_5(%arg0: i32) -> (i32, i32) {
    %add3A = arith.constant 0 : i32
    %add3A_0 = arith.addi %add3A, %arg0 : i32
    %c0_i32 = arith.constant 0 : i32
    %c0_i32_1 = arith.constant 0 : i32
    return %add3A_0, %c0_i32 : i32, i32
  }
}

module attributes {stable_mosaic.version = 14 : i64} {
  func.func @_assemble_tc_alias(%arg0: i32, %arg1: memref<16384x2560xf32, #tpu.memory_space<hbm>>, %arg2: memref<512x16xf32, #tpu.memory_space<vmem>>, %arg3: memref<512x1664xf32, #tpu.memory_space<vmem>>, %arg4: memref<1x896xf32, #tpu.memory_space<vmem>>, %arg5: memref<1x896xf32, #tpu.memory_space<vmem>>, %arg6: memref<1x1664xf32, #tpu.memory_space<vmem>>, %arg7: memref<512x2560xf32, #tpu.memory_space<vmem>>) attributes {dimension_semantics = [#tpu.dimension_semantics<arbitrary>], iteration_bounds = array<i64: 16>, scalar_prefetch = 0 : i64, scratch_operands = 0 : i64, tpu.core_type = #tpu.core_type<tc>, window_params = [{}, {transform_indices = @transform_1, window_bounds = array<i64: 512, 16>}, {transform_indices = @transform_2, window_bounds = array<i64: 512, 1664>}, {pipeline_mode = #tpu.pipeline_mode<synchronous>, transform_indices = @transform_3, window_bounds = array<i64: 1, 896>}, {pipeline_mode = #tpu.pipeline_mode<synchronous>, transform_indices = @transform_4, window_bounds = array<i64: 1, 896>}, {pipeline_mode = #tpu.pipeline_mode<synchronous>, transform_indices = @transform_5, window_bounds = array<i64: 1, 1664>}, {transform_indices = @transform_6, window_bounds = array<i64: 512, 2560>}]} {
    %iota3A = tpu.iota {dimensions = array<i32: 1>} : vector<16x896xi32>
    %jit3A = arith.constant 64 : i32
    %div3A = vector.broadcast %jit3A : i32 to vector<16x896xi32>
    %div3A_0 = arith.divsi %iota3A, %div3A : vector<16x896xi32>
    %sign3A = arith.constant 0 : i32
    %sign3A_1 = vector.broadcast %sign3A : i32 to vector<16x896xi32>
    %sign3A_2 = arith.cmpi sgt, %iota3A, %sign3A_1 : vector<16x896xi32>
    %sign3A_3 = arith.extui %sign3A_2 : vector<16x896xi1> to vector<16x896xi32>
    %sign3A_4 = arith.constant 0 : i32
    %sign3A_5 = vector.broadcast %sign3A_4 : i32 to vector<16x896xi32>
    %sign3A_6 = arith.cmpi slt, %iota3A, %sign3A_5 : vector<16x896xi32>
    %sign3A_7 = arith.extui %sign3A_6 : vector<16x896xi1> to vector<16x896xi32>
    %sign3A_8 = arith.subi %sign3A_3, %sign3A_7 : vector<16x896xi32>
    %sign3A_9 = arith.constant 0 : i32
    %sign3A_10 = arith.cmpi sgt, %jit3A, %sign3A_9 : i32
    %sign3A_11 = arith.extui %sign3A_10 : i1 to i32
    %sign3A_12 = arith.constant 0 : i32
    %sign3A_13 = arith.cmpi slt, %jit3A, %sign3A_12 : i32
    %sign3A_14 = arith.extui %sign3A_13 : i1 to i32
    %sign3A_15 = arith.subi %sign3A_11, %sign3A_14 : i32
    %ne3A = vector.broadcast %sign3A_15 : i32 to vector<16x896xi32>
    %ne3A_16 = arith.cmpi ne, %sign3A_8, %ne3A : vector<16x896xi32>
    %rem3A = vector.broadcast %jit3A : i32 to vector<16x896xi32>
    %rem3A_17 = arith.remsi %iota3A, %rem3A : vector<16x896xi32>
    %ne3A_18 = arith.constant 0 : i32
    %ne3A_19 = vector.broadcast %ne3A_18 : i32 to vector<16x896xi32>
    %ne3A_20 = arith.cmpi ne, %rem3A_17, %ne3A_19 : vector<16x896xi32>
    %and3A = arith.andi %ne3A_16, %ne3A_20 : vector<16x896xi1>
    %sub3A = arith.constant 1 : i32
    %sub3A_21 = vector.broadcast %sub3A : i32 to vector<16x896xi32>
    %sub3A_22 = arith.subi %div3A_0, %sub3A_21 : vector<16x896xi32>
    %select_n3A = arith.select %and3A, %sub3A_22, %div3A_0 : vector<16x896xi1>, vector<16x896xi32>
    %iota3A_23 = tpu.iota {dimensions = array<i32: 0>} : vector<16x896xi32>
    %eq3A = arith.cmpi eq, %select_n3A, %iota3A_23 : vector<16x896xi32>
    %convert_element_type3A = arith.extui %eq3A : vector<16x896xi1> to vector<16x896xi32>
    %convert_element_type3A_24 = arith.sitofp %convert_element_type3A : vector<16x896xi32> to vector<16x896xf32>
    %get3A = arith.constant 0 : index
    %get3A_25 = arith.constant 0 : index
    %get3A_26 = vector.load %arg2[%get3A, %get3A_25] : memref<512x16xf32, #tpu.memory_space<vmem>>, vector<512x16xf32>
    %dot_general3A = arith.constant dense<0.000000e+00> : vector<512x896xf32>
    %dot_general3A_27 = tpu.matmul %get3A_26, %convert_element_type3A_24, %dot_general3A {dimension_numbers = #tpu.dot_dimension_numbers<[1], [0], [0], [1], [0, 0, 1, 1], [], []>, transpose_lhs_hint = false} : vector<512x16xf32>, vector<16x896xf32>, vector<512x896xf32> -> vector<512x896xf32>
    %get3A_28 = arith.constant 0 : index
    %get3A_29 = arith.constant 0 : index
    %get3A_30 = vector.load %arg4[%get3A_28, %get3A_29] : memref<1x896xf32, #tpu.memory_space<vmem>>, vector<1x896xf32>
    %mul3A = vector.broadcast %get3A_30 : vector<1x896xf32> to vector<512x896xf32>
    %mul3A_31 = arith.mulf %dot_general3A_27, %mul3A : vector<512x896xf32>
    %get3A_32 = arith.constant 0 : index
    %get3A_33 = arith.constant 0 : index
    %get3A_34 = vector.load %arg5[%get3A_32, %get3A_33] : memref<1x896xf32, #tpu.memory_space<vmem>>, vector<1x896xf32>
    %add3A = vector.broadcast %get3A_34 : vector<1x896xf32> to vector<512x896xf32>
    %add3A_35 = arith.addf %mul3A_31, %add3A : vector<512x896xf32>
    %swap3A = arith.constant 0 : index
    %swap3A_36 = arith.constant 0 : index
    %swap3A_37 = vector.load %arg7[%swap3A, %swap3A_36] : memref<512x2560xf32, #tpu.memory_space<vmem>>, vector<512x896xf32>
    tpu.vector_store %arg7[%swap3A, %swap3A_36], %add3A_35 {strides = array<i32>} : memref<512x2560xf32, #tpu.memory_space<vmem>>, vector<512x896xf32>,
    %get3A_38 = arith.constant 0 : index
    %get3A_39 = arith.constant 0 : index
    %get3A_40 = vector.load %arg3[%get3A_38, %get3A_39] : memref<512x1664xf32, #tpu.memory_space<vmem>>, vector<512x1664xf32>
    %get3A_41 = arith.constant 0 : index
    %get3A_42 = arith.constant 0 : index
    %get3A_43 = vector.load %arg6[%get3A_41, %get3A_42] : memref<1x1664xf32, #tpu.memory_space<vmem>>, vector<1x1664xf32>
    %add3A_44 = vector.broadcast %get3A_43 : vector<1x1664xf32> to vector<512x1664xf32>
    %add3A_45 = arith.addf %get3A_40, %add3A_44 : vector<512x1664xf32>
    %swap3A_46 = arith.constant 0 : index
    %swap3A_47 = arith.constant 896 : index
    %swap3A_48 = vector.load %arg7[%swap3A_46, %swap3A_47] : memref<512x2560xf32, #tpu.memory_space<vmem>>, vector<512x1664xf32>
    tpu.vector_store %arg7[%swap3A_46, %swap3A_47], %add3A_45 {strides = array<i32>} : memref<512x2560xf32, #tpu.memory_space<vmem>>, vector<512x1664xf32>,
    return
  }
  func.func @transform_1(%arg0: i32) -> (i32, i32) {
    %add3A = arith.constant 16 : i32
    %add3A_0 = arith.addi %add3A, %arg0 : i32
    %c0_i32 = arith.constant 0 : i32
    %c0_i32_1 = arith.constant 0 : i32
    return %add3A_0, %c0_i32 : i32, i32
  }
  func.func @transform_2(%arg0: i32) -> (i32, i32) {
    %c0_i32 = arith.constant 0 : i32
    %c0_i32_0 = arith.constant 0 : i32
    return %arg0, %c0_i32 : i32, i32
  }
  func.func @transform_3(%arg0: i32) -> (i32, i32) {
    %c0_i32 = arith.constant 0 : i32
    %c0_i32_0 = arith.constant 0 : i32
    %c0_i32_1 = arith.constant 0 : i32
    return %c0_i32, %c0_i32_0 : i32, i32
  }
  func.func @transform_4(%arg0: i32) -> (i32, i32) {
    %c0_i32 = arith.constant 0 : i32
    %c0_i32_0 = arith.constant 0 : i32
    %c0_i32_1 = arith.constant 0 : i32
    return %c0_i32, %c0_i32_0 : i32, i32
  }
  func.func @transform_5(%arg0: i32) -> (i32, i32) {
    %c0_i32 = arith.constant 0 : i32
    %c0_i32_0 = arith.constant 0 : i32
    %c0_i32_1 = arith.constant 0 : i32
    return %c0_i32, %c0_i32_0 : i32, i32
  }
  func.func @transform_6(%arg0: i32) -> (i32, i32) {
    %add3A = arith.constant 16 : i32
    %add3A_0 = arith.addi %add3A, %arg0 : i32
    %c0_i32 = arith.constant 0 : i32
    %c0_i32_1 = arith.constant 0 : i32
    return %add3A_0, %c0_i32 : i32, i32
  }
}

</mosaic_0001>

<sc_bundles>
// kernel: kernel.6.cloned.1.call-start
scs
__scs_entry_jumppad:
0x0: {  	(pc) =	sbr.rel $0x88, $3  }
0x1: {  	(tag) =	ssettag $0x0;
	lr =	simm.s32 $0x1  }
0x2: {  	[smem:$0x3F9B] =	sst lr;
	_ =	strace $0xD0000000  }
0x3: {  	_ = 	snop  }
0x4: {  	_ = 	snop  }
0x5: {  	_ = 	snop  }
0x6: {  	_ = 	snop  }
0x7: {  	_ = 	snop  }
__scs_overlays_trampoline_lowered:
0x8: {  	[smem:$0x3FAA] =	sst s0  }
0x9: {  	[smem:$0x3FAB] =	sst s1  }
0xa: {  	[smem:$0x3FAC] =	sst s2  }
0xb: {  	[smem:$0x3FAD] =	sst s3  }
0xc: {  	[smem:$0x3FAE] =	sst s4  }
0xd: {  	[smem:$0x3FAF] =	sst s5  }
0xe: {  	[smem:$0x3FB0] =	sst s6  }
0xf: {  	[smem:$0x3FB1] =	sst s7  }
0x10: {  	[smem:$0x3FB2] =	sst s8  }
0x11: {  	[smem:$0x3FB3] =	sst s9;
	s0 =	simm.s32 @!p0 $0x0  }
0x12: {  	s1 =	sld [smem:$0x3F99];
	s0 =	simm.s32 @p0 $0x1  }
0x13: {  	[smem:$0x3FB4] =	sst s0;
	s0 =	simm.s32 @!p1 $0x0  }
0x14: {  	s2 =	sld [smem:$0x3F98];
	s0 =	simm.s32 @p1 $0x1  }
0x15: {  	[smem:$0x3FB5] =	sst s0;
	s0 =	simm.s32 @!p2 $0x0  }
0x16: {  	s3 =	sld [smem:$0x3FDB];
	s0 =	simm.s32 @p2 $0x1  }
0x17: {  	s4 =	simm.s32 $0x1BF5;
	[smem:$0x3FB7] =	sst s0  }
0x18: {  	s0 =	sld [smem:$0x3F9A];
	_ =	swait.ge [sflag:s4], $0x0  }
0x19: {  	s7 =	sld [smem:$0x3F9B]  }
0x1a: {  	s8 =	sadd.s32 $0xFFFFE003, lr  }
0x1b: {  	s9 =	sadd.s32 $0xFFFFFEF7, lr;
	s5 =	simm.s32 $0xFFFFFFFF;
	p2 =	slt.u32 s8, $0xFFFFF086  }
0x1c: {  	p1 =	slt.u32 s9, $0xF7A;
	s5 =	simm.s32 @!p2 $0x0  }
0x1d: {  	s5 =	simm.s32 @p1 $0x1;
	p0 =	seq.s32 s7, s2  }
0x1e: {  	s7 =	smul.u32 @!p0 $0xF7A, s2;
	p2 =	seq.s32 @!p0 s5, $0x0  }
0x1f: {  	s9 =	smul.u32 $0xF7A, s1;
	s8 =	simm.s32 @!p0 $0x1BF5;
	p2 =	por !p2, p0  }
0x20: {  	[sflag:s8] =	ssyncset.s32 @!p0 $0xFFFFF086;
	s6 =	sadd.s32 @!p0 s3, s7;
	s7 =	simm.s32 @!p0 $0x108  }
0x21: {  	s3 =	sadd.s32 s3, s9;
	s6 =	sadd.s32 @!p0 $0x88, s6;
	s7 =	simm.s32 @p2 $0x1082  }
0x22: {  	[simem:s7], [sflag:s8] =	dma.local @!p0 [hbm:s6], $0xF7A  }
0x23: {  	s9 =	sor.u32 $0xD0000000, s2;
	s6 =	simm.s32 $0x108;
	_ =	swait.ge @!p0 [sflag:s8], $0x0  }
0x24: {  	s3 =	sadd.s32 $0x88, s3;
	s6 =	simm.s32 @!p1 $0x1082;
	[sflag:s4] =	ssyncset.s32 $0xFFFFF086  }
0x25: {  	[simem:s6], [sflag:s4] =	dma.local [hbm:s3], $0xF7A  }
0x26: {  	[smem:$0x3F9B] =	sst s1;
	(tag) =	ssettag s2;
	_ =	strace s9  }
0x27: {  	s1 =	sld [smem:$0x3FAB]  }
0x28: {  	s2 =	sld [smem:$0x3FAC]  }
0x29: {  	s4 =	sld [smem:$0x3FAE]  }
0x2a: {  	p0 =	seq.s32 s5, $0x0;
	s5 =	sld [smem:$0x3FAF]  }
0x2b: {  	s6 =	sld [smem:$0x3FB0]  }
0x2c: {  	s7 =	sld [smem:$0x3FB1]  }
0x2d: {  	s3 =	simm.s32 $0x108;
	s8 =	sld [smem:$0x3FB2]  }
0x2e: {  	s3 =	simm.s32 @!p0 $0x1082;
	s9 =	sld [smem:$0x3FB3]  }
0x2f: {  	lr =	sadd.s32 s0, s3;
	s0 =	sld [smem:$0x3FAA]  }
0x30: {  	s3 =	sld [smem:$0x3FAD]  }
0x31: {  	[smem:$0x3FB6] =	sst s10  }
0x32: {  	s10 =	sld [smem:$0x3FB4];
	_ =	sdelay $0x3  }
0x33: {  	p0 =	seq.s32 s10, $0x1;
	s10 =	sld [smem:$0x3FB6];
	_ =	sdelay $0x3  }
0x34: {  	[smem:$0x3FB6] =	sst s10  }
0x35: {  	s10 =	sld [smem:$0x3FB5];
	_ =	sdelay $0x3  }
0x36: {  	p1 =	seq.s32 s10, $0x1;
	s10 =	sld [smem:$0x3FB6];
	_ =	sdelay $0x3  }
0x37: {  	[smem:$0x3FB6] =	sst s10  }
0x38: {  	s10 =	sld [smem:$0x3FB7]  }
0x39: {  	_ = 	snop;
	(pc) =	sbr.ind lr, $3  }
0x3a: {  	_ = 	snop  }
0x3b: {  	_ = 	snop  }
0x3c: {  	p2 =	seq.s32 s10, $0x1;
	s10 =	sld [smem:$0x3FB6]  }
0x3d: {  	_ =	shalt  }
0x3e: {  	_ =	shalt  }
0x3f: {  	_ =	shalt  }
0x40: {  	_ =	shalt  }
0x41: {  	_ =	shalt  }
0x42: {  	_ =	shalt  }
0x43: {  	_ =	shalt  }
0x44: {  	_ =	shalt  }
0x45: {  	_ =	shalt  }
0x46: {  	_ =	shalt  }
0x47: {  	_ =	shalt  }
0x48: {  	_ =	shalt  }
0x49: {  	_ =	shalt  }
0x4a: {  	_ =	shalt  }
0x4b: {  	_ =	shalt  }
0x4c: {  	_ =	shalt  }
0x4d: {  	_ =	shalt  }
0x4e: {  	_ =	shalt  }
0x4f: {  	_ =	shalt  }
0x50: {  	_ =	shalt  }
0x51: {  	_ =	shalt  }
0x52: {  	_ =	shalt  }
0x53: {  	_ =	shalt  }
0x54: {  	_ =	shalt  }
0x55: {  	_ =	shalt  }
0x56: {  	_ =	shalt  }
0x57: {  	_ =	shalt  }
0x58: {  	_ =	shalt  }
0x59: {  	_ =	shalt  }
0x5a: {  	_ =	shalt  }
0x5b: {  	_ =	shalt  }
0x5c: {  	_ =	shalt  }
0x5d: {  	_ =	shalt  }
0x5e: {  	_ =	shalt  }
0x5f: {  	_ =	shalt  }
0x60: {  	_ =	shalt  }
0x61: {  	_ =	shalt  }
0x62: {  	_ =	shalt  }
0x63: {  	_ =	shalt  }
0x64: {  	_ =	shalt  }
0x65: {  	_ =	shalt  }
0x66: {  	_ =	shalt  }
0x67: {  	_ =	shalt  }
0x68: {  	_ =	shalt  }
0x69: {  	_ =	shalt  }
0x6a: {  	_ =	shalt  }
0x6b: {  	_ =	shalt  }
0x6c: {  	_ =	shalt  }
0x6d: {  	_ =	shalt  }
0x6e: {  	_ =	shalt  }
0x6f: {  	_ =	shalt  }
0x70: {  	_ =	shalt  }
0x71: {  	_ =	shalt  }
0x72: {  	_ =	shalt  }
0x73: {  	_ =	shalt  }
0x74: {  	_ =	shalt  }
0x75: {  	_ =	shalt  }
0x76: {  	_ =	shalt  }
0x77: {  	_ =	shalt  }
0x78: {  	_ =	shalt  }
0x79: {  	_ =	shalt  }
0x7a: {  	_ =	shalt  }
0x7b: {  	_ =	shalt  }
0x7c: {  	_ =	shalt  }
0x7d: {  	_ =	shalt  }
0x7e: {  	_ =	shalt  }
0x7f: {  	_ =	shalt  }
0x80: {  	_ =	shalt  }
0x81: {  	_ =	shalt  }
0x82: {  	_ =	shalt  }
0x83: {  	_ =	shalt  }
0x84: {  	_ =	shalt  }
0x85: {  	_ =	shalt  }
0x86: {  	_ =	shalt  }
0x87: {  	_ =	shalt  }
.Lfunc_end0:
.L_simem_size_0:
called_computation_lowered:
.L_overlay_start_0:
0x88: {  	s2 =	sld [smem:$0x3FD9]  }
0x89: {  	s3 =	sld [smem:$0x3FFE];
	_ =	sdelay $0x1  }
0x8a: {  	s1 =	srdreg.scid  }
0x8b: {  	s0 =	sand.u32 $0x1, s1  }
0x8c: {  	s17 =	sshll.u32 s0, $0xA;
	s2 =	sadd.s32 s3, s2  }
0x8d: {  	s2 =	sadd.s32 s2, s17  }
0x8e: {  	[smem:$0x3FC2] =	sst s2  }
0x8f: {  	_ = 	snop  }
0x90: {  	s18 =	sld [smem:$0x3FD0];
	(tm) =	ssettm $0x1  }
0x91: {  	s19 =	sld [smem:$0x3FFB];
	_ =	sdelay $0x3  }
0x92: {  	_ =	strace s19  }
0x93: {  	s2 =	sld [smem:$0x3FFC];
	_ =	sdelay $0x3  }
0x94: {  	_ =	strace s2  }
0x95: {  	s2 =	sld [smem:$0x3FFD];
	_ =	sdelay $0x3  }
0x96: {  	_ =	strace s2  }
0x97: {  	_ =	strace $0x8FFFFFFF  }
0x98: {  	s20 =	sld [smem:$0x3FDB];
	_ =	sdelay $0x1  }
0x99: {  	s4 =	simm.s32 $_scs_section_size  }
0x9a: {  	s5 =	simm.s32 $_size__tile_overlayer_lowered;
	s6 =	simm.s32 $_tile_overlayer_lowered  }
0x9b: {  	s7 =	simm.s32 $0x1BFF;
	s21 =	sshll.u32 s6, $0x1;
	s4 =	sadd.s32 s4, s20  }
0x9c: {  	s22 =	simm.s32 $0x0;
	s5 =	sshll.u32 s5, $0x1;
	s6 =	sadd.s32 s21, s4  }
0x9d: {  	[timem:s22], [sflag:s7] =	dma.local [hbm:s6], s5  }
0x9e: {  	_ =	swait.ge [sflag:s7], s5  }
0x9f: {  	s5 =	ssub.s32 $0x0, s5;
	[sflag:s7] =	ssyncset.done $0x0  }
0xa0: {  	[sflag:s7] =	ssyncadd.s32 s5;
	_ =	sdelay $0x1  }
0xa1: {  	s23 =	simm.s32 $0x1B8B  }
0xa2: {  	_ =	swait.ge [sflag:s23], $0x1  }
0xa3: {  	[sflag:s23] =	ssyncset.done $0x0  }
0xa4: {  	[sflag:s23] =	ssyncadd.s32 $0xFFFFFFFF  }
0xa5: {  	s5 =	sld [smem:$0x0]  }
0xa6: {  	s6 =	sand.u32 $0xFFFFFFFE, s1  }
0xa7: {  	p0 =	sne.s32 s1, s6  }
0xa8: {  	s6 =	sshll.u32 @p0 s6, $0xE  }
0xa9: {  	s6 =	sadd.s32 @p0 $0x11B8D, s6;
	s7 =	sshll.u32 @p0 s5, $0x11  }
0xaa: {  	s6 =	sor.u32 @p0 s7, s6  }
0xab: {  	[sflag:s6] =	ssyncadd.remote.s32 @p0 $0x1;
	_ =	sdelay $0x1  }
0xac: {  	s6 =	simm.s32 @p0 $0x1B8D  }
0xad: {  	_ =	swait.eq @p0 [sflag:s6], $0x1  }
0xae: {  	[sflag:s6] =	ssyncadd.s32 @p0 $0xFFFFFFFF  }
0xaf: {  	s7 =	sshll.u32 @!p0 s1, $0xE  }
0xb0: {  	s7 =	sor.u32 @!p0 $0x4000, s7;
	s6 =	simm.s32 @!p0 $0x1B8D  }
0xb1: {  	s5 =	sshll.u32 @!p0 s5, $0x11;
	s7 =	sadd.s32 @!p0 $0x11B8D, s7;
	_ =	swait.eq @!p0 [sflag:s6], $0x1  }
0xb2: {  	s5 =	sor.u32 @!p0 s5, s7;
	[sflag:s6] =	ssyncadd.s32 @!p0 $0xFFFFFFFF  }
0xb3: {  	s25 =	simm.s32 $0x1B8E;
	s24 =	sld [smem:$0x3FFE];
	[sflag:s5] =	ssyncadd.remote.s32 @!p0 $0x1  }
0xb4: {  	s26 =	simm.s32 $execute0_lowered;
	[smem:$0x3FD2] =	sst s25  }
0xb5: {  	s6 =	sshll.u32 s26, $0x1;
	_ =	strace $0x80000049;
	[dreg:$0x1] =	wrdreg $0xFFFFFFFF  }
0xb6: {  	s28 =	simm.s32 $_size_execute0_lowered;
	s4 =	sadd.s32 s4, s6;
	[dreg:$0x0] =	wrdreg $0x0  }
0xb7: {  	s6 =	sshll.u32 s28, $0x1;
	[dreg:$0x2] =	wrdreg s4  }
0xb8: {  	[dreg:$0x3] =	wrdreg s6  }
0xb9: {  	[dreg:$0x4] =	wrdreg $0xC0  }
0xba: {  	_ =	task [dreg:s22], $0x5FFFF  }
0xbb: {  	[dreg:$0x1] =	wrdreg $0xFFFFFFFF  }
0xbc: {  	[dreg:$0x0] =	wrdreg $0x60  }
0xbd: {  	[dreg:$0x2] =	wrdreg s24  }
0xbe: {  	[dreg:$0x3] =	wrdreg s18  }
0xbf: {  	[dreg:$0x4] =	wrdreg $0x9  }
0xc0: {  	_ =	task.clear_ibuf [dreg:s22], $0x5FFFF;
	_ =	strace $0x90000049  }
0xc1: {  	s29 =	simm.s32 $0x9;
	_ =	strace $0x8000004B  }
0xc2: {  	_ =	swait.ge [sflag:s29], $0x1  }
0xc3: {  	[sflag:s29] =	ssyncadd.s32 $0xFFFFFFFF  }
0xc4: {  	_ =	strace $0x9000004B  }
0xc5: {  	_ =	sfence  }
0xc6: {  	s30 =	sld [smem:$0x0];
	_ =	sdelay $0x2  }
0xc7: {  	s31 =	sshll.u32 s1, $0xD;
	s1 =	sshrl.u32 s1, $0x2  }
0xc8: {  	s4 =	sand.u32 $0x4000, s31;
	s1 =	sadd.s32 s1, s30  }
0xc9: {  	s0 =	sor.u32 s4, s0;
	s1 =	sshll.u32 s1, $0x11  }
0xca: {  	s0 =	sor.u32 s1, s0  }
0xcb: {  	s0 =	sadd.s32 $0x8F2B, s0  }
0xcc: {  	[sflag:s0] =	ssyncadd.remote.s32 $0x1  }
0xcd: {  	_ =	sfence.sel $0xFFFF  }
0xce: {  	[dreg:$0x0] =	wrdreg $0xFFFFFFFF;
	(pc) =	sbr.abs _section_cstart, $3  }
0xcf: {  	[dreg:$0x1] =	wrdreg $0xFFFFFFFF  }
0xd0: {  	_ =	task.clear_ibuf [dreg:s22], $0x2FFFF;
	_ =	strace $0x9FFFFFFF  }
0xd1: {  	(tm) =	ssettm $0x7FFFFFFF  }
tec
execute0_lowered:
.L_overlay_start_1:
0x0: {  	(tag) =	ssettag $0x1  }
0x1: {  	s0 =	rddreg [dreg:$0x0];
	s1 =	srdreg.scid  }
0x2: {  	s8 =	stileid.u32;
	s3 =	simm.s32 $0x0;
	s16 =	simm.s32 $0x68  }
0x3: {  	s20 =	simm.s32 $0x4E00;
	s23 =	simm.s32 $0x1;
	s25 =	simm.s32 $0x2  }
0x4: {  	s26 =	simm.s32 $0x3;
	s30 =	simm.s32 $0x4;
	s31 =	simm.s32 $0x5  }
0x5: {  	s18 =	simm.s32 $0x7;
	s19 =	simm.s32 $0x8;
	s5 =	smul.u32 $0x3400, s8  }
0x6: {  	s1 =	sand.u32 $0x1, s1;
	s2 =	sshll.u32 s8, $0x1;
	s8 =	smul.u32 $0x1A000, s8  }
0x7: {  	s15 =	simm.s32 $0x0;
	[smem:$0x7FF] =	sst s3;
	s7 =	smul.u32 $0x1A00, s1  }
0x8: {  	s2 =	sor.u32 s1, s2;
	s6 =	ssub.s32 $0x2, s1;
	s1 =	smul.u32 $0xD000, s1  }
0x9: {  	s4 =	sadd.s32 $0x17600, s0;
	_ =	strace $0x8000004A;
	s2 =	smul.u32 $0x340, s2  }
0xa: {  	s28 =	sshrl.u32 s6, $0x1;
	s5 =	sadd.s32 s7, s5;
	s8 =	sadd.s32 s1, s8  }
0xb: {  	s1 =	simm.s32 $0x6;
	s2 =	sadd.s32 s2, s0;
	s0 =	ssub.s32 s6, s28  }
.Ltmp0:
0xc: {  	s29 =	sshll.u32 s5, $0x3;
	s6 =	simm.s32 $0xA;
	(pc) =	sbr.rel .LBB2_1-.Ltmp0, $4  }
0xd: {  	s2 =	sadd.s32 $0xE00, s2;
	s0 =	smax.u32 s0, $0x1;
	s7 =	sor.u32 $0x680, s29  }
0xe: {  	s9 =	sadd.s32 $0x2D80, s29;
	s10 =	sadd.s32 $0x2700, s29;
	s11 =	sadd.s32 $0x2080, s29  }
0xf: {  	s12 =	sadd.s32 $0x1A00, s29;
	s13 =	sadd.s32 $0x1380, s29;
	[dreg:$0x3] =	wrdreg s2  }
0x10: {  	s14 =	sor.u32 $0xD00, s29;
	[dreg:$0x4] =	wrdreg s0;
	s2 =	simm.s32 $0x18600  }
.LBB2_4:
0x11: {  	s0 =	simm.s32 $0x9  }
0x12: {  	_ =	swait.ge [sflag:s0], $0x3400  }
0x13: {  	[sflag:s0] =	ssyncset.done $0x0  }
0x14: {  	[sflag:s0] =	ssyncadd.s32 $0xFFFFCC00  }
0x15: {  	_ =	swait.ge [sflag:s6], $0x3400  }
0x16: {  	[sflag:s6] =	ssyncset.done $0x0  }
0x17: {  	s17 =	simm.s32 $0xB;
	[sflag:s6] =	ssyncadd.s32 $0xFFFFCC00  }
0x18: {  	_ =	swait.ge [sflag:s17], $0x3400  }
0x19: {  	[sflag:s17] =	ssyncset.done $0x0  }
0x1a: {  	s21 =	simm.s32 $0xC;
	[sflag:s17] =	ssyncadd.s32 $0xFFFFCC00  }
0x1b: {  	_ =	swait.ge [sflag:s21], $0x3400  }
0x1c: {  	[sflag:s21] =	ssyncset.done $0x0  }
0x1d: {  	s22 =	simm.s32 $0xD;
	[sflag:s21] =	ssyncadd.s32 $0xFFFFCC00  }
0x1e: {  	_ =	swait.ge [sflag:s22], $0x3400  }
0x1f: {  	[sflag:s22] =	ssyncset.done $0x0  }
0x20: {  	s24 =	simm.s32 $0xE;
	[sflag:s22] =	ssyncadd.s32 $0xFFFFCC00  }
0x21: {  	_ =	swait.ge [sflag:s24], $0x3400  }
0x22: {  	[sflag:s24] =	ssyncset.done $0x0  }
0x23: {  	s28 =	simm.s32 $0xF;
	[sflag:s24] =	ssyncadd.s32 $0xFFFFCC00  }
0x24: {  	_ =	swait.ge [sflag:s28], $0x3400  }
0x25: {  	[sflag:s28] =	ssyncset.done $0x0  }
0x26: {  	s5 =	simm.s32 $0x10;
	[sflag:s28] =	ssyncadd.s32 $0xFFFFCC00  }
0x27: {  	_ =	swait.ge [sflag:s5], $0x3400  }
0x28: {  	s15 =	rddreg [dreg:$0x5]  }
0x29: {  	s29 =	rddreg [dreg:$0x4];
	s15 =	sadd.s32 $0x1, s15  }
0x2a: {  	p0 =	sne.s32 s15, s29  }
.Ltmp1:
0x2b: {  	_ = 	snop;
	(pc) =	sbr.rel @!p0 .LBB2_5-.Ltmp1, $3  }
0x2c: {  	_ =	sdelay $0x1  }
0x2d: {  	[sflag:s5] =	ssyncset.done $0x0  }
0x2e: {  	[sflag:s5] =	ssyncadd.s32 $0xFFFFCC00  }
.LBB2_1:
0x2f: {  	[dreg:$0x5] =	wrdreg s15  }
0x30: {  	s0 =	rddreg [dreg:$0x3];
	s21 =	simm.s32 $0x11  }
0x31: {  	[tilespmem:s3], [sflag:$0x11] =	stream.linear.gather [hbm4b:s0+s3], $0x1A00, $0x38;
	[tilespmem:$0x1BA00] =	vst v63  }
0x32: {  	_ =	swait.ge [sflag:s21], $0x1A00  }
0x33: {  	[sflag:s21] =	ssyncset.done $0x0  }
0x34: {  	s22 =	simm.s32 $0x1A00;
	[sflag:s21] =	ssyncadd.s32 $0xFFFFE600  }
0x35: {  	[tilespmem:s22], [sflag:$0x1] =	stream.indirect.gather [hbm4b:s4+s16], $0x40, s3, s16, $0xb8;
	[tilespmem:$0x1BA00] =	vst v63  }
0x36: {  	s24 =	simm.s32 $0x3400  }
0x37: {  	[tilespmem:s24], [sflag:$0x1] =	stream.indirect.gather [hbm4b:s4+s16], $0x40, s16, s16, $0xb8;
	[tilespmem:$0x1BA00] =	vst v63  }
0x38: {  	s28 =	simm.s32 $0xD0  }
0x39: {  	[tilespmem:s20], [sflag:$0x2] =	stream.indirect.gather [hbm4b:s4+s16], $0x40, s28, s16, $0xb8;
	[tilespmem:$0x1BA00] =	vst v63  }
0x3a: {  	s29 =	simm.s32 $0x138;
	s5 =	simm.s32 $0x6800  }
0x3b: {  	[tilespmem:s5], [sflag:$0x2] =	stream.indirect.gather [hbm4b:s4+s16], $0x40, s29, s16, $0xb8;
	[tilespmem:$0x1BA00] =	vst v63  }
0x3c: {  	s15 =	simm.s32 $0x8200;
	s5 =	simm.s32 $0x1A0  }
0x3d: {  	[tilespmem:s15], [sflag:$0x3] =	stream.indirect.gather [hbm4b:s4+s16], $0x40, s5, s16, $0xb8;
	[tilespmem:$0x1BA00] =	vst v63  }
0x3e: {  	s17 =	simm.s32 $0x208;
	s21 =	simm.s32 $0x9C00  }
0x3f: {  	[tilespmem:s21], [sflag:$0x3] =	stream.indirect.gather [hbm4b:s4+s16], $0x40, s17, s16, $0xb8;
	[tilespmem:$0x1BA00] =	vst v63  }
0x40: {  	s22 =	simm.s32 $0x270;
	s24 =	simm.s32 $0xB600  }
0x41: {  	[tilespmem:s24], [sflag:$0x4] =	stream.indirect.gather [hbm4b:s4+s16], $0x40, s22, s16, $0xb8;
	[tilespmem:$0x1BA00] =	vst v63  }
0x42: {  	s28 =	simm.s32 $0x2D8;
	s29 =	simm.s32 $0xD000  }
0x43: {  	[tilespmem:s29], [sflag:$0x4] =	stream.indirect.gather [hbm4b:s4+s16], $0x40, s28, s16, $0xb8;
	[tilespmem:$0x1BA00] =	vst v63  }
0x44: {  	s5 =	simm.s32 $0x340;
	s15 =	simm.s32 $0xEA00  }
0x45: {  	[tilespmem:s15], [sflag:$0x5] =	stream.indirect.gather [hbm4b:s4+s16], $0x40, s5, s16, $0xb8;
	[tilespmem:$0x1BA00] =	vst v63  }
0x46: {  	s17 =	simm.s32 $0x3A8;
	s21 =	simm.s32 $0x10400  }
0x47: {  	[tilespmem:s21], [sflag:$0x5] =	stream.indirect.gather [hbm4b:s4+s16], $0x40, s17, s16, $0xb8;
	[tilespmem:$0x1BA00] =	vst v63  }
0x48: {  	s22 =	simm.s32 $0x410;
	s24 =	simm.s32 $0x11E00  }
0x49: {  	[tilespmem:s24], [sflag:$0x6] =	stream.indirect.gather [hbm4b:s4+s16], $0x40, s22, s16, $0xb8;
	[tilespmem:$0x1BA00] =	vst v63  }
0x4a: {  	s28 =	simm.s32 $0x478;
	s29 =	simm.s32 $0x13800  }
0x4b: {  	[tilespmem:s29], [sflag:$0x6] =	stream.indirect.gather [hbm4b:s4+s16], $0x40, s28, s16, $0xb8;
	[tilespmem:$0x1BA00] =	vst v63  }
0x4c: {  	s15 =	simm.s32 $0x4E0;
	s17 =	simm.s32 $0x15200  }
0x4d: {  	[tilespmem:s17], [sflag:$0x7] =	stream.indirect.gather [hbm4b:s4+s16], $0x40, s15, s16, $0xb8;
	[tilespmem:$0x1BA00] =	vst v63  }
0x4e: {  	s21 =	simm.s32 $0x548;
	s22 =	simm.s32 $0x16C00  }
0x4f: {  	[tilespmem:s22], [sflag:$0x7] =	stream.indirect.gather [hbm4b:s4+s16], $0x40, s21, s16, $0xb8;
	[tilespmem:$0x1BA00] =	vst v63  }
0x50: {  	s5 =	simm.s32 $0x4;
	s24 =	simm.s32 $0x5B0;
	s28 =	simm.s32 $0x618  }
0x51: {  	[tilespmem:s2], [sflag:$0x8] =	stream.indirect.gather [hbm4b:s4+s16], $0x40, s24, s16, $0xb8;
	[tilespmem:$0x1BA00] =	vst v63  }
0x52: {  	s29 =	simm.s32 $0x1A000;
	s15 =	rddreg [dreg:$0x1];
	s22 =	simm.s32 $0x0  }
0x53: {  	[tilespmem:s29], [sflag:$0x8] =	stream.indirect.gather [hbm4b:s4+s16], $0x40, s28, s16, $0xb8;
	[tilespmem:$0x1BA00] =	vst v63  }
.LBB2_2:
0x54: {  	_ =	swait.ge [sflag:s23], $0x1A00  }
0x55: {  	[sflag:s23] =	ssyncset.done $0x0  }
0x56: {  	[sflag:s23] =	ssyncadd.s32 $0xFFFFE600  }
0x57: {  	_ =	swait.ge [sflag:s23], $0x1A00  }
0x58: {  	s17 =	sadd.s32 s15, s8;
	[sflag:s23] =	ssyncset.done $0x0  }
0x59: {  	s0 =	simm.s32 $0x1A00;
	p0 =	seq.s32 s22, $0x0;
	[sflag:s23] =	ssyncadd.s32 $0xFFFFE600  }
0x5a: {  	[hbm4b:s17+s3] =	stream.linear.scatter [tilespmem:s0], [sflag:$0x9], $0x3400, $0x38;
	[tilespmem:$0x1BA00] =	vst v63  }
0x5b: {  	s17 =	simm.s32 @!p0 $0xB  }
0x5c: {  	_ =	swait.ge @!p0 [sflag:s17], $0x3400  }
0x5d: {  	[sflag:s17] =	ssyncset.done @!p0 $0x0  }
0x5e: {  	[sflag:s17] =	ssyncadd.s32 @!p0 $0xFFFFCC00;
	s17 =	sshra.s32 @!p0 s22, $0x2  }
0x5f: {  	s24 =	simm.s32 @!p0 $0x68;
	s0 =	simm.s32 @!p0 $0x8200;
	s29 =	sadd.s32 @!p0 $0x1A0, s17  }
0x60: {  	[tilespmem:s0], [sflag:$0x3] =	stream.indirect.gather @!p0 [hbm4b:s4+s24], $0x40, s29, s24, $0xb8;
	[tilespmem:$0x1BA00] =	vst v63  }
0x61: {  	s0 =	sadd.s32 @!p0 $0x208, s17;
	s29 =	simm.s32 @!p0 $0x9C00  }
0x62: {  	[tilespmem:s29], [sflag:$0x3] =	stream.indirect.gather @!p0 [hbm4b:s4+s24], $0x40, s0, s24, $0xb8;
	[tilespmem:$0x1BA00] =	vst v63  }
0x63: {  	_ =	swait.ge [sflag:s25], $0x1A00  }
0x64: {  	[sflag:s25] =	ssyncset.done $0x0  }
0x65: {  	[sflag:s25] =	ssyncadd.s32 $0xFFFFE600  }
0x66: {  	_ =	swait.ge [sflag:s25], $0x1A00  }
0x67: {  	[sflag:s25] =	ssyncset.done $0x0  }
0x68: {  	s21 =	sadd.s32 s15, s7;
	s0 =	simm.s32 @!p0 $0xC;
	[sflag:s25] =	ssyncadd.s32 $0xFFFFE600  }
0x69: {  	[hbm4b:s21+s3] =	stream.linear.scatter [tilespmem:s20], [sflag:$0xA], $0x3400, $0x38;
	[tilespmem:$0x1BA00] =	vst v63  }
0x6a: {  	_ =	swait.ge @!p0 [sflag:s0], $0x3400  }
0x6b: {  	[sflag:s0] =	ssyncset.done @!p0 $0x0  }
0x6c: {  	s29 =	simm.s32 @!p0 $0xB600;
	[sflag:s0] =	ssyncadd.s32 @!p0 $0xFFFFCC00;
	s0 =	sadd.s32 @!p0 $0x270, s17  }
0x6d: {  	[tilespmem:s29], [sflag:$0x4] =	stream.indirect.gather @!p0 [hbm4b:s4+s24], $0x40, s0, s24, $0xb8;
	[tilespmem:$0x1BA00] =	vst v63  }
0x6e: {  	s0 =	sadd.s32 @!p0 $0x2D8, s17;
	s29 =	simm.s32 @!p0 $0xD000  }
0x6f: {  	[tilespmem:s29], [sflag:$0x4] =	stream.indirect.gather @!p0 [hbm4b:s4+s24], $0x40, s0, s24, $0xb8;
	[tilespmem:$0x1BA00] =	vst v63  }
0x70: {  	_ =	swait.ge [sflag:s26], $0x1A00  }
0x71: {  	[sflag:s26] =	ssyncset.done $0x0  }
0x72: {  	[sflag:s26] =	ssyncadd.s32 $0xFFFFE600  }
0x73: {  	s0 =	sadd.s32 $0xFFFFFFFE, s5;
	_ =	swait.ge [sflag:s26], $0x1A00  }
0x74: {  	s28 =	sadd.s32 s15, s14;
	p1 =	slt.u32 s0, $0x6;
	[sflag:s26] =	ssyncset.done $0x0  }
0x75: {  	s21 =	simm.s32 $0x8200;
	s0 =	simm.s32 @!p1 $0xD;
	[sflag:s26] =	ssyncadd.s32 $0xFFFFE600  }
0x76: {  	[hbm4b:s28+s3] =	stream.linear.scatter [tilespmem:s21], [sflag:$0xB], $0x3400, $0x38;
	[tilespmem:$0x1BA00] =	vst v63  }
0x77: {  	_ =	swait.ge @!p1 [sflag:s0], $0x3400  }
0x78: {  	[sflag:s0] =	ssyncset.done @!p1 $0x0  }
0x79: {  	[sflag:s0] =	ssyncadd.s32 @!p1 $0xFFFFCC00;
	s0 =	sshra.s32 @!p1 s22, $0x2  }
0x7a: {  	s21 =	simm.s32 @!p1 $0x68;
	s28 =	simm.s32 @!p1 $0xEA00;
	s29 =	sadd.s32 @!p1 $0x340, s0  }
0x7b: {  	[tilespmem:s28], [sflag:$0x5] =	stream.indirect.gather @!p1 [hbm4b:s4+s21], $0x40, s29, s21, $0xb8;
	[tilespmem:$0x1BA00] =	vst v63  }
0x7c: {  	s0 =	sadd.s32 @!p1 $0x3A8, s0;
	s28 =	simm.s32 @!p1 $0x10400  }
0x7d: {  	[tilespmem:s28], [sflag:$0x5] =	stream.indirect.gather @!p1 [hbm4b:s4+s21], $0x40, s0, s21, $0xb8;
	[tilespmem:$0x1BA00] =	vst v63  }
0x7e: {  	_ =	swait.ge [sflag:s30], $0x1A00  }
0x7f: {  	[sflag:s30] =	ssyncset.done $0x0  }
0x80: {  	[sflag:s30] =	ssyncadd.s32 $0xFFFFE600  }
0x81: {  	s0 =	sadd.s32 $0xFFFFFFFF, s5;
	_ =	swait.ge [sflag:s30], $0x1A00  }
0x82: {  	s29 =	simm.s32 $0xB600;
	p1 =	slt.u32 s0, $0x6;
	[sflag:s30] =	ssyncset.done $0x0  }
0x83: {  	s21 =	sadd.s32 s15, s13;
	s0 =	simm.s32 @!p1 $0xE;
	[sflag:s30] =	ssyncadd.s32 $0xFFFFE600  }
0x84: {  	[hbm4b:s21+s3] =	stream.linear.scatter [tilespmem:s29], [sflag:$0xC], $0x3400, $0x38;
	[tilespmem:$0x1BA00] =	vst v63  }
0x85: {  	_ =	swait.ge @!p1 [sflag:s0], $0x3400  }
0x86: {  	[sflag:s0] =	ssyncset.done @!p1 $0x0  }
0x87: {  	[sflag:s0] =	ssyncadd.s32 @!p1 $0xFFFFCC00;
	s0 =	sshra.s32 @!p1 s22, $0x2  }
0x88: {  	s28 =	simm.s32 @!p1 $0x68;
	s29 =	simm.s32 @!p1 $0x11E00;
	s21 =	sadd.s32 @!p1 $0x410, s0  }
0x89: {  	[tilespmem:s29], [sflag:$0x6] =	stream.indirect.gather @!p1 [hbm4b:s4+s28], $0x40, s21, s28, $0xb8;
	[tilespmem:$0x1BA00] =	vst v63  }
0x8a: {  	s0 =	sadd.s32 @!p1 $0x478, s0;
	s21 =	simm.s32 @!p1 $0x13800  }
0x8b: {  	[tilespmem:s21], [sflag:$0x6] =	stream.indirect.gather @!p1 [hbm4b:s4+s28], $0x40, s0, s28, $0xb8;
	[tilespmem:$0x1BA00] =	vst v63  }
0x8c: {  	_ =	swait.ge [sflag:s31], $0x1A00  }
0x8d: {  	[sflag:s31] =	ssyncset.done $0x0  }
0x8e: {  	[sflag:s31] =	ssyncadd.s32 $0xFFFFE600  }
0x8f: {  	_ =	swait.ge [sflag:s31], $0x1A00  }
0x90: {  	s29 =	simm.s32 $0xEA00;
	p1 =	slt.u32 s5, $0x6;
	[sflag:s31] =	ssyncset.done $0x0  }
0x91: {  	s28 =	sadd.s32 s15, s12;
	s0 =	simm.s32 @!p1 $0xF;
	[sflag:s31] =	ssyncadd.s32 $0xFFFFE600  }
0x92: {  	[hbm4b:s28+s3] =	stream.linear.scatter [tilespmem:s29], [sflag:$0xD], $0x3400, $0x38;
	[tilespmem:$0x1BA00] =	vst v63  }
0x93: {  	_ =	swait.ge @!p1 [sflag:s0], $0x3400  }
0x94: {  	[sflag:s0] =	ssyncset.done @!p1 $0x0  }
0x95: {  	[sflag:s0] =	ssyncadd.s32 @!p1 $0xFFFFCC00;
	s0 =	sshra.s32 @!p1 s22, $0x2  }
0x96: {  	s28 =	simm.s32 @!p1 $0x68;
	s29 =	simm.s32 @!p1 $0x15200;
	s21 =	sadd.s32 @!p1 $0x4E0, s0  }
0x97: {  	[tilespmem:s29], [sflag:$0x7] =	stream.indirect.gather @!p1 [hbm4b:s4+s28], $0x40, s21, s28, $0xb8;
	[tilespmem:$0x1BA00] =	vst v63  }
0x98: {  	s0 =	sadd.s32 @!p1 $0x548, s0;
	s21 =	simm.s32 @!p1 $0x16C00  }
0x99: {  	[tilespmem:s21], [sflag:$0x7] =	stream.indirect.gather @!p1 [hbm4b:s4+s28], $0x40, s0, s28, $0xb8;
	[tilespmem:$0x1BA00] =	vst v63  }
0x9a: {  	_ =	swait.ge [sflag:s1], $0x1A00  }
0x9b: {  	[sflag:s1] =	ssyncset.done $0x0  }
0x9c: {  	[sflag:s1] =	ssyncadd.s32 $0xFFFFE600  }
0x9d: {  	_ =	swait.ge [sflag:s1], $0x1A00  }
0x9e: {  	s29 =	simm.s32 $0x11E00;
	[sflag:s1] =	ssyncset.done $0x0  }
0x9f: {  	s28 =	sadd.s32 s15, s11;
	s0 =	simm.s32 @!p0 $0x10;
	[sflag:s1] =	ssyncadd.s32 $0xFFFFE600  }
0xa0: {  	[hbm4b:s28+s3] =	stream.linear.scatter [tilespmem:s29], [sflag:$0xE], $0x3400, $0x38;
	[tilespmem:$0x1BA00] =	vst v63  }
0xa1: {  	_ =	swait.ge @!p0 [sflag:s0], $0x3400  }
0xa2: {  	[sflag:s0] =	ssyncset.done @!p0 $0x0  }
0xa3: {  	s21 =	simm.s32 @!p0 $0x18600;
	[sflag:s0] =	ssyncadd.s32 @!p0 $0xFFFFCC00;
	s0 =	sadd.s32 @!p0 $0x5B0, s17  }
0xa4: {  	[tilespmem:s21], [sflag:$0x8] =	stream.indirect.gather @!p0 [hbm4b:s4+s24], $0x40, s0, s24, $0xb8;
	[tilespmem:$0x1BA00] =	vst v63  }
0xa5: {  	s0 =	sadd.s32 @!p0 $0x618, s17;
	s17 =	simm.s32 @!p0 $0x1A000  }
0xa6: {  	[tilespmem:s17], [sflag:$0x8] =	stream.indirect.gather @!p0 [hbm4b:s4+s24], $0x40, s0, s24, $0xb8;
	[tilespmem:$0x1BA00] =	vst v63  }
0xa7: {  	_ =	swait.ge [sflag:s18], $0x1A00  }
0xa8: {  	[sflag:s18] =	ssyncset.done $0x0  }
0xa9: {  	[sflag:s18] =	ssyncadd.s32 $0xFFFFE600  }
0xaa: {  	_ =	swait.ge [sflag:s18], $0x1A00  }
0xab: {  	s28 =	simm.s32 $0x15200;
	p0 =	seq.s32 s22, $0x4E00;
	[sflag:s18] =	ssyncset.done $0x0  }
0xac: {  	s24 =	sadd.s32 s15, s10;
	s0 =	simm.s32 @!p0 $0x9;
	[sflag:s18] =	ssyncadd.s32 $0xFFFFE600  }
0xad: {  	[hbm4b:s24+s3] =	stream.linear.scatter [tilespmem:s28], [sflag:$0xF], $0x3400, $0x38;
	[tilespmem:$0x1BA00] =	vst v63  }
0xae: {  	_ =	swait.ge @!p0 [sflag:s0], $0x3400  }
0xaf: {  	[sflag:s0] =	ssyncset.done @!p0 $0x0  }
0xb0: {  	[sflag:s0] =	ssyncadd.s32 @!p0 $0xFFFFCC00;
	s0 =	sshra.s32 @!p0 s22, $0x2  }
0xb1: {  	s21 =	simm.s32 @!p0 $0x68;
	s24 =	simm.s32 @!p0 $0x1A00;
	s17 =	sadd.s32 @!p0 $0x680, s0  }
0xb2: {  	[tilespmem:s24], [sflag:$0x1] =	stream.indirect.gather @!p0 [hbm4b:s4+s21], $0x40, s17, s21, $0xb8;
	[tilespmem:$0x1BA00] =	vst v63  }
0xb3: {  	s0 =	sadd.s32 @!p0 $0x6E8, s0;
	s17 =	simm.s32 @!p0 $0x3400  }
0xb4: {  	[tilespmem:s17], [sflag:$0x1] =	stream.indirect.gather @!p0 [hbm4b:s4+s21], $0x40, s0, s21, $0xb8;
	[tilespmem:$0x1BA00] =	vst v63  }
0xb5: {  	_ =	swait.ge [sflag:s19], $0x1A00  }
0xb6: {  	[sflag:s19] =	ssyncset.done $0x0  }
.Ltmp2:
0xb7: {  	[sflag:s19] =	ssyncadd.s32 $0xFFFFE600;
	(pc) =	sbr.rel @p0 .LBB2_4-.Ltmp2, $4  }
0xb8: {  	_ =	swait.ge [sflag:s19], $0x1A00  }
0xb9: {  	[sflag:s19] =	ssyncset.done $0x0  }
0xba: {  	s29 =	sadd.s32 s15, s9;
	[sflag:s19] =	ssyncadd.s32 $0xFFFFE600  }
0xbb: {  	[hbm4b:s29+s3] =	stream.linear.scatter [tilespmem:s2], [sflag:$0x10], $0x3400, $0x38;
	[tilespmem:$0x1BA00] =	vst v63  }
0xbc: {  	_ =	swait.ge [sflag:s6], $0x3400;
	s0 =	sshra.s32 s22, $0x2  }
.Ltmp3:
0xbd: {  	s29 =	simm.s32 $0x6800;
	[sflag:s6] =	ssyncset.done $0x0;
	(pc) =	sbr.rel .LBB2_2-.Ltmp3, $4  }
0xbe: {  	s22 =	sadd.s32 $0x1A00, s22;
	s17 =	sadd.s32 $0x750, s0;
	[sflag:s6] =	ssyncadd.s32 $0xFFFFCC00  }
0xbf: {  	[tilespmem:s20], [sflag:$0x2] =	stream.indirect.gather [hbm4b:s4+s16], $0x40, s17, s16, $0xb8;
	[tilespmem:$0x1BA00] =	vst v63  }
0xc0: {  	s15 =	sadd.s32 $0x3400, s15;
	s5 =	sadd.s32 $0x8, s5;
	s0 =	sadd.s32 $0x7B8, s0  }
0xc1: {  	[tilespmem:s29], [sflag:$0x2] =	stream.indirect.gather [hbm4b:s4+s16], $0x40, s0, s16, $0xb8;
	[tilespmem:$0x1BA00] =	vst v63  }
.LBB2_5:
0xc2: {  	_ =	sfence.sel $0x180000  }
0xc3: {  	[bflag:$0x0] =	sbarrier.arrive $0xFFFF  }
0xc4: {  	_ =	strace $0x9000004A  }
0xc5: {  	s0 =	stileid.u32;
	[bflag:$0x2] =	sbarrier.arrive $0xFFFF  }
0xc6: {  	p0 =	sne.s32 s0, $0x0;
	s0 =	rddreg [dreg:$0x2]  }
0xc7: {  	s0 =	sadd.s32 @!p0 $0x100000, s0  }
0xc8: {  	[sflag:s0] =	ssyncadd.tile.s32 @!p0 $0x1;
	_ =	shalt  }
.Lfunc_end2:
_tile_overlayer_lowered:
.L_overlay_start_2:
0xc9: {  	(tag) =	ssettag $0x2  }
0xca: {  	s0 =	rddreg [dreg:$0x0];
	s2 =	stileid.u32  }
0xcb: {  	s1 =	rddreg [dreg:$0x1];
	p0 =	sne.s32 s2, $0x0  }
0xcc: {  	s3 =	rddreg [dreg:$0x2];
	[bflag:$0x3] =	sbarrier.arrive $0xFFFF;
	s2 =	simm.s32 @!p0 $0x1C11  }
0xcd: {  	[timem:s3], [sflag:s2] =	dma.local @!p0 [hbm:s0], s1  }
0xce: {  	s0 =	simm.s32 @!p0 $0x11  }
0xcf: {  	_ =	swait.ge @!p0 [sflag:s0], s1  }
0xd0: {  	s1 =	ssub.s32 @!p0 $0x0, s1;
	[sflag:s0] =	ssyncset.done @!p0 $0x0  }
0xd1: {  	[sflag:s0] =	ssyncadd.s32 @!p0 s1  }
0xd2: {  	[bflag:$0x3] =	sbarrier.arrive $0xFFFF  }
0xd3: {  	_ =	shalt  }

// kernel: kernel.9.cloned.1.call-start
scs
__scs_entry_jumppad:
0x0: {  	(pc) =	sbr.rel $0x88, $3  }
0x1: {  	(tag) =	ssettag $0x0;
	lr =	simm.s32 $0x1  }
0x2: {  	[smem:$0x3F9B] =	sst lr;
	_ =	strace $0xD0000000  }
0x3: {  	_ = 	snop  }
0x4: {  	_ = 	snop  }
0x5: {  	_ = 	snop  }
0x6: {  	_ = 	snop  }
0x7: {  	_ = 	snop  }
__scs_overlays_trampoline_lowered:
0x8: {  	[smem:$0x3FAA] =	sst s0  }
0x9: {  	[smem:$0x3FAB] =	sst s1  }
0xa: {  	[smem:$0x3FAC] =	sst s2  }
0xb: {  	[smem:$0x3FAD] =	sst s3  }
0xc: {  	[smem:$0x3FAE] =	sst s4  }
0xd: {  	[smem:$0x3FAF] =	sst s5  }
0xe: {  	[smem:$0x3FB0] =	sst s6  }
0xf: {  	[smem:$0x3FB1] =	sst s7  }
0x10: {  	[smem:$0x3FB2] =	sst s8  }
0x11: {  	[smem:$0x3FB3] =	sst s9;
	s0 =	simm.s32 @!p0 $0x0  }
0x12: {  	s1 =	sld [smem:$0x3F99];
	s0 =	simm.s32 @p0 $0x1  }
0x13: {  	[smem:$0x3FB4] =	sst s0;
	s0 =	simm.s32 @!p1 $0x0  }
0x14: {  	s2 =	sld [smem:$0x3F98];
	s0 =	simm.s32 @p1 $0x1  }
0x15: {  	[smem:$0x3FB5] =	sst s0;
	s0 =	simm.s32 @!p2 $0x0  }
0x16: {  	s3 =	sld [smem:$0x3FDB];
	s0 =	simm.s32 @p2 $0x1  }
0x17: {  	s4 =	simm.s32 $0x1BF5;
	[smem:$0x3FB7] =	sst s0  }
0x18: {  	s0 =	sld [smem:$0x3F9A];
	_ =	swait.ge [sflag:s4], $0x0  }
0x19: {  	s7 =	sld [smem:$0x3F9B]  }
0x1a: {  	s8 =	sadd.s32 $0xFFFFE003, lr  }
0x1b: {  	s9 =	sadd.s32 $0xFFFFFEF7, lr;
	s5 =	simm.s32 $0xFFFFFFFF;
	p2 =	slt.u32 s8, $0xFFFFF086  }
0x1c: {  	p1 =	slt.u32 s9, $0xF7A;
	s5 =	simm.s32 @!p2 $0x0  }
0x1d: {  	s5 =	simm.s32 @p1 $0x1;
	p0 =	seq.s32 s7, s2  }
0x1e: {  	s7 =	smul.u32 @!p0 $0xF7A, s2;
	p2 =	seq.s32 @!p0 s5, $0x0  }
0x1f: {  	s9 =	smul.u32 $0xF7A, s1;
	s8 =	simm.s32 @!p0 $0x1BF5;
	p2 =	por !p2, p0  }
0x20: {  	[sflag:s8] =	ssyncset.s32 @!p0 $0xFFFFF086;
	s6 =	sadd.s32 @!p0 s3, s7;
	s7 =	simm.s32 @!p0 $0x108  }
0x21: {  	s3 =	sadd.s32 s3, s9;
	s6 =	sadd.s32 @!p0 $0x88, s6;
	s7 =	simm.s32 @p2 $0x1082  }
0x22: {  	[simem:s7], [sflag:s8] =	dma.local @!p0 [hbm:s6], $0xF7A  }
0x23: {  	s9 =	sor.u32 $0xD0000000, s2;
	s6 =	simm.s32 $0x108;
	_ =	swait.ge @!p0 [sflag:s8], $0x0  }
0x24: {  	s3 =	sadd.s32 $0x88, s3;
	s6 =	simm.s32 @!p1 $0x1082;
	[sflag:s4] =	ssyncset.s32 $0xFFFFF086  }
0x25: {  	[simem:s6], [sflag:s4] =	dma.local [hbm:s3], $0xF7A  }
0x26: {  	[smem:$0x3F9B] =	sst s1;
	(tag) =	ssettag s2;
	_ =	strace s9  }
0x27: {  	s1 =	sld [smem:$0x3FAB]  }
0x28: {  	s2 =	sld [smem:$0x3FAC]  }
0x29: {  	s4 =	sld [smem:$0x3FAE]  }
0x2a: {  	p0 =	seq.s32 s5, $0x0;
	s5 =	sld [smem:$0x3FAF]  }
0x2b: {  	s6 =	sld [smem:$0x3FB0]  }
0x2c: {  	s7 =	sld [smem:$0x3FB1]  }
0x2d: {  	s3 =	simm.s32 $0x108;
	s8 =	sld [smem:$0x3FB2]  }
0x2e: {  	s3 =	simm.s32 @!p0 $0x1082;
	s9 =	sld [smem:$0x3FB3]  }
0x2f: {  	lr =	sadd.s32 s0, s3;
	s0 =	sld [smem:$0x3FAA]  }
0x30: {  	s3 =	sld [smem:$0x3FAD]  }
0x31: {  	[smem:$0x3FB6] =	sst s10  }
0x32: {  	s10 =	sld [smem:$0x3FB4];
	_ =	sdelay $0x3  }
0x33: {  	p0 =	seq.s32 s10, $0x1;
	s10 =	sld [smem:$0x3FB6];
	_ =	sdelay $0x3  }
0x34: {  	[smem:$0x3FB6] =	sst s10  }
0x35: {  	s10 =	sld [smem:$0x3FB5];
	_ =	sdelay $0x3  }
0x36: {  	p1 =	seq.s32 s10, $0x1;
	s10 =	sld [smem:$0x3FB6];
	_ =	sdelay $0x3  }
0x37: {  	[smem:$0x3FB6] =	sst s10  }
0x38: {  	s10 =	sld [smem:$0x3FB7]  }
0x39: {  	_ = 	snop;
	(pc) =	sbr.ind lr, $3  }
0x3a: {  	_ = 	snop  }
0x3b: {  	_ = 	snop  }
0x3c: {  	p2 =	seq.s32 s10, $0x1;
	s10 =	sld [smem:$0x3FB6]  }
0x3d: {  	_ =	shalt  }
0x3e: {  	_ =	shalt  }
0x3f: {  	_ =	shalt  }
0x40: {  	_ =	shalt  }
0x41: {  	_ =	shalt  }
0x42: {  	_ =	shalt  }
0x43: {  	_ =	shalt  }
0x44: {  	_ =	shalt  }
0x45: {  	_ =	shalt  }
0x46: {  	_ =	shalt  }
0x47: {  	_ =	shalt  }
0x48: {  	_ =	shalt  }
0x49: {  	_ =	shalt  }
0x4a: {  	_ =	shalt  }
0x4b: {  	_ =	shalt  }
0x4c: {  	_ =	shalt  }
0x4d: {  	_ =	shalt  }
0x4e: {  	_ =	shalt  }
0x4f: {  	_ =	shalt  }
0x50: {  	_ =	shalt  }
0x51: {  	_ =	shalt  }
0x52: {  	_ =	shalt  }
0x53: {  	_ =	shalt  }
0x54: {  	_ =	shalt  }
0x55: {  	_ =	shalt  }
0x56: {  	_ =	shalt  }
0x57: {  	_ =	shalt  }
0x58: {  	_ =	shalt  }
0x59: {  	_ =	shalt  }
0x5a: {  	_ =	shalt  }
0x5b: {  	_ =	shalt  }
0x5c: {  	_ =	shalt  }
0x5d: {  	_ =	shalt  }
0x5e: {  	_ =	shalt  }
0x5f: {  	_ =	shalt  }
0x60: {  	_ =	shalt  }
0x61: {  	_ =	shalt  }
0x62: {  	_ =	shalt  }
0x63: {  	_ =	shalt  }
0x64: {  	_ =	shalt  }
0x65: {  	_ =	shalt  }
0x66: {  	_ =	shalt  }
0x67: {  	_ =	shalt  }
0x68: {  	_ =	shalt  }
0x69: {  	_ =	shalt  }
0x6a: {  	_ =	shalt  }
0x6b: {  	_ =	shalt  }
0x6c: {  	_ =	shalt  }
0x6d: {  	_ =	shalt  }
0x6e: {  	_ =	shalt  }
0x6f: {  	_ =	shalt  }
0x70: {  	_ =	shalt  }
0x71: {  	_ =	shalt  }
0x72: {  	_ =	shalt  }
0x73: {  	_ =	shalt  }
0x74: {  	_ =	shalt  }
0x75: {  	_ =	shalt  }
0x76: {  	_ =	shalt  }
0x77: {  	_ =	shalt  }
0x78: {  	_ =	shalt  }
0x79: {  	_ =	shalt  }
0x7a: {  	_ =	shalt  }
0x7b: {  	_ =	shalt  }
0x7c: {  	_ =	shalt  }
0x7d: {  	_ =	shalt  }
0x7e: {  	_ =	shalt  }
0x7f: {  	_ =	shalt  }
0x80: {  	_ =	shalt  }
0x81: {  	_ =	shalt  }
0x82: {  	_ =	shalt  }
0x83: {  	_ =	shalt  }
0x84: {  	_ =	shalt  }
0x85: {  	_ =	shalt  }
0x86: {  	_ =	shalt  }
0x87: {  	_ =	shalt  }
.Lfunc_end0:
.L_simem_size_0:
called_computation.1_lowered:
.L_overlay_start_0:
0x88: {  	s2 =	sld [smem:$0x3FD9]  }
0x89: {  	s3 =	sld [smem:$0x3FFE];
	_ =	sdelay $0x1  }
0x8a: {  	s1 =	srdreg.scid  }
0x8b: {  	s0 =	sand.u32 $0x1, s1  }
0x8c: {  	s16 =	sshll.u32 s0, $0xA;
	s2 =	sadd.s32 s3, s2  }
0x8d: {  	s2 =	sadd.s32 s2, s16  }
0x8e: {  	[smem:$0x3FC2] =	sst s2  }
0x8f: {  	_ = 	snop  }
0x90: {  	(tm) =	ssettm $0x1  }
0x91: {  	s17 =	sld [smem:$0x3FFB];
	_ =	sdelay $0x3  }
0x92: {  	_ =	strace s17  }
0x93: {  	s2 =	sld [smem:$0x3FFC];
	_ =	sdelay $0x3  }
0x94: {  	_ =	strace s2  }
0x95: {  	s2 =	sld [smem:$0x3FFD];
	_ =	sdelay $0x3  }
0x96: {  	_ =	strace s2  }
0x97: {  	_ =	strace $0x8FFFFFFF  }
0x98: {  	s18 =	sld [smem:$0x3FDB];
	_ =	sdelay $0x1  }
0x99: {  	s19 =	simm.s32 $_scs_section_size  }
0x9a: {  	s4 =	simm.s32 $_size__tile_overlayer_lowered;
	s5 =	simm.s32 $_tile_overlayer_lowered  }
0x9b: {  	s22 =	simm.s32 $0x1BFF;
	s21 =	sshll.u32 s5, $0x1;
	s2 =	sadd.s32 s19, s18  }
0x9c: {  	s6 =	simm.s32 $0x0;
	s20 =	sshll.u32 s4, $0x1;
	s4 =	sadd.s32 s21, s2  }
0x9d: {  	[timem:s6], [sflag:s22] =	dma.local [hbm:s4], s20  }
0x9e: {  	_ =	swait.ge [sflag:s22], s20  }
0x9f: {  	s3 =	ssub.s32 $0x0, s20;
	[sflag:s22] =	ssyncset.done $0x0  }
0xa0: {  	[sflag:s22] =	ssyncadd.s32 s3;
	_ =	sdelay $0x1  }
0xa1: {  	s23 =	simm.s32 $0x1B8B  }
0xa2: {  	_ =	swait.ge [sflag:s23], $0x1  }
0xa3: {  	[sflag:s23] =	ssyncset.done $0x0  }
0xa4: {  	s25 =	simm.s32 $0x1B8E;
	s24 =	sld [smem:$0x3FFE];
	[sflag:s23] =	ssyncadd.s32 $0xFFFFFFFF  }
0xa5: {  	s26 =	simm.s32 $execute0_lowered;
	[smem:$0x3FD2] =	sst s25  }
0xa6: {  	s4 =	sshll.u32 s26, $0x1;
	_ =	strace $0x80000046;
	[dreg:$0x1] =	wrdreg $0xFFFFFFFF  }
0xa7: {  	s28 =	simm.s32 $_size_execute0_lowered;
	s2 =	sadd.s32 s2, s4;
	[dreg:$0x0] =	wrdreg $0x0  }
0xa8: {  	s4 =	sshll.u32 s28, $0x1;
	[dreg:$0x2] =	wrdreg s2  }
0xa9: {  	[dreg:$0x3] =	wrdreg s4  }
0xaa: {  	[dreg:$0x4] =	wrdreg $0xC0  }
0xab: {  	_ =	task [dreg:s6], $0x5FFFF  }
0xac: {  	[dreg:$0x1] =	wrdreg $0xFFFFFFFF  }
0xad: {  	[dreg:$0x0] =	wrdreg $0x60  }
0xae: {  	[dreg:$0x2] =	wrdreg s24  }
0xaf: {  	[dreg:$0x3] =	wrdreg $0xA  }
0xb0: {  	_ =	task.clear_ibuf [dreg:s6], $0x4FFFF;
	_ =	strace $0x90000046  }
0xb1: {  	s29 =	simm.s32 $0xA;
	_ =	strace $0x80000048  }
0xb2: {  	_ =	swait.ge [sflag:s29], $0x1  }
0xb3: {  	[sflag:s29] =	ssyncadd.s32 $0xFFFFFFFF  }
0xb4: {  	_ =	strace $0x90000048  }
0xb5: {  	_ =	sfence  }
0xb6: {  	s30 =	sld [smem:$0x0];
	_ =	sdelay $0x2  }
0xb7: {  	s31 =	sshll.u32 s1, $0xD;
	s1 =	sshrl.u32 s1, $0x2  }
0xb8: {  	s3 =	sand.u32 $0x4000, s31;
	s1 =	sadd.s32 s1, s30  }
0xb9: {  	s0 =	sor.u32 s3, s0;
	s1 =	sshll.u32 s1, $0x11  }
0xba: {  	s0 =	sor.u32 s1, s0  }
0xbb: {  	s0 =	sadd.s32 $0x8F2B, s0  }
0xbc: {  	[sflag:s0] =	ssyncadd.remote.s32 $0x1  }
0xbd: {  	_ =	sfence.sel $0xFFFF  }
0xbe: {  	[dreg:$0x0] =	wrdreg $0xFFFFFFFF;
	(pc) =	sbr.abs _section_cstart, $3  }
0xbf: {  	[dreg:$0x1] =	wrdreg $0xFFFFFFFF  }
0xc0: {  	_ =	task.clear_ibuf [dreg:s6], $0x2FFFF;
	_ =	strace $0x9FFFFFFF  }
0xc1: {  	(tm) =	ssettm $0x7FFFFFFF  }
tec
execute0_lowered:
.L_overlay_start_1:
0x0: {  	(tag) =	ssettag $0x1  }
0x1: {  	s0 =	srdreg.scid  }
0x2: {  	s8 =	stileid.u32;
	s4 =	rddreg [dreg:$0x0];
	s2 =	simm.s32 $0x0  }
0x3: {  	s16 =	simm.s32 $0x68;
	s20 =	simm.s32 $0x4E00;
	s19 =	simm.s32 $0x18600  }
0x4: {  	s28 =	simm.s32 $0x2;
	s31 =	simm.s32 $0x3;
	s18 =	simm.s32 $0x5  }
0x5: {  	s21 =	simm.s32 $0x6;
	s25 =	simm.s32 $0x7;
	s5 =	smul.u32 $0x3400, s8  }
0x6: {  	s0 =	sand.u32 $0x1, s0;
	s1 =	sshll.u32 s8, $0x1;
	s8 =	smul.u32 $0x1A000, s8  }
0x7: {  	s15 =	simm.s32 $0x0;
	[smem:$0x7FF] =	sst s2;
	s7 =	smul.u32 $0x1A00, s0  }
0x8: {  	s1 =	sor.u32 s0, s1;
	s6 =	ssub.s32 $0x2, s0;
	s0 =	smul.u32 $0xD000, s0  }
0x9: {  	s3 =	sadd.s32 $0x17600, s4;
	_ =	strace $0x80000047;
	s1 =	smul.u32 $0x340, s1  }
0xa: {  	s26 =	sshrl.u32 s6, $0x1;
	s5 =	sadd.s32 s7, s5;
	s8 =	sadd.s32 s0, s8  }
0xb: {  	s1 =	sadd.s32 s1, s4;
	s4 =	sadd.s32 $0x213400, s4;
	s30 =	sshll.u32 s5, $0x3  }
0xc: {  	[dreg:$0x2] =	wrdreg s4;
	s4 =	ssub.s32 s6, s26;
	s1 =	sadd.s32 $0x10E00, s1  }
.Ltmp0:
0xd: {  	s7 =	sor.u32 $0x680, s30;
	s9 =	sadd.s32 $0x2D80, s30;
	(pc) =	sbr.rel .LBB2_1-.Ltmp0, $4  }
0xe: {  	s10 =	sadd.s32 $0x2700, s30;
	s11 =	sadd.s32 $0x2080, s30;
	s12 =	sadd.s32 $0x1A00, s30  }
0xf: {  	s13 =	sadd.s32 $0x1380, s30;
	s14 =	sor.u32 $0xD00, s30;
	s26 =	simm.s32 $0x1  }
0x10: {  	s6 =	simm.s32 $0xA;
	[dreg:$0x3] =	wrdreg s1;
	s29 =	smax.u32 s4, $0x1  }
0x11: {  	s1 =	simm.s32 $0x4;
	s4 =	simm.s32 $0x8;
	[dreg:$0x4] =	wrdreg s29  }
.LBB2_4:
0x12: {  	s0 =	simm.s32 $0x9  }
0x13: {  	_ =	swait.ge [sflag:s0], $0x3400  }
0x14: {  	[sflag:s0] =	ssyncset.done $0x0  }
0x15: {  	[sflag:s0] =	ssyncadd.s32 $0xFFFFCC00  }
0x16: {  	_ =	swait.ge [sflag:s6], $0x3400  }
0x17: {  	[sflag:s6] =	ssyncset.done $0x0  }
0x18: {  	s17 =	simm.s32 $0xB;
	[sflag:s6] =	ssyncadd.s32 $0xFFFFCC00  }
0x19: {  	_ =	swait.ge [sflag:s17], $0x3400  }
0x1a: {  	[sflag:s17] =	ssyncset.done $0x0  }
0x1b: {  	s22 =	simm.s32 $0xC;
	[sflag:s17] =	ssyncadd.s32 $0xFFFFCC00  }
0x1c: {  	_ =	swait.ge [sflag:s22], $0x3400  }
0x1d: {  	[sflag:s22] =	ssyncset.done $0x0  }
0x1e: {  	s23 =	simm.s32 $0xD;
	[sflag:s22] =	ssyncadd.s32 $0xFFFFCC00  }
0x1f: {  	_ =	swait.ge [sflag:s23], $0x3400  }
0x20: {  	[sflag:s23] =	ssyncset.done $0x0  }
0x21: {  	s24 =	simm.s32 $0xE;
	[sflag:s23] =	ssyncadd.s32 $0xFFFFCC00  }
0x22: {  	_ =	swait.ge [sflag:s24], $0x3400  }
0x23: {  	[sflag:s24] =	ssyncset.done $0x0  }
0x24: {  	s29 =	simm.s32 $0xF;
	[sflag:s24] =	ssyncadd.s32 $0xFFFFCC00  }
0x25: {  	_ =	swait.ge [sflag:s29], $0x3400  }
0x26: {  	[sflag:s29] =	ssyncset.done $0x0  }
0x27: {  	s5 =	simm.s32 $0x10;
	[sflag:s29] =	ssyncadd.s32 $0xFFFFCC00  }
0x28: {  	_ =	swait.ge [sflag:s5], $0x3400  }
0x29: {  	s15 =	rddreg [dreg:$0x5]  }
0x2a: {  	s30 =	rddreg [dreg:$0x4];
	s15 =	sadd.s32 $0x1, s15  }
0x2b: {  	p0 =	sne.s32 s15, s30  }
.Ltmp1:
0x2c: {  	_ = 	snop;
	(pc) =	sbr.rel @!p0 .LBB2_5-.Ltmp1, $3  }
0x2d: {  	_ =	sdelay $0x1  }
0x2e: {  	[sflag:s5] =	ssyncset.done $0x0  }
0x2f: {  	[sflag:s5] =	ssyncadd.s32 $0xFFFFCC00  }
.LBB2_1:
0x30: {  	[dreg:$0x5] =	wrdreg s15  }
0x31: {  	s0 =	rddreg [dreg:$0x3];
	s22 =	simm.s32 $0x11  }
0x32: {  	[tilespmem:s2], [sflag:$0x11] =	stream.linear.gather [hbm4b:s0+s2], $0x1A00, $0x38;
	[tilespmem:$0x1BA00] =	vst v63  }
0x33: {  	_ =	swait.ge [sflag:s22], $0x1A00  }
0x34: {  	[sflag:s22] =	ssyncset.done $0x0  }
0x35: {  	s23 =	simm.s32 $0x1A00;
	[sflag:s22] =	ssyncadd.s32 $0xFFFFE600  }
0x36: {  	[tilespmem:s23], [sflag:$0x1] =	stream.indirect.gather [hbm4b:s3+s16], $0x40, s2, s16, $0xb8;
	[tilespmem:$0x1BA00] =	vst v63  }
0x37: {  	s24 =	simm.s32 $0x3400  }
0x38: {  	[tilespmem:s24], [sflag:$0x1] =	stream.indirect.gather [hbm4b:s3+s16], $0x40, s16, s16, $0xb8;
	[tilespmem:$0x1BA00] =	vst v63  }
0x39: {  	s29 =	simm.s32 $0xD0  }
0x3a: {  	[tilespmem:s20], [sflag:$0x2] =	stream.indirect.gather [hbm4b:s3+s16], $0x40, s29, s16, $0xb8;
	[tilespmem:$0x1BA00] =	vst v63  }
0x3b: {  	s30 =	simm.s32 $0x138;
	s5 =	simm.s32 $0x6800  }
0x3c: {  	[tilespmem:s5], [sflag:$0x2] =	stream.indirect.gather [hbm4b:s3+s16], $0x40, s30, s16, $0xb8;
	[tilespmem:$0x1BA00] =	vst v63  }
0x3d: {  	s15 =	simm.s32 $0x8200;
	s5 =	simm.s32 $0x1A0  }
0x3e: {  	[tilespmem:s15], [sflag:$0x3] =	stream.indirect.gather [hbm4b:s3+s16], $0x40, s5, s16, $0xb8;
	[tilespmem:$0x1BA00] =	vst v63  }
0x3f: {  	s17 =	simm.s32 $0x208;
	s22 =	simm.s32 $0x9C00  }
0x40: {  	[tilespmem:s22], [sflag:$0x3] =	stream.indirect.gather [hbm4b:s3+s16], $0x40, s17, s16, $0xb8;
	[tilespmem:$0x1BA00] =	vst v63  }
0x41: {  	s23 =	simm.s32 $0x270;
	s24 =	simm.s32 $0xB600  }
0x42: {  	[tilespmem:s24], [sflag:$0x4] =	stream.indirect.gather [hbm4b:s3+s16], $0x40, s23, s16, $0xb8;
	[tilespmem:$0x1BA00] =	vst v63  }
0x43: {  	s29 =	simm.s32 $0x2D8;
	s30 =	simm.s32 $0xD000  }
0x44: {  	[tilespmem:s30], [sflag:$0x4] =	stream.indirect.gather [hbm4b:s3+s16], $0x40, s29, s16, $0xb8;
	[tilespmem:$0x1BA00] =	vst v63  }
0x45: {  	s5 =	simm.s32 $0x340;
	s15 =	simm.s32 $0xEA00  }
0x46: {  	[tilespmem:s15], [sflag:$0x5] =	stream.indirect.gather [hbm4b:s3+s16], $0x40, s5, s16, $0xb8;
	[tilespmem:$0x1BA00] =	vst v63  }
0x47: {  	s17 =	simm.s32 $0x3A8;
	s22 =	simm.s32 $0x10400  }
0x48: {  	[tilespmem:s22], [sflag:$0x5] =	stream.indirect.gather [hbm4b:s3+s16], $0x40, s17, s16, $0xb8;
	[tilespmem:$0x1BA00] =	vst v63  }
0x49: {  	s23 =	simm.s32 $0x410;
	s24 =	simm.s32 $0x11E00  }
0x4a: {  	[tilespmem:s24], [sflag:$0x6] =	stream.indirect.gather [hbm4b:s3+s16], $0x40, s23, s16, $0xb8;
	[tilespmem:$0x1BA00] =	vst v63  }
0x4b: {  	s29 =	simm.s32 $0x478;
	s30 =	simm.s32 $0x13800  }
0x4c: {  	[tilespmem:s30], [sflag:$0x6] =	stream.indirect.gather [hbm4b:s3+s16], $0x40, s29, s16, $0xb8;
	[tilespmem:$0x1BA00] =	vst v63  }
0x4d: {  	s15 =	simm.s32 $0x4E0;
	s17 =	simm.s32 $0x15200  }
0x4e: {  	[tilespmem:s17], [sflag:$0x7] =	stream.indirect.gather [hbm4b:s3+s16], $0x40, s15, s16, $0xb8;
	[tilespmem:$0x1BA00] =	vst v63  }
0x4f: {  	s22 =	simm.s32 $0x548;
	s23 =	simm.s32 $0x16C00  }
0x50: {  	[tilespmem:s23], [sflag:$0x7] =	stream.indirect.gather [hbm4b:s3+s16], $0x40, s22, s16, $0xb8;
	[tilespmem:$0x1BA00] =	vst v63  }
0x51: {  	s5 =	simm.s32 $0x4;
	s24 =	simm.s32 $0x5B0;
	s29 =	simm.s32 $0x618  }
0x52: {  	[tilespmem:s19], [sflag:$0x8] =	stream.indirect.gather [hbm4b:s3+s16], $0x40, s24, s16, $0xb8;
	[tilespmem:$0x1BA00] =	vst v63  }
0x53: {  	s30 =	simm.s32 $0x1A000;
	s15 =	rddreg [dreg:$0x2];
	s22 =	simm.s32 $0x0  }
0x54: {  	[tilespmem:s30], [sflag:$0x8] =	stream.indirect.gather [hbm4b:s3+s16], $0x40, s29, s16, $0xb8;
	[tilespmem:$0x1BA00] =	vst v63  }
.LBB2_2:
0x55: {  	_ =	swait.ge [sflag:s26], $0x1A00  }
0x56: {  	[sflag:s26] =	ssyncset.done $0x0  }
0x57: {  	[sflag:s26] =	ssyncadd.s32 $0xFFFFE600  }
0x58: {  	_ =	swait.ge [sflag:s26], $0x1A00  }
0x59: {  	s17 =	sadd.s32 s15, s8;
	[sflag:s26] =	ssyncset.done $0x0  }
0x5a: {  	s0 =	simm.s32 $0x1A00;
	p0 =	seq.s32 s22, $0x0;
	[sflag:s26] =	ssyncadd.s32 $0xFFFFE600  }
0x5b: {  	[hbm4b:s17+s2] =	stream.linear.scatter [tilespmem:s0], [sflag:$0x9], $0x3400, $0x38;
	[tilespmem:$0x1BA00] =	vst v63  }
0x5c: {  	s17 =	simm.s32 @!p0 $0xB  }
0x5d: {  	_ =	swait.ge @!p0 [sflag:s17], $0x3400  }
0x5e: {  	[sflag:s17] =	ssyncset.done @!p0 $0x0  }
0x5f: {  	[sflag:s17] =	ssyncadd.s32 @!p0 $0xFFFFCC00;
	s17 =	sshra.s32 @!p0 s22, $0x2  }
0x60: {  	s24 =	simm.s32 @!p0 $0x68;
	s0 =	simm.s32 @!p0 $0x8200;
	s29 =	sadd.s32 @!p0 $0x1A0, s17  }
0x61: {  	[tilespmem:s0], [sflag:$0x3] =	stream.indirect.gather @!p0 [hbm4b:s3+s24], $0x40, s29, s24, $0xb8;
	[tilespmem:$0x1BA00] =	vst v63  }
0x62: {  	s0 =	sadd.s32 @!p0 $0x208, s17;
	s29 =	simm.s32 @!p0 $0x9C00  }
0x63: {  	[tilespmem:s29], [sflag:$0x3] =	stream.indirect.gather @!p0 [hbm4b:s3+s24], $0x40, s0, s24, $0xb8;
	[tilespmem:$0x1BA00] =	vst v63  }
0x64: {  	_ =	swait.ge [sflag:s28], $0x1A00  }
0x65: {  	[sflag:s28] =	ssyncset.done $0x0  }
0x66: {  	[sflag:s28] =	ssyncadd.s32 $0xFFFFE600  }
0x67: {  	_ =	swait.ge [sflag:s28], $0x1A00  }
0x68: {  	[sflag:s28] =	ssyncset.done $0x0  }
0x69: {  	s29 =	sadd.s32 s15, s7;
	s0 =	simm.s32 @!p0 $0xC;
	[sflag:s28] =	ssyncadd.s32 $0xFFFFE600  }
0x6a: {  	[hbm4b:s29+s2] =	stream.linear.scatter [tilespmem:s20], [sflag:$0xA], $0x3400, $0x38;
	[tilespmem:$0x1BA00] =	vst v63  }
0x6b: {  	_ =	swait.ge @!p0 [sflag:s0], $0x3400  }
0x6c: {  	[sflag:s0] =	ssyncset.done @!p0 $0x0  }
0x6d: {  	s29 =	simm.s32 @!p0 $0xB600;
	[sflag:s0] =	ssyncadd.s32 @!p0 $0xFFFFCC00;
	s0 =	sadd.s32 @!p0 $0x270, s17  }
0x6e: {  	[tilespmem:s29], [sflag:$0x4] =	stream.indirect.gather @!p0 [hbm4b:s3+s24], $0x40, s0, s24, $0xb8;
	[tilespmem:$0x1BA00] =	vst v63  }
0x6f: {  	s0 =	sadd.s32 @!p0 $0x2D8, s17;
	s29 =	simm.s32 @!p0 $0xD000  }
0x70: {  	[tilespmem:s29], [sflag:$0x4] =	stream.indirect.gather @!p0 [hbm4b:s3+s24], $0x40, s0, s24, $0xb8;
	[tilespmem:$0x1BA00] =	vst v63  }
0x71: {  	_ =	swait.ge [sflag:s31], $0x1A00  }
0x72: {  	[sflag:s31] =	ssyncset.done $0x0  }
0x73: {  	[sflag:s31] =	ssyncadd.s32 $0xFFFFE600  }
0x74: {  	s0 =	sadd.s32 $0xFFFFFFFE, s5;
	_ =	swait.ge [sflag:s31], $0x1A00  }
0x75: {  	s30 =	sadd.s32 s15, s14;
	p1 =	slt.u32 s0, $0x6;
	[sflag:s31] =	ssyncset.done $0x0  }
0x76: {  	s23 =	simm.s32 $0x8200;
	s0 =	simm.s32 @!p1 $0xD;
	[sflag:s31] =	ssyncadd.s32 $0xFFFFE600  }
0x77: {  	[hbm4b:s30+s2] =	stream.linear.scatter [tilespmem:s23], [sflag:$0xB], $0x3400, $0x38;
	[tilespmem:$0x1BA00] =	vst v63  }
0x78: {  	_ =	swait.ge @!p1 [sflag:s0], $0x3400  }
0x79: {  	[sflag:s0] =	ssyncset.done @!p1 $0x0  }
0x7a: {  	[sflag:s0] =	ssyncadd.s32 @!p1 $0xFFFFCC00;
	s0 =	sshra.s32 @!p1 s22, $0x2  }
0x7b: {  	s23 =	simm.s32 @!p1 $0x68;
	s30 =	simm.s32 @!p1 $0xEA00;
	s29 =	sadd.s32 @!p1 $0x340, s0  }
0x7c: {  	[tilespmem:s30], [sflag:$0x5] =	stream.indirect.gather @!p1 [hbm4b:s3+s23], $0x40, s29, s23, $0xb8;
	[tilespmem:$0x1BA00] =	vst v63  }
0x7d: {  	s0 =	sadd.s32 @!p1 $0x3A8, s0;
	s29 =	simm.s32 @!p1 $0x10400  }
0x7e: {  	[tilespmem:s29], [sflag:$0x5] =	stream.indirect.gather @!p1 [hbm4b:s3+s23], $0x40, s0, s23, $0xb8;
	[tilespmem:$0x1BA00] =	vst v63  }
0x7f: {  	_ =	swait.ge [sflag:s1], $0x1A00  }
0x80: {  	[sflag:s1] =	ssyncset.done $0x0  }
0x81: {  	[sflag:s1] =	ssyncadd.s32 $0xFFFFE600  }
0x82: {  	s0 =	sadd.s32 $0xFFFFFFFF, s5;
	_ =	swait.ge [sflag:s1], $0x1A00  }
0x83: {  	s30 =	simm.s32 $0xB600;
	p1 =	slt.u32 s0, $0x6;
	[sflag:s1] =	ssyncset.done $0x0  }
0x84: {  	s23 =	sadd.s32 s15, s13;
	s0 =	simm.s32 @!p1 $0xE;
	[sflag:s1] =	ssyncadd.s32 $0xFFFFE600  }
0x85: {  	[hbm4b:s23+s2] =	stream.linear.scatter [tilespmem:s30], [sflag:$0xC], $0x3400, $0x38;
	[tilespmem:$0x1BA00] =	vst v63  }
0x86: {  	_ =	swait.ge @!p1 [sflag:s0], $0x3400  }
0x87: {  	[sflag:s0] =	ssyncset.done @!p1 $0x0  }
0x88: {  	[sflag:s0] =	ssyncadd.s32 @!p1 $0xFFFFCC00;
	s0 =	sshra.s32 @!p1 s22, $0x2  }
0x89: {  	s29 =	simm.s32 @!p1 $0x68;
	s30 =	simm.s32 @!p1 $0x11E00;
	s23 =	sadd.s32 @!p1 $0x410, s0  }
0x8a: {  	[tilespmem:s30], [sflag:$0x6] =	stream.indirect.gather @!p1 [hbm4b:s3+s29], $0x40, s23, s29, $0xb8;
	[tilespmem:$0x1BA00] =	vst v63  }
0x8b: {  	s0 =	sadd.s32 @!p1 $0x478, s0;
	s23 =	simm.s32 @!p1 $0x13800  }
0x8c: {  	[tilespmem:s23], [sflag:$0x6] =	stream.indirect.gather @!p1 [hbm4b:s3+s29], $0x40, s0, s29, $0xb8;
	[tilespmem:$0x1BA00] =	vst v63  }
0x8d: {  	_ =	swait.ge [sflag:s18], $0x1A00  }
0x8e: {  	[sflag:s18] =	ssyncset.done $0x0  }
0x8f: {  	[sflag:s18] =	ssyncadd.s32 $0xFFFFE600  }
0x90: {  	_ =	swait.ge [sflag:s18], $0x1A00  }
0x91: {  	s30 =	simm.s32 $0xEA00;
	p1 =	slt.u32 s5, $0x6;
	[sflag:s18] =	ssyncset.done $0x0  }
0x92: {  	s29 =	sadd.s32 s15, s12;
	s0 =	simm.s32 @!p1 $0xF;
	[sflag:s18] =	ssyncadd.s32 $0xFFFFE600  }
0x93: {  	[hbm4b:s29+s2] =	stream.linear.scatter [tilespmem:s30], [sflag:$0xD], $0x3400, $0x38;
	[tilespmem:$0x1BA00] =	vst v63  }
0x94: {  	_ =	swait.ge @!p1 [sflag:s0], $0x3400  }
0x95: {  	[sflag:s0] =	ssyncset.done @!p1 $0x0  }
0x96: {  	[sflag:s0] =	ssyncadd.s32 @!p1 $0xFFFFCC00;
	s0 =	sshra.s32 @!p1 s22, $0x2  }
0x97: {  	s29 =	simm.s32 @!p1 $0x68;
	s30 =	simm.s32 @!p1 $0x15200;
	s23 =	sadd.s32 @!p1 $0x4E0, s0  }
0x98: {  	[tilespmem:s30], [sflag:$0x7] =	stream.indirect.gather @!p1 [hbm4b:s3+s29], $0x40, s23, s29, $0xb8;
	[tilespmem:$0x1BA00] =	vst v63  }
0x99: {  	s0 =	sadd.s32 @!p1 $0x548, s0;
	s23 =	simm.s32 @!p1 $0x16C00  }
0x9a: {  	[tilespmem:s23], [sflag:$0x7] =	stream.indirect.gather @!p1 [hbm4b:s3+s29], $0x40, s0, s29, $0xb8;
	[tilespmem:$0x1BA00] =	vst v63  }
0x9b: {  	_ =	swait.ge [sflag:s21], $0x1A00  }
0x9c: {  	[sflag:s21] =	ssyncset.done $0x0  }
0x9d: {  	[sflag:s21] =	ssyncadd.s32 $0xFFFFE600  }
0x9e: {  	_ =	swait.ge [sflag:s21], $0x1A00  }
0x9f: {  	s30 =	simm.s32 $0x11E00;
	[sflag:s21] =	ssyncset.done $0x0  }
0xa0: {  	s29 =	sadd.s32 s15, s11;
	s0 =	simm.s32 @!p0 $0x10;
	[sflag:s21] =	ssyncadd.s32 $0xFFFFE600  }
0xa1: {  	[hbm4b:s29+s2] =	stream.linear.scatter [tilespmem:s30], [sflag:$0xE], $0x3400, $0x38;
	[tilespmem:$0x1BA00] =	vst v63  }
0xa2: {  	_ =	swait.ge @!p0 [sflag:s0], $0x3400  }
0xa3: {  	[sflag:s0] =	ssyncset.done @!p0 $0x0  }
0xa4: {  	s23 =	simm.s32 @!p0 $0x18600;
	[sflag:s0] =	ssyncadd.s32 @!p0 $0xFFFFCC00;
	s0 =	sadd.s32 @!p0 $0x5B0, s17  }
0xa5: {  	[tilespmem:s23], [sflag:$0x8] =	stream.indirect.gather @!p0 [hbm4b:s3+s24], $0x40, s0, s24, $0xb8;
	[tilespmem:$0x1BA00] =	vst v63  }
0xa6: {  	s0 =	sadd.s32 @!p0 $0x618, s17;
	s17 =	simm.s32 @!p0 $0x1A000  }
0xa7: {  	[tilespmem:s17], [sflag:$0x8] =	stream.indirect.gather @!p0 [hbm4b:s3+s24], $0x40, s0, s24, $0xb8;
	[tilespmem:$0x1BA00] =	vst v63  }
0xa8: {  	_ =	swait.ge [sflag:s25], $0x1A00  }
0xa9: {  	[sflag:s25] =	ssyncset.done $0x0  }
0xaa: {  	[sflag:s25] =	ssyncadd.s32 $0xFFFFE600  }
0xab: {  	_ =	swait.ge [sflag:s25], $0x1A00  }
0xac: {  	s29 =	simm.s32 $0x15200;
	p0 =	seq.s32 s22, $0x4E00;
	[sflag:s25] =	ssyncset.done $0x0  }
0xad: {  	s24 =	sadd.s32 s15, s10;
	s0 =	simm.s32 @!p0 $0x9;
	[sflag:s25] =	ssyncadd.s32 $0xFFFFE600  }
0xae: {  	[hbm4b:s24+s2] =	stream.linear.scatter [tilespmem:s29], [sflag:$0xF], $0x3400, $0x38;
	[tilespmem:$0x1BA00] =	vst v63  }
0xaf: {  	_ =	swait.ge @!p0 [sflag:s0], $0x3400  }
0xb0: {  	[sflag:s0] =	ssyncset.done @!p0 $0x0  }
0xb1: {  	[sflag:s0] =	ssyncadd.s32 @!p0 $0xFFFFCC00;
	s0 =	sshra.s32 @!p0 s22, $0x2  }
0xb2: {  	s23 =	simm.s32 @!p0 $0x68;
	s24 =	simm.s32 @!p0 $0x1A00;
	s17 =	sadd.s32 @!p0 $0x680, s0  }
0xb3: {  	[tilespmem:s24], [sflag:$0x1] =	stream.indirect.gather @!p0 [hbm4b:s3+s23], $0x40, s17, s23, $0xb8;
	[tilespmem:$0x1BA00] =	vst v63  }
0xb4: {  	s0 =	sadd.s32 @!p0 $0x6E8, s0;
	s17 =	simm.s32 @!p0 $0x3400  }
0xb5: {  	[tilespmem:s17], [sflag:$0x1] =	stream.indirect.gather @!p0 [hbm4b:s3+s23], $0x40, s0, s23, $0xb8;
	[tilespmem:$0x1BA00] =	vst v63  }
0xb6: {  	_ =	swait.ge [sflag:s4], $0x1A00  }
0xb7: {  	[sflag:s4] =	ssyncset.done $0x0  }
.Ltmp2:
0xb8: {  	[sflag:s4] =	ssyncadd.s32 $0xFFFFE600;
	(pc) =	sbr.rel @p0 .LBB2_4-.Ltmp2, $4  }
0xb9: {  	_ =	swait.ge [sflag:s4], $0x1A00  }
0xba: {  	[sflag:s4] =	ssyncset.done $0x0  }
0xbb: {  	s30 =	sadd.s32 s15, s9;
	[sflag:s4] =	ssyncadd.s32 $0xFFFFE600  }
0xbc: {  	[hbm4b:s30+s2] =	stream.linear.scatter [tilespmem:s19], [sflag:$0x10], $0x3400, $0x38;
	[tilespmem:$0x1BA00] =	vst v63  }
0xbd: {  	_ =	swait.ge [sflag:s6], $0x3400;
	s0 =	sshra.s32 s22, $0x2  }
.Ltmp3:
0xbe: {  	s30 =	simm.s32 $0x6800;
	[sflag:s6] =	ssyncset.done $0x0;
	(pc) =	sbr.rel .LBB2_2-.Ltmp3, $4  }
0xbf: {  	s22 =	sadd.s32 $0x1A00, s22;
	s17 =	sadd.s32 $0x750, s0;
	[sflag:s6] =	ssyncadd.s32 $0xFFFFCC00  }
0xc0: {  	[tilespmem:s20], [sflag:$0x2] =	stream.indirect.gather [hbm4b:s3+s16], $0x40, s17, s16, $0xb8;
	[tilespmem:$0x1BA00] =	vst v63  }
0xc1: {  	s15 =	sadd.s32 $0x3400, s15;
	s5 =	sadd.s32 $0x8, s5;
	s0 =	sadd.s32 $0x7B8, s0  }
0xc2: {  	[tilespmem:s30], [sflag:$0x2] =	stream.indirect.gather [hbm4b:s3+s16], $0x40, s0, s16, $0xb8;
	[tilespmem:$0x1BA00] =	vst v63  }
.LBB2_5:
0xc3: {  	_ =	sfence.sel $0x180000  }
0xc4: {  	[bflag:$0x0] =	sbarrier.arrive $0xFFFF  }
0xc5: {  	_ =	strace $0x90000047  }
0xc6: {  	s0 =	stileid.u32;
	[bflag:$0x2] =	sbarrier.arrive $0xFFFF  }
0xc7: {  	p0 =	sne.s32 s0, $0x0;
	s0 =	rddreg [dreg:$0x1]  }
0xc8: {  	s0 =	sadd.s32 @!p0 $0x100000, s0  }
0xc9: {  	[sflag:s0] =	ssyncadd.tile.s32 @!p0 $0x1;
	_ =	shalt  }
.Lfunc_end2:
_tile_overlayer_lowered:
.L_overlay_start_2:
0xca: {  	(tag) =	ssettag $0x2  }
0xcb: {  	s0 =	rddreg [dreg:$0x0];
	s2 =	stileid.u32  }
0xcc: {  	s1 =	rddreg [dreg:$0x1];
	p0 =	sne.s32 s2, $0x0  }
0xcd: {  	s3 =	rddreg [dreg:$0x2];
	[bflag:$0x3] =	sbarrier.arrive $0xFFFF;
	s2 =	simm.s32 @!p0 $0x1C11  }
0xce: {  	[timem:s3], [sflag:s2] =	dma.local @!p0 [hbm:s0], s1  }
0xcf: {  	s0 =	simm.s32 @!p0 $0x11  }
0xd0: {  	_ =	swait.ge @!p0 [sflag:s0], s1  }
0xd1: {  	s1 =	ssub.s32 @!p0 $0x0, s1;
	[sflag:s0] =	ssyncset.done @!p0 $0x0  }
0xd2: {  	[sflag:s0] =	ssyncadd.s32 @!p0 s1  }
0xd3: {  	[bflag:$0x3] =	sbarrier.arrive $0xFFFF  }
0xd4: {  	_ =	shalt  }

</sc_bundles>
